<compile_context>
chip_gen: v7x
topology: tpu7x:2x2x1
jax: 0.10.2.dev20260603
libtpu: 0.0.44.dev20260713+nightly
codegen_flags: <defaults>
</compile_context>

<pallas_src>
import functools
import jax
import jax.numpy as jnp
import numpy as np
from jax import lax
from jax.experimental import pallas as pl
from jax.experimental.pallas import tpu as pltpu
from jax.experimental.pallas import tpu_sc as plsc

H = 5
NSUB = 16
SELU_L = 1.0507009873554805
SELU_A = 1.6732632423543772


def _selu(x):
    return SELU_L * jnp.where(x > 0, x, SELU_A * (jnp.exp(x) - 1.0))



def _mm_body(x_ref, w_ref, o_ref):
    o_ref[...] = jnp.dot(x_ref[...], w_ref[...], preferred_element_type=jnp.float32)


def _mm(x, w, br=1024):
    npad, kd = x.shape
    m = w.shape[1]
    return pl.pallas_call(
        _mm_body,
        grid=(npad // br,),
        in_specs=[
            pl.BlockSpec((br, kd), lambda i: (i, 0)),
            pl.BlockSpec((kd, m), lambda i: (0, 0)),
        ],
        out_specs=pl.BlockSpec((br, m), lambda i: (i, 0)),
        out_shape=jax.ShapeDtypeStruct((npad, m), jnp.float32),
    )(x, w)


def _div_selu_mm_body(num_ref, den_ref, bmat_ref, brow_ref, w_ref, o_ref):
    dexp = jnp.dot(den_ref[...], bmat_ref[...], preferred_element_type=jnp.float32)
    hin = num_ref[...] / (dexp + 1e-16) + brow_ref[0:1, :]
    hin = _selu(hin)
    o_ref[...] = jnp.dot(hin, w_ref[...], preferred_element_type=jnp.float32)


def _div_selu_mm(num, den, bmat, brow, w, br=1024):
    npad, m_in = num.shape
    m_out = w.shape[1]
    return pl.pallas_call(
        _div_selu_mm_body,
        grid=(npad // br,),
        in_specs=[
            pl.BlockSpec((br, m_in), lambda i: (i, 0)),
            pl.BlockSpec((br, 128), lambda i: (i, 0)),
            pl.BlockSpec((128, m_in), lambda i: (0, 0)),
            pl.BlockSpec((8, m_in), lambda i: (0, 0)),
            pl.BlockSpec((m_in, m_out), lambda i: (0, 0)),
        ],
        out_specs=pl.BlockSpec((br, m_out), lambda i: (i, 0)),
        out_shape=jax.ShapeDtypeStruct((npad, m_out), jnp.float32),
    )(num, den, bmat, brow, w)


def _final_body(num_ref, den_ref, bmat_ref, brow_ref, o_ref):
    dexp = jnp.dot(den_ref[...], bmat_ref[...], preferred_element_type=jnp.float32)
    h = num_ref[...] / (dexp + 1e-16) + brow_ref[0:1, :]
    h = jnp.clip(h, 0.0, 1.0) ** 2
    nrm = jnp.sqrt(jnp.sum(h * h, axis=1, keepdims=True))
    o_ref[...] = h / jnp.maximum(nrm, 1e-12)


def _final(num, den, bmat, brow, br=1024):
    npad, m_in = num.shape
    return pl.pallas_call(
        _final_body,
        grid=(npad // br,),
        in_specs=[
            pl.BlockSpec((br, m_in), lambda i: (i, 0)),
            pl.BlockSpec((br, 128), lambda i: (i, 0)),
            pl.BlockSpec((128, m_in), lambda i: (0, 0)),
            pl.BlockSpec((8, m_in), lambda i: (0, 0)),
        ],
        out_specs=pl.BlockSpec((br, m_in), lambda i: (i, 0)),
        out_shape=jax.ShapeDtypeStruct((npad, m_in), jnp.float32),
    )(num, den, bmat, brow)



def _sc_edge(htab, aux_s2, aux_d, srcr, dstr, *, cw, c_head, nacc, ch2, k_edge):
    nt8 = cw // 16
    cph = c_head // 16
    rpt = nacc // NSUB
    mesh = plsc.VectorSubcoreMesh(core_axis_name="c", subcore_axis_name="s")

    buf_types = []
    for _ in range(2):
        buf_types += [
            pltpu.VMEM((k_edge,), jnp.int32),
            pltpu.VMEM((k_edge,), jnp.int32),
            pltpu.VMEM((k_edge,), jnp.int32),
            pltpu.VMEM((k_edge, cw), jnp.float32),
            pltpu.VMEM((k_edge, 16), jnp.float32),
            pltpu.VMEM((k_edge, 16), jnp.float32),
            pltpu.VMEM((k_edge, 16), jnp.float32),
            pltpu.SemaphoreType.DMA,
            pltpu.SemaphoreType.DMA,
            pltpu.SemaphoreType.DMA,
        ]

    @functools.partial(
        pl.kernel,
        out_type=(
            jax.ShapeDtypeStruct((2, nacc, cw), jnp.float32),
            jax.ShapeDtypeStruct((nacc, 16), jnp.float32),
        ),
        mesh=mesh,
        compiler_params=pltpu.CompilerParams(use_tc_tiling_on_sc=False),
        scratch_types=buf_types + [
            pltpu.VMEM_SHARED((nacc, cw), jnp.float32),
            pltpu.VMEM_SHARED((nacc, 16), jnp.float32),
        ],
    )
    def kfn(htab_r, auxs_r, auxd_r, srcr_r, dstr_r, num_o, den_o, *scr):
        bufs = [scr[0:10], scr[10:20]]
        num_sh, den_sh = scr[20], scr[21]
        c = lax.axis_index("c")
        s = lax.axis_index("s")
        r0 = s * rpt
        zv = jnp.zeros((16,), jnp.float32)
        hrows0, wbuf0 = bufs[0][3], bufs[0][6]

        def zr(k, _):
            for t8 in range(nt8):
                hrows0[k, pl.ds(t8 * 16, 16)] = zv
            wbuf0[k] = zv
            return 0

        lax.fori_loop(0, k_edge, zr, 0)
        nfull = rpt // k_edge
        for q in range(nfull):
            pltpu.sync_copy(hrows0, num_sh.at[pl.ds(r0 + q * k_edge, k_edge)])
            pltpu.sync_copy(wbuf0, den_sh.at[pl.ds(r0 + q * k_edge, k_edge)])
        tail = rpt - nfull * k_edge
        if tail:
            pltpu.sync_copy(hrows0.at[pl.ds(0, tail)],
                            num_sh.at[pl.ds(r0 + nfull * k_edge, tail)])
            pltpu.sync_copy(wbuf0.at[pl.ds(0, tail)],
                            den_sh.at[pl.ds(r0 + nfull * k_edge, tail)])
        off = c * nacc
        plsc.subcore_barrier()

        def fire(b, j):
            srcb, hsrcb, dstb = b[0], b[1], b[2]
            pltpu.sync_copy(srcr_r.at[s, j], srcb)
            pltpu.sync_copy(dstr_r.at[s, j], dstb)
            for t in range(k_edge // 16):
                hsrcb[pl.ds(t * 16, 16)] = srcb[pl.ds(t * 16, 16)] + off
            cp1 = pltpu.async_copy(htab_r.at[hsrcb], b[3], b[7])
            cp2 = pltpu.async_copy(auxs_r.at[hsrcb], b[4], b[8])
            cp3 = pltpu.async_copy(auxd_r.at[dstb], b[5], b[9])
            return cp1, cp2, cp3

        def drain_compute(b, cps):
            dstb, hrows, srows, drows, wbuf = b[2], b[3], b[4], b[5], b[6]
            for cp in cps:
                cp.wait()

            def edge(k, _):
                t = srows[k] + drows[k]
                w = jnp.exp(jnp.maximum(t, 0.2 * t))
                wbuf[k] = w
                for t8 in range(nt8):
                    head = (c * nt8 + t8) // cph
                    hidx = jnp.full((16,), head, dtype=jnp.int32)
                    ws = lax.gather(
                        w, hidx[:, None],
                        dimension_numbers=lax.GatherDimensionNumbers(
                            offset_dims=(), collapsed_slice_dims=(0,),
                            start_index_map=(0,)),
                        slice_sizes=(1,),
                        mode=lax.GatherScatterMode.PROMISE_IN_BOUNDS)
                    hrows[k, pl.ds(t8 * 16, 16)] = hrows[k, pl.ds(t8 * 16, 16)] * ws
                return 0

            lax.fori_loop(0, k_edge, edge, 0)
            pltpu.sync_copy(hrows, num_sh.at[dstb], add=True)

            @pl.when(c == 0)
            def _():
                pltpu.sync_copy(wbuf, den_sh.at[dstb], add=True)

        def pair(jj, _):
            j0 = 2 * jj
            cps0 = fire(bufs[0], j0)
            cps1 = fire(bufs[1], j0 + 1)
            drain_compute(bufs[0], cps0)
            drain_compute(bufs[1], cps1)
            return 0

        lax.fori_loop(0, ch2 // 2, pair, 0)
        plsc.subcore_barrier()
        pltpu.sync_copy(num_sh.at[pl.ds(r0, rpt)], num_o.at[c, pl.ds(r0, rpt)])

        @pl.when(c == 0)
        def _():
            pltpu.sync_copy(den_sh.at[pl.ds(r0, rpt)], den_o.at[pl.ds(r0, rpt)])

    return kfn(htab, aux_s2, aux_d, srcr, dstr)



def _fold_attn(w, a_s, a_d):
    d, m = w.shape
    c = m // H
    wr = w.reshape(d, H, c)
    ws = jnp.einsum('dhc,hc->dh', wr, a_s)
    wd = jnp.einsum('dhc,hc->dh', wr, a_d)
    return jnp.concatenate([w, ws, wd], axis=1)


def _pad2(a, rows, cols):
    return jnp.pad(a, ((0, rows - a.shape[0]), (0, cols - a.shape[1])))


def _head_expand_mat(c, m_in):
    b = np.zeros((128, m_in), np.float32)
    for h in range(H):
        b[h, h * c:(h + 1) * c] = 1.0
    return jnp.asarray(b)


def _layer_tables(hcat, crow, cw, n, nacc):
    h = hcat[:n, :crow]
    h0 = h[:, :cw]
    h1 = _pad2(h[:, cw:crow], n, cw)
    htab = jnp.concatenate([_pad2(h0, nacc, cw), _pad2(h1, nacc, cw)], axis=0)
    aux_s = _pad2(hcat[:n, crow:crow + H], nacc, 16)
    aux_d = _pad2(hcat[:n, crow + H:crow + 2 * H], nacc, 16)
    aux_s2 = jnp.concatenate([aux_s, aux_s], axis=0)
    return htab, aux_s2, aux_d


def kernel(x, edge_index, W1, as1, ad1, b1, W2, as2, ad2, b2, W3, as3, ad3, b3):
    n, d = x.shape
    e = edge_index.shape[1]
    npad = ((n + 1023) // 1024) * 1024
    nacc = ((n + 8 + NSUB * 8 - 1) // (NSUB * 8)) * (NSUB * 8)

    loops = jnp.arange(n, dtype=jnp.int32)
    src = jnp.concatenate([edge_index[0].astype(jnp.int32), loops])
    dst = jnp.concatenate([edge_index[1].astype(jnp.int32), loops])
    etot = e + n

    def edges_for(k_edge):
        ch2 = -(-etot // (NSUB * k_edge))
        ch2 += ch2 % 2
        ept = NSUB * ch2 * k_edge
        s = jnp.pad(src, (0, ept - etot), constant_values=n).reshape(NSUB, ch2, k_edge)
        t = jnp.pad(dst, (0, ept - etot), constant_values=n).reshape(NSUB, ch2, k_edge)
        return s, t, ch2

    c1, c2, c3 = W1.shape[1] // H, W2.shape[1] // H, W3.shape[1] // H
    crow1, crow2, crow3 = H * c1, H * c2, H * c3
    cw1, cw2, cw3 = crow1 // 2, crow2 // 2, 48
    k1, k2, k3 = 32, 128, 128
    m1p, m2p, m3p = 384, 256, 128

    wa1 = _pad2(_fold_attn(W1, as1, ad1), d, m1p)
    wa2 = _pad2(_fold_attn(W2, as2, ad2), m1p, m2p)
    wa3 = _pad2(_fold_attn(W3, as3, ad3), m2p, m3p)
    bm2 = _head_expand_mat(c1, m1p)
    bm3 = _head_expand_mat(c2, m2p)
    bm4 = _head_expand_mat(c3, m3p)
    b1r = jnp.tile(jnp.pad(b1, (0, m1p - crow1))[None, :], (8, 1))
    b2r = jnp.tile(jnp.pad(b2, (0, m2p - crow2))[None, :], (8, 1))
    b3r = jnp.tile(jnp.pad(b3, (0, m3p - crow3))[None, :], (8, 1))

    xp = jnp.pad(x, ((0, npad - n), (0, 0)))

    def edge_pass(hcat, crow, cw, c_head, k_edge):
        htab, aux_s2, aux_d = _layer_tables(hcat, crow, cw, n, nacc)
        sr, dr, ch2 = edges_for(k_edge)
        num, den = _sc_edge(htab, aux_s2, aux_d, sr, dr,
                            cw=cw, c_head=c_head, nacc=nacc, ch2=ch2,
                            k_edge=k_edge)
        num = jnp.concatenate([num[0], num[1]], axis=1)
        return num, den

    hcat1 = _mm(xp, wa1)
    num1, den1 = edge_pass(hcat1, crow1, cw1, c1, k1)
    num1 = _pad2(num1, npad, m1p)
    den1 = _pad2(den1, npad, 128)
    hcat2 = _div_selu_mm(num1, den1, bm2, b1r, wa2)
    num2, den2 = edge_pass(hcat2, crow2, cw2, c2, k2)
    num2 = _pad2(num2, npad, m2p)
    den2 = _pad2(den2, npad, 128)
    hcat3 = _div_selu_mm(num2, den2, bm3, b2r, wa3)
    num3, den3 = edge_pass(hcat3, crow3, cw3, c3, k3)
    num3 = _pad2(num3, npad, m3p)
    den3 = _pad2(den3, npad, 128)
    out = _final(num3, den3, bm4, b3r)
    return out[:n, :crow3]

# --- scband reference (transcript-rebuilt; emitter-appended) ---
"""Pipeline reference for scband-gnn-40896678592552 (READ-ONLY COPY).

The authoritative reference and input builder live on the scoring server;
editing this copy changes nothing except your own understanding.
"""

import jax, jax.numpy as jnp
import numpy as np

H = 5  # attention heads implied by the 64*5 / 32*5 in_dim pattern of conv2/conv3

def gat_layer(x, src, dst, W, a_src, a_dst, b):
    N = x.shape[0]
    Hh, C = a_src.shape
    h = (x @ W).reshape(N, Hh, C)
    alpha_src = jnp.sum(h * a_src[None, :, :], axis=-1)  # [N,H]
    alpha_dst = jnp.sum(h * a_dst[None, :, :], axis=-1)  # [N,H]
    e = jax.nn.leaky_relu(alpha_src[src] + alpha_dst[dst], 0.2)  # [E,H]
    emax = jax.ops.segment_max(e, dst, num_segments=N)
    emax = jnp.where(jnp.isfinite(emax), emax, 0.0)
    emax = jax.lax.stop_gradient(emax)
    ee = jnp.exp(e - emax[dst])
    denom = jax.ops.segment_sum(ee, dst, num_segments=N)
    alpha = ee / (denom[dst] + 1e-16)  # per-dst softmax
    msg = h[src] * alpha[:, :, None]   # [E,H,C]
    out = jax.ops.segment_sum(msg, dst, num_segments=N)
    return out.reshape(N, Hh * C) + b

def setup_inputs(seed: int = 0):
    key = jax.random.key(seed)
    ks = jax.random.split(key, 12)
    N, E, d = 10000, 320000, 128
    x = jax.random.normal(ks[0], (N, d), dtype=jnp.float32)
    edge_index = jax.random.randint(ks[1], (2, E), 0, N, dtype=jnp.int32)
    s = 0.1
    return {
        'x': x,
        'edge_index': edge_index,
        'W1': jax.random.normal(ks[2], (d, H * 64), dtype=jnp.float32) * s,
        'as1': jax.random.normal(ks[3], (H, 64), dtype=jnp.float32) * s,
        'ad1': jax.random.normal(ks[4], (H, 64), dtype=jnp.float32) * s,
        'b1': jnp.zeros((H * 64,), dtype=jnp.float32),
        'W2': jax.random.normal(ks[5], (H * 64, H * 32), dtype=jnp.float32) * s,
        'as2': jax.random.normal(ks[6], (H, 32), dtype=jnp.float32) * s,
        'ad2': jax.random.normal(ks[7], (H, 32), dtype=jnp.float32) * s,
        'b2': jnp.zeros((H * 32,), dtype=jnp.float32),
        'W3': jax.random.normal(ks[8], (H * 32, H * 16), dtype=jnp.float32) * s,
        'as3': jax.random.normal(ks[9], (H, 16), dtype=jnp.float32) * s,
        'ad3': jax.random.normal(ks[10], (H, 16), dtype=jnp.float32) * s,
        'b3': jnp.zeros((H * 16,), dtype=jnp.float32),
    }

def reference(x, edge_index, W1, as1, ad1, b1, W2, as2, ad2, b2, W3, as3, ad3, b3):
    N = x.shape[0]
    loops = jnp.arange(N, dtype=edge_index.dtype)
    src = jnp.concatenate([edge_index[0], loops])  # PyG GATConv adds self loops
    dst = jnp.concatenate([edge_index[1], loops])
    h = gat_layer(x, src, dst, W1, as1, ad1, b1)
    h = jax.nn.selu(h)
    # dropout is identity in eval mode (training=False)
    h = gat_layer(h, src, dst, W2, as2, ad2, b2)
    h = jax.nn.selu(h)
    h = gat_layer(h, src, dst, W3, as3, ad3, b3)
    h = jnp.clip(h, 0.0, 1.0) ** 2  # hardtanh(0,1)**2
    nrm = jnp.sqrt(jnp.sum(h * h, axis=1, keepdims=True))
    return h / jnp.maximum(nrm, 1e-12)  # F.normalize(dim=1)

if __name__ == "__main__":
    import jax
    _d = setup_inputs()
    print(jax.jit(kernel)(*tuple(_d.values())))

</pallas_src>

<mosaic_0001>
#map = affine_map<(d0, d1) -> (0, 0)>
#map1 = affine_map<(d0, d1) -> (0, 0, 0)>
module attributes {stable_mosaic.version = 14 : i64} {
  func.func @kfn(%arg0: i32, %arg1: i32, %arg2: memref<20224x80xf32, #tpu.memory_space<hbm>>, %arg3: memref<20224x16xf32, #tpu.memory_space<hbm>>, %arg4: memref<10112x16xf32, #tpu.memory_space<hbm>>, %arg5: memref<16x162x128xi32, #tpu.memory_space<hbm>>, %arg6: memref<16x162x128xi32, #tpu.memory_space<hbm>>, %arg7: memref<2x10112x80xf32, #tpu.memory_space<hbm>>, %arg8: memref<10112x16xf32, #tpu.memory_space<hbm>>, %arg9: memref<128xi32, #tpu.memory_space<vmem>>, %arg10: memref<128xi32, #tpu.memory_space<vmem>>, %arg11: memref<128xi32, #tpu.memory_space<vmem>>, %arg12: memref<128x80xf32, #tpu.memory_space<vmem>>, %arg13: memref<128x16xf32, #tpu.memory_space<vmem>>, %arg14: memref<128x16xf32, #tpu.memory_space<vmem>>, %arg15: memref<128x16xf32, #tpu.memory_space<vmem>>, %arg16: memref<!tpu.dma_semaphore, #tpu.memory_space<semaphore_mem>>, %arg17: memref<!tpu.dma_semaphore, #tpu.memory_space<semaphore_mem>>, %arg18: memref<!tpu.dma_semaphore, #tpu.memory_space<semaphore_mem>>, %arg19: memref<128xi32, #tpu.memory_space<vmem>>, %arg20: memref<128xi32, #tpu.memory_space<vmem>>, %arg21: memref<128xi32, #tpu.memory_space<vmem>>, %arg22: memref<128x80xf32, #tpu.memory_space<vmem>>, %arg23: memref<128x16xf32, #tpu.memory_space<vmem>>, %arg24: memref<128x16xf32, #tpu.memory_space<vmem>>, %arg25: memref<128x16xf32, #tpu.memory_space<vmem>>, %arg26: memref<!tpu.dma_semaphore, #tpu.memory_space<semaphore_mem>>, %arg27: memref<!tpu.dma_semaphore, #tpu.memory_space<semaphore_mem>>, %arg28: memref<!tpu.dma_semaphore, #tpu.memory_space<semaphore_mem>>, %arg29: memref<10112x80xf32, #tpu.memory_space<vmem_shared>>, %arg30: memref<10112x16xf32, #tpu.memory_space<vmem_shared>>) attributes {dimension_semantics = [#tpu.dimension_semantics<core_parallel>, #tpu.dimension_semantics<subcore_parallel>], iteration_bounds = array<i64: 2, 16>, scalar_prefetch = 0 : i64, scratch_operands = 22 : i64, tpu.core_type = #tpu.core_type<sc_vector_subcore>, window_params = [{transform_indices = #map}, {transform_indices = #map}, {transform_indices = #map}, {transform_indices = #map1}, {transform_indices = #map1}, {transform_indices = #map1}, {transform_indices = #map}]} {
    %mul3A = arith.constant 632 : i32
    %mul3A_0 = arith.muli %arg1, %mul3A : i32
    %broadcast_in_dim3A = arith.constant 0.000000e+00 : f32
    %broadcast_in_dim3A_1 = vector.broadcast %broadcast_in_dim3A : f32 to vector<16xf32>
    %scan3A = arith.constant 0 : i32
    %scan3A_2 = arith.constant 0 : i32
    %scan3A_3 = arith.constant 128 : i32
    %scan3A_4 = arith.addi %scan3A_2, %scan3A_3 : i32
    %scan3A_5 = arith.constant 1 : i32
    %scan3A_6 = scf.for %scan3A_39 = %scan3A_2 to %scan3A_4 step %scan3A_5 iter_args(%scan3A_40 = %scan3A) -> (i32)  : i32 {
      %swap3A = arith.index_cast %scan3A_39 : i32 to index
      %swap3A_41 = arith.constant 0 : index
      %swap3A_42 = tpu.vector_load %arg12[%swap3A, %swap3A_41] {strides = array<i32>} : memref<128x80xf32, #tpu.memory_space<vmem>>, vector<1x16xf32>,
      %swap3A_43 = vector.shape_cast %swap3A_42 : vector<1x16xf32> to vector<16xf32>
      %swap3A_44 = vector.shape_cast %broadcast_in_dim3A_1 : vector<16xf32> to vector<1x16xf32>
      tpu.vector_store %arg12[%swap3A, %swap3A_41], %swap3A_44 {strides = array<i32>} : memref<128x80xf32, #tpu.memory_space<vmem>>, vector<1x16xf32>,
      %swap3A_45 = arith.index_cast %scan3A_39 : i32 to index
      %swap3A_46 = arith.constant 16 : index
      %swap3A_47 = tpu.vector_load %arg12[%swap3A_45, %swap3A_46] {strides = array<i32>} : memref<128x80xf32, #tpu.memory_space<vmem>>, vector<1x16xf32>,
      %swap3A_48 = vector.shape_cast %swap3A_47 : vector<1x16xf32> to vector<16xf32>
      %swap3A_49 = vector.shape_cast %broadcast_in_dim3A_1 : vector<16xf32> to vector<1x16xf32>
      tpu.vector_store %arg12[%swap3A_45, %swap3A_46], %swap3A_49 {strides = array<i32>} : memref<128x80xf32, #tpu.memory_space<vmem>>, vector<1x16xf32>,
      %swap3A_50 = arith.index_cast %scan3A_39 : i32 to index
      %swap3A_51 = arith.constant 32 : index
      %swap3A_52 = tpu.vector_load %arg12[%swap3A_50, %swap3A_51] {strides = array<i32>} : memref<128x80xf32, #tpu.memory_space<vmem>>, vector<1x16xf32>,
      %swap3A_53 = vector.shape_cast %swap3A_52 : vector<1x16xf32> to vector<16xf32>
      %swap3A_54 = vector.shape_cast %broadcast_in_dim3A_1 : vector<16xf32> to vector<1x16xf32>
      tpu.vector_store %arg12[%swap3A_50, %swap3A_51], %swap3A_54 {strides = array<i32>} : memref<128x80xf32, #tpu.memory_space<vmem>>, vector<1x16xf32>,
      %swap3A_55 = arith.index_cast %scan3A_39 : i32 to index
      %swap3A_56 = arith.constant 48 : index
      %swap3A_57 = tpu.vector_load %arg12[%swap3A_55, %swap3A_56] {strides = array<i32>} : memref<128x80xf32, #tpu.memory_space<vmem>>, vector<1x16xf32>,
      %swap3A_58 = vector.shape_cast %swap3A_57 : vector<1x16xf32> to vector<16xf32>
      %swap3A_59 = vector.shape_cast %broadcast_in_dim3A_1 : vector<16xf32> to vector<1x16xf32>
      tpu.vector_store %arg12[%swap3A_55, %swap3A_56], %swap3A_59 {strides = array<i32>} : memref<128x80xf32, #tpu.memory_space<vmem>>, vector<1x16xf32>,
      %swap3A_60 = arith.index_cast %scan3A_39 : i32 to index
      %swap3A_61 = arith.constant 64 : index
      %swap3A_62 = tpu.vector_load %arg12[%swap3A_60, %swap3A_61] {strides = array<i32>} : memref<128x80xf32, #tpu.memory_space<vmem>>, vector<1x16xf32>,
      %swap3A_63 = vector.shape_cast %swap3A_62 : vector<1x16xf32> to vector<16xf32>
      %swap3A_64 = vector.shape_cast %broadcast_in_dim3A_1 : vector<16xf32> to vector<1x16xf32>
      tpu.vector_store %arg12[%swap3A_60, %swap3A_61], %swap3A_64 {strides = array<i32>} : memref<128x80xf32, #tpu.memory_space<vmem>>, vector<1x16xf32>,
      %swap3A_65 = arith.index_cast %scan3A_39 : i32 to index
      %swap3A_66 = arith.constant 0 : index
      %swap3A_67 = tpu.vector_load %arg15[%swap3A_65, %swap3A_66] {strides = array<i32>} : memref<128x16xf32, #tpu.memory_space<vmem>>, vector<1x16xf32>,
      %swap3A_68 = vector.shape_cast %swap3A_67 : vector<1x16xf32> to vector<16xf32>
      %swap3A_69 = vector.shape_cast %broadcast_in_dim3A_1 : vector<16xf32> to vector<1x16xf32>
      tpu.vector_store %arg15[%swap3A_65, %swap3A_66], %swap3A_69 {strides = array<i32>} : memref<128x16xf32, #tpu.memory_space<vmem>>, vector<1x16xf32>,
      %scan3A_70 = arith.constant 0 : i32
      scf.yield %scan3A_70 : i32
    }
    %scan3A_7 = arith.constant 128 : i32
    %add3A = arith.constant 0 : i32
    %add3A_8 = arith.addi %mul3A_0, %add3A : i32
    "tpu.region"() ({
      %run_scoped3A = tpu.sem_alloc : memref<!tpu.dma_semaphore, #tpu.memory_space<semaphore_mem>>
      %dma_start3A = arith.constant 0 : i32
      %dma_start3A_39 = tpu.memref_slice %arg29[%add3A_8, %dma_start3A] : memref<10112x80xf32, #tpu.memory_space<vmem_shared>> -> memref<128x80xf32, #tpu.memory_space<vmem_shared>>
      %dma_start3A_40 = arith.constant 0 : i32
      %dma_start3A_41 = tpu.memref_slice %arg29[%add3A_8, %dma_start3A_40] : memref<10112x80xf32, #tpu.memory_space<vmem_shared>> -> memref<128x80xf32, #tpu.memory_space<vmem_shared>>
      tpu.enqueue_dma source(%arg12 : memref<128x80xf32, #tpu.memory_space<vmem>>) target(%dma_start3A_41 : memref<128x80xf32, #tpu.memory_space<vmem_shared>>) target_semaphore(%run_scoped3A : memref<!tpu.dma_semaphore, #tpu.memory_space<semaphore_mem>>)
      %dma_wait3A = arith.constant 0 : i32
      %dma_wait3A_42 = tpu.memref_slice %arg29[%add3A_8, %dma_wait3A] : memref<10112x80xf32, #tpu.memory_space<vmem_shared>> -> memref<128x80xf32, #tpu.memory_space<vmem_shared>>
      %dma_wait3A_43 = arith.constant 0 : i32
      %dma_wait3A_44 = tpu.memref_slice %arg29[%add3A_8, %dma_wait3A_43] : memref<10112x80xf32, #tpu.memory_space<vmem_shared>> -> memref<128x80xf32, #tpu.memory_space<vmem_shared>>
      tpu.wait_dma2 semaphore(%run_scoped3A : memref<!tpu.dma_semaphore, #tpu.memory_space<semaphore_mem>>) src(%arg12 : memref<128x80xf32, #tpu.memory_space<vmem>>) dst(%dma_wait3A_44 : memref<128x80xf32, #tpu.memory_space<vmem_shared>>)
      tpu.yield
    }) : () -> ()
    %add3A_9 = arith.constant 0 : i32
    %add3A_10 = arith.addi %mul3A_0, %add3A_9 : i32
    "tpu.region"() ({
      %run_scoped3A = tpu.sem_alloc : memref<!tpu.dma_semaphore, #tpu.memory_space<semaphore_mem>>
      %dma_start3A = arith.constant 0 : i32
      %dma_start3A_39 = tpu.memref_slice %arg30[%add3A_10, %dma_start3A] : memref<10112x16xf32, #tpu.memory_space<vmem_shared>> -> memref<128x16xf32, #tpu.memory_space<vmem_shared>>
      %dma_start3A_40 = arith.constant 0 : i32
      %dma_start3A_41 = tpu.memref_slice %arg30[%add3A_10, %dma_start3A_40] : memref<10112x16xf32, #tpu.memory_space<vmem_shared>> -> memref<128x16xf32, #tpu.memory_space<vmem_shared>>
      tpu.enqueue_dma source(%arg15 : memref<128x16xf32, #tpu.memory_space<vmem>>) target(%dma_start3A_41 : memref<128x16xf32, #tpu.memory_space<vmem_shared>>) target_semaphore(%run_scoped3A : memref<!tpu.dma_semaphore, #tpu.memory_space<semaphore_mem>>)
      %dma_wait3A = arith.constant 0 : i32
      %dma_wait3A_42 = tpu.memref_slice %arg30[%add3A_10, %dma_wait3A] : memref<10112x16xf32, #tpu.memory_space<vmem_shared>> -> memref<128x16xf32, #tpu.memory_space<vmem_shared>>
      %dma_wait3A_43 = arith.constant 0 : i32
      %dma_wait3A_44 = tpu.memref_slice %arg30[%add3A_10, %dma_wait3A_43] : memref<10112x16xf32, #tpu.memory_space<vmem_shared>> -> memref<128x16xf32, #tpu.memory_space<vmem_shared>>
      tpu.wait_dma2 semaphore(%run_scoped3A : memref<!tpu.dma_semaphore, #tpu.memory_space<semaphore_mem>>) src(%arg15 : memref<128x16xf32, #tpu.memory_space<vmem>>) dst(%dma_wait3A_44 : memref<128x16xf32, #tpu.memory_space<vmem_shared>>)
      tpu.yield
    }) : () -> ()
    %add3A_11 = arith.constant 128 : i32
    %add3A_12 = arith.addi %mul3A_0, %add3A_11 : i32
    "tpu.region"() ({
      %run_scoped3A = tpu.sem_alloc : memref<!tpu.dma_semaphore, #tpu.memory_space<semaphore_mem>>
      %dma_start3A = arith.constant 0 : i32
      %dma_start3A_39 = tpu.memref_slice %arg29[%add3A_12, %dma_start3A] : memref<10112x80xf32, #tpu.memory_space<vmem_shared>> -> memref<128x80xf32, #tpu.memory_space<vmem_shared>>
      %dma_start3A_40 = arith.constant 0 : i32
      %dma_start3A_41 = tpu.memref_slice %arg29[%add3A_12, %dma_start3A_40] : memref<10112x80xf32, #tpu.memory_space<vmem_shared>> -> memref<128x80xf32, #tpu.memory_space<vmem_shared>>
      tpu.enqueue_dma source(%arg12 : memref<128x80xf32, #tpu.memory_space<vmem>>) target(%dma_start3A_41 : memref<128x80xf32, #tpu.memory_space<vmem_shared>>) target_semaphore(%run_scoped3A : memref<!tpu.dma_semaphore, #tpu.memory_space<semaphore_mem>>)
      %dma_wait3A = arith.constant 0 : i32
      %dma_wait3A_42 = tpu.memref_slice %arg29[%add3A_12, %dma_wait3A] : memref<10112x80xf32, #tpu.memory_space<vmem_shared>> -> memref<128x80xf32, #tpu.memory_space<vmem_shared>>
      %dma_wait3A_43 = arith.constant 0 : i32
      %dma_wait3A_44 = tpu.memref_slice %arg29[%add3A_12, %dma_wait3A_43] : memref<10112x80xf32, #tpu.memory_space<vmem_shared>> -> memref<128x80xf32, #tpu.memory_space<vmem_shared>>
      tpu.wait_dma2 semaphore(%run_scoped3A : memref<!tpu.dma_semaphore, #tpu.memory_space<semaphore_mem>>) src(%arg12 : memref<128x80xf32, #tpu.memory_space<vmem>>) dst(%dma_wait3A_44 : memref<128x80xf32, #tpu.memory_space<vmem_shared>>)
      tpu.yield
    }) : () -> ()
    %add3A_13 = arith.constant 128 : i32
    %add3A_14 = arith.addi %mul3A_0, %add3A_13 : i32
    "tpu.region"() ({
      %run_scoped3A = tpu.sem_alloc : memref<!tpu.dma_semaphore, #tpu.memory_space<semaphore_mem>>
      %dma_start3A = arith.constant 0 : i32
      %dma_start3A_39 = tpu.memref_slice %arg30[%add3A_14, %dma_start3A] : memref<10112x16xf32, #tpu.memory_space<vmem_shared>> -> memref<128x16xf32, #tpu.memory_space<vmem_shared>>
      %dma_start3A_40 = arith.constant 0 : i32
      %dma_start3A_41 = tpu.memref_slice %arg30[%add3A_14, %dma_start3A_40] : memref<10112x16xf32, #tpu.memory_space<vmem_shared>> -> memref<128x16xf32, #tpu.memory_space<vmem_shared>>
      tpu.enqueue_dma source(%arg15 : memref<128x16xf32, #tpu.memory_space<vmem>>) target(%dma_start3A_41 : memref<128x16xf32, #tpu.memory_space<vmem_shared>>) target_semaphore(%run_scoped3A : memref<!tpu.dma_semaphore, #tpu.memory_space<semaphore_mem>>)
      %dma_wait3A = arith.constant 0 : i32
      %dma_wait3A_42 = tpu.memref_slice %arg30[%add3A_14, %dma_wait3A] : memref<10112x16xf32, #tpu.memory_space<vmem_shared>> -> memref<128x16xf32, #tpu.memory_space<vmem_shared>>
      %dma_wait3A_43 = arith.constant 0 : i32
      %dma_wait3A_44 = tpu.memref_slice %arg30[%add3A_14, %dma_wait3A_43] : memref<10112x16xf32, #tpu.memory_space<vmem_shared>> -> memref<128x16xf32, #tpu.memory_space<vmem_shared>>
      tpu.wait_dma2 semaphore(%run_scoped3A : memref<!tpu.dma_semaphore, #tpu.memory_space<semaphore_mem>>) src(%arg15 : memref<128x16xf32, #tpu.memory_space<vmem>>) dst(%dma_wait3A_44 : memref<128x16xf32, #tpu.memory_space<vmem_shared>>)
      tpu.yield
    }) : () -> ()
    %add3A_15 = arith.constant 256 : i32
    %add3A_16 = arith.addi %mul3A_0, %add3A_15 : i32
    "tpu.region"() ({
      %run_scoped3A = tpu.sem_alloc : memref<!tpu.dma_semaphore, #tpu.memory_space<semaphore_mem>>
      %dma_start3A = arith.constant 0 : i32
      %dma_start3A_39 = tpu.memref_slice %arg29[%add3A_16, %dma_start3A] : memref<10112x80xf32, #tpu.memory_space<vmem_shared>> -> memref<128x80xf32, #tpu.memory_space<vmem_shared>>
      %dma_start3A_40 = arith.constant 0 : i32
      %dma_start3A_41 = tpu.memref_slice %arg29[%add3A_16, %dma_start3A_40] : memref<10112x80xf32, #tpu.memory_space<vmem_shared>> -> memref<128x80xf32, #tpu.memory_space<vmem_shared>>
      tpu.enqueue_dma source(%arg12 : memref<128x80xf32, #tpu.memory_space<vmem>>) target(%dma_start3A_41 : memref<128x80xf32, #tpu.memory_space<vmem_shared>>) target_semaphore(%run_scoped3A : memref<!tpu.dma_semaphore, #tpu.memory_space<semaphore_mem>>)
      %dma_wait3A = arith.constant 0 : i32
      %dma_wait3A_42 = tpu.memref_slice %arg29[%add3A_16, %dma_wait3A] : memref<10112x80xf32, #tpu.memory_space<vmem_shared>> -> memref<128x80xf32, #tpu.memory_space<vmem_shared>>
      %dma_wait3A_43 = arith.constant 0 : i32
      %dma_wait3A_44 = tpu.memref_slice %arg29[%add3A_16, %dma_wait3A_43] : memref<10112x80xf32, #tpu.memory_space<vmem_shared>> -> memref<128x80xf32, #tpu.memory_space<vmem_shared>>
      tpu.wait_dma2 semaphore(%run_scoped3A : memref<!tpu.dma_semaphore, #tpu.memory_space<semaphore_mem>>) src(%arg12 : memref<128x80xf32, #tpu.memory_space<vmem>>) dst(%dma_wait3A_44 : memref<128x80xf32, #tpu.memory_space<vmem_shared>>)
      tpu.yield
    }) : () -> ()
    %add3A_17 = arith.constant 256 : i32
    %add3A_18 = arith.addi %mul3A_0, %add3A_17 : i32
    "tpu.region"() ({
      %run_scoped3A = tpu.sem_alloc : memref<!tpu.dma_semaphore, #tpu.memory_space<semaphore_mem>>
      %dma_start3A = arith.constant 0 : i32
      %dma_start3A_39 = tpu.memref_slice %arg30[%add3A_18, %dma_start3A] : memref<10112x16xf32, #tpu.memory_space<vmem_shared>> -> memref<128x16xf32, #tpu.memory_space<vmem_shared>>
      %dma_start3A_40 = arith.constant 0 : i32
      %dma_start3A_41 = tpu.memref_slice %arg30[%add3A_18, %dma_start3A_40] : memref<10112x16xf32, #tpu.memory_space<vmem_shared>> -> memref<128x16xf32, #tpu.memory_space<vmem_shared>>
      tpu.enqueue_dma source(%arg15 : memref<128x16xf32, #tpu.memory_space<vmem>>) target(%dma_start3A_41 : memref<128x16xf32, #tpu.memory_space<vmem_shared>>) target_semaphore(%run_scoped3A : memref<!tpu.dma_semaphore, #tpu.memory_space<semaphore_mem>>)
      %dma_wait3A = arith.constant 0 : i32
      %dma_wait3A_42 = tpu.memref_slice %arg30[%add3A_18, %dma_wait3A] : memref<10112x16xf32, #tpu.memory_space<vmem_shared>> -> memref<128x16xf32, #tpu.memory_space<vmem_shared>>
      %dma_wait3A_43 = arith.constant 0 : i32
      %dma_wait3A_44 = tpu.memref_slice %arg30[%add3A_18, %dma_wait3A_43] : memref<10112x16xf32, #tpu.memory_space<vmem_shared>> -> memref<128x16xf32, #tpu.memory_space<vmem_shared>>
      tpu.wait_dma2 semaphore(%run_scoped3A : memref<!tpu.dma_semaphore, #tpu.memory_space<semaphore_mem>>) src(%arg15 : memref<128x16xf32, #tpu.memory_space<vmem>>) dst(%dma_wait3A_44 : memref<128x16xf32, #tpu.memory_space<vmem_shared>>)
      tpu.yield
    }) : () -> ()
    %add3A_19 = arith.constant 384 : i32
    %add3A_20 = arith.addi %mul3A_0, %add3A_19 : i32
    "tpu.region"() ({
      %run_scoped3A = tpu.sem_alloc : memref<!tpu.dma_semaphore, #tpu.memory_space<semaphore_mem>>
      %dma_start3A = arith.constant 0 : i32
      %dma_start3A_39 = tpu.memref_slice %arg29[%add3A_20, %dma_start3A] : memref<10112x80xf32, #tpu.memory_space<vmem_shared>> -> memref<128x80xf32, #tpu.memory_space<vmem_shared>>
      %dma_start3A_40 = arith.constant 0 : i32
      %dma_start3A_41 = tpu.memref_slice %arg29[%add3A_20, %dma_start3A_40] : memref<10112x80xf32, #tpu.memory_space<vmem_shared>> -> memref<128x80xf32, #tpu.memory_space<vmem_shared>>
      tpu.enqueue_dma source(%arg12 : memref<128x80xf32, #tpu.memory_space<vmem>>) target(%dma_start3A_41 : memref<128x80xf32, #tpu.memory_space<vmem_shared>>) target_semaphore(%run_scoped3A : memref<!tpu.dma_semaphore, #tpu.memory_space<semaphore_mem>>)
      %dma_wait3A = arith.constant 0 : i32
      %dma_wait3A_42 = tpu.memref_slice %arg29[%add3A_20, %dma_wait3A] : memref<10112x80xf32, #tpu.memory_space<vmem_shared>> -> memref<128x80xf32, #tpu.memory_space<vmem_shared>>
      %dma_wait3A_43 = arith.constant 0 : i32
      %dma_wait3A_44 = tpu.memref_slice %arg29[%add3A_20, %dma_wait3A_43] : memref<10112x80xf32, #tpu.memory_space<vmem_shared>> -> memref<128x80xf32, #tpu.memory_space<vmem_shared>>
      tpu.wait_dma2 semaphore(%run_scoped3A : memref<!tpu.dma_semaphore, #tpu.memory_space<semaphore_mem>>) src(%arg12 : memref<128x80xf32, #tpu.memory_space<vmem>>) dst(%dma_wait3A_44 : memref<128x80xf32, #tpu.memory_space<vmem_shared>>)
      tpu.yield
    }) : () -> ()
    %add3A_21 = arith.constant 384 : i32
    %add3A_22 = arith.addi %mul3A_0, %add3A_21 : i32
    "tpu.region"() ({
      %run_scoped3A = tpu.sem_alloc : memref<!tpu.dma_semaphore, #tpu.memory_space<semaphore_mem>>
      %dma_start3A = arith.constant 0 : i32
      %dma_start3A_39 = tpu.memref_slice %arg30[%add3A_22, %dma_start3A] : memref<10112x16xf32, #tpu.memory_space<vmem_shared>> -> memref<128x16xf32, #tpu.memory_space<vmem_shared>>
      %dma_start3A_40 = arith.constant 0 : i32
      %dma_start3A_41 = tpu.memref_slice %arg30[%add3A_22, %dma_start3A_40] : memref<10112x16xf32, #tpu.memory_space<vmem_shared>> -> memref<128x16xf32, #tpu.memory_space<vmem_shared>>
      tpu.enqueue_dma source(%arg15 : memref<128x16xf32, #tpu.memory_space<vmem>>) target(%dma_start3A_41 : memref<128x16xf32, #tpu.memory_space<vmem_shared>>) target_semaphore(%run_scoped3A : memref<!tpu.dma_semaphore, #tpu.memory_space<semaphore_mem>>)
      %dma_wait3A = arith.constant 0 : i32
      %dma_wait3A_42 = tpu.memref_slice %arg30[%add3A_22, %dma_wait3A] : memref<10112x16xf32, #tpu.memory_space<vmem_shared>> -> memref<128x16xf32, #tpu.memory_space<vmem_shared>>
      %dma_wait3A_43 = arith.constant 0 : i32
      %dma_wait3A_44 = tpu.memref_slice %arg30[%add3A_22, %dma_wait3A_43] : memref<10112x16xf32, #tpu.memory_space<vmem_shared>> -> memref<128x16xf32, #tpu.memory_space<vmem_shared>>
      tpu.wait_dma2 semaphore(%run_scoped3A : memref<!tpu.dma_semaphore, #tpu.memory_space<semaphore_mem>>) src(%arg15 : memref<128x16xf32, #tpu.memory_space<vmem>>) dst(%dma_wait3A_44 : memref<128x16xf32, #tpu.memory_space<vmem_shared>>)
      tpu.yield
    }) : () -> ()
    %add3A_23 = arith.constant 512 : i32
    %add3A_24 = arith.addi %mul3A_0, %add3A_23 : i32
    "tpu.region"() ({
      %run_scoped3A = tpu.sem_alloc : memref<!tpu.dma_semaphore, #tpu.memory_space<semaphore_mem>>
      %dma_start3A = arith.constant 0 : i32
      %dma_start3A_39 = arith.constant 0 : i32
      %dma_start3A_40 = tpu.memref_slice %arg12[%dma_start3A, %dma_start3A_39] : memref<128x80xf32, #tpu.memory_space<vmem>> -> memref<120x80xf32, #tpu.memory_space<vmem>>
      %dma_start3A_41 = arith.constant 0 : i32
      %dma_start3A_42 = tpu.memref_slice %arg29[%add3A_24, %dma_start3A_41] : memref<10112x80xf32, #tpu.memory_space<vmem_shared>> -> memref<120x80xf32, #tpu.memory_space<vmem_shared>>
      %dma_start3A_43 = arith.constant 0 : i32
      %dma_start3A_44 = tpu.memref_slice %arg29[%add3A_24, %dma_start3A_43] : memref<10112x80xf32, #tpu.memory_space<vmem_shared>> -> memref<120x80xf32, #tpu.memory_space<vmem_shared>>
      %dma_start3A_45 = arith.constant 0 : i32
      %dma_start3A_46 = arith.constant 0 : i32
      %dma_start3A_47 = tpu.memref_slice %arg12[%dma_start3A_45, %dma_start3A_46] : memref<128x80xf32, #tpu.memory_space<vmem>> -> memref<120x80xf32, #tpu.memory_space<vmem>>
      tpu.enqueue_dma source(%dma_start3A_47 : memref<120x80xf32, #tpu.memory_space<vmem>>) target(%dma_start3A_44 : memref<120x80xf32, #tpu.memory_space<vmem_shared>>) target_semaphore(%run_scoped3A : memref<!tpu.dma_semaphore, #tpu.memory_space<semaphore_mem>>)
      %dma_wait3A = arith.constant 0 : i32
      %dma_wait3A_48 = arith.constant 0 : i32
      %dma_wait3A_49 = tpu.memref_slice %arg12[%dma_wait3A, %dma_wait3A_48] : memref<128x80xf32, #tpu.memory_space<vmem>> -> memref<120x80xf32, #tpu.memory_space<vmem>>
      %dma_wait3A_50 = arith.constant 0 : i32
      %dma_wait3A_51 = tpu.memref_slice %arg29[%add3A_24, %dma_wait3A_50] : memref<10112x80xf32, #tpu.memory_space<vmem_shared>> -> memref<120x80xf32, #tpu.memory_space<vmem_shared>>
      %dma_wait3A_52 = arith.constant 0 : i32
      %dma_wait3A_53 = tpu.memref_slice %arg29[%add3A_24, %dma_wait3A_52] : memref<10112x80xf32, #tpu.memory_space<vmem_shared>> -> memref<120x80xf32, #tpu.memory_space<vmem_shared>>
      %dma_wait3A_54 = arith.constant 0 : i32
      %dma_wait3A_55 = arith.constant 0 : i32
      %dma_wait3A_56 = tpu.memref_slice %arg12[%dma_wait3A_54, %dma_wait3A_55] : memref<128x80xf32, #tpu.memory_space<vmem>> -> memref<120x80xf32, #tpu.memory_space<vmem>>
      tpu.wait_dma2 semaphore(%run_scoped3A : memref<!tpu.dma_semaphore, #tpu.memory_space<semaphore_mem>>) src(%dma_wait3A_56 : memref<120x80xf32, #tpu.memory_space<vmem>>) dst(%dma_wait3A_53 : memref<120x80xf32, #tpu.memory_space<vmem_shared>>)
      tpu.yield
    }) : () -> ()
    %add3A_25 = arith.constant 512 : i32
    %add3A_26 = arith.addi %mul3A_0, %add3A_25 : i32
    "tpu.region"() ({
      %run_scoped3A = tpu.sem_alloc : memref<!tpu.dma_semaphore, #tpu.memory_space<semaphore_mem>>
      %dma_start3A = arith.constant 0 : i32
      %dma_start3A_39 = arith.constant 0 : i32
      %dma_start3A_40 = tpu.memref_slice %arg15[%dma_start3A, %dma_start3A_39] : memref<128x16xf32, #tpu.memory_space<vmem>> -> memref<120x16xf32, #tpu.memory_space<vmem>>
      %dma_start3A_41 = arith.constant 0 : i32
      %dma_start3A_42 = tpu.memref_slice %arg30[%add3A_26, %dma_start3A_41] : memref<10112x16xf32, #tpu.memory_space<vmem_shared>> -> memref<120x16xf32, #tpu.memory_space<vmem_shared>>
      %dma_start3A_43 = arith.constant 0 : i32
      %dma_start3A_44 = tpu.memref_slice %arg30[%add3A_26, %dma_start3A_43] : memref<10112x16xf32, #tpu.memory_space<vmem_shared>> -> memref<120x16xf32, #tpu.memory_space<vmem_shared>>
      %dma_start3A_45 = arith.constant 0 : i32
      %dma_start3A_46 = arith.constant 0 : i32
      %dma_start3A_47 = tpu.memref_slice %arg15[%dma_start3A_45, %dma_start3A_46] : memref<128x16xf32, #tpu.memory_space<vmem>> -> memref<120x16xf32, #tpu.memory_space<vmem>>
      tpu.enqueue_dma source(%dma_start3A_47 : memref<120x16xf32, #tpu.memory_space<vmem>>) target(%dma_start3A_44 : memref<120x16xf32, #tpu.memory_space<vmem_shared>>) target_semaphore(%run_scoped3A : memref<!tpu.dma_semaphore, #tpu.memory_space<semaphore_mem>>)
      %dma_wait3A = arith.constant 0 : i32
      %dma_wait3A_48 = arith.constant 0 : i32
      %dma_wait3A_49 = tpu.memref_slice %arg15[%dma_wait3A, %dma_wait3A_48] : memref<128x16xf32, #tpu.memory_space<vmem>> -> memref<120x16xf32, #tpu.memory_space<vmem>>
      %dma_wait3A_50 = arith.constant 0 : i32
      %dma_wait3A_51 = tpu.memref_slice %arg30[%add3A_26, %dma_wait3A_50] : memref<10112x16xf32, #tpu.memory_space<vmem_shared>> -> memref<120x16xf32, #tpu.memory_space<vmem_shared>>
      %dma_wait3A_52 = arith.constant 0 : i32
      %dma_wait3A_53 = tpu.memref_slice %arg30[%add3A_26, %dma_wait3A_52] : memref<10112x16xf32, #tpu.memory_space<vmem_shared>> -> memref<120x16xf32, #tpu.memory_space<vmem_shared>>
      %dma_wait3A_54 = arith.constant 0 : i32
      %dma_wait3A_55 = arith.constant 0 : i32
      %dma_wait3A_56 = tpu.memref_slice %arg15[%dma_wait3A_54, %dma_wait3A_55] : memref<128x16xf32, #tpu.memory_space<vmem>> -> memref<120x16xf32, #tpu.memory_space<vmem>>
      tpu.wait_dma2 semaphore(%run_scoped3A : memref<!tpu.dma_semaphore, #tpu.memory_space<semaphore_mem>>) src(%dma_wait3A_56 : memref<120x16xf32, #tpu.memory_space<vmem>>) dst(%dma_wait3A_53 : memref<120x16xf32, #tpu.memory_space<vmem_shared>>)
      tpu.yield
    }) : () -> ()
    %mul3A_27 = arith.constant 10112 : i32
    %mul3A_28 = arith.muli %arg0, %mul3A_27 : i32
    %barrier3A = arith.constant 0 : index
    tpu.barrier barrier_id(%barrier3A)
    %scan3A_29 = arith.constant 0 : i32
    %scan3A_30 = arith.constant 0 : i32
    %scan3A_31 = arith.constant 81 : i32
    %scan3A_32 = arith.addi %scan3A_30, %scan3A_31 : i32
    %scan3A_33 = arith.constant 1 : i32
    %scan3A_34 = scf.for %scan3A_39 = %scan3A_30 to %scan3A_32 step %scan3A_33 iter_args(%scan3A_40 = %scan3A_29) -> (i32)  : i32 {
      %mul3A_41 = arith.constant 2 : i32
      %mul3A_42 = arith.muli %mul3A_41, %scan3A_39 : i32
      "tpu.region"() ({
        %run_scoped3A = tpu.sem_alloc : memref<!tpu.dma_semaphore, #tpu.memory_space<semaphore_mem>>
        %dma_start3A_246 = arith.constant 0 : i32
        %dma_start3A_247 = tpu.memref_slice %arg5[%arg1, %mul3A_42, %dma_start3A_246] : memref<16x162x128xi32, #tpu.memory_space<hbm>> -> memref<1x1x128xi32, #tpu.memory_space<hbm>>
        %dma_start3A_248 = tpu.memref_squeeze %dma_start3A_247 : memref<1x1x128xi32, #tpu.memory_space<hbm>> -> memref<128xi32, #tpu.memory_space<hbm>>
        %dma_start3A_249 = arith.constant 0 : i32
        %dma_start3A_250 = tpu.memref_slice %arg5[%arg1, %mul3A_42, %dma_start3A_249] : memref<16x162x128xi32, #tpu.memory_space<hbm>> -> memref<1x1x128xi32, #tpu.memory_space<hbm>>
        %dma_start3A_251 = tpu.memref_squeeze %dma_start3A_250 : memref<1x1x128xi32, #tpu.memory_space<hbm>> -> memref<128xi32, #tpu.memory_space<hbm>>
        tpu.enqueue_dma source(%dma_start3A_251 : memref<128xi32, #tpu.memory_space<hbm>>) target(%arg9 : memref<128xi32, #tpu.memory_space<vmem>>) target_semaphore(%run_scoped3A : memref<!tpu.dma_semaphore, #tpu.memory_space<semaphore_mem>>)
        %dma_wait3A_252 = arith.constant 0 : i32
        %dma_wait3A_253 = tpu.memref_slice %arg5[%arg1, %mul3A_42, %dma_wait3A_252] : memref<16x162x128xi32, #tpu.memory_space<hbm>> -> memref<1x1x128xi32, #tpu.memory_space<hbm>>
        %dma_wait3A_254 = tpu.memref_squeeze %dma_wait3A_253 : memref<1x1x128xi32, #tpu.memory_space<hbm>> -> memref<128xi32, #tpu.memory_space<hbm>>
        %dma_wait3A_255 = arith.constant 0 : i32
        %dma_wait3A_256 = tpu.memref_slice %arg5[%arg1, %mul3A_42, %dma_wait3A_255] : memref<16x162x128xi32, #tpu.memory_space<hbm>> -> memref<1x1x128xi32, #tpu.memory_space<hbm>>
        %dma_wait3A_257 = tpu.memref_squeeze %dma_wait3A_256 : memref<1x1x128xi32, #tpu.memory_space<hbm>> -> memref<128xi32, #tpu.memory_space<hbm>>
        tpu.wait_dma2 semaphore(%run_scoped3A : memref<!tpu.dma_semaphore, #tpu.memory_space<semaphore_mem>>) src(%dma_wait3A_257 : memref<128xi32, #tpu.memory_space<hbm>>) dst(%arg9 : memref<128xi32, #tpu.memory_space<vmem>>)
        tpu.yield
      }) : () -> ()
      "tpu.region"() ({
        %run_scoped3A = tpu.sem_alloc : memref<!tpu.dma_semaphore, #tpu.memory_space<semaphore_mem>>
        %dma_start3A_246 = arith.constant 0 : i32
        %dma_start3A_247 = tpu.memref_slice %arg6[%arg1, %mul3A_42, %dma_start3A_246] : memref<16x162x128xi32, #tpu.memory_space<hbm>> -> memref<1x1x128xi32, #tpu.memory_space<hbm>>
        %dma_start3A_248 = tpu.memref_squeeze %dma_start3A_247 : memref<1x1x128xi32, #tpu.memory_space<hbm>> -> memref<128xi32, #tpu.memory_space<hbm>>
        %dma_start3A_249 = arith.constant 0 : i32
        %dma_start3A_250 = tpu.memref_slice %arg6[%arg1, %mul3A_42, %dma_start3A_249] : memref<16x162x128xi32, #tpu.memory_space<hbm>> -> memref<1x1x128xi32, #tpu.memory_space<hbm>>
        %dma_start3A_251 = tpu.memref_squeeze %dma_start3A_250 : memref<1x1x128xi32, #tpu.memory_space<hbm>> -> memref<128xi32, #tpu.memory_space<hbm>>
        tpu.enqueue_dma source(%dma_start3A_251 : memref<128xi32, #tpu.memory_space<hbm>>) target(%arg11 : memref<128xi32, #tpu.memory_space<vmem>>) target_semaphore(%run_scoped3A : memref<!tpu.dma_semaphore, #tpu.memory_space<semaphore_mem>>)
        %dma_wait3A_252 = arith.constant 0 : i32
        %dma_wait3A_253 = tpu.memref_slice %arg6[%arg1, %mul3A_42, %dma_wait3A_252] : memref<16x162x128xi32, #tpu.memory_space<hbm>> -> memref<1x1x128xi32, #tpu.memory_space<hbm>>
        %dma_wait3A_254 = tpu.memref_squeeze %dma_wait3A_253 : memref<1x1x128xi32, #tpu.memory_space<hbm>> -> memref<128xi32, #tpu.memory_space<hbm>>
        %dma_wait3A_255 = arith.constant 0 : i32
        %dma_wait3A_256 = tpu.memref_slice %arg6[%arg1, %mul3A_42, %dma_wait3A_255] : memref<16x162x128xi32, #tpu.memory_space<hbm>> -> memref<1x1x128xi32, #tpu.memory_space<hbm>>
        %dma_wait3A_257 = tpu.memref_squeeze %dma_wait3A_256 : memref<1x1x128xi32, #tpu.memory_space<hbm>> -> memref<128xi32, #tpu.memory_space<hbm>>
        tpu.wait_dma2 semaphore(%run_scoped3A : memref<!tpu.dma_semaphore, #tpu.memory_space<semaphore_mem>>) src(%dma_wait3A_257 : memref<128xi32, #tpu.memory_space<hbm>>) dst(%arg11 : memref<128xi32, #tpu.memory_space<vmem>>)
        tpu.yield
      }) : () -> ()
      %get3A = arith.constant 0 : index
      %get3A_43 = tpu.vector_load %arg9[%get3A] {strides = array<i32>} : memref<128xi32, #tpu.memory_space<vmem>>, vector<16xi32>,
      %get3A_44 = vector.shape_cast %get3A_43 : vector<16xi32> to vector<16xi32>
      %add3A_45 = vector.broadcast %mul3A_28 : i32 to vector<16xi32>
      %add3A_46 = arith.addi %get3A_44, %add3A_45 : vector<16xi32>
      %swap3A = arith.constant 0 : index
      %swap3A_47 = tpu.vector_load %arg10[%swap3A] {strides = array<i32>} : memref<128xi32, #tpu.memory_space<vmem>>, vector<16xi32>,
      %swap3A_48 = vector.shape_cast %swap3A_47 : vector<16xi32> to vector<16xi32>
      %swap3A_49 = vector.shape_cast %add3A_46 : vector<16xi32> to vector<16xi32>
      tpu.vector_store %arg10[%swap3A], %swap3A_49 {strides = array<i32>} : memref<128xi32, #tpu.memory_space<vmem>>, vector<16xi32>,
      %get3A_50 = arith.constant 16 : index
      %get3A_51 = tpu.vector_load %arg9[%get3A_50] {strides = array<i32>} : memref<128xi32, #tpu.memory_space<vmem>>, vector<16xi32>,
      %get3A_52 = vector.shape_cast %get3A_51 : vector<16xi32> to vector<16xi32>
      %add3A_53 = vector.broadcast %mul3A_28 : i32 to vector<16xi32>
      %add3A_54 = arith.addi %get3A_52, %add3A_53 : vector<16xi32>
      %swap3A_55 = arith.constant 16 : index
      %swap3A_56 = tpu.vector_load %arg10[%swap3A_55] {strides = array<i32>} : memref<128xi32, #tpu.memory_space<vmem>>, vector<16xi32>,
      %swap3A_57 = vector.shape_cast %swap3A_56 : vector<16xi32> to vector<16xi32>
      %swap3A_58 = vector.shape_cast %add3A_54 : vector<16xi32> to vector<16xi32>
      tpu.vector_store %arg10[%swap3A_55], %swap3A_58 {strides = array<i32>} : memref<128xi32, #tpu.memory_space<vmem>>, vector<16xi32>,
      %get3A_59 = arith.constant 32 : index
      %get3A_60 = tpu.vector_load %arg9[%get3A_59] {strides = array<i32>} : memref<128xi32, #tpu.memory_space<vmem>>, vector<16xi32>,
      %get3A_61 = vector.shape_cast %get3A_60 : vector<16xi32> to vector<16xi32>
      %add3A_62 = vector.broadcast %mul3A_28 : i32 to vector<16xi32>
      %add3A_63 = arith.addi %get3A_61, %add3A_62 : vector<16xi32>
      %swap3A_64 = arith.constant 32 : index
      %swap3A_65 = tpu.vector_load %arg10[%swap3A_64] {strides = array<i32>} : memref<128xi32, #tpu.memory_space<vmem>>, vector<16xi32>,
      %swap3A_66 = vector.shape_cast %swap3A_65 : vector<16xi32> to vector<16xi32>
      %swap3A_67 = vector.shape_cast %add3A_63 : vector<16xi32> to vector<16xi32>
      tpu.vector_store %arg10[%swap3A_64], %swap3A_67 {strides = array<i32>} : memref<128xi32, #tpu.memory_space<vmem>>, vector<16xi32>,
      %get3A_68 = arith.constant 48 : index
      %get3A_69 = tpu.vector_load %arg9[%get3A_68] {strides = array<i32>} : memref<128xi32, #tpu.memory_space<vmem>>, vector<16xi32>,
      %get3A_70 = vector.shape_cast %get3A_69 : vector<16xi32> to vector<16xi32>
      %add3A_71 = vector.broadcast %mul3A_28 : i32 to vector<16xi32>
      %add3A_72 = arith.addi %get3A_70, %add3A_71 : vector<16xi32>
      %swap3A_73 = arith.constant 48 : index
      %swap3A_74 = tpu.vector_load %arg10[%swap3A_73] {strides = array<i32>} : memref<128xi32, #tpu.memory_space<vmem>>, vector<16xi32>,
      %swap3A_75 = vector.shape_cast %swap3A_74 : vector<16xi32> to vector<16xi32>
      %swap3A_76 = vector.shape_cast %add3A_72 : vector<16xi32> to vector<16xi32>
      tpu.vector_store %arg10[%swap3A_73], %swap3A_76 {strides = array<i32>} : memref<128xi32, #tpu.memory_space<vmem>>, vector<16xi32>,
      %get3A_77 = arith.constant 64 : index
      %get3A_78 = tpu.vector_load %arg9[%get3A_77] {strides = array<i32>} : memref<128xi32, #tpu.memory_space<vmem>>, vector<16xi32>,
      %get3A_79 = vector.shape_cast %get3A_78 : vector<16xi32> to vector<16xi32>
      %add3A_80 = vector.broadcast %mul3A_28 : i32 to vector<16xi32>
      %add3A_81 = arith.addi %get3A_79, %add3A_80 : vector<16xi32>
      %swap3A_82 = arith.constant 64 : index
      %swap3A_83 = tpu.vector_load %arg10[%swap3A_82] {strides = array<i32>} : memref<128xi32, #tpu.memory_space<vmem>>, vector<16xi32>,
      %swap3A_84 = vector.shape_cast %swap3A_83 : vector<16xi32> to vector<16xi32>
      %swap3A_85 = vector.shape_cast %add3A_81 : vector<16xi32> to vector<16xi32>
      tpu.vector_store %arg10[%swap3A_82], %swap3A_85 {strides = array<i32>} : memref<128xi32, #tpu.memory_space<vmem>>, vector<16xi32>,
      %get3A_86 = arith.constant 80 : index
      %get3A_87 = tpu.vector_load %arg9[%get3A_86] {strides = array<i32>} : memref<128xi32, #tpu.memory_space<vmem>>, vector<16xi32>,
      %get3A_88 = vector.shape_cast %get3A_87 : vector<16xi32> to vector<16xi32>
      %add3A_89 = vector.broadcast %mul3A_28 : i32 to vector<16xi32>
      %add3A_90 = arith.addi %get3A_88, %add3A_89 : vector<16xi32>
      %swap3A_91 = arith.constant 80 : index
      %swap3A_92 = tpu.vector_load %arg10[%swap3A_91] {strides = array<i32>} : memref<128xi32, #tpu.memory_space<vmem>>, vector<16xi32>,
      %swap3A_93 = vector.shape_cast %swap3A_92 : vector<16xi32> to vector<16xi32>
      %swap3A_94 = vector.shape_cast %add3A_90 : vector<16xi32> to vector<16xi32>
      tpu.vector_store %arg10[%swap3A_91], %swap3A_94 {strides = array<i32>} : memref<128xi32, #tpu.memory_space<vmem>>, vector<16xi32>,
      %get3A_95 = arith.constant 96 : index
      %get3A_96 = tpu.vector_load %arg9[%get3A_95] {strides = array<i32>} : memref<128xi32, #tpu.memory_space<vmem>>, vector<16xi32>,
      %get3A_97 = vector.shape_cast %get3A_96 : vector<16xi32> to vector<16xi32>
      %add3A_98 = vector.broadcast %mul3A_28 : i32 to vector<16xi32>
      %add3A_99 = arith.addi %get3A_97, %add3A_98 : vector<16xi32>
      %swap3A_100 = arith.constant 96 : index
      %swap3A_101 = tpu.vector_load %arg10[%swap3A_100] {strides = array<i32>} : memref<128xi32, #tpu.memory_space<vmem>>, vector<16xi32>,
      %swap3A_102 = vector.shape_cast %swap3A_101 : vector<16xi32> to vector<16xi32>
      %swap3A_103 = vector.shape_cast %add3A_99 : vector<16xi32> to vector<16xi32>
      tpu.vector_store %arg10[%swap3A_100], %swap3A_103 {strides = array<i32>} : memref<128xi32, #tpu.memory_space<vmem>>, vector<16xi32>,
      %get3A_104 = arith.constant 112 : index
      %get3A_105 = tpu.vector_load %arg9[%get3A_104] {strides = array<i32>} : memref<128xi32, #tpu.memory_space<vmem>>, vector<16xi32>,
      %get3A_106 = vector.shape_cast %get3A_105 : vector<16xi32> to vector<16xi32>
      %add3A_107 = vector.broadcast %mul3A_28 : i32 to vector<16xi32>
      %add3A_108 = arith.addi %get3A_106, %add3A_107 : vector<16xi32>
      %swap3A_109 = arith.constant 112 : index
      %swap3A_110 = tpu.vector_load %arg10[%swap3A_109] {strides = array<i32>} : memref<128xi32, #tpu.memory_space<vmem>>, vector<16xi32>,
      %swap3A_111 = vector.shape_cast %swap3A_110 : vector<16xi32> to vector<16xi32>
      %swap3A_112 = vector.shape_cast %add3A_108 : vector<16xi32> to vector<16xi32>
      tpu.vector_store %arg10[%swap3A_109], %swap3A_112 {strides = array<i32>} : memref<128xi32, #tpu.memory_space<vmem>>, vector<16xi32>,
      %dma_start3A = arith.constant 0 : i32
      %dma_start3A_113 = arith.constant 0 : i32
      %dma_start3A_114 = tpu.memref_slice %arg2[%dma_start3A, %dma_start3A_113] : memref<20224x80xf32, #tpu.memory_space<hbm>> -> memref<20224x80xf32, #tpu.memory_space<hbm>>
      tpu.enqueue_indirect_dma source(%dma_start3A_114 : memref<20224x80xf32, #tpu.memory_space<hbm>>) target(%arg12 : memref<128x80xf32, #tpu.memory_space<vmem>>) offsets(%arg10 : memref<128xi32, #tpu.memory_space<vmem>>) semaphore(%arg16 : memref<!tpu.dma_semaphore, #tpu.memory_space<semaphore_mem>>)
      %dma_start3A_115 = arith.constant 0 : i32
      %dma_start3A_116 = arith.constant 0 : i32
      %dma_start3A_117 = tpu.memref_slice %arg3[%dma_start3A_115, %dma_start3A_116] : memref<20224x16xf32, #tpu.memory_space<hbm>> -> memref<20224x16xf32, #tpu.memory_space<hbm>>
      tpu.enqueue_indirect_dma source(%dma_start3A_117 : memref<20224x16xf32, #tpu.memory_space<hbm>>) target(%arg13 : memref<128x16xf32, #tpu.memory_space<vmem>>) offsets(%arg10 : memref<128xi32, #tpu.memory_space<vmem>>) semaphore(%arg17 : memref<!tpu.dma_semaphore, #tpu.memory_space<semaphore_mem>>)
      %dma_start3A_118 = arith.constant 0 : i32
      %dma_start3A_119 = arith.constant 0 : i32
      %dma_start3A_120 = tpu.memref_slice %arg4[%dma_start3A_118, %dma_start3A_119] : memref<10112x16xf32, #tpu.memory_space<hbm>> -> memref<10112x16xf32, #tpu.memory_space<hbm>>
      tpu.enqueue_indirect_dma source(%dma_start3A_120 : memref<10112x16xf32, #tpu.memory_space<hbm>>) target(%arg14 : memref<128x16xf32, #tpu.memory_space<vmem>>) offsets(%arg11 : memref<128xi32, #tpu.memory_space<vmem>>) semaphore(%arg18 : memref<!tpu.dma_semaphore, #tpu.memory_space<semaphore_mem>>)
      %add3A_121 = arith.constant 1 : i32
      %add3A_122 = arith.addi %mul3A_42, %add3A_121 : i32
      "tpu.region"() ({
        %run_scoped3A = tpu.sem_alloc : memref<!tpu.dma_semaphore, #tpu.memory_space<semaphore_mem>>
        %dma_start3A_246 = arith.constant 0 : i32
        %dma_start3A_247 = tpu.memref_slice %arg5[%arg1, %add3A_122, %dma_start3A_246] : memref<16x162x128xi32, #tpu.memory_space<hbm>> -> memref<1x1x128xi32, #tpu.memory_space<hbm>>
        %dma_start3A_248 = tpu.memref_squeeze %dma_start3A_247 : memref<1x1x128xi32, #tpu.memory_space<hbm>> -> memref<128xi32, #tpu.memory_space<hbm>>
        %dma_start3A_249 = arith.constant 0 : i32
        %dma_start3A_250 = tpu.memref_slice %arg5[%arg1, %add3A_122, %dma_start3A_249] : memref<16x162x128xi32, #tpu.memory_space<hbm>> -> memref<1x1x128xi32, #tpu.memory_space<hbm>>
        %dma_start3A_251 = tpu.memref_squeeze %dma_start3A_250 : memref<1x1x128xi32, #tpu.memory_space<hbm>> -> memref<128xi32, #tpu.memory_space<hbm>>
        tpu.enqueue_dma source(%dma_start3A_251 : memref<128xi32, #tpu.memory_space<hbm>>) target(%arg19 : memref<128xi32, #tpu.memory_space<vmem>>) target_semaphore(%run_scoped3A : memref<!tpu.dma_semaphore, #tpu.memory_space<semaphore_mem>>)
        %dma_wait3A_252 = arith.constant 0 : i32
        %dma_wait3A_253 = tpu.memref_slice %arg5[%arg1, %add3A_122, %dma_wait3A_252] : memref<16x162x128xi32, #tpu.memory_space<hbm>> -> memref<1x1x128xi32, #tpu.memory_space<hbm>>
        %dma_wait3A_254 = tpu.memref_squeeze %dma_wait3A_253 : memref<1x1x128xi32, #tpu.memory_space<hbm>> -> memref<128xi32, #tpu.memory_space<hbm>>
        %dma_wait3A_255 = arith.constant 0 : i32
        %dma_wait3A_256 = tpu.memref_slice %arg5[%arg1, %add3A_122, %dma_wait3A_255] : memref<16x162x128xi32, #tpu.memory_space<hbm>> -> memref<1x1x128xi32, #tpu.memory_space<hbm>>
        %dma_wait3A_257 = tpu.memref_squeeze %dma_wait3A_256 : memref<1x1x128xi32, #tpu.memory_space<hbm>> -> memref<128xi32, #tpu.memory_space<hbm>>
        tpu.wait_dma2 semaphore(%run_scoped3A : memref<!tpu.dma_semaphore, #tpu.memory_space<semaphore_mem>>) src(%dma_wait3A_257 : memref<128xi32, #tpu.memory_space<hbm>>) dst(%arg19 : memref<128xi32, #tpu.memory_space<vmem>>)
        tpu.yield
      }) : () -> ()
      "tpu.region"() ({
        %run_scoped3A = tpu.sem_alloc : memref<!tpu.dma_semaphore, #tpu.memory_space<semaphore_mem>>
        %dma_start3A_246 = arith.constant 0 : i32
        %dma_start3A_247 = tpu.memref_slice %arg6[%arg1, %add3A_122, %dma_start3A_246] : memref<16x162x128xi32, #tpu.memory_space<hbm>> -> memref<1x1x128xi32, #tpu.memory_space<hbm>>
        %dma_start3A_248 = tpu.memref_squeeze %dma_start3A_247 : memref<1x1x128xi32, #tpu.memory_space<hbm>> -> memref<128xi32, #tpu.memory_space<hbm>>
        %dma_start3A_249 = arith.constant 0 : i32
        %dma_start3A_250 = tpu.memref_slice %arg6[%arg1, %add3A_122, %dma_start3A_249] : memref<16x162x128xi32, #tpu.memory_space<hbm>> -> memref<1x1x128xi32, #tpu.memory_space<hbm>>
        %dma_start3A_251 = tpu.memref_squeeze %dma_start3A_250 : memref<1x1x128xi32, #tpu.memory_space<hbm>> -> memref<128xi32, #tpu.memory_space<hbm>>
        tpu.enqueue_dma source(%dma_start3A_251 : memref<128xi32, #tpu.memory_space<hbm>>) target(%arg21 : memref<128xi32, #tpu.memory_space<vmem>>) target_semaphore(%run_scoped3A : memref<!tpu.dma_semaphore, #tpu.memory_space<semaphore_mem>>)
        %dma_wait3A_252 = arith.constant 0 : i32
        %dma_wait3A_253 = tpu.memref_slice %arg6[%arg1, %add3A_122, %dma_wait3A_252] : memref<16x162x128xi32, #tpu.memory_space<hbm>> -> memref<1x1x128xi32, #tpu.memory_space<hbm>>
        %dma_wait3A_254 = tpu.memref_squeeze %dma_wait3A_253 : memref<1x1x128xi32, #tpu.memory_space<hbm>> -> memref<128xi32, #tpu.memory_space<hbm>>
        %dma_wait3A_255 = arith.constant 0 : i32
        %dma_wait3A_256 = tpu.memref_slice %arg6[%arg1, %add3A_122, %dma_wait3A_255] : memref<16x162x128xi32, #tpu.memory_space<hbm>> -> memref<1x1x128xi32, #tpu.memory_space<hbm>>
        %dma_wait3A_257 = tpu.memref_squeeze %dma_wait3A_256 : memref<1x1x128xi32, #tpu.memory_space<hbm>> -> memref<128xi32, #tpu.memory_space<hbm>>
        tpu.wait_dma2 semaphore(%run_scoped3A : memref<!tpu.dma_semaphore, #tpu.memory_space<semaphore_mem>>) src(%dma_wait3A_257 : memref<128xi32, #tpu.memory_space<hbm>>) dst(%arg21 : memref<128xi32, #tpu.memory_space<vmem>>)
        tpu.yield
      }) : () -> ()
      %get3A_123 = arith.constant 0 : index
      %get3A_124 = tpu.vector_load %arg19[%get3A_123] {strides = array<i32>} : memref<128xi32, #tpu.memory_space<vmem>>, vector<16xi32>,
      %get3A_125 = vector.shape_cast %get3A_124 : vector<16xi32> to vector<16xi32>
      %add3A_126 = vector.broadcast %mul3A_28 : i32 to vector<16xi32>
      %add3A_127 = arith.addi %get3A_125, %add3A_126 : vector<16xi32>
      %swap3A_128 = arith.constant 0 : index
      %swap3A_129 = tpu.vector_load %arg20[%swap3A_128] {strides = array<i32>} : memref<128xi32, #tpu.memory_space<vmem>>, vector<16xi32>,
      %swap3A_130 = vector.shape_cast %swap3A_129 : vector<16xi32> to vector<16xi32>
      %swap3A_131 = vector.shape_cast %add3A_127 : vector<16xi32> to vector<16xi32>
      tpu.vector_store %arg20[%swap3A_128], %swap3A_131 {strides = array<i32>} : memref<128xi32, #tpu.memory_space<vmem>>, vector<16xi32>,
      %get3A_132 = arith.constant 16 : index
      %get3A_133 = tpu.vector_load %arg19[%get3A_132] {strides = array<i32>} : memref<128xi32, #tpu.memory_space<vmem>>, vector<16xi32>,
      %get3A_134 = vector.shape_cast %get3A_133 : vector<16xi32> to vector<16xi32>
      %add3A_135 = vector.broadcast %mul3A_28 : i32 to vector<16xi32>
      %add3A_136 = arith.addi %get3A_134, %add3A_135 : vector<16xi32>
      %swap3A_137 = arith.constant 16 : index
      %swap3A_138 = tpu.vector_load %arg20[%swap3A_137] {strides = array<i32>} : memref<128xi32, #tpu.memory_space<vmem>>, vector<16xi32>,
      %swap3A_139 = vector.shape_cast %swap3A_138 : vector<16xi32> to vector<16xi32>
      %swap3A_140 = vector.shape_cast %add3A_136 : vector<16xi32> to vector<16xi32>
      tpu.vector_store %arg20[%swap3A_137], %swap3A_140 {strides = array<i32>} : memref<128xi32, #tpu.memory_space<vmem>>, vector<16xi32>,
      %get3A_141 = arith.constant 32 : index
      %get3A_142 = tpu.vector_load %arg19[%get3A_141] {strides = array<i32>} : memref<128xi32, #tpu.memory_space<vmem>>, vector<16xi32>,
      %get3A_143 = vector.shape_cast %get3A_142 : vector<16xi32> to vector<16xi32>
      %add3A_144 = vector.broadcast %mul3A_28 : i32 to vector<16xi32>
      %add3A_145 = arith.addi %get3A_143, %add3A_144 : vector<16xi32>
      %swap3A_146 = arith.constant 32 : index
      %swap3A_147 = tpu.vector_load %arg20[%swap3A_146] {strides = array<i32>} : memref<128xi32, #tpu.memory_space<vmem>>, vector<16xi32>,
      %swap3A_148 = vector.shape_cast %swap3A_147 : vector<16xi32> to vector<16xi32>
      %swap3A_149 = vector.shape_cast %add3A_145 : vector<16xi32> to vector<16xi32>
      tpu.vector_store %arg20[%swap3A_146], %swap3A_149 {strides = array<i32>} : memref<128xi32, #tpu.memory_space<vmem>>, vector<16xi32>,
      %get3A_150 = arith.constant 48 : index
      %get3A_151 = tpu.vector_load %arg19[%get3A_150] {strides = array<i32>} : memref<128xi32, #tpu.memory_space<vmem>>, vector<16xi32>,
      %get3A_152 = vector.shape_cast %get3A_151 : vector<16xi32> to vector<16xi32>
      %add3A_153 = vector.broadcast %mul3A_28 : i32 to vector<16xi32>
      %add3A_154 = arith.addi %get3A_152, %add3A_153 : vector<16xi32>
      %swap3A_155 = arith.constant 48 : index
      %swap3A_156 = tpu.vector_load %arg20[%swap3A_155] {strides = array<i32>} : memref<128xi32, #tpu.memory_space<vmem>>, vector<16xi32>,
      %swap3A_157 = vector.shape_cast %swap3A_156 : vector<16xi32> to vector<16xi32>
      %swap3A_158 = vector.shape_cast %add3A_154 : vector<16xi32> to vector<16xi32>
      tpu.vector_store %arg20[%swap3A_155], %swap3A_158 {strides = array<i32>} : memref<128xi32, #tpu.memory_space<vmem>>, vector<16xi32>,
      %get3A_159 = arith.constant 64 : index
      %get3A_160 = tpu.vector_load %arg19[%get3A_159] {strides = array<i32>} : memref<128xi32, #tpu.memory_space<vmem>>, vector<16xi32>,
      %get3A_161 = vector.shape_cast %get3A_160 : vector<16xi32> to vector<16xi32>
      %add3A_162 = vector.broadcast %mul3A_28 : i32 to vector<16xi32>
      %add3A_163 = arith.addi %get3A_161, %add3A_162 : vector<16xi32>
      %swap3A_164 = arith.constant 64 : index
      %swap3A_165 = tpu.vector_load %arg20[%swap3A_164] {strides = array<i32>} : memref<128xi32, #tpu.memory_space<vmem>>, vector<16xi32>,
      %swap3A_166 = vector.shape_cast %swap3A_165 : vector<16xi32> to vector<16xi32>
      %swap3A_167 = vector.shape_cast %add3A_163 : vector<16xi32> to vector<16xi32>
      tpu.vector_store %arg20[%swap3A_164], %swap3A_167 {strides = array<i32>} : memref<128xi32, #tpu.memory_space<vmem>>, vector<16xi32>,
      %get3A_168 = arith.constant 80 : index
      %get3A_169 = tpu.vector_load %arg19[%get3A_168] {strides = array<i32>} : memref<128xi32, #tpu.memory_space<vmem>>, vector<16xi32>,
      %get3A_170 = vector.shape_cast %get3A_169 : vector<16xi32> to vector<16xi32>
      %add3A_171 = vector.broadcast %mul3A_28 : i32 to vector<16xi32>
      %add3A_172 = arith.addi %get3A_170, %add3A_171 : vector<16xi32>
      %swap3A_173 = arith.constant 80 : index
      %swap3A_174 = tpu.vector_load %arg20[%swap3A_173] {strides = array<i32>} : memref<128xi32, #tpu.memory_space<vmem>>, vector<16xi32>,
      %swap3A_175 = vector.shape_cast %swap3A_174 : vector<16xi32> to vector<16xi32>
      %swap3A_176 = vector.shape_cast %add3A_172 : vector<16xi32> to vector<16xi32>
      tpu.vector_store %arg20[%swap3A_173], %swap3A_176 {strides = array<i32>} : memref<128xi32, #tpu.memory_space<vmem>>, vector<16xi32>,
      %get3A_177 = arith.constant 96 : index
      %get3A_178 = tpu.vector_load %arg19[%get3A_177] {strides = array<i32>} : memref<128xi32, #tpu.memory_space<vmem>>, vector<16xi32>,
      %get3A_179 = vector.shape_cast %get3A_178 : vector<16xi32> to vector<16xi32>
      %add3A_180 = vector.broadcast %mul3A_28 : i32 to vector<16xi32>
      %add3A_181 = arith.addi %get3A_179, %add3A_180 : vector<16xi32>
      %swap3A_182 = arith.constant 96 : index
      %swap3A_183 = tpu.vector_load %arg20[%swap3A_182] {strides = array<i32>} : memref<128xi32, #tpu.memory_space<vmem>>, vector<16xi32>,
      %swap3A_184 = vector.shape_cast %swap3A_183 : vector<16xi32> to vector<16xi32>
      %swap3A_185 = vector.shape_cast %add3A_181 : vector<16xi32> to vector<16xi32>
      tpu.vector_store %arg20[%swap3A_182], %swap3A_185 {strides = array<i32>} : memref<128xi32, #tpu.memory_space<vmem>>, vector<16xi32>,
      %get3A_186 = arith.constant 112 : index
      %get3A_187 = tpu.vector_load %arg19[%get3A_186] {strides = array<i32>} : memref<128xi32, #tpu.memory_space<vmem>>, vector<16xi32>,
      %get3A_188 = vector.shape_cast %get3A_187 : vector<16xi32> to vector<16xi32>
      %add3A_189 = vector.broadcast %mul3A_28 : i32 to vector<16xi32>
      %add3A_190 = arith.addi %get3A_188, %add3A_189 : vector<16xi32>
      %swap3A_191 = arith.constant 112 : index
      %swap3A_192 = tpu.vector_load %arg20[%swap3A_191] {strides = array<i32>} : memref<128xi32, #tpu.memory_space<vmem>>, vector<16xi32>,
      %swap3A_193 = vector.shape_cast %swap3A_192 : vector<16xi32> to vector<16xi32>
      %swap3A_194 = vector.shape_cast %add3A_190 : vector<16xi32> to vector<16xi32>
      tpu.vector_store %arg20[%swap3A_191], %swap3A_194 {strides = array<i32>} : memref<128xi32, #tpu.memory_space<vmem>>, vector<16xi32>,
      %dma_start3A_195 = arith.constant 0 : i32
      %dma_start3A_196 = arith.constant 0 : i32
      %dma_start3A_197 = tpu.memref_slice %arg2[%dma_start3A_195, %dma_start3A_196] : memref<20224x80xf32, #tpu.memory_space<hbm>> -> memref<20224x80xf32, #tpu.memory_space<hbm>>
      tpu.enqueue_indirect_dma source(%dma_start3A_197 : memref<20224x80xf32, #tpu.memory_space<hbm>>) target(%arg22 : memref<128x80xf32, #tpu.memory_space<vmem>>) offsets(%arg20 : memref<128xi32, #tpu.memory_space<vmem>>) semaphore(%arg26 : memref<!tpu.dma_semaphore, #tpu.memory_space<semaphore_mem>>)
      %dma_start3A_198 = arith.constant 0 : i32
      %dma_start3A_199 = arith.constant 0 : i32
      %dma_start3A_200 = tpu.memref_slice %arg3[%dma_start3A_198, %dma_start3A_199] : memref<20224x16xf32, #tpu.memory_space<hbm>> -> memref<20224x16xf32, #tpu.memory_space<hbm>>
      tpu.enqueue_indirect_dma source(%dma_start3A_200 : memref<20224x16xf32, #tpu.memory_space<hbm>>) target(%arg23 : memref<128x16xf32, #tpu.memory_space<vmem>>) offsets(%arg20 : memref<128xi32, #tpu.memory_space<vmem>>) semaphore(%arg27 : memref<!tpu.dma_semaphore, #tpu.memory_space<semaphore_mem>>)
      %dma_start3A_201 = arith.constant 0 : i32
      %dma_start3A_202 = arith.constant 0 : i32
      %dma_start3A_203 = tpu.memref_slice %arg4[%dma_start3A_201, %dma_start3A_202] : memref<10112x16xf32, #tpu.memory_space<hbm>> -> memref<10112x16xf32, #tpu.memory_space<hbm>>
      tpu.enqueue_indirect_dma source(%dma_start3A_203 : memref<10112x16xf32, #tpu.memory_space<hbm>>) target(%arg24 : memref<128x16xf32, #tpu.memory_space<vmem>>) offsets(%arg21 : memref<128xi32, #tpu.memory_space<vmem>>) semaphore(%arg28 : memref<!tpu.dma_semaphore, #tpu.memory_space<semaphore_mem>>)
      %dma_wait3A = arith.constant 0 : i32
      %dma_wait3A_204 = arith.constant 0 : i32
      %dma_wait3A_205 = tpu.memref_slice %arg2[%dma_wait3A, %dma_wait3A_204] : memref<20224x80xf32, #tpu.memory_space<hbm>> -> memref<20224x80xf32, #tpu.memory_space<hbm>>
      tpu.wait_indirect_dma semaphore(%arg16 : memref<!tpu.dma_semaphore, #tpu.memory_space<semaphore_mem>>) src(%dma_wait3A_205 : memref<20224x80xf32, #tpu.memory_space<hbm>>) dst(%arg12 : memref<128x80xf32, #tpu.memory_space<vmem>>)
      %dma_wait3A_206 = arith.constant 0 : i32
      %dma_wait3A_207 = arith.constant 0 : i32
      %dma_wait3A_208 = tpu.memref_slice %arg3[%dma_wait3A_206, %dma_wait3A_207] : memref<20224x16xf32, #tpu.memory_space<hbm>> -> memref<20224x16xf32, #tpu.memory_space<hbm>>
      tpu.wait_indirect_dma semaphore(%arg17 : memref<!tpu.dma_semaphore, #tpu.memory_space<semaphore_mem>>) src(%dma_wait3A_208 : memref<20224x16xf32, #tpu.memory_space<hbm>>) dst(%arg13 : memref<128x16xf32, #tpu.memory_space<vmem>>)
      %dma_wait3A_209 = arith.constant 0 : i32
      %dma_wait3A_210 = arith.constant 0 : i32
      %dma_wait3A_211 = tpu.memref_slice %arg4[%dma_wait3A_209, %dma_wait3A_210] : memref<10112x16xf32, #tpu.memory_space<hbm>> -> memref<10112x16xf32, #tpu.memory_space<hbm>>
      tpu.wait_indirect_dma semaphore(%arg18 : memref<!tpu.dma_semaphore, #tpu.memory_space<semaphore_mem>>) src(%dma_wait3A_211 : memref<10112x16xf32, #tpu.memory_space<hbm>>) dst(%arg14 : memref<128x16xf32, #tpu.memory_space<vmem>>)
      %scan3A_212 = arith.constant 0 : i32
      %scan3A_213 = arith.constant 0 : i32
      %scan3A_214 = arith.constant 128 : i32
      %scan3A_215 = arith.addi %scan3A_213, %scan3A_214 : i32
      %scan3A_216 = arith.constant 1 : i32
      %scan3A_217 = scf.for %scan3A_246 = %scan3A_213 to %scan3A_215 step %scan3A_216 iter_args(%scan3A_247 = %scan3A_212) -> (i32)  : i32 {
        %get3A_248 = arith.index_cast %scan3A_246 : i32 to index
        %get3A_249 = arith.constant 0 : index
        %get3A_250 = tpu.vector_load %arg13[%get3A_248, %get3A_249] {strides = array<i32>} : memref<128x16xf32, #tpu.memory_space<vmem>>, vector<1x16xf32>,
        %get3A_251 = vector.shape_cast %get3A_250 : vector<1x16xf32> to vector<16xf32>
        %get3A_252 = arith.index_cast %scan3A_246 : i32 to index
        %get3A_253 = arith.constant 0 : index
        %get3A_254 = tpu.vector_load %arg14[%get3A_252, %get3A_253] {strides = array<i32>} : memref<128x16xf32, #tpu.memory_space<vmem>>, vector<1x16xf32>,
        %get3A_255 = vector.shape_cast %get3A_254 : vector<1x16xf32> to vector<16xf32>
        %add3A_256 = arith.addf %get3A_251, %get3A_255 : vector<16xf32>
        %mul3A_257 = arith.constant 2.000000e-01 : f32
        %mul3A_258 = vector.broadcast %mul3A_257 : f32 to vector<16xf32>
        %mul3A_259 = arith.mulf %mul3A_258, %add3A_256 : vector<16xf32>
        %max3A = arith.maximumf %add3A_256, %mul3A_259 : vector<16xf32>
        %exp3A = math.exp %max3A : vector<16xf32>
        %swap3A_260 = arith.index_cast %scan3A_246 : i32 to index
        %swap3A_261 = arith.constant 0 : index
        %swap3A_262 = tpu.vector_load %arg15[%swap3A_260, %swap3A_261] {strides = array<i32>} : memref<128x16xf32, #tpu.memory_space<vmem>>, vector<1x16xf32>,
        %swap3A_263 = vector.shape_cast %swap3A_262 : vector<1x16xf32> to vector<16xf32>
        %swap3A_264 = vector.shape_cast %exp3A : vector<16xf32> to vector<1x16xf32>
        tpu.vector_store %arg15[%swap3A_260, %swap3A_261], %swap3A_264 {strides = array<i32>} : memref<128x16xf32, #tpu.memory_space<vmem>>, vector<1x16xf32>,
        %mul3A_265 = arith.constant 5 : i32
        %mul3A_266 = arith.muli %arg0, %mul3A_265 : i32
        %add3A_267 = arith.constant 0 : i32
        %add3A_268 = arith.addi %mul3A_266, %add3A_267 : i32
        %jit3A = arith.constant 2 : i32
        %div3A = arith.divsi %add3A_268, %jit3A : i32
        %sign3A = arith.constant 0 : i32
        %sign3A_269 = arith.cmpi sgt, %add3A_268, %sign3A : i32
        %sign3A_270 = arith.extui %sign3A_269 : i1 to i32
        %sign3A_271 = arith.constant 0 : i32
        %sign3A_272 = arith.cmpi slt, %add3A_268, %sign3A_271 : i32
        %sign3A_273 = arith.extui %sign3A_272 : i1 to i32
        %sign3A_274 = arith.subi %sign3A_270, %sign3A_273 : i32
        %sign3A_275 = arith.constant 0 : i32
        %sign3A_276 = arith.cmpi sgt, %jit3A, %sign3A_275 : i32
        %sign3A_277 = arith.extui %sign3A_276 : i1 to i32
        %sign3A_278 = arith.constant 0 : i32
        %sign3A_279 = arith.cmpi slt, %jit3A, %sign3A_278 : i32
        %sign3A_280 = arith.extui %sign3A_279 : i1 to i32
        %sign3A_281 = arith.subi %sign3A_277, %sign3A_280 : i32
        %ne3A = arith.cmpi ne, %sign3A_274, %sign3A_281 : i32
        %rem3A = arith.remsi %add3A_268, %jit3A : i32
        %ne3A_282 = arith.constant 0 : i32
        %ne3A_283 = arith.cmpi ne, %rem3A, %ne3A_282 : i32
        %and3A = arith.andi %ne3A, %ne3A_283 : i1
        %sub3A = arith.constant 1 : i32
        %sub3A_284 = arith.subi %div3A, %sub3A : i32
        %select_n3A = arith.select %and3A, %sub3A_284, %div3A : i32
        %broadcast_in_dim3A_285 = vector.broadcast %select_n3A : i32 to vector<16xi32>
        %broadcast_in_dim3A_286 = vector.shape_cast %broadcast_in_dim3A_285 : vector<16xi32> to vector<16x1xi32>
        %gather3A = vector.shape_cast %broadcast_in_dim3A_286 : vector<16x1xi32> to vector<16xi32>
        %gather3A_287 = tpu.dynamic_gather %exp3A[%gather3A] in [0] : vector<16xf32>, vector<16xi32> -> vector<16xf32>
        %get3A_288 = arith.index_cast %scan3A_246 : i32 to index
        %get3A_289 = arith.constant 0 : index
        %get3A_290 = tpu.vector_load %arg12[%get3A_288, %get3A_289] {strides = array<i32>} : memref<128x80xf32, #tpu.memory_space<vmem>>, vector<1x16xf32>,
        %get3A_291 = vector.shape_cast %get3A_290 : vector<1x16xf32> to vector<16xf32>
        %mul3A_292 = arith.mulf %get3A_291, %gather3A_287 : vector<16xf32>
        %swap3A_293 = arith.index_cast %scan3A_246 : i32 to index
        %swap3A_294 = arith.constant 0 : index
        %swap3A_295 = tpu.vector_load %arg12[%swap3A_293, %swap3A_294] {strides = array<i32>} : memref<128x80xf32, #tpu.memory_space<vmem>>, vector<1x16xf32>,
        %swap3A_296 = vector.shape_cast %swap3A_295 : vector<1x16xf32> to vector<16xf32>
        %swap3A_297 = vector.shape_cast %mul3A_292 : vector<16xf32> to vector<1x16xf32>
        tpu.vector_store %arg12[%swap3A_293, %swap3A_294], %swap3A_297 {strides = array<i32>} : memref<128x80xf32, #tpu.memory_space<vmem>>, vector<1x16xf32>,
        %mul3A_298 = arith.constant 5 : i32
        %mul3A_299 = arith.muli %arg0, %mul3A_298 : i32
        %add3A_300 = arith.constant 1 : i32
        %add3A_301 = arith.addi %mul3A_299, %add3A_300 : i32
        %jit3A_302 = arith.constant 2 : i32
        %div3A_303 = arith.divsi %add3A_301, %jit3A_302 : i32
        %sign3A_304 = arith.constant 0 : i32
        %sign3A_305 = arith.cmpi sgt, %add3A_301, %sign3A_304 : i32
        %sign3A_306 = arith.extui %sign3A_305 : i1 to i32
        %sign3A_307 = arith.constant 0 : i32
        %sign3A_308 = arith.cmpi slt, %add3A_301, %sign3A_307 : i32
        %sign3A_309 = arith.extui %sign3A_308 : i1 to i32
        %sign3A_310 = arith.subi %sign3A_306, %sign3A_309 : i32
        %sign3A_311 = arith.constant 0 : i32
        %sign3A_312 = arith.cmpi sgt, %jit3A_302, %sign3A_311 : i32
        %sign3A_313 = arith.extui %sign3A_312 : i1 to i32
        %sign3A_314 = arith.constant 0 : i32
        %sign3A_315 = arith.cmpi slt, %jit3A_302, %sign3A_314 : i32
        %sign3A_316 = arith.extui %sign3A_315 : i1 to i32
        %sign3A_317 = arith.subi %sign3A_313, %sign3A_316 : i32
        %ne3A_318 = arith.cmpi ne, %sign3A_310, %sign3A_317 : i32
        %rem3A_319 = arith.remsi %add3A_301, %jit3A_302 : i32
        %ne3A_320 = arith.constant 0 : i32
        %ne3A_321 = arith.cmpi ne, %rem3A_319, %ne3A_320 : i32
        %and3A_322 = arith.andi %ne3A_318, %ne3A_321 : i1
        %sub3A_323 = arith.constant 1 : i32
        %sub3A_324 = arith.subi %div3A_303, %sub3A_323 : i32
        %select_n3A_325 = arith.select %and3A_322, %sub3A_324, %div3A_303 : i32
        %broadcast_in_dim3A_326 = vector.broadcast %select_n3A_325 : i32 to vector<16xi32>
        %broadcast_in_dim3A_327 = vector.shape_cast %broadcast_in_dim3A_326 : vector<16xi32> to vector<16x1xi32>
        %gather3A_328 = vector.shape_cast %broadcast_in_dim3A_327 : vector<16x1xi32> to vector<16xi32>
        %gather3A_329 = tpu.dynamic_gather %exp3A[%gather3A_328] in [0] : vector<16xf32>, vector<16xi32> -> vector<16xf32>
        %get3A_330 = arith.index_cast %scan3A_246 : i32 to index
        %get3A_331 = arith.constant 16 : index
        %get3A_332 = tpu.vector_load %arg12[%get3A_330, %get3A_331] {strides = array<i32>} : memref<128x80xf32, #tpu.memory_space<vmem>>, vector<1x16xf32>,
        %get3A_333 = vector.shape_cast %get3A_332 : vector<1x16xf32> to vector<16xf32>
        %mul3A_334 = arith.mulf %get3A_333, %gather3A_329 : vector<16xf32>
        %swap3A_335 = arith.index_cast %scan3A_246 : i32 to index
        %swap3A_336 = arith.constant 16 : index
        %swap3A_337 = tpu.vector_load %arg12[%swap3A_335, %swap3A_336] {strides = array<i32>} : memref<128x80xf32, #tpu.memory_space<vmem>>, vector<1x16xf32>,
        %swap3A_338 = vector.shape_cast %swap3A_337 : vector<1x16xf32> to vector<16xf32>
        %swap3A_339 = vector.shape_cast %mul3A_334 : vector<16xf32> to vector<1x16xf32>
        tpu.vector_store %arg12[%swap3A_335, %swap3A_336], %swap3A_339 {strides = array<i32>} : memref<128x80xf32, #tpu.memory_space<vmem>>, vector<1x16xf32>,
        %mul3A_340 = arith.constant 5 : i32
        %mul3A_341 = arith.muli %arg0, %mul3A_340 : i32
        %add3A_342 = arith.constant 2 : i32
        %add3A_343 = arith.addi %mul3A_341, %add3A_342 : i32
        %jit3A_344 = arith.constant 2 : i32
        %div3A_345 = arith.divsi %add3A_343, %jit3A_344 : i32
        %sign3A_346 = arith.constant 0 : i32
        %sign3A_347 = arith.cmpi sgt, %add3A_343, %sign3A_346 : i32
        %sign3A_348 = arith.extui %sign3A_347 : i1 to i32
        %sign3A_349 = arith.constant 0 : i32
        %sign3A_350 = arith.cmpi slt, %add3A_343, %sign3A_349 : i32
        %sign3A_351 = arith.extui %sign3A_350 : i1 to i32
        %sign3A_352 = arith.subi %sign3A_348, %sign3A_351 : i32
        %sign3A_353 = arith.constant 0 : i32
        %sign3A_354 = arith.cmpi sgt, %jit3A_344, %sign3A_353 : i32
        %sign3A_355 = arith.extui %sign3A_354 : i1 to i32
        %sign3A_356 = arith.constant 0 : i32
        %sign3A_357 = arith.cmpi slt, %jit3A_344, %sign3A_356 : i32
        %sign3A_358 = arith.extui %sign3A_357 : i1 to i32
        %sign3A_359 = arith.subi %sign3A_355, %sign3A_358 : i32
        %ne3A_360 = arith.cmpi ne, %sign3A_352, %sign3A_359 : i32
        %rem3A_361 = arith.remsi %add3A_343, %jit3A_344 : i32
        %ne3A_362 = arith.constant 0 : i32
        %ne3A_363 = arith.cmpi ne, %rem3A_361, %ne3A_362 : i32
        %and3A_364 = arith.andi %ne3A_360, %ne3A_363 : i1
        %sub3A_365 = arith.constant 1 : i32
        %sub3A_366 = arith.subi %div3A_345, %sub3A_365 : i32
        %select_n3A_367 = arith.select %and3A_364, %sub3A_366, %div3A_345 : i32
        %broadcast_in_dim3A_368 = vector.broadcast %select_n3A_367 : i32 to vector<16xi32>
        %broadcast_in_dim3A_369 = vector.shape_cast %broadcast_in_dim3A_368 : vector<16xi32> to vector<16x1xi32>
        %gather3A_370 = vector.shape_cast %broadcast_in_dim3A_369 : vector<16x1xi32> to vector<16xi32>
        %gather3A_371 = tpu.dynamic_gather %exp3A[%gather3A_370] in [0] : vector<16xf32>, vector<16xi32> -> vector<16xf32>
        %get3A_372 = arith.index_cast %scan3A_246 : i32 to index
        %get3A_373 = arith.constant 32 : index
        %get3A_374 = tpu.vector_load %arg12[%get3A_372, %get3A_373] {strides = array<i32>} : memref<128x80xf32, #tpu.memory_space<vmem>>, vector<1x16xf32>,
        %get3A_375 = vector.shape_cast %get3A_374 : vector<1x16xf32> to vector<16xf32>
        %mul3A_376 = arith.mulf %get3A_375, %gather3A_371 : vector<16xf32>
        %swap3A_377 = arith.index_cast %scan3A_246 : i32 to index
        %swap3A_378 = arith.constant 32 : index
        %swap3A_379 = tpu.vector_load %arg12[%swap3A_377, %swap3A_378] {strides = array<i32>} : memref<128x80xf32, #tpu.memory_space<vmem>>, vector<1x16xf32>,
        %swap3A_380 = vector.shape_cast %swap3A_379 : vector<1x16xf32> to vector<16xf32>
        %swap3A_381 = vector.shape_cast %mul3A_376 : vector<16xf32> to vector<1x16xf32>
        tpu.vector_store %arg12[%swap3A_377, %swap3A_378], %swap3A_381 {strides = array<i32>} : memref<128x80xf32, #tpu.memory_space<vmem>>, vector<1x16xf32>,
        %mul3A_382 = arith.constant 5 : i32
        %mul3A_383 = arith.muli %arg0, %mul3A_382 : i32
        %add3A_384 = arith.constant 3 : i32
        %add3A_385 = arith.addi %mul3A_383, %add3A_384 : i32
        %jit3A_386 = arith.constant 2 : i32
        %div3A_387 = arith.divsi %add3A_385, %jit3A_386 : i32
        %sign3A_388 = arith.constant 0 : i32
        %sign3A_389 = arith.cmpi sgt, %add3A_385, %sign3A_388 : i32
        %sign3A_390 = arith.extui %sign3A_389 : i1 to i32
        %sign3A_391 = arith.constant 0 : i32
        %sign3A_392 = arith.cmpi slt, %add3A_385, %sign3A_391 : i32
        %sign3A_393 = arith.extui %sign3A_392 : i1 to i32
        %sign3A_394 = arith.subi %sign3A_390, %sign3A_393 : i32
        %sign3A_395 = arith.constant 0 : i32
        %sign3A_396 = arith.cmpi sgt, %jit3A_386, %sign3A_395 : i32
        %sign3A_397 = arith.extui %sign3A_396 : i1 to i32
        %sign3A_398 = arith.constant 0 : i32
        %sign3A_399 = arith.cmpi slt, %jit3A_386, %sign3A_398 : i32
        %sign3A_400 = arith.extui %sign3A_399 : i1 to i32
        %sign3A_401 = arith.subi %sign3A_397, %sign3A_400 : i32
        %ne3A_402 = arith.cmpi ne, %sign3A_394, %sign3A_401 : i32
        %rem3A_403 = arith.remsi %add3A_385, %jit3A_386 : i32
        %ne3A_404 = arith.constant 0 : i32
        %ne3A_405 = arith.cmpi ne, %rem3A_403, %ne3A_404 : i32
        %and3A_406 = arith.andi %ne3A_402, %ne3A_405 : i1
        %sub3A_407 = arith.constant 1 : i32
        %sub3A_408 = arith.subi %div3A_387, %sub3A_407 : i32
        %select_n3A_409 = arith.select %and3A_406, %sub3A_408, %div3A_387 : i32
        %broadcast_in_dim3A_410 = vector.broadcast %select_n3A_409 : i32 to vector<16xi32>
        %broadcast_in_dim3A_411 = vector.shape_cast %broadcast_in_dim3A_410 : vector<16xi32> to vector<16x1xi32>
        %gather3A_412 = vector.shape_cast %broadcast_in_dim3A_411 : vector<16x1xi32> to vector<16xi32>
        %gather3A_413 = tpu.dynamic_gather %exp3A[%gather3A_412] in [0] : vector<16xf32>, vector<16xi32> -> vector<16xf32>
        %get3A_414 = arith.index_cast %scan3A_246 : i32 to index
        %get3A_415 = arith.constant 48 : index
        %get3A_416 = tpu.vector_load %arg12[%get3A_414, %get3A_415] {strides = array<i32>} : memref<128x80xf32, #tpu.memory_space<vmem>>, vector<1x16xf32>,
        %get3A_417 = vector.shape_cast %get3A_416 : vector<1x16xf32> to vector<16xf32>
        %mul3A_418 = arith.mulf %get3A_417, %gather3A_413 : vector<16xf32>
        %swap3A_419 = arith.index_cast %scan3A_246 : i32 to index
        %swap3A_420 = arith.constant 48 : index
        %swap3A_421 = tpu.vector_load %arg12[%swap3A_419, %swap3A_420] {strides = array<i32>} : memref<128x80xf32, #tpu.memory_space<vmem>>, vector<1x16xf32>,
        %swap3A_422 = vector.shape_cast %swap3A_421 : vector<1x16xf32> to vector<16xf32>
        %swap3A_423 = vector.shape_cast %mul3A_418 : vector<16xf32> to vector<1x16xf32>
        tpu.vector_store %arg12[%swap3A_419, %swap3A_420], %swap3A_423 {strides = array<i32>} : memref<128x80xf32, #tpu.memory_space<vmem>>, vector<1x16xf32>,
        %mul3A_424 = arith.constant 5 : i32
        %mul3A_425 = arith.muli %arg0, %mul3A_424 : i32
        %add3A_426 = arith.constant 4 : i32
        %add3A_427 = arith.addi %mul3A_425, %add3A_426 : i32
        %jit3A_428 = arith.constant 2 : i32
        %div3A_429 = arith.divsi %add3A_427, %jit3A_428 : i32
        %sign3A_430 = arith.constant 0 : i32
        %sign3A_431 = arith.cmpi sgt, %add3A_427, %sign3A_430 : i32
        %sign3A_432 = arith.extui %sign3A_431 : i1 to i32
        %sign3A_433 = arith.constant 0 : i32
        %sign3A_434 = arith.cmpi slt, %add3A_427, %sign3A_433 : i32
        %sign3A_435 = arith.extui %sign3A_434 : i1 to i32
        %sign3A_436 = arith.subi %sign3A_432, %sign3A_435 : i32
        %sign3A_437 = arith.constant 0 : i32
        %sign3A_438 = arith.cmpi sgt, %jit3A_428, %sign3A_437 : i32
        %sign3A_439 = arith.extui %sign3A_438 : i1 to i32
        %sign3A_440 = arith.constant 0 : i32
        %sign3A_441 = arith.cmpi slt, %jit3A_428, %sign3A_440 : i32
        %sign3A_442 = arith.extui %sign3A_441 : i1 to i32
        %sign3A_443 = arith.subi %sign3A_439, %sign3A_442 : i32
        %ne3A_444 = arith.cmpi ne, %sign3A_436, %sign3A_443 : i32
        %rem3A_445 = arith.remsi %add3A_427, %jit3A_428 : i32
        %ne3A_446 = arith.constant 0 : i32
        %ne3A_447 = arith.cmpi ne, %rem3A_445, %ne3A_446 : i32
        %and3A_448 = arith.andi %ne3A_444, %ne3A_447 : i1
        %sub3A_449 = arith.constant 1 : i32
        %sub3A_450 = arith.subi %div3A_429, %sub3A_449 : i32
        %select_n3A_451 = arith.select %and3A_448, %sub3A_450, %div3A_429 : i32
        %broadcast_in_dim3A_452 = vector.broadcast %select_n3A_451 : i32 to vector<16xi32>
        %broadcast_in_dim3A_453 = vector.shape_cast %broadcast_in_dim3A_452 : vector<16xi32> to vector<16x1xi32>
        %gather3A_454 = vector.shape_cast %broadcast_in_dim3A_453 : vector<16x1xi32> to vector<16xi32>
        %gather3A_455 = tpu.dynamic_gather %exp3A[%gather3A_454] in [0] : vector<16xf32>, vector<16xi32> -> vector<16xf32>
        %get3A_456 = arith.index_cast %scan3A_246 : i32 to index
        %get3A_457 = arith.constant 64 : index
        %get3A_458 = tpu.vector_load %arg12[%get3A_456, %get3A_457] {strides = array<i32>} : memref<128x80xf32, #tpu.memory_space<vmem>>, vector<1x16xf32>,
        %get3A_459 = vector.shape_cast %get3A_458 : vector<1x16xf32> to vector<16xf32>
        %mul3A_460 = arith.mulf %get3A_459, %gather3A_455 : vector<16xf32>
        %swap3A_461 = arith.index_cast %scan3A_246 : i32 to index
        %swap3A_462 = arith.constant 64 : index
        %swap3A_463 = tpu.vector_load %arg12[%swap3A_461, %swap3A_462] {strides = array<i32>} : memref<128x80xf32, #tpu.memory_space<vmem>>, vector<1x16xf32>,
        %swap3A_464 = vector.shape_cast %swap3A_463 : vector<1x16xf32> to vector<16xf32>
        %swap3A_465 = vector.shape_cast %mul3A_460 : vector<16xf32> to vector<1x16xf32>
        tpu.vector_store %arg12[%swap3A_461, %swap3A_462], %swap3A_465 {strides = array<i32>} : memref<128x80xf32, #tpu.memory_space<vmem>>, vector<1x16xf32>,
        %scan3A_466 = arith.constant 0 : i32
        scf.yield %scan3A_466 : i32
      }
      %scan3A_218 = arith.constant 128 : i32
      "tpu.region"() ({
        %run_scoped3A = tpu.sem_alloc : memref<!tpu.dma_semaphore, #tpu.memory_space<semaphore_mem>>
        %dma_start3A_246 = arith.constant 0 : i32
        %dma_start3A_247 = arith.constant 0 : i32
        %dma_start3A_248 = tpu.memref_slice %arg29[%dma_start3A_246, %dma_start3A_247] : memref<10112x80xf32, #tpu.memory_space<vmem_shared>> -> memref<10112x80xf32, #tpu.memory_space<vmem_shared>>
        tpu.enqueue_indirect_dma source(%arg12 : memref<128x80xf32, #tpu.memory_space<vmem>>) target(%dma_start3A_248 : memref<10112x80xf32, #tpu.memory_space<vmem_shared>>) offsets(%arg11 : memref<128xi32, #tpu.memory_space<vmem>>) semaphore(%run_scoped3A : memref<!tpu.dma_semaphore, #tpu.memory_space<semaphore_mem>>) {add = true}
        %dma_wait3A_249 = arith.constant 0 : i32
        %dma_wait3A_250 = arith.constant 0 : i32
        %dma_wait3A_251 = tpu.memref_slice %arg29[%dma_wait3A_249, %dma_wait3A_250] : memref<10112x80xf32, #tpu.memory_space<vmem_shared>> -> memref<10112x80xf32, #tpu.memory_space<vmem_shared>>
        tpu.wait_indirect_dma semaphore(%run_scoped3A : memref<!tpu.dma_semaphore, #tpu.memory_space<semaphore_mem>>) src(%arg12 : memref<128x80xf32, #tpu.memory_space<vmem>>) dst(%dma_wait3A_251 : memref<10112x80xf32, #tpu.memory_space<vmem_shared>>)
        tpu.yield
      }) : () -> ()
      %eq3A_219 = arith.constant 0 : i32
      %eq3A_220 = arith.cmpi eq, %arg0, %eq3A_219 : i32
      %convert_element_type3A_221 = arith.extui %eq3A_220 : i1 to i32
      %cond3A_222 = arith.constant 0 : i32
      %cond3A_223 = arith.cmpi ne, %convert_element_type3A_221, %cond3A_222 : i32
      scf.if %cond3A_223 {
        "tpu.region"() ({
          %run_scoped3A = tpu.sem_alloc : memref<!tpu.dma_semaphore, #tpu.memory_space<semaphore_mem>>
          %dma_start3A_246 = arith.constant 0 : i32
          %dma_start3A_247 = arith.constant 0 : i32
          %dma_start3A_248 = tpu.memref_slice %arg30[%dma_start3A_246, %dma_start3A_247] : memref<10112x16xf32, #tpu.memory_space<vmem_shared>> -> memref<10112x16xf32, #tpu.memory_space<vmem_shared>>
          tpu.enqueue_indirect_dma source(%arg15 : memref<128x16xf32, #tpu.memory_space<vmem>>) target(%dma_start3A_248 : memref<10112x16xf32, #tpu.memory_space<vmem_shared>>) offsets(%arg11 : memref<128xi32, #tpu.memory_space<vmem>>) semaphore(%run_scoped3A : memref<!tpu.dma_semaphore, #tpu.memory_space<semaphore_mem>>) {add = true}
          %dma_wait3A_249 = arith.constant 0 : i32
          %dma_wait3A_250 = arith.constant 0 : i32
          %dma_wait3A_251 = tpu.memref_slice %arg30[%dma_wait3A_249, %dma_wait3A_250] : memref<10112x16xf32, #tpu.memory_space<vmem_shared>> -> memref<10112x16xf32, #tpu.memory_space<vmem_shared>>
          tpu.wait_indirect_dma semaphore(%run_scoped3A : memref<!tpu.dma_semaphore, #tpu.memory_space<semaphore_mem>>) src(%arg15 : memref<128x16xf32, #tpu.memory_space<vmem>>) dst(%dma_wait3A_251 : memref<10112x16xf32, #tpu.memory_space<vmem_shared>>)
          tpu.yield
        }) : () -> ()
      } else {
      }
      %dma_wait3A_224 = arith.constant 0 : i32
      %dma_wait3A_225 = arith.constant 0 : i32
      %dma_wait3A_226 = tpu.memref_slice %arg2[%dma_wait3A_224, %dma_wait3A_225] : memref<20224x80xf32, #tpu.memory_space<hbm>> -> memref<20224x80xf32, #tpu.memory_space<hbm>>
      tpu.wait_indirect_dma semaphore(%arg26 : memref<!tpu.dma_semaphore, #tpu.memory_space<semaphore_mem>>) src(%dma_wait3A_226 : memref<20224x80xf32, #tpu.memory_space<hbm>>) dst(%arg22 : memref<128x80xf32, #tpu.memory_space<vmem>>)
      %dma_wait3A_227 = arith.constant 0 : i32
      %dma_wait3A_228 = arith.constant 0 : i32
      %dma_wait3A_229 = tpu.memref_slice %arg3[%dma_wait3A_227, %dma_wait3A_228] : memref<20224x16xf32, #tpu.memory_space<hbm>> -> memref<20224x16xf32, #tpu.memory_space<hbm>>
      tpu.wait_indirect_dma semaphore(%arg27 : memref<!tpu.dma_semaphore, #tpu.memory_space<semaphore_mem>>) src(%dma_wait3A_229 : memref<20224x16xf32, #tpu.memory_space<hbm>>) dst(%arg23 : memref<128x16xf32, #tpu.memory_space<vmem>>)
      %dma_wait3A_230 = arith.constant 0 : i32
      %dma_wait3A_231 = arith.constant 0 : i32
      %dma_wait3A_232 = tpu.memref_slice %arg4[%dma_wait3A_230, %dma_wait3A_231] : memref<10112x16xf32, #tpu.memory_space<hbm>> -> memref<10112x16xf32, #tpu.memory_space<hbm>>
      tpu.wait_indirect_dma semaphore(%arg28 : memref<!tpu.dma_semaphore, #tpu.memory_space<semaphore_mem>>) src(%dma_wait3A_232 : memref<10112x16xf32, #tpu.memory_space<hbm>>) dst(%arg24 : memref<128x16xf32, #tpu.memory_space<vmem>>)
      %scan3A_233 = arith.constant 0 : i32
      %scan3A_234 = arith.constant 0 : i32
      %scan3A_235 = arith.constant 128 : i32
      %scan3A_236 = arith.addi %scan3A_234, %scan3A_235 : i32
      %scan3A_237 = arith.constant 1 : i32
      %scan3A_238 = scf.for %scan3A_246 = %scan3A_234 to %scan3A_236 step %scan3A_237 iter_args(%scan3A_247 = %scan3A_233) -> (i32)  : i32 {
        %get3A_248 = arith.index_cast %scan3A_246 : i32 to index
        %get3A_249 = arith.constant 0 : index
        %get3A_250 = tpu.vector_load %arg23[%get3A_248, %get3A_249] {strides = array<i32>} : memref<128x16xf32, #tpu.memory_space<vmem>>, vector<1x16xf32>,
        %get3A_251 = vector.shape_cast %get3A_250 : vector<1x16xf32> to vector<16xf32>
        %get3A_252 = arith.index_cast %scan3A_246 : i32 to index
        %get3A_253 = arith.constant 0 : index
        %get3A_254 = tpu.vector_load %arg24[%get3A_252, %get3A_253] {strides = array<i32>} : memref<128x16xf32, #tpu.memory_space<vmem>>, vector<1x16xf32>,
        %get3A_255 = vector.shape_cast %get3A_254 : vector<1x16xf32> to vector<16xf32>
        %add3A_256 = arith.addf %get3A_251, %get3A_255 : vector<16xf32>
        %mul3A_257 = arith.constant 2.000000e-01 : f32
        %mul3A_258 = vector.broadcast %mul3A_257 : f32 to vector<16xf32>
        %mul3A_259 = arith.mulf %mul3A_258, %add3A_256 : vector<16xf32>
        %max3A = arith.maximumf %add3A_256, %mul3A_259 : vector<16xf32>
        %exp3A = math.exp %max3A : vector<16xf32>
        %swap3A_260 = arith.index_cast %scan3A_246 : i32 to index
        %swap3A_261 = arith.constant 0 : index
        %swap3A_262 = tpu.vector_load %arg25[%swap3A_260, %swap3A_261] {strides = array<i32>} : memref<128x16xf32, #tpu.memory_space<vmem>>, vector<1x16xf32>,
        %swap3A_263 = vector.shape_cast %swap3A_262 : vector<1x16xf32> to vector<16xf32>
        %swap3A_264 = vector.shape_cast %exp3A : vector<16xf32> to vector<1x16xf32>
        tpu.vector_store %arg25[%swap3A_260, %swap3A_261], %swap3A_264 {strides = array<i32>} : memref<128x16xf32, #tpu.memory_space<vmem>>, vector<1x16xf32>,
        %mul3A_265 = arith.constant 5 : i32
        %mul3A_266 = arith.muli %arg0, %mul3A_265 : i32
        %add3A_267 = arith.constant 0 : i32
        %add3A_268 = arith.addi %mul3A_266, %add3A_267 : i32
        %jit3A = arith.constant 2 : i32
        %div3A = arith.divsi %add3A_268, %jit3A : i32
        %sign3A = arith.constant 0 : i32
        %sign3A_269 = arith.cmpi sgt, %add3A_268, %sign3A : i32
        %sign3A_270 = arith.extui %sign3A_269 : i1 to i32
        %sign3A_271 = arith.constant 0 : i32
        %sign3A_272 = arith.cmpi slt, %add3A_268, %sign3A_271 : i32
        %sign3A_273 = arith.extui %sign3A_272 : i1 to i32
        %sign3A_274 = arith.subi %sign3A_270, %sign3A_273 : i32
        %sign3A_275 = arith.constant 0 : i32
        %sign3A_276 = arith.cmpi sgt, %jit3A, %sign3A_275 : i32
        %sign3A_277 = arith.extui %sign3A_276 : i1 to i32
        %sign3A_278 = arith.constant 0 : i32
        %sign3A_279 = arith.cmpi slt, %jit3A, %sign3A_278 : i32
        %sign3A_280 = arith.extui %sign3A_279 : i1 to i32
        %sign3A_281 = arith.subi %sign3A_277, %sign3A_280 : i32
        %ne3A = arith.cmpi ne, %sign3A_274, %sign3A_281 : i32
        %rem3A = arith.remsi %add3A_268, %jit3A : i32
        %ne3A_282 = arith.constant 0 : i32
        %ne3A_283 = arith.cmpi ne, %rem3A, %ne3A_282 : i32
        %and3A = arith.andi %ne3A, %ne3A_283 : i1
        %sub3A = arith.constant 1 : i32
        %sub3A_284 = arith.subi %div3A, %sub3A : i32
        %select_n3A = arith.select %and3A, %sub3A_284, %div3A : i32
        %broadcast_in_dim3A_285 = vector.broadcast %select_n3A : i32 to vector<16xi32>
        %broadcast_in_dim3A_286 = vector.shape_cast %broadcast_in_dim3A_285 : vector<16xi32> to vector<16x1xi32>
        %gather3A = vector.shape_cast %broadcast_in_dim3A_286 : vector<16x1xi32> to vector<16xi32>
        %gather3A_287 = tpu.dynamic_gather %exp3A[%gather3A] in [0] : vector<16xf32>, vector<16xi32> -> vector<16xf32>
        %get3A_288 = arith.index_cast %scan3A_246 : i32 to index
        %get3A_289 = arith.constant 0 : index
        %get3A_290 = tpu.vector_load %arg22[%get3A_288, %get3A_289] {strides = array<i32>} : memref<128x80xf32, #tpu.memory_space<vmem>>, vector<1x16xf32>,
        %get3A_291 = vector.shape_cast %get3A_290 : vector<1x16xf32> to vector<16xf32>
        %mul3A_292 = arith.mulf %get3A_291, %gather3A_287 : vector<16xf32>
        %swap3A_293 = arith.index_cast %scan3A_246 : i32 to index
        %swap3A_294 = arith.constant 0 : index
        %swap3A_295 = tpu.vector_load %arg22[%swap3A_293, %swap3A_294] {strides = array<i32>} : memref<128x80xf32, #tpu.memory_space<vmem>>, vector<1x16xf32>,
        %swap3A_296 = vector.shape_cast %swap3A_295 : vector<1x16xf32> to vector<16xf32>
        %swap3A_297 = vector.shape_cast %mul3A_292 : vector<16xf32> to vector<1x16xf32>
        tpu.vector_store %arg22[%swap3A_293, %swap3A_294], %swap3A_297 {strides = array<i32>} : memref<128x80xf32, #tpu.memory_space<vmem>>, vector<1x16xf32>,
        %mul3A_298 = arith.constant 5 : i32
        %mul3A_299 = arith.muli %arg0, %mul3A_298 : i32
        %add3A_300 = arith.constant 1 : i32
        %add3A_301 = arith.addi %mul3A_299, %add3A_300 : i32
        %jit3A_302 = arith.constant 2 : i32
        %div3A_303 = arith.divsi %add3A_301, %jit3A_302 : i32
        %sign3A_304 = arith.constant 0 : i32
        %sign3A_305 = arith.cmpi sgt, %add3A_301, %sign3A_304 : i32
        %sign3A_306 = arith.extui %sign3A_305 : i1 to i32
        %sign3A_307 = arith.constant 0 : i32
        %sign3A_308 = arith.cmpi slt, %add3A_301, %sign3A_307 : i32
        %sign3A_309 = arith.extui %sign3A_308 : i1 to i32
        %sign3A_310 = arith.subi %sign3A_306, %sign3A_309 : i32
        %sign3A_311 = arith.constant 0 : i32
        %sign3A_312 = arith.cmpi sgt, %jit3A_302, %sign3A_311 : i32
        %sign3A_313 = arith.extui %sign3A_312 : i1 to i32
        %sign3A_314 = arith.constant 0 : i32
        %sign3A_315 = arith.cmpi slt, %jit3A_302, %sign3A_314 : i32
        %sign3A_316 = arith.extui %sign3A_315 : i1 to i32
        %sign3A_317 = arith.subi %sign3A_313, %sign3A_316 : i32
        %ne3A_318 = arith.cmpi ne, %sign3A_310, %sign3A_317 : i32
        %rem3A_319 = arith.remsi %add3A_301, %jit3A_302 : i32
        %ne3A_320 = arith.constant 0 : i32
        %ne3A_321 = arith.cmpi ne, %rem3A_319, %ne3A_320 : i32
        %and3A_322 = arith.andi %ne3A_318, %ne3A_321 : i1
        %sub3A_323 = arith.constant 1 : i32
        %sub3A_324 = arith.subi %div3A_303, %sub3A_323 : i32
        %select_n3A_325 = arith.select %and3A_322, %sub3A_324, %div3A_303 : i32
        %broadcast_in_dim3A_326 = vector.broadcast %select_n3A_325 : i32 to vector<16xi32>
        %broadcast_in_dim3A_327 = vector.shape_cast %broadcast_in_dim3A_326 : vector<16xi32> to vector<16x1xi32>
        %gather3A_328 = vector.shape_cast %broadcast_in_dim3A_327 : vector<16x1xi32> to vector<16xi32>
        %gather3A_329 = tpu.dynamic_gather %exp3A[%gather3A_328] in [0] : vector<16xf32>, vector<16xi32> -> vector<16xf32>
        %get3A_330 = arith.index_cast %scan3A_246 : i32 to index
        %get3A_331 = arith.constant 16 : index
        %get3A_332 = tpu.vector_load %arg22[%get3A_330, %get3A_331] {strides = array<i32>} : memref<128x80xf32, #tpu.memory_space<vmem>>, vector<1x16xf32>,
        %get3A_333 = vector.shape_cast %get3A_332 : vector<1x16xf32> to vector<16xf32>
        %mul3A_334 = arith.mulf %get3A_333, %gather3A_329 : vector<16xf32>
        %swap3A_335 = arith.index_cast %scan3A_246 : i32 to index
        %swap3A_336 = arith.constant 16 : index
        %swap3A_337 = tpu.vector_load %arg22[%swap3A_335, %swap3A_336] {strides = array<i32>} : memref<128x80xf32, #tpu.memory_space<vmem>>, vector<1x16xf32>,
        %swap3A_338 = vector.shape_cast %swap3A_337 : vector<1x16xf32> to vector<16xf32>
        %swap3A_339 = vector.shape_cast %mul3A_334 : vector<16xf32> to vector<1x16xf32>
        tpu.vector_store %arg22[%swap3A_335, %swap3A_336], %swap3A_339 {strides = array<i32>} : memref<128x80xf32, #tpu.memory_space<vmem>>, vector<1x16xf32>,
        %mul3A_340 = arith.constant 5 : i32
        %mul3A_341 = arith.muli %arg0, %mul3A_340 : i32
        %add3A_342 = arith.constant 2 : i32
        %add3A_343 = arith.addi %mul3A_341, %add3A_342 : i32
        %jit3A_344 = arith.constant 2 : i32
        %div3A_345 = arith.divsi %add3A_343, %jit3A_344 : i32
        %sign3A_346 = arith.constant 0 : i32
        %sign3A_347 = arith.cmpi sgt, %add3A_343, %sign3A_346 : i32
        %sign3A_348 = arith.extui %sign3A_347 : i1 to i32
        %sign3A_349 = arith.constant 0 : i32
        %sign3A_350 = arith.cmpi slt, %add3A_343, %sign3A_349 : i32
        %sign3A_351 = arith.extui %sign3A_350 : i1 to i32
        %sign3A_352 = arith.subi %sign3A_348, %sign3A_351 : i32
        %sign3A_353 = arith.constant 0 : i32
        %sign3A_354 = arith.cmpi sgt, %jit3A_344, %sign3A_353 : i32
        %sign3A_355 = arith.extui %sign3A_354 : i1 to i32
        %sign3A_356 = arith.constant 0 : i32
        %sign3A_357 = arith.cmpi slt, %jit3A_344, %sign3A_356 : i32
        %sign3A_358 = arith.extui %sign3A_357 : i1 to i32
        %sign3A_359 = arith.subi %sign3A_355, %sign3A_358 : i32
        %ne3A_360 = arith.cmpi ne, %sign3A_352, %sign3A_359 : i32
        %rem3A_361 = arith.remsi %add3A_343, %jit3A_344 : i32
        %ne3A_362 = arith.constant 0 : i32
        %ne3A_363 = arith.cmpi ne, %rem3A_361, %ne3A_362 : i32
        %and3A_364 = arith.andi %ne3A_360, %ne3A_363 : i1
        %sub3A_365 = arith.constant 1 : i32
        %sub3A_366 = arith.subi %div3A_345, %sub3A_365 : i32
        %select_n3A_367 = arith.select %and3A_364, %sub3A_366, %div3A_345 : i32
        %broadcast_in_dim3A_368 = vector.broadcast %select_n3A_367 : i32 to vector<16xi32>
        %broadcast_in_dim3A_369 = vector.shape_cast %broadcast_in_dim3A_368 : vector<16xi32> to vector<16x1xi32>
        %gather3A_370 = vector.shape_cast %broadcast_in_dim3A_369 : vector<16x1xi32> to vector<16xi32>
        %gather3A_371 = tpu.dynamic_gather %exp3A[%gather3A_370] in [0] : vector<16xf32>, vector<16xi32> -> vector<16xf32>
        %get3A_372 = arith.index_cast %scan3A_246 : i32 to index
        %get3A_373 = arith.constant 32 : index
        %get3A_374 = tpu.vector_load %arg22[%get3A_372, %get3A_373] {strides = array<i32>} : memref<128x80xf32, #tpu.memory_space<vmem>>, vector<1x16xf32>,
        %get3A_375 = vector.shape_cast %get3A_374 : vector<1x16xf32> to vector<16xf32>
        %mul3A_376 = arith.mulf %get3A_375, %gather3A_371 : vector<16xf32>
        %swap3A_377 = arith.index_cast %scan3A_246 : i32 to index
        %swap3A_378 = arith.constant 32 : index
        %swap3A_379 = tpu.vector_load %arg22[%swap3A_377, %swap3A_378] {strides = array<i32>} : memref<128x80xf32, #tpu.memory_space<vmem>>, vector<1x16xf32>,
        %swap3A_380 = vector.shape_cast %swap3A_379 : vector<1x16xf32> to vector<16xf32>
        %swap3A_381 = vector.shape_cast %mul3A_376 : vector<16xf32> to vector<1x16xf32>
        tpu.vector_store %arg22[%swap3A_377, %swap3A_378], %swap3A_381 {strides = array<i32>} : memref<128x80xf32, #tpu.memory_space<vmem>>, vector<1x16xf32>,
        %mul3A_382 = arith.constant 5 : i32
        %mul3A_383 = arith.muli %arg0, %mul3A_382 : i32
        %add3A_384 = arith.constant 3 : i32
        %add3A_385 = arith.addi %mul3A_383, %add3A_384 : i32
        %jit3A_386 = arith.constant 2 : i32
        %div3A_387 = arith.divsi %add3A_385, %jit3A_386 : i32
        %sign3A_388 = arith.constant 0 : i32
        %sign3A_389 = arith.cmpi sgt, %add3A_385, %sign3A_388 : i32
        %sign3A_390 = arith.extui %sign3A_389 : i1 to i32
        %sign3A_391 = arith.constant 0 : i32
        %sign3A_392 = arith.cmpi slt, %add3A_385, %sign3A_391 : i32
        %sign3A_393 = arith.extui %sign3A_392 : i1 to i32
        %sign3A_394 = arith.subi %sign3A_390, %sign3A_393 : i32
        %sign3A_395 = arith.constant 0 : i32
        %sign3A_396 = arith.cmpi sgt, %jit3A_386, %sign3A_395 : i32
        %sign3A_397 = arith.extui %sign3A_396 : i1 to i32
        %sign3A_398 = arith.constant 0 : i32
        %sign3A_399 = arith.cmpi slt, %jit3A_386, %sign3A_398 : i32
        %sign3A_400 = arith.extui %sign3A_399 : i1 to i32
        %sign3A_401 = arith.subi %sign3A_397, %sign3A_400 : i32
        %ne3A_402 = arith.cmpi ne, %sign3A_394, %sign3A_401 : i32
        %rem3A_403 = arith.remsi %add3A_385, %jit3A_386 : i32
        %ne3A_404 = arith.constant 0 : i32
        %ne3A_405 = arith.cmpi ne, %rem3A_403, %ne3A_404 : i32
        %and3A_406 = arith.andi %ne3A_402, %ne3A_405 : i1
        %sub3A_407 = arith.constant 1 : i32
        %sub3A_408 = arith.subi %div3A_387, %sub3A_407 : i32
        %select_n3A_409 = arith.select %and3A_406, %sub3A_408, %div3A_387 : i32
        %broadcast_in_dim3A_410 = vector.broadcast %select_n3A_409 : i32 to vector<16xi32>
        %broadcast_in_dim3A_411 = vector.shape_cast %broadcast_in_dim3A_410 : vector<16xi32> to vector<16x1xi32>
        %gather3A_412 = vector.shape_cast %broadcast_in_dim3A_411 : vector<16x1xi32> to vector<16xi32>
        %gather3A_413 = tpu.dynamic_gather %exp3A[%gather3A_412] in [0] : vector<16xf32>, vector<16xi32> -> vector<16xf32>
        %get3A_414 = arith.index_cast %scan3A_246 : i32 to index
        %get3A_415 = arith.constant 48 : index
        %get3A_416 = tpu.vector_load %arg22[%get3A_414, %get3A_415] {strides = array<i32>} : memref<128x80xf32, #tpu.memory_space<vmem>>, vector<1x16xf32>,
        %get3A_417 = vector.shape_cast %get3A_416 : vector<1x16xf32> to vector<16xf32>
        %mul3A_418 = arith.mulf %get3A_417, %gather3A_413 : vector<16xf32>
        %swap3A_419 = arith.index_cast %scan3A_246 : i32 to index
        %swap3A_420 = arith.constant 48 : index
        %swap3A_421 = tpu.vector_load %arg22[%swap3A_419, %swap3A_420] {strides = array<i32>} : memref<128x80xf32, #tpu.memory_space<vmem>>, vector<1x16xf32>,
        %swap3A_422 = vector.shape_cast %swap3A_421 : vector<1x16xf32> to vector<16xf32>
        %swap3A_423 = vector.shape_cast %mul3A_418 : vector<16xf32> to vector<1x16xf32>
        tpu.vector_store %arg22[%swap3A_419, %swap3A_420], %swap3A_423 {strides = array<i32>} : memref<128x80xf32, #tpu.memory_space<vmem>>, vector<1x16xf32>,
        %mul3A_424 = arith.constant 5 : i32
        %mul3A_425 = arith.muli %arg0, %mul3A_424 : i32
        %add3A_426 = arith.constant 4 : i32
        %add3A_427 = arith.addi %mul3A_425, %add3A_426 : i32
        %jit3A_428 = arith.constant 2 : i32
        %div3A_429 = arith.divsi %add3A_427, %jit3A_428 : i32
        %sign3A_430 = arith.constant 0 : i32
        %sign3A_431 = arith.cmpi sgt, %add3A_427, %sign3A_430 : i32
        %sign3A_432 = arith.extui %sign3A_431 : i1 to i32
        %sign3A_433 = arith.constant 0 : i32
        %sign3A_434 = arith.cmpi slt, %add3A_427, %sign3A_433 : i32
        %sign3A_435 = arith.extui %sign3A_434 : i1 to i32
        %sign3A_436 = arith.subi %sign3A_432, %sign3A_435 : i32
        %sign3A_437 = arith.constant 0 : i32
        %sign3A_438 = arith.cmpi sgt, %jit3A_428, %sign3A_437 : i32
        %sign3A_439 = arith.extui %sign3A_438 : i1 to i32
        %sign3A_440 = arith.constant 0 : i32
        %sign3A_441 = arith.cmpi slt, %jit3A_428, %sign3A_440 : i32
        %sign3A_442 = arith.extui %sign3A_441 : i1 to i32
        %sign3A_443 = arith.subi %sign3A_439, %sign3A_442 : i32
        %ne3A_444 = arith.cmpi ne, %sign3A_436, %sign3A_443 : i32
        %rem3A_445 = arith.remsi %add3A_427, %jit3A_428 : i32
        %ne3A_446 = arith.constant 0 : i32
        %ne3A_447 = arith.cmpi ne, %rem3A_445, %ne3A_446 : i32
        %and3A_448 = arith.andi %ne3A_444, %ne3A_447 : i1
        %sub3A_449 = arith.constant 1 : i32
        %sub3A_450 = arith.subi %div3A_429, %sub3A_449 : i32
        %select_n3A_451 = arith.select %and3A_448, %sub3A_450, %div3A_429 : i32
        %broadcast_in_dim3A_452 = vector.broadcast %select_n3A_451 : i32 to vector<16xi32>
        %broadcast_in_dim3A_453 = vector.shape_cast %broadcast_in_dim3A_452 : vector<16xi32> to vector<16x1xi32>
        %gather3A_454 = vector.shape_cast %broadcast_in_dim3A_453 : vector<16x1xi32> to vector<16xi32>
        %gather3A_455 = tpu.dynamic_gather %exp3A[%gather3A_454] in [0] : vector<16xf32>, vector<16xi32> -> vector<16xf32>
        %get3A_456 = arith.index_cast %scan3A_246 : i32 to index
        %get3A_457 = arith.constant 64 : index
        %get3A_458 = tpu.vector_load %arg22[%get3A_456, %get3A_457] {strides = array<i32>} : memref<128x80xf32, #tpu.memory_space<vmem>>, vector<1x16xf32>,
        %get3A_459 = vector.shape_cast %get3A_458 : vector<1x16xf32> to vector<16xf32>
        %mul3A_460 = arith.mulf %get3A_459, %gather3A_455 : vector<16xf32>
        %swap3A_461 = arith.index_cast %scan3A_246 : i32 to index
        %swap3A_462 = arith.constant 64 : index
        %swap3A_463 = tpu.vector_load %arg22[%swap3A_461, %swap3A_462] {strides = array<i32>} : memref<128x80xf32, #tpu.memory_space<vmem>>, vector<1x16xf32>,
        %swap3A_464 = vector.shape_cast %swap3A_463 : vector<1x16xf32> to vector<16xf32>
        %swap3A_465 = vector.shape_cast %mul3A_460 : vector<16xf32> to vector<1x16xf32>
        tpu.vector_store %arg22[%swap3A_461, %swap3A_462], %swap3A_465 {strides = array<i32>} : memref<128x80xf32, #tpu.memory_space<vmem>>, vector<1x16xf32>,
        %scan3A_466 = arith.constant 0 : i32
        scf.yield %scan3A_466 : i32
      }
      %scan3A_239 = arith.constant 128 : i32
      "tpu.region"() ({
        %run_scoped3A = tpu.sem_alloc : memref<!tpu.dma_semaphore, #tpu.memory_space<semaphore_mem>>
        %dma_start3A_246 = arith.constant 0 : i32
        %dma_start3A_247 = arith.constant 0 : i32
        %dma_start3A_248 = tpu.memref_slice %arg29[%dma_start3A_246, %dma_start3A_247] : memref<10112x80xf32, #tpu.memory_space<vmem_shared>> -> memref<10112x80xf32, #tpu.memory_space<vmem_shared>>
        tpu.enqueue_indirect_dma source(%arg22 : memref<128x80xf32, #tpu.memory_space<vmem>>) target(%dma_start3A_248 : memref<10112x80xf32, #tpu.memory_space<vmem_shared>>) offsets(%arg21 : memref<128xi32, #tpu.memory_space<vmem>>) semaphore(%run_scoped3A : memref<!tpu.dma_semaphore, #tpu.memory_space<semaphore_mem>>) {add = true}
        %dma_wait3A_249 = arith.constant 0 : i32
        %dma_wait3A_250 = arith.constant 0 : i32
        %dma_wait3A_251 = tpu.memref_slice %arg29[%dma_wait3A_249, %dma_wait3A_250] : memref<10112x80xf32, #tpu.memory_space<vmem_shared>> -> memref<10112x80xf32, #tpu.memory_space<vmem_shared>>
        tpu.wait_indirect_dma semaphore(%run_scoped3A : memref<!tpu.dma_semaphore, #tpu.memory_space<semaphore_mem>>) src(%arg22 : memref<128x80xf32, #tpu.memory_space<vmem>>) dst(%dma_wait3A_251 : memref<10112x80xf32, #tpu.memory_space<vmem_shared>>)
        tpu.yield
      }) : () -> ()
      %eq3A_240 = arith.constant 0 : i32
      %eq3A_241 = arith.cmpi eq, %arg0, %eq3A_240 : i32
      %convert_element_type3A_242 = arith.extui %eq3A_241 : i1 to i32
      %cond3A_243 = arith.constant 0 : i32
      %cond3A_244 = arith.cmpi ne, %convert_element_type3A_242, %cond3A_243 : i32
      scf.if %cond3A_244 {
        "tpu.region"() ({
          %run_scoped3A = tpu.sem_alloc : memref<!tpu.dma_semaphore, #tpu.memory_space<semaphore_mem>>
          %dma_start3A_246 = arith.constant 0 : i32
          %dma_start3A_247 = arith.constant 0 : i32
          %dma_start3A_248 = tpu.memref_slice %arg30[%dma_start3A_246, %dma_start3A_247] : memref<10112x16xf32, #tpu.memory_space<vmem_shared>> -> memref<10112x16xf32, #tpu.memory_space<vmem_shared>>
          tpu.enqueue_indirect_dma source(%arg25 : memref<128x16xf32, #tpu.memory_space<vmem>>) target(%dma_start3A_248 : memref<10112x16xf32, #tpu.memory_space<vmem_shared>>) offsets(%arg21 : memref<128xi32, #tpu.memory_space<vmem>>) semaphore(%run_scoped3A : memref<!tpu.dma_semaphore, #tpu.memory_space<semaphore_mem>>) {add = true}
          %dma_wait3A_249 = arith.constant 0 : i32
          %dma_wait3A_250 = arith.constant 0 : i32
          %dma_wait3A_251 = tpu.memref_slice %arg30[%dma_wait3A_249, %dma_wait3A_250] : memref<10112x16xf32, #tpu.memory_space<vmem_shared>> -> memref<10112x16xf32, #tpu.memory_space<vmem_shared>>
          tpu.wait_indirect_dma semaphore(%run_scoped3A : memref<!tpu.dma_semaphore, #tpu.memory_space<semaphore_mem>>) src(%arg25 : memref<128x16xf32, #tpu.memory_space<vmem>>) dst(%dma_wait3A_251 : memref<10112x16xf32, #tpu.memory_space<vmem_shared>>)
          tpu.yield
        }) : () -> ()
      } else {
      }
      %scan3A_245 = arith.constant 0 : i32
      scf.yield %scan3A_245 : i32
    }
    %scan3A_35 = arith.constant 81 : i32
    %barrier3A_36 = arith.constant 0 : index
    tpu.barrier barrier_id(%barrier3A_36)
    "tpu.region"() ({
      %run_scoped3A = tpu.sem_alloc : memref<!tpu.dma_semaphore, #tpu.memory_space<semaphore_mem>>
      %dma_start3A = arith.constant 0 : i32
      %dma_start3A_39 = tpu.memref_slice %arg7[%arg0, %mul3A_0, %dma_start3A] : memref<2x10112x80xf32, #tpu.memory_space<hbm>> -> memref<1x632x80xf32, #tpu.memory_space<hbm>>
      %dma_start3A_40 = tpu.memref_squeeze %dma_start3A_39 : memref<1x632x80xf32, #tpu.memory_space<hbm>> -> memref<632x80xf32, #tpu.memory_space<hbm>>
      %dma_start3A_41 = arith.constant 0 : i32
      %dma_start3A_42 = tpu.memref_slice %arg29[%mul3A_0, %dma_start3A_41] : memref<10112x80xf32, #tpu.memory_space<vmem_shared>> -> memref<632x80xf32, #tpu.memory_space<vmem_shared>>
      tpu.enqueue_dma source(%dma_start3A_42 : memref<632x80xf32, #tpu.memory_space<vmem_shared>>) target(%dma_start3A_40 : memref<632x80xf32, #tpu.memory_space<hbm>>) target_semaphore(%run_scoped3A : memref<!tpu.dma_semaphore, #tpu.memory_space<semaphore_mem>>)
      %dma_wait3A = arith.constant 0 : i32
      %dma_wait3A_43 = tpu.memref_slice %arg7[%arg0, %mul3A_0, %dma_wait3A] : memref<2x10112x80xf32, #tpu.memory_space<hbm>> -> memref<1x632x80xf32, #tpu.memory_space<hbm>>
      %dma_wait3A_44 = tpu.memref_squeeze %dma_wait3A_43 : memref<1x632x80xf32, #tpu.memory_space<hbm>> -> memref<632x80xf32, #tpu.memory_space<hbm>>
      %dma_wait3A_45 = arith.constant 0 : i32
      %dma_wait3A_46 = tpu.memref_slice %arg29[%mul3A_0, %dma_wait3A_45] : memref<10112x80xf32, #tpu.memory_space<vmem_shared>> -> memref<632x80xf32, #tpu.memory_space<vmem_shared>>
      tpu.wait_dma2 semaphore(%run_scoped3A : memref<!tpu.dma_semaphore, #tpu.memory_space<semaphore_mem>>) src(%dma_wait3A_46 : memref<632x80xf32, #tpu.memory_space<vmem_shared>>) dst(%dma_wait3A_44 : memref<632x80xf32, #tpu.memory_space<hbm>>)
      tpu.yield
    }) : () -> ()
    %eq3A = arith.constant 0 : i32
    %eq3A_37 = arith.cmpi eq, %arg0, %eq3A : i32
    %convert_element_type3A = arith.extui %eq3A_37 : i1 to i32
    %cond3A = arith.constant 0 : i32
    %cond3A_38 = arith.cmpi ne, %convert_element_type3A, %cond3A : i32
    scf.if %cond3A_38 {
      "tpu.region"() ({
        %run_scoped3A = tpu.sem_alloc : memref<!tpu.dma_semaphore, #tpu.memory_space<semaphore_mem>>
        %dma_start3A = arith.constant 0 : i32
        %dma_start3A_39 = tpu.memref_slice %arg8[%mul3A_0, %dma_start3A] : memref<10112x16xf32, #tpu.memory_space<hbm>> -> memref<632x16xf32, #tpu.memory_space<hbm>>
        %dma_start3A_40 = arith.constant 0 : i32
        %dma_start3A_41 = tpu.memref_slice %arg30[%mul3A_0, %dma_start3A_40] : memref<10112x16xf32, #tpu.memory_space<vmem_shared>> -> memref<632x16xf32, #tpu.memory_space<vmem_shared>>
        tpu.enqueue_dma source(%dma_start3A_41 : memref<632x16xf32, #tpu.memory_space<vmem_shared>>) target(%dma_start3A_39 : memref<632x16xf32, #tpu.memory_space<hbm>>) target_semaphore(%run_scoped3A : memref<!tpu.dma_semaphore, #tpu.memory_space<semaphore_mem>>)
        %dma_wait3A = arith.constant 0 : i32
        %dma_wait3A_42 = tpu.memref_slice %arg8[%mul3A_0, %dma_wait3A] : memref<10112x16xf32, #tpu.memory_space<hbm>> -> memref<632x16xf32, #tpu.memory_space<hbm>>
        %dma_wait3A_43 = arith.constant 0 : i32
        %dma_wait3A_44 = tpu.memref_slice %arg30[%mul3A_0, %dma_wait3A_43] : memref<10112x16xf32, #tpu.memory_space<vmem_shared>> -> memref<632x16xf32, #tpu.memory_space<vmem_shared>>
        tpu.wait_dma2 semaphore(%run_scoped3A : memref<!tpu.dma_semaphore, #tpu.memory_space<semaphore_mem>>) src(%dma_wait3A_44 : memref<632x16xf32, #tpu.memory_space<vmem_shared>>) dst(%dma_wait3A_42 : memref<632x16xf32, #tpu.memory_space<hbm>>)
        tpu.yield
      }) : () -> ()
    } else {
    }
    return
  }
}

#map = affine_map<(d0, d1) -> (0, 0)>
#map1 = affine_map<(d0, d1) -> (0, 0, 0)>
module attributes {stable_mosaic.version = 14 : i64} {
  func.func @kfn(%arg0: i32, %arg1: i32, %arg2: memref<20224x160xf32, #tpu.memory_space<hbm>>, %arg3: memref<20224x16xf32, #tpu.memory_space<hbm>>, %arg4: memref<10112x16xf32, #tpu.memory_space<hbm>>, %arg5: memref<16x646x32xi32, #tpu.memory_space<hbm>>, %arg6: memref<16x646x32xi32, #tpu.memory_space<hbm>>, %arg7: memref<2x10112x160xf32, #tpu.memory_space<hbm>>, %arg8: memref<10112x16xf32, #tpu.memory_space<hbm>>, %arg9: memref<32xi32, #tpu.memory_space<vmem>>, %arg10: memref<32xi32, #tpu.memory_space<vmem>>, %arg11: memref<32xi32, #tpu.memory_space<vmem>>, %arg12: memref<32x160xf32, #tpu.memory_space<vmem>>, %arg13: memref<32x16xf32, #tpu.memory_space<vmem>>, %arg14: memref<32x16xf32, #tpu.memory_space<vmem>>, %arg15: memref<32x16xf32, #tpu.memory_space<vmem>>, %arg16: memref<!tpu.dma_semaphore, #tpu.memory_space<semaphore_mem>>, %arg17: memref<!tpu.dma_semaphore, #tpu.memory_space<semaphore_mem>>, %arg18: memref<!tpu.dma_semaphore, #tpu.memory_space<semaphore_mem>>, %arg19: memref<32xi32, #tpu.memory_space<vmem>>, %arg20: memref<32xi32, #tpu.memory_space<vmem>>, %arg21: memref<32xi32, #tpu.memory_space<vmem>>, %arg22: memref<32x160xf32, #tpu.memory_space<vmem>>, %arg23: memref<32x16xf32, #tpu.memory_space<vmem>>, %arg24: memref<32x16xf32, #tpu.memory_space<vmem>>, %arg25: memref<32x16xf32, #tpu.memory_space<vmem>>, %arg26: memref<!tpu.dma_semaphore, #tpu.memory_space<semaphore_mem>>, %arg27: memref<!tpu.dma_semaphore, #tpu.memory_space<semaphore_mem>>, %arg28: memref<!tpu.dma_semaphore, #tpu.memory_space<semaphore_mem>>, %arg29: memref<10112x160xf32, #tpu.memory_space<vmem_shared>>, %arg30: memref<10112x16xf32, #tpu.memory_space<vmem_shared>>) attributes {dimension_semantics = [#tpu.dimension_semantics<core_parallel>, #tpu.dimension_semantics<subcore_parallel>], iteration_bounds = array<i64: 2, 16>, scalar_prefetch = 0 : i64, scratch_operands = 22 : i64, tpu.core_type = #tpu.core_type<sc_vector_subcore>, window_params = [{transform_indices = #map}, {transform_indices = #map}, {transform_indices = #map}, {transform_indices = #map1}, {transform_indices = #map1}, {transform_indices = #map1}, {transform_indices = #map}]} {
    %mul3A = arith.constant 632 : i32
    %mul3A_0 = arith.muli %arg1, %mul3A : i32
    %broadcast_in_dim3A = arith.constant 0.000000e+00 : f32
    %broadcast_in_dim3A_1 = vector.broadcast %broadcast_in_dim3A : f32 to vector<16xf32>
    %scan3A = arith.constant 0 : i32
    %scan3A_2 = arith.constant 0 : i32
    %scan3A_3 = arith.constant 32 : i32
    %scan3A_4 = arith.addi %scan3A_2, %scan3A_3 : i32
    %scan3A_5 = arith.constant 1 : i32
    %scan3A_6 = scf.for %scan3A_99 = %scan3A_2 to %scan3A_4 step %scan3A_5 iter_args(%scan3A_100 = %scan3A) -> (i32)  : i32 {
      %swap3A = arith.index_cast %scan3A_99 : i32 to index
      %swap3A_101 = arith.constant 0 : index
      %swap3A_102 = tpu.vector_load %arg12[%swap3A, %swap3A_101] {strides = array<i32>} : memref<32x160xf32, #tpu.memory_space<vmem>>, vector<1x16xf32>,
      %swap3A_103 = vector.shape_cast %swap3A_102 : vector<1x16xf32> to vector<16xf32>
      %swap3A_104 = vector.shape_cast %broadcast_in_dim3A_1 : vector<16xf32> to vector<1x16xf32>
      tpu.vector_store %arg12[%swap3A, %swap3A_101], %swap3A_104 {strides = array<i32>} : memref<32x160xf32, #tpu.memory_space<vmem>>, vector<1x16xf32>,
      %swap3A_105 = arith.index_cast %scan3A_99 : i32 to index
      %swap3A_106 = arith.constant 16 : index
      %swap3A_107 = tpu.vector_load %arg12[%swap3A_105, %swap3A_106] {strides = array<i32>} : memref<32x160xf32, #tpu.memory_space<vmem>>, vector<1x16xf32>,
      %swap3A_108 = vector.shape_cast %swap3A_107 : vector<1x16xf32> to vector<16xf32>
      %swap3A_109 = vector.shape_cast %broadcast_in_dim3A_1 : vector<16xf32> to vector<1x16xf32>
      tpu.vector_store %arg12[%swap3A_105, %swap3A_106], %swap3A_109 {strides = array<i32>} : memref<32x160xf32, #tpu.memory_space<vmem>>, vector<1x16xf32>,
      %swap3A_110 = arith.index_cast %scan3A_99 : i32 to index
      %swap3A_111 = arith.constant 32 : index
      %swap3A_112 = tpu.vector_load %arg12[%swap3A_110, %swap3A_111] {strides = array<i32>} : memref<32x160xf32, #tpu.memory_space<vmem>>, vector<1x16xf32>,
      %swap3A_113 = vector.shape_cast %swap3A_112 : vector<1x16xf32> to vector<16xf32>
      %swap3A_114 = vector.shape_cast %broadcast_in_dim3A_1 : vector<16xf32> to vector<1x16xf32>
      tpu.vector_store %arg12[%swap3A_110, %swap3A_111], %swap3A_114 {strides = array<i32>} : memref<32x160xf32, #tpu.memory_space<vmem>>, vector<1x16xf32>,
      %swap3A_115 = arith.index_cast %scan3A_99 : i32 to index
      %swap3A_116 = arith.constant 48 : index
      %swap3A_117 = tpu.vector_load %arg12[%swap3A_115, %swap3A_116] {strides = array<i32>} : memref<32x160xf32, #tpu.memory_space<vmem>>, vector<1x16xf32>,
      %swap3A_118 = vector.shape_cast %swap3A_117 : vector<1x16xf32> to vector<16xf32>
      %swap3A_119 = vector.shape_cast %broadcast_in_dim3A_1 : vector<16xf32> to vector<1x16xf32>
      tpu.vector_store %arg12[%swap3A_115, %swap3A_116], %swap3A_119 {strides = array<i32>} : memref<32x160xf32, #tpu.memory_space<vmem>>, vector<1x16xf32>,
      %swap3A_120 = arith.index_cast %scan3A_99 : i32 to index
      %swap3A_121 = arith.constant 64 : index
      %swap3A_122 = tpu.vector_load %arg12[%swap3A_120, %swap3A_121] {strides = array<i32>} : memref<32x160xf32, #tpu.memory_space<vmem>>, vector<1x16xf32>,
      %swap3A_123 = vector.shape_cast %swap3A_122 : vector<1x16xf32> to vector<16xf32>
      %swap3A_124 = vector.shape_cast %broadcast_in_dim3A_1 : vector<16xf32> to vector<1x16xf32>
      tpu.vector_store %arg12[%swap3A_120, %swap3A_121], %swap3A_124 {strides = array<i32>} : memref<32x160xf32, #tpu.memory_space<vmem>>, vector<1x16xf32>,
      %swap3A_125 = arith.index_cast %scan3A_99 : i32 to index
      %swap3A_126 = arith.constant 80 : index
      %swap3A_127 = tpu.vector_load %arg12[%swap3A_125, %swap3A_126] {strides = array<i32>} : memref<32x160xf32, #tpu.memory_space<vmem>>, vector<1x16xf32>,
      %swap3A_128 = vector.shape_cast %swap3A_127 : vector<1x16xf32> to vector<16xf32>
      %swap3A_129 = vector.shape_cast %broadcast_in_dim3A_1 : vector<16xf32> to vector<1x16xf32>
      tpu.vector_store %arg12[%swap3A_125, %swap3A_126], %swap3A_129 {strides = array<i32>} : memref<32x160xf32, #tpu.memory_space<vmem>>, vector<1x16xf32>,
      %swap3A_130 = arith.index_cast %scan3A_99 : i32 to index
      %swap3A_131 = arith.constant 96 : index
      %swap3A_132 = tpu.vector_load %arg12[%swap3A_130, %swap3A_131] {strides = array<i32>} : memref<32x160xf32, #tpu.memory_space<vmem>>, vector<1x16xf32>,
      %swap3A_133 = vector.shape_cast %swap3A_132 : vector<1x16xf32> to vector<16xf32>
      %swap3A_134 = vector.shape_cast %broadcast_in_dim3A_1 : vector<16xf32> to vector<1x16xf32>
      tpu.vector_store %arg12[%swap3A_130, %swap3A_131], %swap3A_134 {strides = array<i32>} : memref<32x160xf32, #tpu.memory_space<vmem>>, vector<1x16xf32>,
      %swap3A_135 = arith.index_cast %scan3A_99 : i32 to index
      %swap3A_136 = arith.constant 112 : index
      %swap3A_137 = tpu.vector_load %arg12[%swap3A_135, %swap3A_136] {strides = array<i32>} : memref<32x160xf32, #tpu.memory_space<vmem>>, vector<1x16xf32>,
      %swap3A_138 = vector.shape_cast %swap3A_137 : vector<1x16xf32> to vector<16xf32>
      %swap3A_139 = vector.shape_cast %broadcast_in_dim3A_1 : vector<16xf32> to vector<1x16xf32>
      tpu.vector_store %arg12[%swap3A_135, %swap3A_136], %swap3A_139 {strides = array<i32>} : memref<32x160xf32, #tpu.memory_space<vmem>>, vector<1x16xf32>,
      %swap3A_140 = arith.index_cast %scan3A_99 : i32 to index
      %swap3A_141 = arith.constant 128 : index
      %swap3A_142 = tpu.vector_load %arg12[%swap3A_140, %swap3A_141] {strides = array<i32>} : memref<32x160xf32, #tpu.memory_space<vmem>>, vector<1x16xf32>,
      %swap3A_143 = vector.shape_cast %swap3A_142 : vector<1x16xf32> to vector<16xf32>
      %swap3A_144 = vector.shape_cast %broadcast_in_dim3A_1 : vector<16xf32> to vector<1x16xf32>
      tpu.vector_store %arg12[%swap3A_140, %swap3A_141], %swap3A_144 {strides = array<i32>} : memref<32x160xf32, #tpu.memory_space<vmem>>, vector<1x16xf32>,
      %swap3A_145 = arith.index_cast %scan3A_99 : i32 to index
      %swap3A_146 = arith.constant 144 : index
      %swap3A_147 = tpu.vector_load %arg12[%swap3A_145, %swap3A_146] {strides = array<i32>} : memref<32x160xf32, #tpu.memory_space<vmem>>, vector<1x16xf32>,
      %swap3A_148 = vector.shape_cast %swap3A_147 : vector<1x16xf32> to vector<16xf32>
      %swap3A_149 = vector.shape_cast %broadcast_in_dim3A_1 : vector<16xf32> to vector<1x16xf32>
      tpu.vector_store %arg12[%swap3A_145, %swap3A_146], %swap3A_149 {strides = array<i32>} : memref<32x160xf32, #tpu.memory_space<vmem>>, vector<1x16xf32>,
      %swap3A_150 = arith.index_cast %scan3A_99 : i32 to index
      %swap3A_151 = arith.constant 0 : index
      %swap3A_152 = tpu.vector_load %arg15[%swap3A_150, %swap3A_151] {strides = array<i32>} : memref<32x16xf32, #tpu.memory_space<vmem>>, vector<1x16xf32>,
      %swap3A_153 = vector.shape_cast %swap3A_152 : vector<1x16xf32> to vector<16xf32>
      %swap3A_154 = vector.shape_cast %broadcast_in_dim3A_1 : vector<16xf32> to vector<1x16xf32>
      tpu.vector_store %arg15[%swap3A_150, %swap3A_151], %swap3A_154 {strides = array<i32>} : memref<32x16xf32, #tpu.memory_space<vmem>>, vector<1x16xf32>,
      %scan3A_155 = arith.constant 0 : i32
      scf.yield %scan3A_155 : i32
    }
    %scan3A_7 = arith.constant 32 : i32
    %add3A = arith.constant 0 : i32
    %add3A_8 = arith.addi %mul3A_0, %add3A : i32
    "tpu.region"() ({
      %run_scoped3A = tpu.sem_alloc : memref<!tpu.dma_semaphore, #tpu.memory_space<semaphore_mem>>
      %dma_start3A = arith.constant 0 : i32
      %dma_start3A_99 = tpu.memref_slice %arg29[%add3A_8, %dma_start3A] : memref<10112x160xf32, #tpu.memory_space<vmem_shared>> -> memref<32x160xf32, #tpu.memory_space<vmem_shared>>
      %dma_start3A_100 = arith.constant 0 : i32
      %dma_start3A_101 = tpu.memref_slice %arg29[%add3A_8, %dma_start3A_100] : memref<10112x160xf32, #tpu.memory_space<vmem_shared>> -> memref<32x160xf32, #tpu.memory_space<vmem_shared>>
      tpu.enqueue_dma source(%arg12 : memref<32x160xf32, #tpu.memory_space<vmem>>) target(%dma_start3A_101 : memref<32x160xf32, #tpu.memory_space<vmem_shared>>) target_semaphore(%run_scoped3A : memref<!tpu.dma_semaphore, #tpu.memory_space<semaphore_mem>>)
      %dma_wait3A = arith.constant 0 : i32
      %dma_wait3A_102 = tpu.memref_slice %arg29[%add3A_8, %dma_wait3A] : memref<10112x160xf32, #tpu.memory_space<vmem_shared>> -> memref<32x160xf32, #tpu.memory_space<vmem_shared>>
      %dma_wait3A_103 = arith.constant 0 : i32
      %dma_wait3A_104 = tpu.memref_slice %arg29[%add3A_8, %dma_wait3A_103] : memref<10112x160xf32, #tpu.memory_space<vmem_shared>> -> memref<32x160xf32, #tpu.memory_space<vmem_shared>>
      tpu.wait_dma2 semaphore(%run_scoped3A : memref<!tpu.dma_semaphore, #tpu.memory_space<semaphore_mem>>) src(%arg12 : memref<32x160xf32, #tpu.memory_space<vmem>>) dst(%dma_wait3A_104 : memref<32x160xf32, #tpu.memory_space<vmem_shared>>)
      tpu.yield
    }) : () -> ()
    %add3A_9 = arith.constant 0 : i32
    %add3A_10 = arith.addi %mul3A_0, %add3A_9 : i32
    "tpu.region"() ({
      %run_scoped3A = tpu.sem_alloc : memref<!tpu.dma_semaphore, #tpu.memory_space<semaphore_mem>>
      %dma_start3A = arith.constant 0 : i32
      %dma_start3A_99 = tpu.memref_slice %arg30[%add3A_10, %dma_start3A] : memref<10112x16xf32, #tpu.memory_space<vmem_shared>> -> memref<32x16xf32, #tpu.memory_space<vmem_shared>>
      %dma_start3A_100 = arith.constant 0 : i32
      %dma_start3A_101 = tpu.memref_slice %arg30[%add3A_10, %dma_start3A_100] : memref<10112x16xf32, #tpu.memory_space<vmem_shared>> -> memref<32x16xf32, #tpu.memory_space<vmem_shared>>
      tpu.enqueue_dma source(%arg15 : memref<32x16xf32, #tpu.memory_space<vmem>>) target(%dma_start3A_101 : memref<32x16xf32, #tpu.memory_space<vmem_shared>>) target_semaphore(%run_scoped3A : memref<!tpu.dma_semaphore, #tpu.memory_space<semaphore_mem>>)
      %dma_wait3A = arith.constant 0 : i32
      %dma_wait3A_102 = tpu.memref_slice %arg30[%add3A_10, %dma_wait3A] : memref<10112x16xf32, #tpu.memory_space<vmem_shared>> -> memref<32x16xf32, #tpu.memory_space<vmem_shared>>
      %dma_wait3A_103 = arith.constant 0 : i32
      %dma_wait3A_104 = tpu.memref_slice %arg30[%add3A_10, %dma_wait3A_103] : memref<10112x16xf32, #tpu.memory_space<vmem_shared>> -> memref<32x16xf32, #tpu.memory_space<vmem_shared>>
      tpu.wait_dma2 semaphore(%run_scoped3A : memref<!tpu.dma_semaphore, #tpu.memory_space<semaphore_mem>>) src(%arg15 : memref<32x16xf32, #tpu.memory_space<vmem>>) dst(%dma_wait3A_104 : memref<32x16xf32, #tpu.memory_space<vmem_shared>>)
      tpu.yield
    }) : () -> ()
    %add3A_11 = arith.constant 32 : i32
    %add3A_12 = arith.addi %mul3A_0, %add3A_11 : i32
    "tpu.region"() ({
      %run_scoped3A = tpu.sem_alloc : memref<!tpu.dma_semaphore, #tpu.memory_space<semaphore_mem>>
      %dma_start3A = arith.constant 0 : i32
      %dma_start3A_99 = tpu.memref_slice %arg29[%add3A_12, %dma_start3A] : memref<10112x160xf32, #tpu.memory_space<vmem_shared>> -> memref<32x160xf32, #tpu.memory_space<vmem_shared>>
      %dma_start3A_100 = arith.constant 0 : i32
      %dma_start3A_101 = tpu.memref_slice %arg29[%add3A_12, %dma_start3A_100] : memref<10112x160xf32, #tpu.memory_space<vmem_shared>> -> memref<32x160xf32, #tpu.memory_space<vmem_shared>>
      tpu.enqueue_dma source(%arg12 : memref<32x160xf32, #tpu.memory_space<vmem>>) target(%dma_start3A_101 : memref<32x160xf32, #tpu.memory_space<vmem_shared>>) target_semaphore(%run_scoped3A : memref<!tpu.dma_semaphore, #tpu.memory_space<semaphore_mem>>)
      %dma_wait3A = arith.constant 0 : i32
      %dma_wait3A_102 = tpu.memref_slice %arg29[%add3A_12, %dma_wait3A] : memref<10112x160xf32, #tpu.memory_space<vmem_shared>> -> memref<32x160xf32, #tpu.memory_space<vmem_shared>>
      %dma_wait3A_103 = arith.constant 0 : i32
      %dma_wait3A_104 = tpu.memref_slice %arg29[%add3A_12, %dma_wait3A_103] : memref<10112x160xf32, #tpu.memory_space<vmem_shared>> -> memref<32x160xf32, #tpu.memory_space<vmem_shared>>
      tpu.wait_dma2 semaphore(%run_scoped3A : memref<!tpu.dma_semaphore, #tpu.memory_space<semaphore_mem>>) src(%arg12 : memref<32x160xf32, #tpu.memory_space<vmem>>) dst(%dma_wait3A_104 : memref<32x160xf32, #tpu.memory_space<vmem_shared>>)
      tpu.yield
    }) : () -> ()
    %add3A_13 = arith.constant 32 : i32
    %add3A_14 = arith.addi %mul3A_0, %add3A_13 : i32
    "tpu.region"() ({
      %run_scoped3A = tpu.sem_alloc : memref<!tpu.dma_semaphore, #tpu.memory_space<semaphore_mem>>
      %dma_start3A = arith.constant 0 : i32
      %dma_start3A_99 = tpu.memref_slice %arg30[%add3A_14, %dma_start3A] : memref<10112x16xf32, #tpu.memory_space<vmem_shared>> -> memref<32x16xf32, #tpu.memory_space<vmem_shared>>
      %dma_start3A_100 = arith.constant 0 : i32
      %dma_start3A_101 = tpu.memref_slice %arg30[%add3A_14, %dma_start3A_100] : memref<10112x16xf32, #tpu.memory_space<vmem_shared>> -> memref<32x16xf32, #tpu.memory_space<vmem_shared>>
      tpu.enqueue_dma source(%arg15 : memref<32x16xf32, #tpu.memory_space<vmem>>) target(%dma_start3A_101 : memref<32x16xf32, #tpu.memory_space<vmem_shared>>) target_semaphore(%run_scoped3A : memref<!tpu.dma_semaphore, #tpu.memory_space<semaphore_mem>>)
      %dma_wait3A = arith.constant 0 : i32
      %dma_wait3A_102 = tpu.memref_slice %arg30[%add3A_14, %dma_wait3A] : memref<10112x16xf32, #tpu.memory_space<vmem_shared>> -> memref<32x16xf32, #tpu.memory_space<vmem_shared>>
      %dma_wait3A_103 = arith.constant 0 : i32
      %dma_wait3A_104 = tpu.memref_slice %arg30[%add3A_14, %dma_wait3A_103] : memref<10112x16xf32, #tpu.memory_space<vmem_shared>> -> memref<32x16xf32, #tpu.memory_space<vmem_shared>>
      tpu.wait_dma2 semaphore(%run_scoped3A : memref<!tpu.dma_semaphore, #tpu.memory_space<semaphore_mem>>) src(%arg15 : memref<32x16xf32, #tpu.memory_space<vmem>>) dst(%dma_wait3A_104 : memref<32x16xf32, #tpu.memory_space<vmem_shared>>)
      tpu.yield
    }) : () -> ()
    %add3A_15 = arith.constant 64 : i32
    %add3A_16 = arith.addi %mul3A_0, %add3A_15 : i32
    "tpu.region"() ({
      %run_scoped3A = tpu.sem_alloc : memref<!tpu.dma_semaphore, #tpu.memory_space<semaphore_mem>>
      %dma_start3A = arith.constant 0 : i32
      %dma_start3A_99 = tpu.memref_slice %arg29[%add3A_16, %dma_start3A] : memref<10112x160xf32, #tpu.memory_space<vmem_shared>> -> memref<32x160xf32, #tpu.memory_space<vmem_shared>>
      %dma_start3A_100 = arith.constant 0 : i32
      %dma_start3A_101 = tpu.memref_slice %arg29[%add3A_16, %dma_start3A_100] : memref<10112x160xf32, #tpu.memory_space<vmem_shared>> -> memref<32x160xf32, #tpu.memory_space<vmem_shared>>
      tpu.enqueue_dma source(%arg12 : memref<32x160xf32, #tpu.memory_space<vmem>>) target(%dma_start3A_101 : memref<32x160xf32, #tpu.memory_space<vmem_shared>>) target_semaphore(%run_scoped3A : memref<!tpu.dma_semaphore, #tpu.memory_space<semaphore_mem>>)
      %dma_wait3A = arith.constant 0 : i32
      %dma_wait3A_102 = tpu.memref_slice %arg29[%add3A_16, %dma_wait3A] : memref<10112x160xf32, #tpu.memory_space<vmem_shared>> -> memref<32x160xf32, #tpu.memory_space<vmem_shared>>
      %dma_wait3A_103 = arith.constant 0 : i32
      %dma_wait3A_104 = tpu.memref_slice %arg29[%add3A_16, %dma_wait3A_103] : memref<10112x160xf32, #tpu.memory_space<vmem_shared>> -> memref<32x160xf32, #tpu.memory_space<vmem_shared>>
      tpu.wait_dma2 semaphore(%run_scoped3A : memref<!tpu.dma_semaphore, #tpu.memory_space<semaphore_mem>>) src(%arg12 : memref<32x160xf32, #tpu.memory_space<vmem>>) dst(%dma_wait3A_104 : memref<32x160xf32, #tpu.memory_space<vmem_shared>>)
      tpu.yield
    }) : () -> ()
    %add3A_17 = arith.constant 64 : i32
    %add3A_18 = arith.addi %mul3A_0, %add3A_17 : i32
    "tpu.region"() ({
      %run_scoped3A = tpu.sem_alloc : memref<!tpu.dma_semaphore, #tpu.memory_space<semaphore_mem>>
      %dma_start3A = arith.constant 0 : i32
      %dma_start3A_99 = tpu.memref_slice %arg30[%add3A_18, %dma_start3A] : memref<10112x16xf32, #tpu.memory_space<vmem_shared>> -> memref<32x16xf32, #tpu.memory_space<vmem_shared>>
      %dma_start3A_100 = arith.constant 0 : i32
      %dma_start3A_101 = tpu.memref_slice %arg30[%add3A_18, %dma_start3A_100] : memref<10112x16xf32, #tpu.memory_space<vmem_shared>> -> memref<32x16xf32, #tpu.memory_space<vmem_shared>>
      tpu.enqueue_dma source(%arg15 : memref<32x16xf32, #tpu.memory_space<vmem>>) target(%dma_start3A_101 : memref<32x16xf32, #tpu.memory_space<vmem_shared>>) target_semaphore(%run_scoped3A : memref<!tpu.dma_semaphore, #tpu.memory_space<semaphore_mem>>)
      %dma_wait3A = arith.constant 0 : i32
      %dma_wait3A_102 = tpu.memref_slice %arg30[%add3A_18, %dma_wait3A] : memref<10112x16xf32, #tpu.memory_space<vmem_shared>> -> memref<32x16xf32, #tpu.memory_space<vmem_shared>>
      %dma_wait3A_103 = arith.constant 0 : i32
      %dma_wait3A_104 = tpu.memref_slice %arg30[%add3A_18, %dma_wait3A_103] : memref<10112x16xf32, #tpu.memory_space<vmem_shared>> -> memref<32x16xf32, #tpu.memory_space<vmem_shared>>
      tpu.wait_dma2 semaphore(%run_scoped3A : memref<!tpu.dma_semaphore, #tpu.memory_space<semaphore_mem>>) src(%arg15 : memref<32x16xf32, #tpu.memory_space<vmem>>) dst(%dma_wait3A_104 : memref<32x16xf32, #tpu.memory_space<vmem_shared>>)
      tpu.yield
    }) : () -> ()
    %add3A_19 = arith.constant 96 : i32
    %add3A_20 = arith.addi %mul3A_0, %add3A_19 : i32
    "tpu.region"() ({
      %run_scoped3A = tpu.sem_alloc : memref<!tpu.dma_semaphore, #tpu.memory_space<semaphore_mem>>
      %dma_start3A = arith.constant 0 : i32
      %dma_start3A_99 = tpu.memref_slice %arg29[%add3A_20, %dma_start3A] : memref<10112x160xf32, #tpu.memory_space<vmem_shared>> -> memref<32x160xf32, #tpu.memory_space<vmem_shared>>
      %dma_start3A_100 = arith.constant 0 : i32
      %dma_start3A_101 = tpu.memref_slice %arg29[%add3A_20, %dma_start3A_100] : memref<10112x160xf32, #tpu.memory_space<vmem_shared>> -> memref<32x160xf32, #tpu.memory_space<vmem_shared>>
      tpu.enqueue_dma source(%arg12 : memref<32x160xf32, #tpu.memory_space<vmem>>) target(%dma_start3A_101 : memref<32x160xf32, #tpu.memory_space<vmem_shared>>) target_semaphore(%run_scoped3A : memref<!tpu.dma_semaphore, #tpu.memory_space<semaphore_mem>>)
      %dma_wait3A = arith.constant 0 : i32
      %dma_wait3A_102 = tpu.memref_slice %arg29[%add3A_20, %dma_wait3A] : memref<10112x160xf32, #tpu.memory_space<vmem_shared>> -> memref<32x160xf32, #tpu.memory_space<vmem_shared>>
      %dma_wait3A_103 = arith.constant 0 : i32
      %dma_wait3A_104 = tpu.memref_slice %arg29[%add3A_20, %dma_wait3A_103] : memref<10112x160xf32, #tpu.memory_space<vmem_shared>> -> memref<32x160xf32, #tpu.memory_space<vmem_shared>>
      tpu.wait_dma2 semaphore(%run_scoped3A : memref<!tpu.dma_semaphore, #tpu.memory_space<semaphore_mem>>) src(%arg12 : memref<32x160xf32, #tpu.memory_space<vmem>>) dst(%dma_wait3A_104 : memref<32x160xf32, #tpu.memory_space<vmem_shared>>)
      tpu.yield
    }) : () -> ()
    %add3A_21 = arith.constant 96 : i32
    %add3A_22 = arith.addi %mul3A_0, %add3A_21 : i32
    "tpu.region"() ({
      %run_scoped3A = tpu.sem_alloc : memref<!tpu.dma_semaphore, #tpu.memory_space<semaphore_mem>>
      %dma_start3A = arith.constant 0 : i32
      %dma_start3A_99 = tpu.memref_slice %arg30[%add3A_22, %dma_start3A] : memref<10112x16xf32, #tpu.memory_space<vmem_shared>> -> memref<32x16xf32, #tpu.memory_space<vmem_shared>>
      %dma_start3A_100 = arith.constant 0 : i32
      %dma_start3A_101 = tpu.memref_slice %arg30[%add3A_22, %dma_start3A_100] : memref<10112x16xf32, #tpu.memory_space<vmem_shared>> -> memref<32x16xf32, #tpu.memory_space<vmem_shared>>
      tpu.enqueue_dma source(%arg15 : memref<32x16xf32, #tpu.memory_space<vmem>>) target(%dma_start3A_101 : memref<32x16xf32, #tpu.memory_space<vmem_shared>>) target_semaphore(%run_scoped3A : memref<!tpu.dma_semaphore, #tpu.memory_space<semaphore_mem>>)
      %dma_wait3A = arith.constant 0 : i32
      %dma_wait3A_102 = tpu.memref_slice %arg30[%add3A_22, %dma_wait3A] : memref<10112x16xf32, #tpu.memory_space<vmem_shared>> -> memref<32x16xf32, #tpu.memory_space<vmem_shared>>
      %dma_wait3A_103 = arith.constant 0 : i32
      %dma_wait3A_104 = tpu.memref_slice %arg30[%add3A_22, %dma_wait3A_103] : memref<10112x16xf32, #tpu.memory_space<vmem_shared>> -> memref<32x16xf32, #tpu.memory_space<vmem_shared>>
      tpu.wait_dma2 semaphore(%run_scoped3A : memref<!tpu.dma_semaphore, #tpu.memory_space<semaphore_mem>>) src(%arg15 : memref<32x16xf32, #tpu.memory_space<vmem>>) dst(%dma_wait3A_104 : memref<32x16xf32, #tpu.memory_space<vmem_shared>>)
      tpu.yield
    }) : () -> ()
    %add3A_23 = arith.constant 128 : i32
    %add3A_24 = arith.addi %mul3A_0, %add3A_23 : i32
    "tpu.region"() ({
      %run_scoped3A = tpu.sem_alloc : memref<!tpu.dma_semaphore, #tpu.memory_space<semaphore_mem>>
      %dma_start3A = arith.constant 0 : i32
      %dma_start3A_99 = tpu.memref_slice %arg29[%add3A_24, %dma_start3A] : memref<10112x160xf32, #tpu.memory_space<vmem_shared>> -> memref<32x160xf32, #tpu.memory_space<vmem_shared>>
      %dma_start3A_100 = arith.constant 0 : i32
      %dma_start3A_101 = tpu.memref_slice %arg29[%add3A_24, %dma_start3A_100] : memref<10112x160xf32, #tpu.memory_space<vmem_shared>> -> memref<32x160xf32, #tpu.memory_space<vmem_shared>>
      tpu.enqueue_dma source(%arg12 : memref<32x160xf32, #tpu.memory_space<vmem>>) target(%dma_start3A_101 : memref<32x160xf32, #tpu.memory_space<vmem_shared>>) target_semaphore(%run_scoped3A : memref<!tpu.dma_semaphore, #tpu.memory_space<semaphore_mem>>)
      %dma_wait3A = arith.constant 0 : i32
      %dma_wait3A_102 = tpu.memref_slice %arg29[%add3A_24, %dma_wait3A] : memref<10112x160xf32, #tpu.memory_space<vmem_shared>> -> memref<32x160xf32, #tpu.memory_space<vmem_shared>>
      %dma_wait3A_103 = arith.constant 0 : i32
      %dma_wait3A_104 = tpu.memref_slice %arg29[%add3A_24, %dma_wait3A_103] : memref<10112x160xf32, #tpu.memory_space<vmem_shared>> -> memref<32x160xf32, #tpu.memory_space<vmem_shared>>
      tpu.wait_dma2 semaphore(%run_scoped3A : memref<!tpu.dma_semaphore, #tpu.memory_space<semaphore_mem>>) src(%arg12 : memref<32x160xf32, #tpu.memory_space<vmem>>) dst(%dma_wait3A_104 : memref<32x160xf32, #tpu.memory_space<vmem_shared>>)
      tpu.yield
    }) : () -> ()
    %add3A_25 = arith.constant 128 : i32
    %add3A_26 = arith.addi %mul3A_0, %add3A_25 : i32
    "tpu.region"() ({
      %run_scoped3A = tpu.sem_alloc : memref<!tpu.dma_semaphore, #tpu.memory_space<semaphore_mem>>
      %dma_start3A = arith.constant 0 : i32
      %dma_start3A_99 = tpu.memref_slice %arg30[%add3A_26, %dma_start3A] : memref<10112x16xf32, #tpu.memory_space<vmem_shared>> -> memref<32x16xf32, #tpu.memory_space<vmem_shared>>
      %dma_start3A_100 = arith.constant 0 : i32
      %dma_start3A_101 = tpu.memref_slice %arg30[%add3A_26, %dma_start3A_100] : memref<10112x16xf32, #tpu.memory_space<vmem_shared>> -> memref<32x16xf32, #tpu.memory_space<vmem_shared>>
      tpu.enqueue_dma source(%arg15 : memref<32x16xf32, #tpu.memory_space<vmem>>) target(%dma_start3A_101 : memref<32x16xf32, #tpu.memory_space<vmem_shared>>) target_semaphore(%run_scoped3A : memref<!tpu.dma_semaphore, #tpu.memory_space<semaphore_mem>>)
      %dma_wait3A = arith.constant 0 : i32
      %dma_wait3A_102 = tpu.memref_slice %arg30[%add3A_26, %dma_wait3A] : memref<10112x16xf32, #tpu.memory_space<vmem_shared>> -> memref<32x16xf32, #tpu.memory_space<vmem_shared>>
      %dma_wait3A_103 = arith.constant 0 : i32
      %dma_wait3A_104 = tpu.memref_slice %arg30[%add3A_26, %dma_wait3A_103] : memref<10112x16xf32, #tpu.memory_space<vmem_shared>> -> memref<32x16xf32, #tpu.memory_space<vmem_shared>>
      tpu.wait_dma2 semaphore(%run_scoped3A : memref<!tpu.dma_semaphore, #tpu.memory_space<semaphore_mem>>) src(%arg15 : memref<32x16xf32, #tpu.memory_space<vmem>>) dst(%dma_wait3A_104 : memref<32x16xf32, #tpu.memory_space<vmem_shared>>)
      tpu.yield
    }) : () -> ()
    %add3A_27 = arith.constant 160 : i32
    %add3A_28 = arith.addi %mul3A_0, %add3A_27 : i32
    "tpu.region"() ({
      %run_scoped3A = tpu.sem_alloc : memref<!tpu.dma_semaphore, #tpu.memory_space<semaphore_mem>>
      %dma_start3A = arith.constant 0 : i32
      %dma_start3A_99 = tpu.memref_slice %arg29[%add3A_28, %dma_start3A] : memref<10112x160xf32, #tpu.memory_space<vmem_shared>> -> memref<32x160xf32, #tpu.memory_space<vmem_shared>>
      %dma_start3A_100 = arith.constant 0 : i32
      %dma_start3A_101 = tpu.memref_slice %arg29[%add3A_28, %dma_start3A_100] : memref<10112x160xf32, #tpu.memory_space<vmem_shared>> -> memref<32x160xf32, #tpu.memory_space<vmem_shared>>
      tpu.enqueue_dma source(%arg12 : memref<32x160xf32, #tpu.memory_space<vmem>>) target(%dma_start3A_101 : memref<32x160xf32, #tpu.memory_space<vmem_shared>>) target_semaphore(%run_scoped3A : memref<!tpu.dma_semaphore, #tpu.memory_space<semaphore_mem>>)
      %dma_wait3A = arith.constant 0 : i32
      %dma_wait3A_102 = tpu.memref_slice %arg29[%add3A_28, %dma_wait3A] : memref<10112x160xf32, #tpu.memory_space<vmem_shared>> -> memref<32x160xf32, #tpu.memory_space<vmem_shared>>
      %dma_wait3A_103 = arith.constant 0 : i32
      %dma_wait3A_104 = tpu.memref_slice %arg29[%add3A_28, %dma_wait3A_103] : memref<10112x160xf32, #tpu.memory_space<vmem_shared>> -> memref<32x160xf32, #tpu.memory_space<vmem_shared>>
      tpu.wait_dma2 semaphore(%run_scoped3A : memref<!tpu.dma_semaphore, #tpu.memory_space<semaphore_mem>>) src(%arg12 : memref<32x160xf32, #tpu.memory_space<vmem>>) dst(%dma_wait3A_104 : memref<32x160xf32, #tpu.memory_space<vmem_shared>>)
      tpu.yield
    }) : () -> ()
    %add3A_29 = arith.constant 160 : i32
    %add3A_30 = arith.addi %mul3A_0, %add3A_29 : i32
    "tpu.region"() ({
      %run_scoped3A = tpu.sem_alloc : memref<!tpu.dma_semaphore, #tpu.memory_space<semaphore_mem>>
      %dma_start3A = arith.constant 0 : i32
      %dma_start3A_99 = tpu.memref_slice %arg30[%add3A_30, %dma_start3A] : memref<10112x16xf32, #tpu.memory_space<vmem_shared>> -> memref<32x16xf32, #tpu.memory_space<vmem_shared>>
      %dma_start3A_100 = arith.constant 0 : i32
      %dma_start3A_101 = tpu.memref_slice %arg30[%add3A_30, %dma_start3A_100] : memref<10112x16xf32, #tpu.memory_space<vmem_shared>> -> memref<32x16xf32, #tpu.memory_space<vmem_shared>>
      tpu.enqueue_dma source(%arg15 : memref<32x16xf32, #tpu.memory_space<vmem>>) target(%dma_start3A_101 : memref<32x16xf32, #tpu.memory_space<vmem_shared>>) target_semaphore(%run_scoped3A : memref<!tpu.dma_semaphore, #tpu.memory_space<semaphore_mem>>)
      %dma_wait3A = arith.constant 0 : i32
      %dma_wait3A_102 = tpu.memref_slice %arg30[%add3A_30, %dma_wait3A] : memref<10112x16xf32, #tpu.memory_space<vmem_shared>> -> memref<32x16xf32, #tpu.memory_space<vmem_shared>>
      %dma_wait3A_103 = arith.constant 0 : i32
      %dma_wait3A_104 = tpu.memref_slice %arg30[%add3A_30, %dma_wait3A_103] : memref<10112x16xf32, #tpu.memory_space<vmem_shared>> -> memref<32x16xf32, #tpu.memory_space<vmem_shared>>
      tpu.wait_dma2 semaphore(%run_scoped3A : memref<!tpu.dma_semaphore, #tpu.memory_space<semaphore_mem>>) src(%arg15 : memref<32x16xf32, #tpu.memory_space<vmem>>) dst(%dma_wait3A_104 : memref<32x16xf32, #tpu.memory_space<vmem_shared>>)
      tpu.yield
    }) : () -> ()
    %add3A_31 = arith.constant 192 : i32
    %add3A_32 = arith.addi %mul3A_0, %add3A_31 : i32
    "tpu.region"() ({
      %run_scoped3A = tpu.sem_alloc : memref<!tpu.dma_semaphore, #tpu.memory_space<semaphore_mem>>
      %dma_start3A = arith.constant 0 : i32
      %dma_start3A_99 = tpu.memref_slice %arg29[%add3A_32, %dma_start3A] : memref<10112x160xf32, #tpu.memory_space<vmem_shared>> -> memref<32x160xf32, #tpu.memory_space<vmem_shared>>
      %dma_start3A_100 = arith.constant 0 : i32
      %dma_start3A_101 = tpu.memref_slice %arg29[%add3A_32, %dma_start3A_100] : memref<10112x160xf32, #tpu.memory_space<vmem_shared>> -> memref<32x160xf32, #tpu.memory_space<vmem_shared>>
      tpu.enqueue_dma source(%arg12 : memref<32x160xf32, #tpu.memory_space<vmem>>) target(%dma_start3A_101 : memref<32x160xf32, #tpu.memory_space<vmem_shared>>) target_semaphore(%run_scoped3A : memref<!tpu.dma_semaphore, #tpu.memory_space<semaphore_mem>>)
      %dma_wait3A = arith.constant 0 : i32
      %dma_wait3A_102 = tpu.memref_slice %arg29[%add3A_32, %dma_wait3A] : memref<10112x160xf32, #tpu.memory_space<vmem_shared>> -> memref<32x160xf32, #tpu.memory_space<vmem_shared>>
      %dma_wait3A_103 = arith.constant 0 : i32
      %dma_wait3A_104 = tpu.memref_slice %arg29[%add3A_32, %dma_wait3A_103] : memref<10112x160xf32, #tpu.memory_space<vmem_shared>> -> memref<32x160xf32, #tpu.memory_space<vmem_shared>>
      tpu.wait_dma2 semaphore(%run_scoped3A : memref<!tpu.dma_semaphore, #tpu.memory_space<semaphore_mem>>) src(%arg12 : memref<32x160xf32, #tpu.memory_space<vmem>>) dst(%dma_wait3A_104 : memref<32x160xf32, #tpu.memory_space<vmem_shared>>)
      tpu.yield
    }) : () -> ()
    %add3A_33 = arith.constant 192 : i32
    %add3A_34 = arith.addi %mul3A_0, %add3A_33 : i32
    "tpu.region"() ({
      %run_scoped3A = tpu.sem_alloc : memref<!tpu.dma_semaphore, #tpu.memory_space<semaphore_mem>>
      %dma_start3A = arith.constant 0 : i32
      %dma_start3A_99 = tpu.memref_slice %arg30[%add3A_34, %dma_start3A] : memref<10112x16xf32, #tpu.memory_space<vmem_shared>> -> memref<32x16xf32, #tpu.memory_space<vmem_shared>>
      %dma_start3A_100 = arith.constant 0 : i32
      %dma_start3A_101 = tpu.memref_slice %arg30[%add3A_34, %dma_start3A_100] : memref<10112x16xf32, #tpu.memory_space<vmem_shared>> -> memref<32x16xf32, #tpu.memory_space<vmem_shared>>
      tpu.enqueue_dma source(%arg15 : memref<32x16xf32, #tpu.memory_space<vmem>>) target(%dma_start3A_101 : memref<32x16xf32, #tpu.memory_space<vmem_shared>>) target_semaphore(%run_scoped3A : memref<!tpu.dma_semaphore, #tpu.memory_space<semaphore_mem>>)
      %dma_wait3A = arith.constant 0 : i32
      %dma_wait3A_102 = tpu.memref_slice %arg30[%add3A_34, %dma_wait3A] : memref<10112x16xf32, #tpu.memory_space<vmem_shared>> -> memref<32x16xf32, #tpu.memory_space<vmem_shared>>
      %dma_wait3A_103 = arith.constant 0 : i32
      %dma_wait3A_104 = tpu.memref_slice %arg30[%add3A_34, %dma_wait3A_103] : memref<10112x16xf32, #tpu.memory_space<vmem_shared>> -> memref<32x16xf32, #tpu.memory_space<vmem_shared>>
      tpu.wait_dma2 semaphore(%run_scoped3A : memref<!tpu.dma_semaphore, #tpu.memory_space<semaphore_mem>>) src(%arg15 : memref<32x16xf32, #tpu.memory_space<vmem>>) dst(%dma_wait3A_104 : memref<32x16xf32, #tpu.memory_space<vmem_shared>>)
      tpu.yield
    }) : () -> ()
    %add3A_35 = arith.constant 224 : i32
    %add3A_36 = arith.addi %mul3A_0, %add3A_35 : i32
    "tpu.region"() ({
      %run_scoped3A = tpu.sem_alloc : memref<!tpu.dma_semaphore, #tpu.memory_space<semaphore_mem>>
      %dma_start3A = arith.constant 0 : i32
      %dma_start3A_99 = tpu.memref_slice %arg29[%add3A_36, %dma_start3A] : memref<10112x160xf32, #tpu.memory_space<vmem_shared>> -> memref<32x160xf32, #tpu.memory_space<vmem_shared>>
      %dma_start3A_100 = arith.constant 0 : i32
      %dma_start3A_101 = tpu.memref_slice %arg29[%add3A_36, %dma_start3A_100] : memref<10112x160xf32, #tpu.memory_space<vmem_shared>> -> memref<32x160xf32, #tpu.memory_space<vmem_shared>>
      tpu.enqueue_dma source(%arg12 : memref<32x160xf32, #tpu.memory_space<vmem>>) target(%dma_start3A_101 : memref<32x160xf32, #tpu.memory_space<vmem_shared>>) target_semaphore(%run_scoped3A : memref<!tpu.dma_semaphore, #tpu.memory_space<semaphore_mem>>)
      %dma_wait3A = arith.constant 0 : i32
      %dma_wait3A_102 = tpu.memref_slice %arg29[%add3A_36, %dma_wait3A] : memref<10112x160xf32, #tpu.memory_space<vmem_shared>> -> memref<32x160xf32, #tpu.memory_space<vmem_shared>>
      %dma_wait3A_103 = arith.constant 0 : i32
      %dma_wait3A_104 = tpu.memref_slice %arg29[%add3A_36, %dma_wait3A_103] : memref<10112x160xf32, #tpu.memory_space<vmem_shared>> -> memref<32x160xf32, #tpu.memory_space<vmem_shared>>
      tpu.wait_dma2 semaphore(%run_scoped3A : memref<!tpu.dma_semaphore, #tpu.memory_space<semaphore_mem>>) src(%arg12 : memref<32x160xf32, #tpu.memory_space<vmem>>) dst(%dma_wait3A_104 : memref<32x160xf32, #tpu.memory_space<vmem_shared>>)
      tpu.yield
    }) : () -> ()
    %add3A_37 = arith.constant 224 : i32
    %add3A_38 = arith.addi %mul3A_0, %add3A_37 : i32
    "tpu.region"() ({
      %run_scoped3A = tpu.sem_alloc : memref<!tpu.dma_semaphore, #tpu.memory_space<semaphore_mem>>
      %dma_start3A = arith.constant 0 : i32
      %dma_start3A_99 = tpu.memref_slice %arg30[%add3A_38, %dma_start3A] : memref<10112x16xf32, #tpu.memory_space<vmem_shared>> -> memref<32x16xf32, #tpu.memory_space<vmem_shared>>
      %dma_start3A_100 = arith.constant 0 : i32
      %dma_start3A_101 = tpu.memref_slice %arg30[%add3A_38, %dma_start3A_100] : memref<10112x16xf32, #tpu.memory_space<vmem_shared>> -> memref<32x16xf32, #tpu.memory_space<vmem_shared>>
      tpu.enqueue_dma source(%arg15 : memref<32x16xf32, #tpu.memory_space<vmem>>) target(%dma_start3A_101 : memref<32x16xf32, #tpu.memory_space<vmem_shared>>) target_semaphore(%run_scoped3A : memref<!tpu.dma_semaphore, #tpu.memory_space<semaphore_mem>>)
      %dma_wait3A = arith.constant 0 : i32
      %dma_wait3A_102 = tpu.memref_slice %arg30[%add3A_38, %dma_wait3A] : memref<10112x16xf32, #tpu.memory_space<vmem_shared>> -> memref<32x16xf32, #tpu.memory_space<vmem_shared>>
      %dma_wait3A_103 = arith.constant 0 : i32
      %dma_wait3A_104 = tpu.memref_slice %arg30[%add3A_38, %dma_wait3A_103] : memref<10112x16xf32, #tpu.memory_space<vmem_shared>> -> memref<32x16xf32, #tpu.memory_space<vmem_shared>>
      tpu.wait_dma2 semaphore(%run_scoped3A : memref<!tpu.dma_semaphore, #tpu.memory_space<semaphore_mem>>) src(%arg15 : memref<32x16xf32, #tpu.memory_space<vmem>>) dst(%dma_wait3A_104 : memref<32x16xf32, #tpu.memory_space<vmem_shared>>)
      tpu.yield
    }) : () -> ()
    %add3A_39 = arith.constant 256 : i32
    %add3A_40 = arith.addi %mul3A_0, %add3A_39 : i32
    "tpu.region"() ({
      %run_scoped3A = tpu.sem_alloc : memref<!tpu.dma_semaphore, #tpu.memory_space<semaphore_mem>>
      %dma_start3A = arith.constant 0 : i32
      %dma_start3A_99 = tpu.memref_slice %arg29[%add3A_40, %dma_start3A] : memref<10112x160xf32, #tpu.memory_space<vmem_shared>> -> memref<32x160xf32, #tpu.memory_space<vmem_shared>>
      %dma_start3A_100 = arith.constant 0 : i32
      %dma_start3A_101 = tpu.memref_slice %arg29[%add3A_40, %dma_start3A_100] : memref<10112x160xf32, #tpu.memory_space<vmem_shared>> -> memref<32x160xf32, #tpu.memory_space<vmem_shared>>
      tpu.enqueue_dma source(%arg12 : memref<32x160xf32, #tpu.memory_space<vmem>>) target(%dma_start3A_101 : memref<32x160xf32, #tpu.memory_space<vmem_shared>>) target_semaphore(%run_scoped3A : memref<!tpu.dma_semaphore, #tpu.memory_space<semaphore_mem>>)
      %dma_wait3A = arith.constant 0 : i32
      %dma_wait3A_102 = tpu.memref_slice %arg29[%add3A_40, %dma_wait3A] : memref<10112x160xf32, #tpu.memory_space<vmem_shared>> -> memref<32x160xf32, #tpu.memory_space<vmem_shared>>
      %dma_wait3A_103 = arith.constant 0 : i32
      %dma_wait3A_104 = tpu.memref_slice %arg29[%add3A_40, %dma_wait3A_103] : memref<10112x160xf32, #tpu.memory_space<vmem_shared>> -> memref<32x160xf32, #tpu.memory_space<vmem_shared>>
      tpu.wait_dma2 semaphore(%run_scoped3A : memref<!tpu.dma_semaphore, #tpu.memory_space<semaphore_mem>>) src(%arg12 : memref<32x160xf32, #tpu.memory_space<vmem>>) dst(%dma_wait3A_104 : memref<32x160xf32, #tpu.memory_space<vmem_shared>>)
      tpu.yield
    }) : () -> ()
    %add3A_41 = arith.constant 256 : i32
    %add3A_42 = arith.addi %mul3A_0, %add3A_41 : i32
    "tpu.region"() ({
      %run_scoped3A = tpu.sem_alloc : memref<!tpu.dma_semaphore, #tpu.memory_space<semaphore_mem>>
      %dma_start3A = arith.constant 0 : i32
      %dma_start3A_99 = tpu.memref_slice %arg30[%add3A_42, %dma_start3A] : memref<10112x16xf32, #tpu.memory_space<vmem_shared>> -> memref<32x16xf32, #tpu.memory_space<vmem_shared>>
      %dma_start3A_100 = arith.constant 0 : i32
      %dma_start3A_101 = tpu.memref_slice %arg30[%add3A_42, %dma_start3A_100] : memref<10112x16xf32, #tpu.memory_space<vmem_shared>> -> memref<32x16xf32, #tpu.memory_space<vmem_shared>>
      tpu.enqueue_dma source(%arg15 : memref<32x16xf32, #tpu.memory_space<vmem>>) target(%dma_start3A_101 : memref<32x16xf32, #tpu.memory_space<vmem_shared>>) target_semaphore(%run_scoped3A : memref<!tpu.dma_semaphore, #tpu.memory_space<semaphore_mem>>)
      %dma_wait3A = arith.constant 0 : i32
      %dma_wait3A_102 = tpu.memref_slice %arg30[%add3A_42, %dma_wait3A] : memref<10112x16xf32, #tpu.memory_space<vmem_shared>> -> memref<32x16xf32, #tpu.memory_space<vmem_shared>>
      %dma_wait3A_103 = arith.constant 0 : i32
      %dma_wait3A_104 = tpu.memref_slice %arg30[%add3A_42, %dma_wait3A_103] : memref<10112x16xf32, #tpu.memory_space<vmem_shared>> -> memref<32x16xf32, #tpu.memory_space<vmem_shared>>
      tpu.wait_dma2 semaphore(%run_scoped3A : memref<!tpu.dma_semaphore, #tpu.memory_space<semaphore_mem>>) src(%arg15 : memref<32x16xf32, #tpu.memory_space<vmem>>) dst(%dma_wait3A_104 : memref<32x16xf32, #tpu.memory_space<vmem_shared>>)
      tpu.yield
    }) : () -> ()
    %add3A_43 = arith.constant 288 : i32
    %add3A_44 = arith.addi %mul3A_0, %add3A_43 : i32
    "tpu.region"() ({
      %run_scoped3A = tpu.sem_alloc : memref<!tpu.dma_semaphore, #tpu.memory_space<semaphore_mem>>
      %dma_start3A = arith.constant 0 : i32
      %dma_start3A_99 = tpu.memref_slice %arg29[%add3A_44, %dma_start3A] : memref<10112x160xf32, #tpu.memory_space<vmem_shared>> -> memref<32x160xf32, #tpu.memory_space<vmem_shared>>
      %dma_start3A_100 = arith.constant 0 : i32
      %dma_start3A_101 = tpu.memref_slice %arg29[%add3A_44, %dma_start3A_100] : memref<10112x160xf32, #tpu.memory_space<vmem_shared>> -> memref<32x160xf32, #tpu.memory_space<vmem_shared>>
      tpu.enqueue_dma source(%arg12 : memref<32x160xf32, #tpu.memory_space<vmem>>) target(%dma_start3A_101 : memref<32x160xf32, #tpu.memory_space<vmem_shared>>) target_semaphore(%run_scoped3A : memref<!tpu.dma_semaphore, #tpu.memory_space<semaphore_mem>>)
      %dma_wait3A = arith.constant 0 : i32
      %dma_wait3A_102 = tpu.memref_slice %arg29[%add3A_44, %dma_wait3A] : memref<10112x160xf32, #tpu.memory_space<vmem_shared>> -> memref<32x160xf32, #tpu.memory_space<vmem_shared>>
      %dma_wait3A_103 = arith.constant 0 : i32
      %dma_wait3A_104 = tpu.memref_slice %arg29[%add3A_44, %dma_wait3A_103] : memref<10112x160xf32, #tpu.memory_space<vmem_shared>> -> memref<32x160xf32, #tpu.memory_space<vmem_shared>>
      tpu.wait_dma2 semaphore(%run_scoped3A : memref<!tpu.dma_semaphore, #tpu.memory_space<semaphore_mem>>) src(%arg12 : memref<32x160xf32, #tpu.memory_space<vmem>>) dst(%dma_wait3A_104 : memref<32x160xf32, #tpu.memory_space<vmem_shared>>)
      tpu.yield
    }) : () -> ()
    %add3A_45 = arith.constant 288 : i32
    %add3A_46 = arith.addi %mul3A_0, %add3A_45 : i32
    "tpu.region"() ({
      %run_scoped3A = tpu.sem_alloc : memref<!tpu.dma_semaphore, #tpu.memory_space<semaphore_mem>>
      %dma_start3A = arith.constant 0 : i32
      %dma_start3A_99 = tpu.memref_slice %arg30[%add3A_46, %dma_start3A] : memref<10112x16xf32, #tpu.memory_space<vmem_shared>> -> memref<32x16xf32, #tpu.memory_space<vmem_shared>>
      %dma_start3A_100 = arith.constant 0 : i32
      %dma_start3A_101 = tpu.memref_slice %arg30[%add3A_46, %dma_start3A_100] : memref<10112x16xf32, #tpu.memory_space<vmem_shared>> -> memref<32x16xf32, #tpu.memory_space<vmem_shared>>
      tpu.enqueue_dma source(%arg15 : memref<32x16xf32, #tpu.memory_space<vmem>>) target(%dma_start3A_101 : memref<32x16xf32, #tpu.memory_space<vmem_shared>>) target_semaphore(%run_scoped3A : memref<!tpu.dma_semaphore, #tpu.memory_space<semaphore_mem>>)
      %dma_wait3A = arith.constant 0 : i32
      %dma_wait3A_102 = tpu.memref_slice %arg30[%add3A_46, %dma_wait3A] : memref<10112x16xf32, #tpu.memory_space<vmem_shared>> -> memref<32x16xf32, #tpu.memory_space<vmem_shared>>
      %dma_wait3A_103 = arith.constant 0 : i32
      %dma_wait3A_104 = tpu.memref_slice %arg30[%add3A_46, %dma_wait3A_103] : memref<10112x16xf32, #tpu.memory_space<vmem_shared>> -> memref<32x16xf32, #tpu.memory_space<vmem_shared>>
      tpu.wait_dma2 semaphore(%run_scoped3A : memref<!tpu.dma_semaphore, #tpu.memory_space<semaphore_mem>>) src(%arg15 : memref<32x16xf32, #tpu.memory_space<vmem>>) dst(%dma_wait3A_104 : memref<32x16xf32, #tpu.memory_space<vmem_shared>>)
      tpu.yield
    }) : () -> ()
    %add3A_47 = arith.constant 320 : i32
    %add3A_48 = arith.addi %mul3A_0, %add3A_47 : i32
    "tpu.region"() ({
      %run_scoped3A = tpu.sem_alloc : memref<!tpu.dma_semaphore, #tpu.memory_space<semaphore_mem>>
      %dma_start3A = arith.constant 0 : i32
      %dma_start3A_99 = tpu.memref_slice %arg29[%add3A_48, %dma_start3A] : memref<10112x160xf32, #tpu.memory_space<vmem_shared>> -> memref<32x160xf32, #tpu.memory_space<vmem_shared>>
      %dma_start3A_100 = arith.constant 0 : i32
      %dma_start3A_101 = tpu.memref_slice %arg29[%add3A_48, %dma_start3A_100] : memref<10112x160xf32, #tpu.memory_space<vmem_shared>> -> memref<32x160xf32, #tpu.memory_space<vmem_shared>>
      tpu.enqueue_dma source(%arg12 : memref<32x160xf32, #tpu.memory_space<vmem>>) target(%dma_start3A_101 : memref<32x160xf32, #tpu.memory_space<vmem_shared>>) target_semaphore(%run_scoped3A : memref<!tpu.dma_semaphore, #tpu.memory_space<semaphore_mem>>)
      %dma_wait3A = arith.constant 0 : i32
      %dma_wait3A_102 = tpu.memref_slice %arg29[%add3A_48, %dma_wait3A] : memref<10112x160xf32, #tpu.memory_space<vmem_shared>> -> memref<32x160xf32, #tpu.memory_space<vmem_shared>>
      %dma_wait3A_103 = arith.constant 0 : i32
      %dma_wait3A_104 = tpu.memref_slice %arg29[%add3A_48, %dma_wait3A_103] : memref<10112x160xf32, #tpu.memory_space<vmem_shared>> -> memref<32x160xf32, #tpu.memory_space<vmem_shared>>
      tpu.wait_dma2 semaphore(%run_scoped3A : memref<!tpu.dma_semaphore, #tpu.memory_space<semaphore_mem>>) src(%arg12 : memref<32x160xf32, #tpu.memory_space<vmem>>) dst(%dma_wait3A_104 : memref<32x160xf32, #tpu.memory_space<vmem_shared>>)
      tpu.yield
    }) : () -> ()
    %add3A_49 = arith.constant 320 : i32
    %add3A_50 = arith.addi %mul3A_0, %add3A_49 : i32
    "tpu.region"() ({
      %run_scoped3A = tpu.sem_alloc : memref<!tpu.dma_semaphore, #tpu.memory_space<semaphore_mem>>
      %dma_start3A = arith.constant 0 : i32
      %dma_start3A_99 = tpu.memref_slice %arg30[%add3A_50, %dma_start3A] : memref<10112x16xf32, #tpu.memory_space<vmem_shared>> -> memref<32x16xf32, #tpu.memory_space<vmem_shared>>
      %dma_start3A_100 = arith.constant 0 : i32
      %dma_start3A_101 = tpu.memref_slice %arg30[%add3A_50, %dma_start3A_100] : memref<10112x16xf32, #tpu.memory_space<vmem_shared>> -> memref<32x16xf32, #tpu.memory_space<vmem_shared>>
      tpu.enqueue_dma source(%arg15 : memref<32x16xf32, #tpu.memory_space<vmem>>) target(%dma_start3A_101 : memref<32x16xf32, #tpu.memory_space<vmem_shared>>) target_semaphore(%run_scoped3A : memref<!tpu.dma_semaphore, #tpu.memory_space<semaphore_mem>>)
      %dma_wait3A = arith.constant 0 : i32
      %dma_wait3A_102 = tpu.memref_slice %arg30[%add3A_50, %dma_wait3A] : memref<10112x16xf32, #tpu.memory_space<vmem_shared>> -> memref<32x16xf32, #tpu.memory_space<vmem_shared>>
      %dma_wait3A_103 = arith.constant 0 : i32
      %dma_wait3A_104 = tpu.memref_slice %arg30[%add3A_50, %dma_wait3A_103] : memref<10112x16xf32, #tpu.memory_space<vmem_shared>> -> memref<32x16xf32, #tpu.memory_space<vmem_shared>>
      tpu.wait_dma2 semaphore(%run_scoped3A : memref<!tpu.dma_semaphore, #tpu.memory_space<semaphore_mem>>) src(%arg15 : memref<32x16xf32, #tpu.memory_space<vmem>>) dst(%dma_wait3A_104 : memref<32x16xf32, #tpu.memory_space<vmem_shared>>)
      tpu.yield
    }) : () -> ()
    %add3A_51 = arith.constant 352 : i32
    %add3A_52 = arith.addi %mul3A_0, %add3A_51 : i32
    "tpu.region"() ({
      %run_scoped3A = tpu.sem_alloc : memref<!tpu.dma_semaphore, #tpu.memory_space<semaphore_mem>>
      %dma_start3A = arith.constant 0 : i32
      %dma_start3A_99 = tpu.memref_slice %arg29[%add3A_52, %dma_start3A] : memref<10112x160xf32, #tpu.memory_space<vmem_shared>> -> memref<32x160xf32, #tpu.memory_space<vmem_shared>>
      %dma_start3A_100 = arith.constant 0 : i32
      %dma_start3A_101 = tpu.memref_slice %arg29[%add3A_52, %dma_start3A_100] : memref<10112x160xf32, #tpu.memory_space<vmem_shared>> -> memref<32x160xf32, #tpu.memory_space<vmem_shared>>
      tpu.enqueue_dma source(%arg12 : memref<32x160xf32, #tpu.memory_space<vmem>>) target(%dma_start3A_101 : memref<32x160xf32, #tpu.memory_space<vmem_shared>>) target_semaphore(%run_scoped3A : memref<!tpu.dma_semaphore, #tpu.memory_space<semaphore_mem>>)
      %dma_wait3A = arith.constant 0 : i32
      %dma_wait3A_102 = tpu.memref_slice %arg29[%add3A_52, %dma_wait3A] : memref<10112x160xf32, #tpu.memory_space<vmem_shared>> -> memref<32x160xf32, #tpu.memory_space<vmem_shared>>
      %dma_wait3A_103 = arith.constant 0 : i32
      %dma_wait3A_104 = tpu.memref_slice %arg29[%add3A_52, %dma_wait3A_103] : memref<10112x160xf32, #tpu.memory_space<vmem_shared>> -> memref<32x160xf32, #tpu.memory_space<vmem_shared>>
      tpu.wait_dma2 semaphore(%run_scoped3A : memref<!tpu.dma_semaphore, #tpu.memory_space<semaphore_mem>>) src(%arg12 : memref<32x160xf32, #tpu.memory_space<vmem>>) dst(%dma_wait3A_104 : memref<32x160xf32, #tpu.memory_space<vmem_shared>>)
      tpu.yield
    }) : () -> ()
    %add3A_53 = arith.constant 352 : i32
    %add3A_54 = arith.addi %mul3A_0, %add3A_53 : i32
    "tpu.region"() ({
      %run_scoped3A = tpu.sem_alloc : memref<!tpu.dma_semaphore, #tpu.memory_space<semaphore_mem>>
      %dma_start3A = arith.constant 0 : i32
      %dma_start3A_99 = tpu.memref_slice %arg30[%add3A_54, %dma_start3A] : memref<10112x16xf32, #tpu.memory_space<vmem_shared>> -> memref<32x16xf32, #tpu.memory_space<vmem_shared>>
      %dma_start3A_100 = arith.constant 0 : i32
      %dma_start3A_101 = tpu.memref_slice %arg30[%add3A_54, %dma_start3A_100] : memref<10112x16xf32, #tpu.memory_space<vmem_shared>> -> memref<32x16xf32, #tpu.memory_space<vmem_shared>>
      tpu.enqueue_dma source(%arg15 : memref<32x16xf32, #tpu.memory_space<vmem>>) target(%dma_start3A_101 : memref<32x16xf32, #tpu.memory_space<vmem_shared>>) target_semaphore(%run_scoped3A : memref<!tpu.dma_semaphore, #tpu.memory_space<semaphore_mem>>)
      %dma_wait3A = arith.constant 0 : i32
      %dma_wait3A_102 = tpu.memref_slice %arg30[%add3A_54, %dma_wait3A] : memref<10112x16xf32, #tpu.memory_space<vmem_shared>> -> memref<32x16xf32, #tpu.memory_space<vmem_shared>>
      %dma_wait3A_103 = arith.constant 0 : i32
      %dma_wait3A_104 = tpu.memref_slice %arg30[%add3A_54, %dma_wait3A_103] : memref<10112x16xf32, #tpu.memory_space<vmem_shared>> -> memref<32x16xf32, #tpu.memory_space<vmem_shared>>
      tpu.wait_dma2 semaphore(%run_scoped3A : memref<!tpu.dma_semaphore, #tpu.memory_space<semaphore_mem>>) src(%arg15 : memref<32x16xf32, #tpu.memory_space<vmem>>) dst(%dma_wait3A_104 : memref<32x16xf32, #tpu.memory_space<vmem_shared>>)
      tpu.yield
    }) : () -> ()
    %add3A_55 = arith.constant 384 : i32
    %add3A_56 = arith.addi %mul3A_0, %add3A_55 : i32
    "tpu.region"() ({
      %run_scoped3A = tpu.sem_alloc : memref<!tpu.dma_semaphore, #tpu.memory_space<semaphore_mem>>
      %dma_start3A = arith.constant 0 : i32
      %dma_start3A_99 = tpu.memref_slice %arg29[%add3A_56, %dma_start3A] : memref<10112x160xf32, #tpu.memory_space<vmem_shared>> -> memref<32x160xf32, #tpu.memory_space<vmem_shared>>
      %dma_start3A_100 = arith.constant 0 : i32
      %dma_start3A_101 = tpu.memref_slice %arg29[%add3A_56, %dma_start3A_100] : memref<10112x160xf32, #tpu.memory_space<vmem_shared>> -> memref<32x160xf32, #tpu.memory_space<vmem_shared>>
      tpu.enqueue_dma source(%arg12 : memref<32x160xf32, #tpu.memory_space<vmem>>) target(%dma_start3A_101 : memref<32x160xf32, #tpu.memory_space<vmem_shared>>) target_semaphore(%run_scoped3A : memref<!tpu.dma_semaphore, #tpu.memory_space<semaphore_mem>>)
      %dma_wait3A = arith.constant 0 : i32
      %dma_wait3A_102 = tpu.memref_slice %arg29[%add3A_56, %dma_wait3A] : memref<10112x160xf32, #tpu.memory_space<vmem_shared>> -> memref<32x160xf32, #tpu.memory_space<vmem_shared>>
      %dma_wait3A_103 = arith.constant 0 : i32
      %dma_wait3A_104 = tpu.memref_slice %arg29[%add3A_56, %dma_wait3A_103] : memref<10112x160xf32, #tpu.memory_space<vmem_shared>> -> memref<32x160xf32, #tpu.memory_space<vmem_shared>>
      tpu.wait_dma2 semaphore(%run_scoped3A : memref<!tpu.dma_semaphore, #tpu.memory_space<semaphore_mem>>) src(%arg12 : memref<32x160xf32, #tpu.memory_space<vmem>>) dst(%dma_wait3A_104 : memref<32x160xf32, #tpu.memory_space<vmem_shared>>)
      tpu.yield
    }) : () -> ()
    %add3A_57 = arith.constant 384 : i32
    %add3A_58 = arith.addi %mul3A_0, %add3A_57 : i32
    "tpu.region"() ({
      %run_scoped3A = tpu.sem_alloc : memref<!tpu.dma_semaphore, #tpu.memory_space<semaphore_mem>>
      %dma_start3A = arith.constant 0 : i32
      %dma_start3A_99 = tpu.memref_slice %arg30[%add3A_58, %dma_start3A] : memref<10112x16xf32, #tpu.memory_space<vmem_shared>> -> memref<32x16xf32, #tpu.memory_space<vmem_shared>>
      %dma_start3A_100 = arith.constant 0 : i32
      %dma_start3A_101 = tpu.memref_slice %arg30[%add3A_58, %dma_start3A_100] : memref<10112x16xf32, #tpu.memory_space<vmem_shared>> -> memref<32x16xf32, #tpu.memory_space<vmem_shared>>
      tpu.enqueue_dma source(%arg15 : memref<32x16xf32, #tpu.memory_space<vmem>>) target(%dma_start3A_101 : memref<32x16xf32, #tpu.memory_space<vmem_shared>>) target_semaphore(%run_scoped3A : memref<!tpu.dma_semaphore, #tpu.memory_space<semaphore_mem>>)
      %dma_wait3A = arith.constant 0 : i32
      %dma_wait3A_102 = tpu.memref_slice %arg30[%add3A_58, %dma_wait3A] : memref<10112x16xf32, #tpu.memory_space<vmem_shared>> -> memref<32x16xf32, #tpu.memory_space<vmem_shared>>
      %dma_wait3A_103 = arith.constant 0 : i32
      %dma_wait3A_104 = tpu.memref_slice %arg30[%add3A_58, %dma_wait3A_103] : memref<10112x16xf32, #tpu.memory_space<vmem_shared>> -> memref<32x16xf32, #tpu.memory_space<vmem_shared>>
      tpu.wait_dma2 semaphore(%run_scoped3A : memref<!tpu.dma_semaphore, #tpu.memory_space<semaphore_mem>>) src(%arg15 : memref<32x16xf32, #tpu.memory_space<vmem>>) dst(%dma_wait3A_104 : memref<32x16xf32, #tpu.memory_space<vmem_shared>>)
      tpu.yield
    }) : () -> ()
    %add3A_59 = arith.constant 416 : i32
    %add3A_60 = arith.addi %mul3A_0, %add3A_59 : i32
    "tpu.region"() ({
      %run_scoped3A = tpu.sem_alloc : memref<!tpu.dma_semaphore, #tpu.memory_space<semaphore_mem>>
      %dma_start3A = arith.constant 0 : i32
      %dma_start3A_99 = tpu.memref_slice %arg29[%add3A_60, %dma_start3A] : memref<10112x160xf32, #tpu.memory_space<vmem_shared>> -> memref<32x160xf32, #tpu.memory_space<vmem_shared>>
      %dma_start3A_100 = arith.constant 0 : i32
      %dma_start3A_101 = tpu.memref_slice %arg29[%add3A_60, %dma_start3A_100] : memref<10112x160xf32, #tpu.memory_space<vmem_shared>> -> memref<32x160xf32, #tpu.memory_space<vmem_shared>>
      tpu.enqueue_dma source(%arg12 : memref<32x160xf32, #tpu.memory_space<vmem>>) target(%dma_start3A_101 : memref<32x160xf32, #tpu.memory_space<vmem_shared>>) target_semaphore(%run_scoped3A : memref<!tpu.dma_semaphore, #tpu.memory_space<semaphore_mem>>)
      %dma_wait3A = arith.constant 0 : i32
      %dma_wait3A_102 = tpu.memref_slice %arg29[%add3A_60, %dma_wait3A] : memref<10112x160xf32, #tpu.memory_space<vmem_shared>> -> memref<32x160xf32, #tpu.memory_space<vmem_shared>>
      %dma_wait3A_103 = arith.constant 0 : i32
      %dma_wait3A_104 = tpu.memref_slice %arg29[%add3A_60, %dma_wait3A_103] : memref<10112x160xf32, #tpu.memory_space<vmem_shared>> -> memref<32x160xf32, #tpu.memory_space<vmem_shared>>
      tpu.wait_dma2 semaphore(%run_scoped3A : memref<!tpu.dma_semaphore, #tpu.memory_space<semaphore_mem>>) src(%arg12 : memref<32x160xf32, #tpu.memory_space<vmem>>) dst(%dma_wait3A_104 : memref<32x160xf32, #tpu.memory_space<vmem_shared>>)
      tpu.yield
    }) : () -> ()
    %add3A_61 = arith.constant 416 : i32
    %add3A_62 = arith.addi %mul3A_0, %add3A_61 : i32
    "tpu.region"() ({
      %run_scoped3A = tpu.sem_alloc : memref<!tpu.dma_semaphore, #tpu.memory_space<semaphore_mem>>
      %dma_start3A = arith.constant 0 : i32
      %dma_start3A_99 = tpu.memref_slice %arg30[%add3A_62, %dma_start3A] : memref<10112x16xf32, #tpu.memory_space<vmem_shared>> -> memref<32x16xf32, #tpu.memory_space<vmem_shared>>
      %dma_start3A_100 = arith.constant 0 : i32
      %dma_start3A_101 = tpu.memref_slice %arg30[%add3A_62, %dma_start3A_100] : memref<10112x16xf32, #tpu.memory_space<vmem_shared>> -> memref<32x16xf32, #tpu.memory_space<vmem_shared>>
      tpu.enqueue_dma source(%arg15 : memref<32x16xf32, #tpu.memory_space<vmem>>) target(%dma_start3A_101 : memref<32x16xf32, #tpu.memory_space<vmem_shared>>) target_semaphore(%run_scoped3A : memref<!tpu.dma_semaphore, #tpu.memory_space<semaphore_mem>>)
      %dma_wait3A = arith.constant 0 : i32
      %dma_wait3A_102 = tpu.memref_slice %arg30[%add3A_62, %dma_wait3A] : memref<10112x16xf32, #tpu.memory_space<vmem_shared>> -> memref<32x16xf32, #tpu.memory_space<vmem_shared>>
      %dma_wait3A_103 = arith.constant 0 : i32
      %dma_wait3A_104 = tpu.memref_slice %arg30[%add3A_62, %dma_wait3A_103] : memref<10112x16xf32, #tpu.memory_space<vmem_shared>> -> memref<32x16xf32, #tpu.memory_space<vmem_shared>>
      tpu.wait_dma2 semaphore(%run_scoped3A : memref<!tpu.dma_semaphore, #tpu.memory_space<semaphore_mem>>) src(%arg15 : memref<32x16xf32, #tpu.memory_space<vmem>>) dst(%dma_wait3A_104 : memref<32x16xf32, #tpu.memory_space<vmem_shared>>)
      tpu.yield
    }) : () -> ()
    %add3A_63 = arith.constant 448 : i32
    %add3A_64 = arith.addi %mul3A_0, %add3A_63 : i32
    "tpu.region"() ({
      %run_scoped3A = tpu.sem_alloc : memref<!tpu.dma_semaphore, #tpu.memory_space<semaphore_mem>>
      %dma_start3A = arith.constant 0 : i32
      %dma_start3A_99 = tpu.memref_slice %arg29[%add3A_64, %dma_start3A] : memref<10112x160xf32, #tpu.memory_space<vmem_shared>> -> memref<32x160xf32, #tpu.memory_space<vmem_shared>>
      %dma_start3A_100 = arith.constant 0 : i32
      %dma_start3A_101 = tpu.memref_slice %arg29[%add3A_64, %dma_start3A_100] : memref<10112x160xf32, #tpu.memory_space<vmem_shared>> -> memref<32x160xf32, #tpu.memory_space<vmem_shared>>
      tpu.enqueue_dma source(%arg12 : memref<32x160xf32, #tpu.memory_space<vmem>>) target(%dma_start3A_101 : memref<32x160xf32, #tpu.memory_space<vmem_shared>>) target_semaphore(%run_scoped3A : memref<!tpu.dma_semaphore, #tpu.memory_space<semaphore_mem>>)
      %dma_wait3A = arith.constant 0 : i32
      %dma_wait3A_102 = tpu.memref_slice %arg29[%add3A_64, %dma_wait3A] : memref<10112x160xf32, #tpu.memory_space<vmem_shared>> -> memref<32x160xf32, #tpu.memory_space<vmem_shared>>
      %dma_wait3A_103 = arith.constant 0 : i32
      %dma_wait3A_104 = tpu.memref_slice %arg29[%add3A_64, %dma_wait3A_103] : memref<10112x160xf32, #tpu.memory_space<vmem_shared>> -> memref<32x160xf32, #tpu.memory_space<vmem_shared>>
      tpu.wait_dma2 semaphore(%run_scoped3A : memref<!tpu.dma_semaphore, #tpu.memory_space<semaphore_mem>>) src(%arg12 : memref<32x160xf32, #tpu.memory_space<vmem>>) dst(%dma_wait3A_104 : memref<32x160xf32, #tpu.memory_space<vmem_shared>>)
      tpu.yield
    }) : () -> ()
    %add3A_65 = arith.constant 448 : i32
    %add3A_66 = arith.addi %mul3A_0, %add3A_65 : i32
    "tpu.region"() ({
      %run_scoped3A = tpu.sem_alloc : memref<!tpu.dma_semaphore, #tpu.memory_space<semaphore_mem>>
      %dma_start3A = arith.constant 0 : i32
      %dma_start3A_99 = tpu.memref_slice %arg30[%add3A_66, %dma_start3A] : memref<10112x16xf32, #tpu.memory_space<vmem_shared>> -> memref<32x16xf32, #tpu.memory_space<vmem_shared>>
      %dma_start3A_100 = arith.constant 0 : i32
      %dma_start3A_101 = tpu.memref_slice %arg30[%add3A_66, %dma_start3A_100] : memref<10112x16xf32, #tpu.memory_space<vmem_shared>> -> memref<32x16xf32, #tpu.memory_space<vmem_shared>>
      tpu.enqueue_dma source(%arg15 : memref<32x16xf32, #tpu.memory_space<vmem>>) target(%dma_start3A_101 : memref<32x16xf32, #tpu.memory_space<vmem_shared>>) target_semaphore(%run_scoped3A : memref<!tpu.dma_semaphore, #tpu.memory_space<semaphore_mem>>)
      %dma_wait3A = arith.constant 0 : i32
      %dma_wait3A_102 = tpu.memref_slice %arg30[%add3A_66, %dma_wait3A] : memref<10112x16xf32, #tpu.memory_space<vmem_shared>> -> memref<32x16xf32, #tpu.memory_space<vmem_shared>>
      %dma_wait3A_103 = arith.constant 0 : i32
      %dma_wait3A_104 = tpu.memref_slice %arg30[%add3A_66, %dma_wait3A_103] : memref<10112x16xf32, #tpu.memory_space<vmem_shared>> -> memref<32x16xf32, #tpu.memory_space<vmem_shared>>
      tpu.wait_dma2 semaphore(%run_scoped3A : memref<!tpu.dma_semaphore, #tpu.memory_space<semaphore_mem>>) src(%arg15 : memref<32x16xf32, #tpu.memory_space<vmem>>) dst(%dma_wait3A_104 : memref<32x16xf32, #tpu.memory_space<vmem_shared>>)
      tpu.yield
    }) : () -> ()
    %add3A_67 = arith.constant 480 : i32
    %add3A_68 = arith.addi %mul3A_0, %add3A_67 : i32
    "tpu.region"() ({
      %run_scoped3A = tpu.sem_alloc : memref<!tpu.dma_semaphore, #tpu.memory_space<semaphore_mem>>
      %dma_start3A = arith.constant 0 : i32
      %dma_start3A_99 = tpu.memref_slice %arg29[%add3A_68, %dma_start3A] : memref<10112x160xf32, #tpu.memory_space<vmem_shared>> -> memref<32x160xf32, #tpu.memory_space<vmem_shared>>
      %dma_start3A_100 = arith.constant 0 : i32
      %dma_start3A_101 = tpu.memref_slice %arg29[%add3A_68, %dma_start3A_100] : memref<10112x160xf32, #tpu.memory_space<vmem_shared>> -> memref<32x160xf32, #tpu.memory_space<vmem_shared>>
      tpu.enqueue_dma source(%arg12 : memref<32x160xf32, #tpu.memory_space<vmem>>) target(%dma_start3A_101 : memref<32x160xf32, #tpu.memory_space<vmem_shared>>) target_semaphore(%run_scoped3A : memref<!tpu.dma_semaphore, #tpu.memory_space<semaphore_mem>>)
      %dma_wait3A = arith.constant 0 : i32
      %dma_wait3A_102 = tpu.memref_slice %arg29[%add3A_68, %dma_wait3A] : memref<10112x160xf32, #tpu.memory_space<vmem_shared>> -> memref<32x160xf32, #tpu.memory_space<vmem_shared>>
      %dma_wait3A_103 = arith.constant 0 : i32
      %dma_wait3A_104 = tpu.memref_slice %arg29[%add3A_68, %dma_wait3A_103] : memref<10112x160xf32, #tpu.memory_space<vmem_shared>> -> memref<32x160xf32, #tpu.memory_space<vmem_shared>>
      tpu.wait_dma2 semaphore(%run_scoped3A : memref<!tpu.dma_semaphore, #tpu.memory_space<semaphore_mem>>) src(%arg12 : memref<32x160xf32, #tpu.memory_space<vmem>>) dst(%dma_wait3A_104 : memref<32x160xf32, #tpu.memory_space<vmem_shared>>)
      tpu.yield
    }) : () -> ()
    %add3A_69 = arith.constant 480 : i32
    %add3A_70 = arith.addi %mul3A_0, %add3A_69 : i32
    "tpu.region"() ({
      %run_scoped3A = tpu.sem_alloc : memref<!tpu.dma_semaphore, #tpu.memory_space<semaphore_mem>>
      %dma_start3A = arith.constant 0 : i32
      %dma_start3A_99 = tpu.memref_slice %arg30[%add3A_70, %dma_start3A] : memref<10112x16xf32, #tpu.memory_space<vmem_shared>> -> memref<32x16xf32, #tpu.memory_space<vmem_shared>>
      %dma_start3A_100 = arith.constant 0 : i32
      %dma_start3A_101 = tpu.memref_slice %arg30[%add3A_70, %dma_start3A_100] : memref<10112x16xf32, #tpu.memory_space<vmem_shared>> -> memref<32x16xf32, #tpu.memory_space<vmem_shared>>
      tpu.enqueue_dma source(%arg15 : memref<32x16xf32, #tpu.memory_space<vmem>>) target(%dma_start3A_101 : memref<32x16xf32, #tpu.memory_space<vmem_shared>>) target_semaphore(%run_scoped3A : memref<!tpu.dma_semaphore, #tpu.memory_space<semaphore_mem>>)
      %dma_wait3A = arith.constant 0 : i32
      %dma_wait3A_102 = tpu.memref_slice %arg30[%add3A_70, %dma_wait3A] : memref<10112x16xf32, #tpu.memory_space<vmem_shared>> -> memref<32x16xf32, #tpu.memory_space<vmem_shared>>
      %dma_wait3A_103 = arith.constant 0 : i32
      %dma_wait3A_104 = tpu.memref_slice %arg30[%add3A_70, %dma_wait3A_103] : memref<10112x16xf32, #tpu.memory_space<vmem_shared>> -> memref<32x16xf32, #tpu.memory_space<vmem_shared>>
      tpu.wait_dma2 semaphore(%run_scoped3A : memref<!tpu.dma_semaphore, #tpu.memory_space<semaphore_mem>>) src(%arg15 : memref<32x16xf32, #tpu.memory_space<vmem>>) dst(%dma_wait3A_104 : memref<32x16xf32, #tpu.memory_space<vmem_shared>>)
      tpu.yield
    }) : () -> ()
    %add3A_71 = arith.constant 512 : i32
    %add3A_72 = arith.addi %mul3A_0, %add3A_71 : i32
    "tpu.region"() ({
      %run_scoped3A = tpu.sem_alloc : memref<!tpu.dma_semaphore, #tpu.memory_space<semaphore_mem>>
      %dma_start3A = arith.constant 0 : i32
      %dma_start3A_99 = tpu.memref_slice %arg29[%add3A_72, %dma_start3A] : memref<10112x160xf32, #tpu.memory_space<vmem_shared>> -> memref<32x160xf32, #tpu.memory_space<vmem_shared>>
      %dma_start3A_100 = arith.constant 0 : i32
      %dma_start3A_101 = tpu.memref_slice %arg29[%add3A_72, %dma_start3A_100] : memref<10112x160xf32, #tpu.memory_space<vmem_shared>> -> memref<32x160xf32, #tpu.memory_space<vmem_shared>>
      tpu.enqueue_dma source(%arg12 : memref<32x160xf32, #tpu.memory_space<vmem>>) target(%dma_start3A_101 : memref<32x160xf32, #tpu.memory_space<vmem_shared>>) target_semaphore(%run_scoped3A : memref<!tpu.dma_semaphore, #tpu.memory_space<semaphore_mem>>)
      %dma_wait3A = arith.constant 0 : i32
      %dma_wait3A_102 = tpu.memref_slice %arg29[%add3A_72, %dma_wait3A] : memref<10112x160xf32, #tpu.memory_space<vmem_shared>> -> memref<32x160xf32, #tpu.memory_space<vmem_shared>>
      %dma_wait3A_103 = arith.constant 0 : i32
      %dma_wait3A_104 = tpu.memref_slice %arg29[%add3A_72, %dma_wait3A_103] : memref<10112x160xf32, #tpu.memory_space<vmem_shared>> -> memref<32x160xf32, #tpu.memory_space<vmem_shared>>
      tpu.wait_dma2 semaphore(%run_scoped3A : memref<!tpu.dma_semaphore, #tpu.memory_space<semaphore_mem>>) src(%arg12 : memref<32x160xf32, #tpu.memory_space<vmem>>) dst(%dma_wait3A_104 : memref<32x160xf32, #tpu.memory_space<vmem_shared>>)
      tpu.yield
    }) : () -> ()
    %add3A_73 = arith.constant 512 : i32
    %add3A_74 = arith.addi %mul3A_0, %add3A_73 : i32
    "tpu.region"() ({
      %run_scoped3A = tpu.sem_alloc : memref<!tpu.dma_semaphore, #tpu.memory_space<semaphore_mem>>
      %dma_start3A = arith.constant 0 : i32
      %dma_start3A_99 = tpu.memref_slice %arg30[%add3A_74, %dma_start3A] : memref<10112x16xf32, #tpu.memory_space<vmem_shared>> -> memref<32x16xf32, #tpu.memory_space<vmem_shared>>
      %dma_start3A_100 = arith.constant 0 : i32
      %dma_start3A_101 = tpu.memref_slice %arg30[%add3A_74, %dma_start3A_100] : memref<10112x16xf32, #tpu.memory_space<vmem_shared>> -> memref<32x16xf32, #tpu.memory_space<vmem_shared>>
      tpu.enqueue_dma source(%arg15 : memref<32x16xf32, #tpu.memory_space<vmem>>) target(%dma_start3A_101 : memref<32x16xf32, #tpu.memory_space<vmem_shared>>) target_semaphore(%run_scoped3A : memref<!tpu.dma_semaphore, #tpu.memory_space<semaphore_mem>>)
      %dma_wait3A = arith.constant 0 : i32
      %dma_wait3A_102 = tpu.memref_slice %arg30[%add3A_74, %dma_wait3A] : memref<10112x16xf32, #tpu.memory_space<vmem_shared>> -> memref<32x16xf32, #tpu.memory_space<vmem_shared>>
      %dma_wait3A_103 = arith.constant 0 : i32
      %dma_wait3A_104 = tpu.memref_slice %arg30[%add3A_74, %dma_wait3A_103] : memref<10112x16xf32, #tpu.memory_space<vmem_shared>> -> memref<32x16xf32, #tpu.memory_space<vmem_shared>>
      tpu.wait_dma2 semaphore(%run_scoped3A : memref<!tpu.dma_semaphore, #tpu.memory_space<semaphore_mem>>) src(%arg15 : memref<32x16xf32, #tpu.memory_space<vmem>>) dst(%dma_wait3A_104 : memref<32x16xf32, #tpu.memory_space<vmem_shared>>)
      tpu.yield
    }) : () -> ()
    %add3A_75 = arith.constant 544 : i32
    %add3A_76 = arith.addi %mul3A_0, %add3A_75 : i32
    "tpu.region"() ({
      %run_scoped3A = tpu.sem_alloc : memref<!tpu.dma_semaphore, #tpu.memory_space<semaphore_mem>>
      %dma_start3A = arith.constant 0 : i32
      %dma_start3A_99 = tpu.memref_slice %arg29[%add3A_76, %dma_start3A] : memref<10112x160xf32, #tpu.memory_space<vmem_shared>> -> memref<32x160xf32, #tpu.memory_space<vmem_shared>>
      %dma_start3A_100 = arith.constant 0 : i32
      %dma_start3A_101 = tpu.memref_slice %arg29[%add3A_76, %dma_start3A_100] : memref<10112x160xf32, #tpu.memory_space<vmem_shared>> -> memref<32x160xf32, #tpu.memory_space<vmem_shared>>
      tpu.enqueue_dma source(%arg12 : memref<32x160xf32, #tpu.memory_space<vmem>>) target(%dma_start3A_101 : memref<32x160xf32, #tpu.memory_space<vmem_shared>>) target_semaphore(%run_scoped3A : memref<!tpu.dma_semaphore, #tpu.memory_space<semaphore_mem>>)
      %dma_wait3A = arith.constant 0 : i32
      %dma_wait3A_102 = tpu.memref_slice %arg29[%add3A_76, %dma_wait3A] : memref<10112x160xf32, #tpu.memory_space<vmem_shared>> -> memref<32x160xf32, #tpu.memory_space<vmem_shared>>
      %dma_wait3A_103 = arith.constant 0 : i32
      %dma_wait3A_104 = tpu.memref_slice %arg29[%add3A_76, %dma_wait3A_103] : memref<10112x160xf32, #tpu.memory_space<vmem_shared>> -> memref<32x160xf32, #tpu.memory_space<vmem_shared>>
      tpu.wait_dma2 semaphore(%run_scoped3A : memref<!tpu.dma_semaphore, #tpu.memory_space<semaphore_mem>>) src(%arg12 : memref<32x160xf32, #tpu.memory_space<vmem>>) dst(%dma_wait3A_104 : memref<32x160xf32, #tpu.memory_space<vmem_shared>>)
      tpu.yield
    }) : () -> ()
    %add3A_77 = arith.constant 544 : i32
    %add3A_78 = arith.addi %mul3A_0, %add3A_77 : i32
    "tpu.region"() ({
      %run_scoped3A = tpu.sem_alloc : memref<!tpu.dma_semaphore, #tpu.memory_space<semaphore_mem>>
      %dma_start3A = arith.constant 0 : i32
      %dma_start3A_99 = tpu.memref_slice %arg30[%add3A_78, %dma_start3A] : memref<10112x16xf32, #tpu.memory_space<vmem_shared>> -> memref<32x16xf32, #tpu.memory_space<vmem_shared>>
      %dma_start3A_100 = arith.constant 0 : i32
      %dma_start3A_101 = tpu.memref_slice %arg30[%add3A_78, %dma_start3A_100] : memref<10112x16xf32, #tpu.memory_space<vmem_shared>> -> memref<32x16xf32, #tpu.memory_space<vmem_shared>>
      tpu.enqueue_dma source(%arg15 : memref<32x16xf32, #tpu.memory_space<vmem>>) target(%dma_start3A_101 : memref<32x16xf32, #tpu.memory_space<vmem_shared>>) target_semaphore(%run_scoped3A : memref<!tpu.dma_semaphore, #tpu.memory_space<semaphore_mem>>)
      %dma_wait3A = arith.constant 0 : i32
      %dma_wait3A_102 = tpu.memref_slice %arg30[%add3A_78, %dma_wait3A] : memref<10112x16xf32, #tpu.memory_space<vmem_shared>> -> memref<32x16xf32, #tpu.memory_space<vmem_shared>>
      %dma_wait3A_103 = arith.constant 0 : i32
      %dma_wait3A_104 = tpu.memref_slice %arg30[%add3A_78, %dma_wait3A_103] : memref<10112x16xf32, #tpu.memory_space<vmem_shared>> -> memref<32x16xf32, #tpu.memory_space<vmem_shared>>
      tpu.wait_dma2 semaphore(%run_scoped3A : memref<!tpu.dma_semaphore, #tpu.memory_space<semaphore_mem>>) src(%arg15 : memref<32x16xf32, #tpu.memory_space<vmem>>) dst(%dma_wait3A_104 : memref<32x16xf32, #tpu.memory_space<vmem_shared>>)
      tpu.yield
    }) : () -> ()
    %add3A_79 = arith.constant 576 : i32
    %add3A_80 = arith.addi %mul3A_0, %add3A_79 : i32
    "tpu.region"() ({
      %run_scoped3A = tpu.sem_alloc : memref<!tpu.dma_semaphore, #tpu.memory_space<semaphore_mem>>
      %dma_start3A = arith.constant 0 : i32
      %dma_start3A_99 = tpu.memref_slice %arg29[%add3A_80, %dma_start3A] : memref<10112x160xf32, #tpu.memory_space<vmem_shared>> -> memref<32x160xf32, #tpu.memory_space<vmem_shared>>
      %dma_start3A_100 = arith.constant 0 : i32
      %dma_start3A_101 = tpu.memref_slice %arg29[%add3A_80, %dma_start3A_100] : memref<10112x160xf32, #tpu.memory_space<vmem_shared>> -> memref<32x160xf32, #tpu.memory_space<vmem_shared>>
      tpu.enqueue_dma source(%arg12 : memref<32x160xf32, #tpu.memory_space<vmem>>) target(%dma_start3A_101 : memref<32x160xf32, #tpu.memory_space<vmem_shared>>) target_semaphore(%run_scoped3A : memref<!tpu.dma_semaphore, #tpu.memory_space<semaphore_mem>>)
      %dma_wait3A = arith.constant 0 : i32
      %dma_wait3A_102 = tpu.memref_slice %arg29[%add3A_80, %dma_wait3A] : memref<10112x160xf32, #tpu.memory_space<vmem_shared>> -> memref<32x160xf32, #tpu.memory_space<vmem_shared>>
      %dma_wait3A_103 = arith.constant 0 : i32
      %dma_wait3A_104 = tpu.memref_slice %arg29[%add3A_80, %dma_wait3A_103] : memref<10112x160xf32, #tpu.memory_space<vmem_shared>> -> memref<32x160xf32, #tpu.memory_space<vmem_shared>>
      tpu.wait_dma2 semaphore(%run_scoped3A : memref<!tpu.dma_semaphore, #tpu.memory_space<semaphore_mem>>) src(%arg12 : memref<32x160xf32, #tpu.memory_space<vmem>>) dst(%dma_wait3A_104 : memref<32x160xf32, #tpu.memory_space<vmem_shared>>)
      tpu.yield
    }) : () -> ()
    %add3A_81 = arith.constant 576 : i32
    %add3A_82 = arith.addi %mul3A_0, %add3A_81 : i32
    "tpu.region"() ({
      %run_scoped3A = tpu.sem_alloc : memref<!tpu.dma_semaphore, #tpu.memory_space<semaphore_mem>>
      %dma_start3A = arith.constant 0 : i32
      %dma_start3A_99 = tpu.memref_slice %arg30[%add3A_82, %dma_start3A] : memref<10112x16xf32, #tpu.memory_space<vmem_shared>> -> memref<32x16xf32, #tpu.memory_space<vmem_shared>>
      %dma_start3A_100 = arith.constant 0 : i32
      %dma_start3A_101 = tpu.memref_slice %arg30[%add3A_82, %dma_start3A_100] : memref<10112x16xf32, #tpu.memory_space<vmem_shared>> -> memref<32x16xf32, #tpu.memory_space<vmem_shared>>
      tpu.enqueue_dma source(%arg15 : memref<32x16xf32, #tpu.memory_space<vmem>>) target(%dma_start3A_101 : memref<32x16xf32, #tpu.memory_space<vmem_shared>>) target_semaphore(%run_scoped3A : memref<!tpu.dma_semaphore, #tpu.memory_space<semaphore_mem>>)
      %dma_wait3A = arith.constant 0 : i32
      %dma_wait3A_102 = tpu.memref_slice %arg30[%add3A_82, %dma_wait3A] : memref<10112x16xf32, #tpu.memory_space<vmem_shared>> -> memref<32x16xf32, #tpu.memory_space<vmem_shared>>
      %dma_wait3A_103 = arith.constant 0 : i32
      %dma_wait3A_104 = tpu.memref_slice %arg30[%add3A_82, %dma_wait3A_103] : memref<10112x16xf32, #tpu.memory_space<vmem_shared>> -> memref<32x16xf32, #tpu.memory_space<vmem_shared>>
      tpu.wait_dma2 semaphore(%run_scoped3A : memref<!tpu.dma_semaphore, #tpu.memory_space<semaphore_mem>>) src(%arg15 : memref<32x16xf32, #tpu.memory_space<vmem>>) dst(%dma_wait3A_104 : memref<32x16xf32, #tpu.memory_space<vmem_shared>>)
      tpu.yield
    }) : () -> ()
    %add3A_83 = arith.constant 608 : i32
    %add3A_84 = arith.addi %mul3A_0, %add3A_83 : i32
    "tpu.region"() ({
      %run_scoped3A = tpu.sem_alloc : memref<!tpu.dma_semaphore, #tpu.memory_space<semaphore_mem>>
      %dma_start3A = arith.constant 0 : i32
      %dma_start3A_99 = arith.constant 0 : i32
      %dma_start3A_100 = tpu.memref_slice %arg12[%dma_start3A, %dma_start3A_99] : memref<32x160xf32, #tpu.memory_space<vmem>> -> memref<24x160xf32, #tpu.memory_space<vmem>>
      %dma_start3A_101 = arith.constant 0 : i32
      %dma_start3A_102 = tpu.memref_slice %arg29[%add3A_84, %dma_start3A_101] : memref<10112x160xf32, #tpu.memory_space<vmem_shared>> -> memref<24x160xf32, #tpu.memory_space<vmem_shared>>
      %dma_start3A_103 = arith.constant 0 : i32
      %dma_start3A_104 = tpu.memref_slice %arg29[%add3A_84, %dma_start3A_103] : memref<10112x160xf32, #tpu.memory_space<vmem_shared>> -> memref<24x160xf32, #tpu.memory_space<vmem_shared>>
      %dma_start3A_105 = arith.constant 0 : i32
      %dma_start3A_106 = arith.constant 0 : i32
      %dma_start3A_107 = tpu.memref_slice %arg12[%dma_start3A_105, %dma_start3A_106] : memref<32x160xf32, #tpu.memory_space<vmem>> -> memref<24x160xf32, #tpu.memory_space<vmem>>
      tpu.enqueue_dma source(%dma_start3A_107 : memref<24x160xf32, #tpu.memory_space<vmem>>) target(%dma_start3A_104 : memref<24x160xf32, #tpu.memory_space<vmem_shared>>) target_semaphore(%run_scoped3A : memref<!tpu.dma_semaphore, #tpu.memory_space<semaphore_mem>>)
      %dma_wait3A = arith.constant 0 : i32
      %dma_wait3A_108 = arith.constant 0 : i32
      %dma_wait3A_109 = tpu.memref_slice %arg12[%dma_wait3A, %dma_wait3A_108] : memref<32x160xf32, #tpu.memory_space<vmem>> -> memref<24x160xf32, #tpu.memory_space<vmem>>
      %dma_wait3A_110 = arith.constant 0 : i32
      %dma_wait3A_111 = tpu.memref_slice %arg29[%add3A_84, %dma_wait3A_110] : memref<10112x160xf32, #tpu.memory_space<vmem_shared>> -> memref<24x160xf32, #tpu.memory_space<vmem_shared>>
      %dma_wait3A_112 = arith.constant 0 : i32
      %dma_wait3A_113 = tpu.memref_slice %arg29[%add3A_84, %dma_wait3A_112] : memref<10112x160xf32, #tpu.memory_space<vmem_shared>> -> memref<24x160xf32, #tpu.memory_space<vmem_shared>>
      %dma_wait3A_114 = arith.constant 0 : i32
      %dma_wait3A_115 = arith.constant 0 : i32
      %dma_wait3A_116 = tpu.memref_slice %arg12[%dma_wait3A_114, %dma_wait3A_115] : memref<32x160xf32, #tpu.memory_space<vmem>> -> memref<24x160xf32, #tpu.memory_space<vmem>>
      tpu.wait_dma2 semaphore(%run_scoped3A : memref<!tpu.dma_semaphore, #tpu.memory_space<semaphore_mem>>) src(%dma_wait3A_116 : memref<24x160xf32, #tpu.memory_space<vmem>>) dst(%dma_wait3A_113 : memref<24x160xf32, #tpu.memory_space<vmem_shared>>)
      tpu.yield
    }) : () -> ()
    %add3A_85 = arith.constant 608 : i32
    %add3A_86 = arith.addi %mul3A_0, %add3A_85 : i32
    "tpu.region"() ({
      %run_scoped3A = tpu.sem_alloc : memref<!tpu.dma_semaphore, #tpu.memory_space<semaphore_mem>>
      %dma_start3A = arith.constant 0 : i32
      %dma_start3A_99 = arith.constant 0 : i32
      %dma_start3A_100 = tpu.memref_slice %arg15[%dma_start3A, %dma_start3A_99] : memref<32x16xf32, #tpu.memory_space<vmem>> -> memref<24x16xf32, #tpu.memory_space<vmem>>
      %dma_start3A_101 = arith.constant 0 : i32
      %dma_start3A_102 = tpu.memref_slice %arg30[%add3A_86, %dma_start3A_101] : memref<10112x16xf32, #tpu.memory_space<vmem_shared>> -> memref<24x16xf32, #tpu.memory_space<vmem_shared>>
      %dma_start3A_103 = arith.constant 0 : i32
      %dma_start3A_104 = tpu.memref_slice %arg30[%add3A_86, %dma_start3A_103] : memref<10112x16xf32, #tpu.memory_space<vmem_shared>> -> memref<24x16xf32, #tpu.memory_space<vmem_shared>>
      %dma_start3A_105 = arith.constant 0 : i32
      %dma_start3A_106 = arith.constant 0 : i32
      %dma_start3A_107 = tpu.memref_slice %arg15[%dma_start3A_105, %dma_start3A_106] : memref<32x16xf32, #tpu.memory_space<vmem>> -> memref<24x16xf32, #tpu.memory_space<vmem>>
      tpu.enqueue_dma source(%dma_start3A_107 : memref<24x16xf32, #tpu.memory_space<vmem>>) target(%dma_start3A_104 : memref<24x16xf32, #tpu.memory_space<vmem_shared>>) target_semaphore(%run_scoped3A : memref<!tpu.dma_semaphore, #tpu.memory_space<semaphore_mem>>)
      %dma_wait3A = arith.constant 0 : i32
      %dma_wait3A_108 = arith.constant 0 : i32
      %dma_wait3A_109 = tpu.memref_slice %arg15[%dma_wait3A, %dma_wait3A_108] : memref<32x16xf32, #tpu.memory_space<vmem>> -> memref<24x16xf32, #tpu.memory_space<vmem>>
      %dma_wait3A_110 = arith.constant 0 : i32
      %dma_wait3A_111 = tpu.memref_slice %arg30[%add3A_86, %dma_wait3A_110] : memref<10112x16xf32, #tpu.memory_space<vmem_shared>> -> memref<24x16xf32, #tpu.memory_space<vmem_shared>>
      %dma_wait3A_112 = arith.constant 0 : i32
      %dma_wait3A_113 = tpu.memref_slice %arg30[%add3A_86, %dma_wait3A_112] : memref<10112x16xf32, #tpu.memory_space<vmem_shared>> -> memref<24x16xf32, #tpu.memory_space<vmem_shared>>
      %dma_wait3A_114 = arith.constant 0 : i32
      %dma_wait3A_115 = arith.constant 0 : i32
      %dma_wait3A_116 = tpu.memref_slice %arg15[%dma_wait3A_114, %dma_wait3A_115] : memref<32x16xf32, #tpu.memory_space<vmem>> -> memref<24x16xf32, #tpu.memory_space<vmem>>
      tpu.wait_dma2 semaphore(%run_scoped3A : memref<!tpu.dma_semaphore, #tpu.memory_space<semaphore_mem>>) src(%dma_wait3A_116 : memref<24x16xf32, #tpu.memory_space<vmem>>) dst(%dma_wait3A_113 : memref<24x16xf32, #tpu.memory_space<vmem_shared>>)
      tpu.yield
    }) : () -> ()
    %mul3A_87 = arith.constant 10112 : i32
    %mul3A_88 = arith.muli %arg0, %mul3A_87 : i32
    %barrier3A = arith.constant 0 : index
    tpu.barrier barrier_id(%barrier3A)
    %scan3A_89 = arith.constant 0 : i32
    %scan3A_90 = arith.constant 0 : i32
    %scan3A_91 = arith.constant 323 : i32
    %scan3A_92 = arith.addi %scan3A_90, %scan3A_91 : i32
    %scan3A_93 = arith.constant 1 : i32
    %scan3A_94 = scf.for %scan3A_99 = %scan3A_90 to %scan3A_92 step %scan3A_93 iter_args(%scan3A_100 = %scan3A_89) -> (i32)  : i32 {
      %mul3A_101 = arith.constant 2 : i32
      %mul3A_102 = arith.muli %mul3A_101, %scan3A_99 : i32
      "tpu.region"() ({
        %run_scoped3A = tpu.sem_alloc : memref<!tpu.dma_semaphore, #tpu.memory_space<semaphore_mem>>
        %dma_start3A_198 = arith.constant 0 : i32
        %dma_start3A_199 = tpu.memref_slice %arg5[%arg1, %mul3A_102, %dma_start3A_198] : memref<16x646x32xi32, #tpu.memory_space<hbm>> -> memref<1x1x32xi32, #tpu.memory_space<hbm>>
        %dma_start3A_200 = tpu.memref_squeeze %dma_start3A_199 : memref<1x1x32xi32, #tpu.memory_space<hbm>> -> memref<32xi32, #tpu.memory_space<hbm>>
        %dma_start3A_201 = arith.constant 0 : i32
        %dma_start3A_202 = tpu.memref_slice %arg5[%arg1, %mul3A_102, %dma_start3A_201] : memref<16x646x32xi32, #tpu.memory_space<hbm>> -> memref<1x1x32xi32, #tpu.memory_space<hbm>>
        %dma_start3A_203 = tpu.memref_squeeze %dma_start3A_202 : memref<1x1x32xi32, #tpu.memory_space<hbm>> -> memref<32xi32, #tpu.memory_space<hbm>>
        tpu.enqueue_dma source(%dma_start3A_203 : memref<32xi32, #tpu.memory_space<hbm>>) target(%arg9 : memref<32xi32, #tpu.memory_space<vmem>>) target_semaphore(%run_scoped3A : memref<!tpu.dma_semaphore, #tpu.memory_space<semaphore_mem>>)
        %dma_wait3A_204 = arith.constant 0 : i32
        %dma_wait3A_205 = tpu.memref_slice %arg5[%arg1, %mul3A_102, %dma_wait3A_204] : memref<16x646x32xi32, #tpu.memory_space<hbm>> -> memref<1x1x32xi32, #tpu.memory_space<hbm>>
        %dma_wait3A_206 = tpu.memref_squeeze %dma_wait3A_205 : memref<1x1x32xi32, #tpu.memory_space<hbm>> -> memref<32xi32, #tpu.memory_space<hbm>>
        %dma_wait3A_207 = arith.constant 0 : i32
        %dma_wait3A_208 = tpu.memref_slice %arg5[%arg1, %mul3A_102, %dma_wait3A_207] : memref<16x646x32xi32, #tpu.memory_space<hbm>> -> memref<1x1x32xi32, #tpu.memory_space<hbm>>
        %dma_wait3A_209 = tpu.memref_squeeze %dma_wait3A_208 : memref<1x1x32xi32, #tpu.memory_space<hbm>> -> memref<32xi32, #tpu.memory_space<hbm>>
        tpu.wait_dma2 semaphore(%run_scoped3A : memref<!tpu.dma_semaphore, #tpu.memory_space<semaphore_mem>>) src(%dma_wait3A_209 : memref<32xi32, #tpu.memory_space<hbm>>) dst(%arg9 : memref<32xi32, #tpu.memory_space<vmem>>)
        tpu.yield
      }) : () -> ()
      "tpu.region"() ({
        %run_scoped3A = tpu.sem_alloc : memref<!tpu.dma_semaphore, #tpu.memory_space<semaphore_mem>>
        %dma_start3A_198 = arith.constant 0 : i32
        %dma_start3A_199 = tpu.memref_slice %arg6[%arg1, %mul3A_102, %dma_start3A_198] : memref<16x646x32xi32, #tpu.memory_space<hbm>> -> memref<1x1x32xi32, #tpu.memory_space<hbm>>
        %dma_start3A_200 = tpu.memref_squeeze %dma_start3A_199 : memref<1x1x32xi32, #tpu.memory_space<hbm>> -> memref<32xi32, #tpu.memory_space<hbm>>
        %dma_start3A_201 = arith.constant 0 : i32
        %dma_start3A_202 = tpu.memref_slice %arg6[%arg1, %mul3A_102, %dma_start3A_201] : memref<16x646x32xi32, #tpu.memory_space<hbm>> -> memref<1x1x32xi32, #tpu.memory_space<hbm>>
        %dma_start3A_203 = tpu.memref_squeeze %dma_start3A_202 : memref<1x1x32xi32, #tpu.memory_space<hbm>> -> memref<32xi32, #tpu.memory_space<hbm>>
        tpu.enqueue_dma source(%dma_start3A_203 : memref<32xi32, #tpu.memory_space<hbm>>) target(%arg11 : memref<32xi32, #tpu.memory_space<vmem>>) target_semaphore(%run_scoped3A : memref<!tpu.dma_semaphore, #tpu.memory_space<semaphore_mem>>)
        %dma_wait3A_204 = arith.constant 0 : i32
        %dma_wait3A_205 = tpu.memref_slice %arg6[%arg1, %mul3A_102, %dma_wait3A_204] : memref<16x646x32xi32, #tpu.memory_space<hbm>> -> memref<1x1x32xi32, #tpu.memory_space<hbm>>
        %dma_wait3A_206 = tpu.memref_squeeze %dma_wait3A_205 : memref<1x1x32xi32, #tpu.memory_space<hbm>> -> memref<32xi32, #tpu.memory_space<hbm>>
        %dma_wait3A_207 = arith.constant 0 : i32
        %dma_wait3A_208 = tpu.memref_slice %arg6[%arg1, %mul3A_102, %dma_wait3A_207] : memref<16x646x32xi32, #tpu.memory_space<hbm>> -> memref<1x1x32xi32, #tpu.memory_space<hbm>>
        %dma_wait3A_209 = tpu.memref_squeeze %dma_wait3A_208 : memref<1x1x32xi32, #tpu.memory_space<hbm>> -> memref<32xi32, #tpu.memory_space<hbm>>
        tpu.wait_dma2 semaphore(%run_scoped3A : memref<!tpu.dma_semaphore, #tpu.memory_space<semaphore_mem>>) src(%dma_wait3A_209 : memref<32xi32, #tpu.memory_space<hbm>>) dst(%arg11 : memref<32xi32, #tpu.memory_space<vmem>>)
        tpu.yield
      }) : () -> ()
      %get3A = arith.constant 0 : index
      %get3A_103 = tpu.vector_load %arg9[%get3A] {strides = array<i32>} : memref<32xi32, #tpu.memory_space<vmem>>, vector<16xi32>,
      %get3A_104 = vector.shape_cast %get3A_103 : vector<16xi32> to vector<16xi32>
      %add3A_105 = vector.broadcast %mul3A_88 : i32 to vector<16xi32>
      %add3A_106 = arith.addi %get3A_104, %add3A_105 : vector<16xi32>
      %swap3A = arith.constant 0 : index
      %swap3A_107 = tpu.vector_load %arg10[%swap3A] {strides = array<i32>} : memref<32xi32, #tpu.memory_space<vmem>>, vector<16xi32>,
      %swap3A_108 = vector.shape_cast %swap3A_107 : vector<16xi32> to vector<16xi32>
      %swap3A_109 = vector.shape_cast %add3A_106 : vector<16xi32> to vector<16xi32>
      tpu.vector_store %arg10[%swap3A], %swap3A_109 {strides = array<i32>} : memref<32xi32, #tpu.memory_space<vmem>>, vector<16xi32>,
      %get3A_110 = arith.constant 16 : index
      %get3A_111 = tpu.vector_load %arg9[%get3A_110] {strides = array<i32>} : memref<32xi32, #tpu.memory_space<vmem>>, vector<16xi32>,
      %get3A_112 = vector.shape_cast %get3A_111 : vector<16xi32> to vector<16xi32>
      %add3A_113 = vector.broadcast %mul3A_88 : i32 to vector<16xi32>
      %add3A_114 = arith.addi %get3A_112, %add3A_113 : vector<16xi32>
      %swap3A_115 = arith.constant 16 : index
      %swap3A_116 = tpu.vector_load %arg10[%swap3A_115] {strides = array<i32>} : memref<32xi32, #tpu.memory_space<vmem>>, vector<16xi32>,
      %swap3A_117 = vector.shape_cast %swap3A_116 : vector<16xi32> to vector<16xi32>
      %swap3A_118 = vector.shape_cast %add3A_114 : vector<16xi32> to vector<16xi32>
      tpu.vector_store %arg10[%swap3A_115], %swap3A_118 {strides = array<i32>} : memref<32xi32, #tpu.memory_space<vmem>>, vector<16xi32>,
      %dma_start3A = arith.constant 0 : i32
      %dma_start3A_119 = arith.constant 0 : i32
      %dma_start3A_120 = tpu.memref_slice %arg2[%dma_start3A, %dma_start3A_119] : memref<20224x160xf32, #tpu.memory_space<hbm>> -> memref<20224x160xf32, #tpu.memory_space<hbm>>
      tpu.enqueue_indirect_dma source(%dma_start3A_120 : memref<20224x160xf32, #tpu.memory_space<hbm>>) target(%arg12 : memref<32x160xf32, #tpu.memory_space<vmem>>) offsets(%arg10 : memref<32xi32, #tpu.memory_space<vmem>>) semaphore(%arg16 : memref<!tpu.dma_semaphore, #tpu.memory_space<semaphore_mem>>)
      %dma_start3A_121 = arith.constant 0 : i32
      %dma_start3A_122 = arith.constant 0 : i32
      %dma_start3A_123 = tpu.memref_slice %arg3[%dma_start3A_121, %dma_start3A_122] : memref<20224x16xf32, #tpu.memory_space<hbm>> -> memref<20224x16xf32, #tpu.memory_space<hbm>>
      tpu.enqueue_indirect_dma source(%dma_start3A_123 : memref<20224x16xf32, #tpu.memory_space<hbm>>) target(%arg13 : memref<32x16xf32, #tpu.memory_space<vmem>>) offsets(%arg10 : memref<32xi32, #tpu.memory_space<vmem>>) semaphore(%arg17 : memref<!tpu.dma_semaphore, #tpu.memory_space<semaphore_mem>>)
      %dma_start3A_124 = arith.constant 0 : i32
      %dma_start3A_125 = arith.constant 0 : i32
      %dma_start3A_126 = tpu.memref_slice %arg4[%dma_start3A_124, %dma_start3A_125] : memref<10112x16xf32, #tpu.memory_space<hbm>> -> memref<10112x16xf32, #tpu.memory_space<hbm>>
      tpu.enqueue_indirect_dma source(%dma_start3A_126 : memref<10112x16xf32, #tpu.memory_space<hbm>>) target(%arg14 : memref<32x16xf32, #tpu.memory_space<vmem>>) offsets(%arg11 : memref<32xi32, #tpu.memory_space<vmem>>) semaphore(%arg18 : memref<!tpu.dma_semaphore, #tpu.memory_space<semaphore_mem>>)
      %add3A_127 = arith.constant 1 : i32
      %add3A_128 = arith.addi %mul3A_102, %add3A_127 : i32
      "tpu.region"() ({
        %run_scoped3A = tpu.sem_alloc : memref<!tpu.dma_semaphore, #tpu.memory_space<semaphore_mem>>
        %dma_start3A_198 = arith.constant 0 : i32
        %dma_start3A_199 = tpu.memref_slice %arg5[%arg1, %add3A_128, %dma_start3A_198] : memref<16x646x32xi32, #tpu.memory_space<hbm>> -> memref<1x1x32xi32, #tpu.memory_space<hbm>>
        %dma_start3A_200 = tpu.memref_squeeze %dma_start3A_199 : memref<1x1x32xi32, #tpu.memory_space<hbm>> -> memref<32xi32, #tpu.memory_space<hbm>>
        %dma_start3A_201 = arith.constant 0 : i32
        %dma_start3A_202 = tpu.memref_slice %arg5[%arg1, %add3A_128, %dma_start3A_201] : memref<16x646x32xi32, #tpu.memory_space<hbm>> -> memref<1x1x32xi32, #tpu.memory_space<hbm>>
        %dma_start3A_203 = tpu.memref_squeeze %dma_start3A_202 : memref<1x1x32xi32, #tpu.memory_space<hbm>> -> memref<32xi32, #tpu.memory_space<hbm>>
        tpu.enqueue_dma source(%dma_start3A_203 : memref<32xi32, #tpu.memory_space<hbm>>) target(%arg19 : memref<32xi32, #tpu.memory_space<vmem>>) target_semaphore(%run_scoped3A : memref<!tpu.dma_semaphore, #tpu.memory_space<semaphore_mem>>)
        %dma_wait3A_204 = arith.constant 0 : i32
        %dma_wait3A_205 = tpu.memref_slice %arg5[%arg1, %add3A_128, %dma_wait3A_204] : memref<16x646x32xi32, #tpu.memory_space<hbm>> -> memref<1x1x32xi32, #tpu.memory_space<hbm>>
        %dma_wait3A_206 = tpu.memref_squeeze %dma_wait3A_205 : memref<1x1x32xi32, #tpu.memory_space<hbm>> -> memref<32xi32, #tpu.memory_space<hbm>>
        %dma_wait3A_207 = arith.constant 0 : i32
        %dma_wait3A_208 = tpu.memref_slice %arg5[%arg1, %add3A_128, %dma_wait3A_207] : memref<16x646x32xi32, #tpu.memory_space<hbm>> -> memref<1x1x32xi32, #tpu.memory_space<hbm>>
        %dma_wait3A_209 = tpu.memref_squeeze %dma_wait3A_208 : memref<1x1x32xi32, #tpu.memory_space<hbm>> -> memref<32xi32, #tpu.memory_space<hbm>>
        tpu.wait_dma2 semaphore(%run_scoped3A : memref<!tpu.dma_semaphore, #tpu.memory_space<semaphore_mem>>) src(%dma_wait3A_209 : memref<32xi32, #tpu.memory_space<hbm>>) dst(%arg19 : memref<32xi32, #tpu.memory_space<vmem>>)
        tpu.yield
      }) : () -> ()
      "tpu.region"() ({
        %run_scoped3A = tpu.sem_alloc : memref<!tpu.dma_semaphore, #tpu.memory_space<semaphore_mem>>
        %dma_start3A_198 = arith.constant 0 : i32
        %dma_start3A_199 = tpu.memref_slice %arg6[%arg1, %add3A_128, %dma_start3A_198] : memref<16x646x32xi32, #tpu.memory_space<hbm>> -> memref<1x1x32xi32, #tpu.memory_space<hbm>>
        %dma_start3A_200 = tpu.memref_squeeze %dma_start3A_199 : memref<1x1x32xi32, #tpu.memory_space<hbm>> -> memref<32xi32, #tpu.memory_space<hbm>>
        %dma_start3A_201 = arith.constant 0 : i32
        %dma_start3A_202 = tpu.memref_slice %arg6[%arg1, %add3A_128, %dma_start3A_201] : memref<16x646x32xi32, #tpu.memory_space<hbm>> -> memref<1x1x32xi32, #tpu.memory_space<hbm>>
        %dma_start3A_203 = tpu.memref_squeeze %dma_start3A_202 : memref<1x1x32xi32, #tpu.memory_space<hbm>> -> memref<32xi32, #tpu.memory_space<hbm>>
        tpu.enqueue_dma source(%dma_start3A_203 : memref<32xi32, #tpu.memory_space<hbm>>) target(%arg21 : memref<32xi32, #tpu.memory_space<vmem>>) target_semaphore(%run_scoped3A : memref<!tpu.dma_semaphore, #tpu.memory_space<semaphore_mem>>)
        %dma_wait3A_204 = arith.constant 0 : i32
        %dma_wait3A_205 = tpu.memref_slice %arg6[%arg1, %add3A_128, %dma_wait3A_204] : memref<16x646x32xi32, #tpu.memory_space<hbm>> -> memref<1x1x32xi32, #tpu.memory_space<hbm>>
        %dma_wait3A_206 = tpu.memref_squeeze %dma_wait3A_205 : memref<1x1x32xi32, #tpu.memory_space<hbm>> -> memref<32xi32, #tpu.memory_space<hbm>>
        %dma_wait3A_207 = arith.constant 0 : i32
        %dma_wait3A_208 = tpu.memref_slice %arg6[%arg1, %add3A_128, %dma_wait3A_207] : memref<16x646x32xi32, #tpu.memory_space<hbm>> -> memref<1x1x32xi32, #tpu.memory_space<hbm>>
        %dma_wait3A_209 = tpu.memref_squeeze %dma_wait3A_208 : memref<1x1x32xi32, #tpu.memory_space<hbm>> -> memref<32xi32, #tpu.memory_space<hbm>>
        tpu.wait_dma2 semaphore(%run_scoped3A : memref<!tpu.dma_semaphore, #tpu.memory_space<semaphore_mem>>) src(%dma_wait3A_209 : memref<32xi32, #tpu.memory_space<hbm>>) dst(%arg21 : memref<32xi32, #tpu.memory_space<vmem>>)
        tpu.yield
      }) : () -> ()
      %get3A_129 = arith.constant 0 : index
      %get3A_130 = tpu.vector_load %arg19[%get3A_129] {strides = array<i32>} : memref<32xi32, #tpu.memory_space<vmem>>, vector<16xi32>,
      %get3A_131 = vector.shape_cast %get3A_130 : vector<16xi32> to vector<16xi32>
      %add3A_132 = vector.broadcast %mul3A_88 : i32 to vector<16xi32>
      %add3A_133 = arith.addi %get3A_131, %add3A_132 : vector<16xi32>
      %swap3A_134 = arith.constant 0 : index
      %swap3A_135 = tpu.vector_load %arg20[%swap3A_134] {strides = array<i32>} : memref<32xi32, #tpu.memory_space<vmem>>, vector<16xi32>,
      %swap3A_136 = vector.shape_cast %swap3A_135 : vector<16xi32> to vector<16xi32>
      %swap3A_137 = vector.shape_cast %add3A_133 : vector<16xi32> to vector<16xi32>
      tpu.vector_store %arg20[%swap3A_134], %swap3A_137 {strides = array<i32>} : memref<32xi32, #tpu.memory_space<vmem>>, vector<16xi32>,
      %get3A_138 = arith.constant 16 : index
      %get3A_139 = tpu.vector_load %arg19[%get3A_138] {strides = array<i32>} : memref<32xi32, #tpu.memory_space<vmem>>, vector<16xi32>,
      %get3A_140 = vector.shape_cast %get3A_139 : vector<16xi32> to vector<16xi32>
      %add3A_141 = vector.broadcast %mul3A_88 : i32 to vector<16xi32>
      %add3A_142 = arith.addi %get3A_140, %add3A_141 : vector<16xi32>
      %swap3A_143 = arith.constant 16 : index
      %swap3A_144 = tpu.vector_load %arg20[%swap3A_143] {strides = array<i32>} : memref<32xi32, #tpu.memory_space<vmem>>, vector<16xi32>,
      %swap3A_145 = vector.shape_cast %swap3A_144 : vector<16xi32> to vector<16xi32>
      %swap3A_146 = vector.shape_cast %add3A_142 : vector<16xi32> to vector<16xi32>
      tpu.vector_store %arg20[%swap3A_143], %swap3A_146 {strides = array<i32>} : memref<32xi32, #tpu.memory_space<vmem>>, vector<16xi32>,
      %dma_start3A_147 = arith.constant 0 : i32
      %dma_start3A_148 = arith.constant 0 : i32
      %dma_start3A_149 = tpu.memref_slice %arg2[%dma_start3A_147, %dma_start3A_148] : memref<20224x160xf32, #tpu.memory_space<hbm>> -> memref<20224x160xf32, #tpu.memory_space<hbm>>
      tpu.enqueue_indirect_dma source(%dma_start3A_149 : memref<20224x160xf32, #tpu.memory_space<hbm>>) target(%arg22 : memref<32x160xf32, #tpu.memory_space<vmem>>) offsets(%arg20 : memref<32xi32, #tpu.memory_space<vmem>>) semaphore(%arg26 : memref<!tpu.dma_semaphore, #tpu.memory_space<semaphore_mem>>)
      %dma_start3A_150 = arith.constant 0 : i32
      %dma_start3A_151 = arith.constant 0 : i32
      %dma_start3A_152 = tpu.memref_slice %arg3[%dma_start3A_150, %dma_start3A_151] : memref<20224x16xf32, #tpu.memory_space<hbm>> -> memref<20224x16xf32, #tpu.memory_space<hbm>>
      tpu.enqueue_indirect_dma source(%dma_start3A_152 : memref<20224x16xf32, #tpu.memory_space<hbm>>) target(%arg23 : memref<32x16xf32, #tpu.memory_space<vmem>>) offsets(%arg20 : memref<32xi32, #tpu.memory_space<vmem>>) semaphore(%arg27 : memref<!tpu.dma_semaphore, #tpu.memory_space<semaphore_mem>>)
      %dma_start3A_153 = arith.constant 0 : i32
      %dma_start3A_154 = arith.constant 0 : i32
      %dma_start3A_155 = tpu.memref_slice %arg4[%dma_start3A_153, %dma_start3A_154] : memref<10112x16xf32, #tpu.memory_space<hbm>> -> memref<10112x16xf32, #tpu.memory_space<hbm>>
      tpu.enqueue_indirect_dma source(%dma_start3A_155 : memref<10112x16xf32, #tpu.memory_space<hbm>>) target(%arg24 : memref<32x16xf32, #tpu.memory_space<vmem>>) offsets(%arg21 : memref<32xi32, #tpu.memory_space<vmem>>) semaphore(%arg28 : memref<!tpu.dma_semaphore, #tpu.memory_space<semaphore_mem>>)
      %dma_wait3A = arith.constant 0 : i32
      %dma_wait3A_156 = arith.constant 0 : i32
      %dma_wait3A_157 = tpu.memref_slice %arg2[%dma_wait3A, %dma_wait3A_156] : memref<20224x160xf32, #tpu.memory_space<hbm>> -> memref<20224x160xf32, #tpu.memory_space<hbm>>
      tpu.wait_indirect_dma semaphore(%arg16 : memref<!tpu.dma_semaphore, #tpu.memory_space<semaphore_mem>>) src(%dma_wait3A_157 : memref<20224x160xf32, #tpu.memory_space<hbm>>) dst(%arg12 : memref<32x160xf32, #tpu.memory_space<vmem>>)
      %dma_wait3A_158 = arith.constant 0 : i32
      %dma_wait3A_159 = arith.constant 0 : i32
      %dma_wait3A_160 = tpu.memref_slice %arg3[%dma_wait3A_158, %dma_wait3A_159] : memref<20224x16xf32, #tpu.memory_space<hbm>> -> memref<20224x16xf32, #tpu.memory_space<hbm>>
      tpu.wait_indirect_dma semaphore(%arg17 : memref<!tpu.dma_semaphore, #tpu.memory_space<semaphore_mem>>) src(%dma_wait3A_160 : memref<20224x16xf32, #tpu.memory_space<hbm>>) dst(%arg13 : memref<32x16xf32, #tpu.memory_space<vmem>>)
      %dma_wait3A_161 = arith.constant 0 : i32
      %dma_wait3A_162 = arith.constant 0 : i32
      %dma_wait3A_163 = tpu.memref_slice %arg4[%dma_wait3A_161, %dma_wait3A_162] : memref<10112x16xf32, #tpu.memory_space<hbm>> -> memref<10112x16xf32, #tpu.memory_space<hbm>>
      tpu.wait_indirect_dma semaphore(%arg18 : memref<!tpu.dma_semaphore, #tpu.memory_space<semaphore_mem>>) src(%dma_wait3A_163 : memref<10112x16xf32, #tpu.memory_space<hbm>>) dst(%arg14 : memref<32x16xf32, #tpu.memory_space<vmem>>)
      %scan3A_164 = arith.constant 0 : i32
      %scan3A_165 = arith.constant 0 : i32
      %scan3A_166 = arith.constant 32 : i32
      %scan3A_167 = arith.addi %scan3A_165, %scan3A_166 : i32
      %scan3A_168 = arith.constant 1 : i32
      %scan3A_169 = scf.for %scan3A_198 = %scan3A_165 to %scan3A_167 step %scan3A_168 iter_args(%scan3A_199 = %scan3A_164) -> (i32)  : i32 {
        %get3A_200 = arith.index_cast %scan3A_198 : i32 to index
        %get3A_201 = arith.constant 0 : index
        %get3A_202 = tpu.vector_load %arg13[%get3A_200, %get3A_201] {strides = array<i32>} : memref<32x16xf32, #tpu.memory_space<vmem>>, vector<1x16xf32>,
        %get3A_203 = vector.shape_cast %get3A_202 : vector<1x16xf32> to vector<16xf32>
        %get3A_204 = arith.index_cast %scan3A_198 : i32 to index
        %get3A_205 = arith.constant 0 : index
        %get3A_206 = tpu.vector_load %arg14[%get3A_204, %get3A_205] {strides = array<i32>} : memref<32x16xf32, #tpu.memory_space<vmem>>, vector<1x16xf32>,
        %get3A_207 = vector.shape_cast %get3A_206 : vector<1x16xf32> to vector<16xf32>
        %add3A_208 = arith.addf %get3A_203, %get3A_207 : vector<16xf32>
        %mul3A_209 = arith.constant 2.000000e-01 : f32
        %mul3A_210 = vector.broadcast %mul3A_209 : f32 to vector<16xf32>
        %mul3A_211 = arith.mulf %mul3A_210, %add3A_208 : vector<16xf32>
        %max3A = arith.maximumf %add3A_208, %mul3A_211 : vector<16xf32>
        %exp3A = math.exp %max3A : vector<16xf32>
        %swap3A_212 = arith.index_cast %scan3A_198 : i32 to index
        %swap3A_213 = arith.constant 0 : index
        %swap3A_214 = tpu.vector_load %arg15[%swap3A_212, %swap3A_213] {strides = array<i32>} : memref<32x16xf32, #tpu.memory_space<vmem>>, vector<1x16xf32>,
        %swap3A_215 = vector.shape_cast %swap3A_214 : vector<1x16xf32> to vector<16xf32>
        %swap3A_216 = vector.shape_cast %exp3A : vector<16xf32> to vector<1x16xf32>
        tpu.vector_store %arg15[%swap3A_212, %swap3A_213], %swap3A_216 {strides = array<i32>} : memref<32x16xf32, #tpu.memory_space<vmem>>, vector<1x16xf32>,
        %mul3A_217 = arith.constant 10 : i32
        %mul3A_218 = arith.muli %arg0, %mul3A_217 : i32
        %add3A_219 = arith.constant 0 : i32
        %add3A_220 = arith.addi %mul3A_218, %add3A_219 : i32
        %jit3A = arith.constant 4 : i32
        %div3A = arith.divsi %add3A_220, %jit3A : i32
        %sign3A = arith.constant 0 : i32
        %sign3A_221 = arith.cmpi sgt, %add3A_220, %sign3A : i32
        %sign3A_222 = arith.extui %sign3A_221 : i1 to i32
        %sign3A_223 = arith.constant 0 : i32
        %sign3A_224 = arith.cmpi slt, %add3A_220, %sign3A_223 : i32
        %sign3A_225 = arith.extui %sign3A_224 : i1 to i32
        %sign3A_226 = arith.subi %sign3A_222, %sign3A_225 : i32
        %sign3A_227 = arith.constant 0 : i32
        %sign3A_228 = arith.cmpi sgt, %jit3A, %sign3A_227 : i32
        %sign3A_229 = arith.extui %sign3A_228 : i1 to i32
        %sign3A_230 = arith.constant 0 : i32
        %sign3A_231 = arith.cmpi slt, %jit3A, %sign3A_230 : i32
        %sign3A_232 = arith.extui %sign3A_231 : i1 to i32
        %sign3A_233 = arith.subi %sign3A_229, %sign3A_232 : i32
        %ne3A = arith.cmpi ne, %sign3A_226, %sign3A_233 : i32
        %rem3A = arith.remsi %add3A_220, %jit3A : i32
        %ne3A_234 = arith.constant 0 : i32
        %ne3A_235 = arith.cmpi ne, %rem3A, %ne3A_234 : i32
        %and3A = arith.andi %ne3A, %ne3A_235 : i1
        %sub3A = arith.constant 1 : i32
        %sub3A_236 = arith.subi %div3A, %sub3A : i32
        %select_n3A = arith.select %and3A, %sub3A_236, %div3A : i32
        %broadcast_in_dim3A_237 = vector.broadcast %select_n3A : i32 to vector<16xi32>
        %broadcast_in_dim3A_238 = vector.shape_cast %broadcast_in_dim3A_237 : vector<16xi32> to vector<16x1xi32>
        %gather3A = vector.shape_cast %broadcast_in_dim3A_238 : vector<16x1xi32> to vector<16xi32>
        %gather3A_239 = tpu.dynamic_gather %exp3A[%gather3A] in [0] : vector<16xf32>, vector<16xi32> -> vector<16xf32>
        %get3A_240 = arith.index_cast %scan3A_198 : i32 to index
        %get3A_241 = arith.constant 0 : index
        %get3A_242 = tpu.vector_load %arg12[%get3A_240, %get3A_241] {strides = array<i32>} : memref<32x160xf32, #tpu.memory_space<vmem>>, vector<1x16xf32>,
        %get3A_243 = vector.shape_cast %get3A_242 : vector<1x16xf32> to vector<16xf32>
        %mul3A_244 = arith.mulf %get3A_243, %gather3A_239 : vector<16xf32>
        %swap3A_245 = arith.index_cast %scan3A_198 : i32 to index
        %swap3A_246 = arith.constant 0 : index
        %swap3A_247 = tpu.vector_load %arg12[%swap3A_245, %swap3A_246] {strides = array<i32>} : memref<32x160xf32, #tpu.memory_space<vmem>>, vector<1x16xf32>,
        %swap3A_248 = vector.shape_cast %swap3A_247 : vector<1x16xf32> to vector<16xf32>
        %swap3A_249 = vector.shape_cast %mul3A_244 : vector<16xf32> to vector<1x16xf32>
        tpu.vector_store %arg12[%swap3A_245, %swap3A_246], %swap3A_249 {strides = array<i32>} : memref<32x160xf32, #tpu.memory_space<vmem>>, vector<1x16xf32>,
        %mul3A_250 = arith.constant 10 : i32
        %mul3A_251 = arith.muli %arg0, %mul3A_250 : i32
        %add3A_252 = arith.constant 1 : i32
        %add3A_253 = arith.addi %mul3A_251, %add3A_252 : i32
        %jit3A_254 = arith.constant 4 : i32
        %div3A_255 = arith.divsi %add3A_253, %jit3A_254 : i32
        %sign3A_256 = arith.constant 0 : i32
        %sign3A_257 = arith.cmpi sgt, %add3A_253, %sign3A_256 : i32
        %sign3A_258 = arith.extui %sign3A_257 : i1 to i32
        %sign3A_259 = arith.constant 0 : i32
        %sign3A_260 = arith.cmpi slt, %add3A_253, %sign3A_259 : i32
        %sign3A_261 = arith.extui %sign3A_260 : i1 to i32
        %sign3A_262 = arith.subi %sign3A_258, %sign3A_261 : i32
        %sign3A_263 = arith.constant 0 : i32
        %sign3A_264 = arith.cmpi sgt, %jit3A_254, %sign3A_263 : i32
        %sign3A_265 = arith.extui %sign3A_264 : i1 to i32
        %sign3A_266 = arith.constant 0 : i32
        %sign3A_267 = arith.cmpi slt, %jit3A_254, %sign3A_266 : i32
        %sign3A_268 = arith.extui %sign3A_267 : i1 to i32
        %sign3A_269 = arith.subi %sign3A_265, %sign3A_268 : i32
        %ne3A_270 = arith.cmpi ne, %sign3A_262, %sign3A_269 : i32
        %rem3A_271 = arith.remsi %add3A_253, %jit3A_254 : i32
        %ne3A_272 = arith.constant 0 : i32
        %ne3A_273 = arith.cmpi ne, %rem3A_271, %ne3A_272 : i32
        %and3A_274 = arith.andi %ne3A_270, %ne3A_273 : i1
        %sub3A_275 = arith.constant 1 : i32
        %sub3A_276 = arith.subi %div3A_255, %sub3A_275 : i32
        %select_n3A_277 = arith.select %and3A_274, %sub3A_276, %div3A_255 : i32
        %broadcast_in_dim3A_278 = vector.broadcast %select_n3A_277 : i32 to vector<16xi32>
        %broadcast_in_dim3A_279 = vector.shape_cast %broadcast_in_dim3A_278 : vector<16xi32> to vector<16x1xi32>
        %gather3A_280 = vector.shape_cast %broadcast_in_dim3A_279 : vector<16x1xi32> to vector<16xi32>
        %gather3A_281 = tpu.dynamic_gather %exp3A[%gather3A_280] in [0] : vector<16xf32>, vector<16xi32> -> vector<16xf32>
        %get3A_282 = arith.index_cast %scan3A_198 : i32 to index
        %get3A_283 = arith.constant 16 : index
        %get3A_284 = tpu.vector_load %arg12[%get3A_282, %get3A_283] {strides = array<i32>} : memref<32x160xf32, #tpu.memory_space<vmem>>, vector<1x16xf32>,
        %get3A_285 = vector.shape_cast %get3A_284 : vector<1x16xf32> to vector<16xf32>
        %mul3A_286 = arith.mulf %get3A_285, %gather3A_281 : vector<16xf32>
        %swap3A_287 = arith.index_cast %scan3A_198 : i32 to index
        %swap3A_288 = arith.constant 16 : index
        %swap3A_289 = tpu.vector_load %arg12[%swap3A_287, %swap3A_288] {strides = array<i32>} : memref<32x160xf32, #tpu.memory_space<vmem>>, vector<1x16xf32>,
        %swap3A_290 = vector.shape_cast %swap3A_289 : vector<1x16xf32> to vector<16xf32>
        %swap3A_291 = vector.shape_cast %mul3A_286 : vector<16xf32> to vector<1x16xf32>
        tpu.vector_store %arg12[%swap3A_287, %swap3A_288], %swap3A_291 {strides = array<i32>} : memref<32x160xf32, #tpu.memory_space<vmem>>, vector<1x16xf32>,
        %mul3A_292 = arith.constant 10 : i32
        %mul3A_293 = arith.muli %arg0, %mul3A_292 : i32
        %add3A_294 = arith.constant 2 : i32
        %add3A_295 = arith.addi %mul3A_293, %add3A_294 : i32
        %jit3A_296 = arith.constant 4 : i32
        %div3A_297 = arith.divsi %add3A_295, %jit3A_296 : i32
        %sign3A_298 = arith.constant 0 : i32
        %sign3A_299 = arith.cmpi sgt, %add3A_295, %sign3A_298 : i32
        %sign3A_300 = arith.extui %sign3A_299 : i1 to i32
        %sign3A_301 = arith.constant 0 : i32
        %sign3A_302 = arith.cmpi slt, %add3A_295, %sign3A_301 : i32
        %sign3A_303 = arith.extui %sign3A_302 : i1 to i32
        %sign3A_304 = arith.subi %sign3A_300, %sign3A_303 : i32
        %sign3A_305 = arith.constant 0 : i32
        %sign3A_306 = arith.cmpi sgt, %jit3A_296, %sign3A_305 : i32
        %sign3A_307 = arith.extui %sign3A_306 : i1 to i32
        %sign3A_308 = arith.constant 0 : i32
        %sign3A_309 = arith.cmpi slt, %jit3A_296, %sign3A_308 : i32
        %sign3A_310 = arith.extui %sign3A_309 : i1 to i32
        %sign3A_311 = arith.subi %sign3A_307, %sign3A_310 : i32
        %ne3A_312 = arith.cmpi ne, %sign3A_304, %sign3A_311 : i32
        %rem3A_313 = arith.remsi %add3A_295, %jit3A_296 : i32
        %ne3A_314 = arith.constant 0 : i32
        %ne3A_315 = arith.cmpi ne, %rem3A_313, %ne3A_314 : i32
        %and3A_316 = arith.andi %ne3A_312, %ne3A_315 : i1
        %sub3A_317 = arith.constant 1 : i32
        %sub3A_318 = arith.subi %div3A_297, %sub3A_317 : i32
        %select_n3A_319 = arith.select %and3A_316, %sub3A_318, %div3A_297 : i32
        %broadcast_in_dim3A_320 = vector.broadcast %select_n3A_319 : i32 to vector<16xi32>
        %broadcast_in_dim3A_321 = vector.shape_cast %broadcast_in_dim3A_320 : vector<16xi32> to vector<16x1xi32>
        %gather3A_322 = vector.shape_cast %broadcast_in_dim3A_321 : vector<16x1xi32> to vector<16xi32>
        %gather3A_323 = tpu.dynamic_gather %exp3A[%gather3A_322] in [0] : vector<16xf32>, vector<16xi32> -> vector<16xf32>
        %get3A_324 = arith.index_cast %scan3A_198 : i32 to index
        %get3A_325 = arith.constant 32 : index
        %get3A_326 = tpu.vector_load %arg12[%get3A_324, %get3A_325] {strides = array<i32>} : memref<32x160xf32, #tpu.memory_space<vmem>>, vector<1x16xf32>,
        %get3A_327 = vector.shape_cast %get3A_326 : vector<1x16xf32> to vector<16xf32>
        %mul3A_328 = arith.mulf %get3A_327, %gather3A_323 : vector<16xf32>
        %swap3A_329 = arith.index_cast %scan3A_198 : i32 to index
        %swap3A_330 = arith.constant 32 : index
        %swap3A_331 = tpu.vector_load %arg12[%swap3A_329, %swap3A_330] {strides = array<i32>} : memref<32x160xf32, #tpu.memory_space<vmem>>, vector<1x16xf32>,
        %swap3A_332 = vector.shape_cast %swap3A_331 : vector<1x16xf32> to vector<16xf32>
        %swap3A_333 = vector.shape_cast %mul3A_328 : vector<16xf32> to vector<1x16xf32>
        tpu.vector_store %arg12[%swap3A_329, %swap3A_330], %swap3A_333 {strides = array<i32>} : memref<32x160xf32, #tpu.memory_space<vmem>>, vector<1x16xf32>,
        %mul3A_334 = arith.constant 10 : i32
        %mul3A_335 = arith.muli %arg0, %mul3A_334 : i32
        %add3A_336 = arith.constant 3 : i32
        %add3A_337 = arith.addi %mul3A_335, %add3A_336 : i32
        %jit3A_338 = arith.constant 4 : i32
        %div3A_339 = arith.divsi %add3A_337, %jit3A_338 : i32
        %sign3A_340 = arith.constant 0 : i32
        %sign3A_341 = arith.cmpi sgt, %add3A_337, %sign3A_340 : i32
        %sign3A_342 = arith.extui %sign3A_341 : i1 to i32
        %sign3A_343 = arith.constant 0 : i32
        %sign3A_344 = arith.cmpi slt, %add3A_337, %sign3A_343 : i32
        %sign3A_345 = arith.extui %sign3A_344 : i1 to i32
        %sign3A_346 = arith.subi %sign3A_342, %sign3A_345 : i32
        %sign3A_347 = arith.constant 0 : i32
        %sign3A_348 = arith.cmpi sgt, %jit3A_338, %sign3A_347 : i32
        %sign3A_349 = arith.extui %sign3A_348 : i1 to i32
        %sign3A_350 = arith.constant 0 : i32
        %sign3A_351 = arith.cmpi slt, %jit3A_338, %sign3A_350 : i32
        %sign3A_352 = arith.extui %sign3A_351 : i1 to i32
        %sign3A_353 = arith.subi %sign3A_349, %sign3A_352 : i32
        %ne3A_354 = arith.cmpi ne, %sign3A_346, %sign3A_353 : i32
        %rem3A_355 = arith.remsi %add3A_337, %jit3A_338 : i32
        %ne3A_356 = arith.constant 0 : i32
        %ne3A_357 = arith.cmpi ne, %rem3A_355, %ne3A_356 : i32
        %and3A_358 = arith.andi %ne3A_354, %ne3A_357 : i1
        %sub3A_359 = arith.constant 1 : i32
        %sub3A_360 = arith.subi %div3A_339, %sub3A_359 : i32
        %select_n3A_361 = arith.select %and3A_358, %sub3A_360, %div3A_339 : i32
        %broadcast_in_dim3A_362 = vector.broadcast %select_n3A_361 : i32 to vector<16xi32>
        %broadcast_in_dim3A_363 = vector.shape_cast %broadcast_in_dim3A_362 : vector<16xi32> to vector<16x1xi32>
        %gather3A_364 = vector.shape_cast %broadcast_in_dim3A_363 : vector<16x1xi32> to vector<16xi32>
        %gather3A_365 = tpu.dynamic_gather %exp3A[%gather3A_364] in [0] : vector<16xf32>, vector<16xi32> -> vector<16xf32>
        %get3A_366 = arith.index_cast %scan3A_198 : i32 to index
        %get3A_367 = arith.constant 48 : index
        %get3A_368 = tpu.vector_load %arg12[%get3A_366, %get3A_367] {strides = array<i32>} : memref<32x160xf32, #tpu.memory_space<vmem>>, vector<1x16xf32>,
        %get3A_369 = vector.shape_cast %get3A_368 : vector<1x16xf32> to vector<16xf32>
        %mul3A_370 = arith.mulf %get3A_369, %gather3A_365 : vector<16xf32>
        %swap3A_371 = arith.index_cast %scan3A_198 : i32 to index
        %swap3A_372 = arith.constant 48 : index
        %swap3A_373 = tpu.vector_load %arg12[%swap3A_371, %swap3A_372] {strides = array<i32>} : memref<32x160xf32, #tpu.memory_space<vmem>>, vector<1x16xf32>,
        %swap3A_374 = vector.shape_cast %swap3A_373 : vector<1x16xf32> to vector<16xf32>
        %swap3A_375 = vector.shape_cast %mul3A_370 : vector<16xf32> to vector<1x16xf32>
        tpu.vector_store %arg12[%swap3A_371, %swap3A_372], %swap3A_375 {strides = array<i32>} : memref<32x160xf32, #tpu.memory_space<vmem>>, vector<1x16xf32>,
        %mul3A_376 = arith.constant 10 : i32
        %mul3A_377 = arith.muli %arg0, %mul3A_376 : i32
        %add3A_378 = arith.constant 4 : i32
        %add3A_379 = arith.addi %mul3A_377, %add3A_378 : i32
        %jit3A_380 = arith.constant 4 : i32
        %div3A_381 = arith.divsi %add3A_379, %jit3A_380 : i32
        %sign3A_382 = arith.constant 0 : i32
        %sign3A_383 = arith.cmpi sgt, %add3A_379, %sign3A_382 : i32
        %sign3A_384 = arith.extui %sign3A_383 : i1 to i32
        %sign3A_385 = arith.constant 0 : i32
        %sign3A_386 = arith.cmpi slt, %add3A_379, %sign3A_385 : i32
        %sign3A_387 = arith.extui %sign3A_386 : i1 to i32
        %sign3A_388 = arith.subi %sign3A_384, %sign3A_387 : i32
        %sign3A_389 = arith.constant 0 : i32
        %sign3A_390 = arith.cmpi sgt, %jit3A_380, %sign3A_389 : i32
        %sign3A_391 = arith.extui %sign3A_390 : i1 to i32
        %sign3A_392 = arith.constant 0 : i32
        %sign3A_393 = arith.cmpi slt, %jit3A_380, %sign3A_392 : i32
        %sign3A_394 = arith.extui %sign3A_393 : i1 to i32
        %sign3A_395 = arith.subi %sign3A_391, %sign3A_394 : i32
        %ne3A_396 = arith.cmpi ne, %sign3A_388, %sign3A_395 : i32
        %rem3A_397 = arith.remsi %add3A_379, %jit3A_380 : i32
        %ne3A_398 = arith.constant 0 : i32
        %ne3A_399 = arith.cmpi ne, %rem3A_397, %ne3A_398 : i32
        %and3A_400 = arith.andi %ne3A_396, %ne3A_399 : i1
        %sub3A_401 = arith.constant 1 : i32
        %sub3A_402 = arith.subi %div3A_381, %sub3A_401 : i32
        %select_n3A_403 = arith.select %and3A_400, %sub3A_402, %div3A_381 : i32
        %broadcast_in_dim3A_404 = vector.broadcast %select_n3A_403 : i32 to vector<16xi32>
        %broadcast_in_dim3A_405 = vector.shape_cast %broadcast_in_dim3A_404 : vector<16xi32> to vector<16x1xi32>
        %gather3A_406 = vector.shape_cast %broadcast_in_dim3A_405 : vector<16x1xi32> to vector<16xi32>
        %gather3A_407 = tpu.dynamic_gather %exp3A[%gather3A_406] in [0] : vector<16xf32>, vector<16xi32> -> vector<16xf32>
        %get3A_408 = arith.index_cast %scan3A_198 : i32 to index
        %get3A_409 = arith.constant 64 : index
        %get3A_410 = tpu.vector_load %arg12[%get3A_408, %get3A_409] {strides = array<i32>} : memref<32x160xf32, #tpu.memory_space<vmem>>, vector<1x16xf32>,
        %get3A_411 = vector.shape_cast %get3A_410 : vector<1x16xf32> to vector<16xf32>
        %mul3A_412 = arith.mulf %get3A_411, %gather3A_407 : vector<16xf32>
        %swap3A_413 = arith.index_cast %scan3A_198 : i32 to index
        %swap3A_414 = arith.constant 64 : index
        %swap3A_415 = tpu.vector_load %arg12[%swap3A_413, %swap3A_414] {strides = array<i32>} : memref<32x160xf32, #tpu.memory_space<vmem>>, vector<1x16xf32>,
        %swap3A_416 = vector.shape_cast %swap3A_415 : vector<1x16xf32> to vector<16xf32>
        %swap3A_417 = vector.shape_cast %mul3A_412 : vector<16xf32> to vector<1x16xf32>
        tpu.vector_store %arg12[%swap3A_413, %swap3A_414], %swap3A_417 {strides = array<i32>} : memref<32x160xf32, #tpu.memory_space<vmem>>, vector<1x16xf32>,
        %mul3A_418 = arith.constant 10 : i32
        %mul3A_419 = arith.muli %arg0, %mul3A_418 : i32
        %add3A_420 = arith.constant 5 : i32
        %add3A_421 = arith.addi %mul3A_419, %add3A_420 : i32
        %jit3A_422 = arith.constant 4 : i32
        %div3A_423 = arith.divsi %add3A_421, %jit3A_422 : i32
        %sign3A_424 = arith.constant 0 : i32
        %sign3A_425 = arith.cmpi sgt, %add3A_421, %sign3A_424 : i32
        %sign3A_426 = arith.extui %sign3A_425 : i1 to i32
        %sign3A_427 = arith.constant 0 : i32
        %sign3A_428 = arith.cmpi slt, %add3A_421, %sign3A_427 : i32
        %sign3A_429 = arith.extui %sign3A_428 : i1 to i32
        %sign3A_430 = arith.subi %sign3A_426, %sign3A_429 : i32
        %sign3A_431 = arith.constant 0 : i32
        %sign3A_432 = arith.cmpi sgt, %jit3A_422, %sign3A_431 : i32
        %sign3A_433 = arith.extui %sign3A_432 : i1 to i32
        %sign3A_434 = arith.constant 0 : i32
        %sign3A_435 = arith.cmpi slt, %jit3A_422, %sign3A_434 : i32
        %sign3A_436 = arith.extui %sign3A_435 : i1 to i32
        %sign3A_437 = arith.subi %sign3A_433, %sign3A_436 : i32
        %ne3A_438 = arith.cmpi ne, %sign3A_430, %sign3A_437 : i32
        %rem3A_439 = arith.remsi %add3A_421, %jit3A_422 : i32
        %ne3A_440 = arith.constant 0 : i32
        %ne3A_441 = arith.cmpi ne, %rem3A_439, %ne3A_440 : i32
        %and3A_442 = arith.andi %ne3A_438, %ne3A_441 : i1
        %sub3A_443 = arith.constant 1 : i32
        %sub3A_444 = arith.subi %div3A_423, %sub3A_443 : i32
        %select_n3A_445 = arith.select %and3A_442, %sub3A_444, %div3A_423 : i32
        %broadcast_in_dim3A_446 = vector.broadcast %select_n3A_445 : i32 to vector<16xi32>
        %broadcast_in_dim3A_447 = vector.shape_cast %broadcast_in_dim3A_446 : vector<16xi32> to vector<16x1xi32>
        %gather3A_448 = vector.shape_cast %broadcast_in_dim3A_447 : vector<16x1xi32> to vector<16xi32>
        %gather3A_449 = tpu.dynamic_gather %exp3A[%gather3A_448] in [0] : vector<16xf32>, vector<16xi32> -> vector<16xf32>
        %get3A_450 = arith.index_cast %scan3A_198 : i32 to index
        %get3A_451 = arith.constant 80 : index
        %get3A_452 = tpu.vector_load %arg12[%get3A_450, %get3A_451] {strides = array<i32>} : memref<32x160xf32, #tpu.memory_space<vmem>>, vector<1x16xf32>,
        %get3A_453 = vector.shape_cast %get3A_452 : vector<1x16xf32> to vector<16xf32>
        %mul3A_454 = arith.mulf %get3A_453, %gather3A_449 : vector<16xf32>
        %swap3A_455 = arith.index_cast %scan3A_198 : i32 to index
        %swap3A_456 = arith.constant 80 : index
        %swap3A_457 = tpu.vector_load %arg12[%swap3A_455, %swap3A_456] {strides = array<i32>} : memref<32x160xf32, #tpu.memory_space<vmem>>, vector<1x16xf32>,
        %swap3A_458 = vector.shape_cast %swap3A_457 : vector<1x16xf32> to vector<16xf32>
        %swap3A_459 = vector.shape_cast %mul3A_454 : vector<16xf32> to vector<1x16xf32>
        tpu.vector_store %arg12[%swap3A_455, %swap3A_456], %swap3A_459 {strides = array<i32>} : memref<32x160xf32, #tpu.memory_space<vmem>>, vector<1x16xf32>,
        %mul3A_460 = arith.constant 10 : i32
        %mul3A_461 = arith.muli %arg0, %mul3A_460 : i32
        %add3A_462 = arith.constant 6 : i32
        %add3A_463 = arith.addi %mul3A_461, %add3A_462 : i32
        %jit3A_464 = arith.constant 4 : i32
        %div3A_465 = arith.divsi %add3A_463, %jit3A_464 : i32
        %sign3A_466 = arith.constant 0 : i32
        %sign3A_467 = arith.cmpi sgt, %add3A_463, %sign3A_466 : i32
        %sign3A_468 = arith.extui %sign3A_467 : i1 to i32
        %sign3A_469 = arith.constant 0 : i32
        %sign3A_470 = arith.cmpi slt, %add3A_463, %sign3A_469 : i32
        %sign3A_471 = arith.extui %sign3A_470 : i1 to i32
        %sign3A_472 = arith.subi %sign3A_468, %sign3A_471 : i32
        %sign3A_473 = arith.constant 0 : i32
        %sign3A_474 = arith.cmpi sgt, %jit3A_464, %sign3A_473 : i32
        %sign3A_475 = arith.extui %sign3A_474 : i1 to i32
        %sign3A_476 = arith.constant 0 : i32
        %sign3A_477 = arith.cmpi slt, %jit3A_464, %sign3A_476 : i32
        %sign3A_478 = arith.extui %sign3A_477 : i1 to i32
        %sign3A_479 = arith.subi %sign3A_475, %sign3A_478 : i32
        %ne3A_480 = arith.cmpi ne, %sign3A_472, %sign3A_479 : i32
        %rem3A_481 = arith.remsi %add3A_463, %jit3A_464 : i32
        %ne3A_482 = arith.constant 0 : i32
        %ne3A_483 = arith.cmpi ne, %rem3A_481, %ne3A_482 : i32
        %and3A_484 = arith.andi %ne3A_480, %ne3A_483 : i1
        %sub3A_485 = arith.constant 1 : i32
        %sub3A_486 = arith.subi %div3A_465, %sub3A_485 : i32
        %select_n3A_487 = arith.select %and3A_484, %sub3A_486, %div3A_465 : i32
        %broadcast_in_dim3A_488 = vector.broadcast %select_n3A_487 : i32 to vector<16xi32>
        %broadcast_in_dim3A_489 = vector.shape_cast %broadcast_in_dim3A_488 : vector<16xi32> to vector<16x1xi32>
        %gather3A_490 = vector.shape_cast %broadcast_in_dim3A_489 : vector<16x1xi32> to vector<16xi32>
        %gather3A_491 = tpu.dynamic_gather %exp3A[%gather3A_490] in [0] : vector<16xf32>, vector<16xi32> -> vector<16xf32>
        %get3A_492 = arith.index_cast %scan3A_198 : i32 to index
        %get3A_493 = arith.constant 96 : index
        %get3A_494 = tpu.vector_load %arg12[%get3A_492, %get3A_493] {strides = array<i32>} : memref<32x160xf32, #tpu.memory_space<vmem>>, vector<1x16xf32>,
        %get3A_495 = vector.shape_cast %get3A_494 : vector<1x16xf32> to vector<16xf32>
        %mul3A_496 = arith.mulf %get3A_495, %gather3A_491 : vector<16xf32>
        %swap3A_497 = arith.index_cast %scan3A_198 : i32 to index
        %swap3A_498 = arith.constant 96 : index
        %swap3A_499 = tpu.vector_load %arg12[%swap3A_497, %swap3A_498] {strides = array<i32>} : memref<32x160xf32, #tpu.memory_space<vmem>>, vector<1x16xf32>,
        %swap3A_500 = vector.shape_cast %swap3A_499 : vector<1x16xf32> to vector<16xf32>
        %swap3A_501 = vector.shape_cast %mul3A_496 : vector<16xf32> to vector<1x16xf32>
        tpu.vector_store %arg12[%swap3A_497, %swap3A_498], %swap3A_501 {strides = array<i32>} : memref<32x160xf32, #tpu.memory_space<vmem>>, vector<1x16xf32>,
        %mul3A_502 = arith.constant 10 : i32
        %mul3A_503 = arith.muli %arg0, %mul3A_502 : i32
        %add3A_504 = arith.constant 7 : i32
        %add3A_505 = arith.addi %mul3A_503, %add3A_504 : i32
        %jit3A_506 = arith.constant 4 : i32
        %div3A_507 = arith.divsi %add3A_505, %jit3A_506 : i32
        %sign3A_508 = arith.constant 0 : i32
        %sign3A_509 = arith.cmpi sgt, %add3A_505, %sign3A_508 : i32
        %sign3A_510 = arith.extui %sign3A_509 : i1 to i32
        %sign3A_511 = arith.constant 0 : i32
        %sign3A_512 = arith.cmpi slt, %add3A_505, %sign3A_511 : i32
        %sign3A_513 = arith.extui %sign3A_512 : i1 to i32
        %sign3A_514 = arith.subi %sign3A_510, %sign3A_513 : i32
        %sign3A_515 = arith.constant 0 : i32
        %sign3A_516 = arith.cmpi sgt, %jit3A_506, %sign3A_515 : i32
        %sign3A_517 = arith.extui %sign3A_516 : i1 to i32
        %sign3A_518 = arith.constant 0 : i32
        %sign3A_519 = arith.cmpi slt, %jit3A_506, %sign3A_518 : i32
        %sign3A_520 = arith.extui %sign3A_519 : i1 to i32
        %sign3A_521 = arith.subi %sign3A_517, %sign3A_520 : i32
        %ne3A_522 = arith.cmpi ne, %sign3A_514, %sign3A_521 : i32
        %rem3A_523 = arith.remsi %add3A_505, %jit3A_506 : i32
        %ne3A_524 = arith.constant 0 : i32
        %ne3A_525 = arith.cmpi ne, %rem3A_523, %ne3A_524 : i32
        %and3A_526 = arith.andi %ne3A_522, %ne3A_525 : i1
        %sub3A_527 = arith.constant 1 : i32
        %sub3A_528 = arith.subi %div3A_507, %sub3A_527 : i32
        %select_n3A_529 = arith.select %and3A_526, %sub3A_528, %div3A_507 : i32
        %broadcast_in_dim3A_530 = vector.broadcast %select_n3A_529 : i32 to vector<16xi32>
        %broadcast_in_dim3A_531 = vector.shape_cast %broadcast_in_dim3A_530 : vector<16xi32> to vector<16x1xi32>
        %gather3A_532 = vector.shape_cast %broadcast_in_dim3A_531 : vector<16x1xi32> to vector<16xi32>
        %gather3A_533 = tpu.dynamic_gather %exp3A[%gather3A_532] in [0] : vector<16xf32>, vector<16xi32> -> vector<16xf32>
        %get3A_534 = arith.index_cast %scan3A_198 : i32 to index
        %get3A_535 = arith.constant 112 : index
        %get3A_536 = tpu.vector_load %arg12[%get3A_534, %get3A_535] {strides = array<i32>} : memref<32x160xf32, #tpu.memory_space<vmem>>, vector<1x16xf32>,
        %get3A_537 = vector.shape_cast %get3A_536 : vector<1x16xf32> to vector<16xf32>
        %mul3A_538 = arith.mulf %get3A_537, %gather3A_533 : vector<16xf32>
        %swap3A_539 = arith.index_cast %scan3A_198 : i32 to index
        %swap3A_540 = arith.constant 112 : index
        %swap3A_541 = tpu.vector_load %arg12[%swap3A_539, %swap3A_540] {strides = array<i32>} : memref<32x160xf32, #tpu.memory_space<vmem>>, vector<1x16xf32>,
        %swap3A_542 = vector.shape_cast %swap3A_541 : vector<1x16xf32> to vector<16xf32>
        %swap3A_543 = vector.shape_cast %mul3A_538 : vector<16xf32> to vector<1x16xf32>
        tpu.vector_store %arg12[%swap3A_539, %swap3A_540], %swap3A_543 {strides = array<i32>} : memref<32x160xf32, #tpu.memory_space<vmem>>, vector<1x16xf32>,
        %mul3A_544 = arith.constant 10 : i32
        %mul3A_545 = arith.muli %arg0, %mul3A_544 : i32
        %add3A_546 = arith.constant 8 : i32
        %add3A_547 = arith.addi %mul3A_545, %add3A_546 : i32
        %jit3A_548 = arith.constant 4 : i32
        %div3A_549 = arith.divsi %add3A_547, %jit3A_548 : i32
        %sign3A_550 = arith.constant 0 : i32
        %sign3A_551 = arith.cmpi sgt, %add3A_547, %sign3A_550 : i32
        %sign3A_552 = arith.extui %sign3A_551 : i1 to i32
        %sign3A_553 = arith.constant 0 : i32
        %sign3A_554 = arith.cmpi slt, %add3A_547, %sign3A_553 : i32
        %sign3A_555 = arith.extui %sign3A_554 : i1 to i32
        %sign3A_556 = arith.subi %sign3A_552, %sign3A_555 : i32
        %sign3A_557 = arith.constant 0 : i32
        %sign3A_558 = arith.cmpi sgt, %jit3A_548, %sign3A_557 : i32
        %sign3A_559 = arith.extui %sign3A_558 : i1 to i32
        %sign3A_560 = arith.constant 0 : i32
        %sign3A_561 = arith.cmpi slt, %jit3A_548, %sign3A_560 : i32
        %sign3A_562 = arith.extui %sign3A_561 : i1 to i32
        %sign3A_563 = arith.subi %sign3A_559, %sign3A_562 : i32
        %ne3A_564 = arith.cmpi ne, %sign3A_556, %sign3A_563 : i32
        %rem3A_565 = arith.remsi %add3A_547, %jit3A_548 : i32
        %ne3A_566 = arith.constant 0 : i32
        %ne3A_567 = arith.cmpi ne, %rem3A_565, %ne3A_566 : i32
        %and3A_568 = arith.andi %ne3A_564, %ne3A_567 : i1
        %sub3A_569 = arith.constant 1 : i32
        %sub3A_570 = arith.subi %div3A_549, %sub3A_569 : i32
        %select_n3A_571 = arith.select %and3A_568, %sub3A_570, %div3A_549 : i32
        %broadcast_in_dim3A_572 = vector.broadcast %select_n3A_571 : i32 to vector<16xi32>
        %broadcast_in_dim3A_573 = vector.shape_cast %broadcast_in_dim3A_572 : vector<16xi32> to vector<16x1xi32>
        %gather3A_574 = vector.shape_cast %broadcast_in_dim3A_573 : vector<16x1xi32> to vector<16xi32>
        %gather3A_575 = tpu.dynamic_gather %exp3A[%gather3A_574] in [0] : vector<16xf32>, vector<16xi32> -> vector<16xf32>
        %get3A_576 = arith.index_cast %scan3A_198 : i32 to index
        %get3A_577 = arith.constant 128 : index
        %get3A_578 = tpu.vector_load %arg12[%get3A_576, %get3A_577] {strides = array<i32>} : memref<32x160xf32, #tpu.memory_space<vmem>>, vector<1x16xf32>,
        %get3A_579 = vector.shape_cast %get3A_578 : vector<1x16xf32> to vector<16xf32>
        %mul3A_580 = arith.mulf %get3A_579, %gather3A_575 : vector<16xf32>
        %swap3A_581 = arith.index_cast %scan3A_198 : i32 to index
        %swap3A_582 = arith.constant 128 : index
        %swap3A_583 = tpu.vector_load %arg12[%swap3A_581, %swap3A_582] {strides = array<i32>} : memref<32x160xf32, #tpu.memory_space<vmem>>, vector<1x16xf32>,
        %swap3A_584 = vector.shape_cast %swap3A_583 : vector<1x16xf32> to vector<16xf32>
        %swap3A_585 = vector.shape_cast %mul3A_580 : vector<16xf32> to vector<1x16xf32>
        tpu.vector_store %arg12[%swap3A_581, %swap3A_582], %swap3A_585 {strides = array<i32>} : memref<32x160xf32, #tpu.memory_space<vmem>>, vector<1x16xf32>,
        %mul3A_586 = arith.constant 10 : i32
        %mul3A_587 = arith.muli %arg0, %mul3A_586 : i32
        %add3A_588 = arith.constant 9 : i32
        %add3A_589 = arith.addi %mul3A_587, %add3A_588 : i32
        %jit3A_590 = arith.constant 4 : i32
        %div3A_591 = arith.divsi %add3A_589, %jit3A_590 : i32
        %sign3A_592 = arith.constant 0 : i32
        %sign3A_593 = arith.cmpi sgt, %add3A_589, %sign3A_592 : i32
        %sign3A_594 = arith.extui %sign3A_593 : i1 to i32
        %sign3A_595 = arith.constant 0 : i32
        %sign3A_596 = arith.cmpi slt, %add3A_589, %sign3A_595 : i32
        %sign3A_597 = arith.extui %sign3A_596 : i1 to i32
        %sign3A_598 = arith.subi %sign3A_594, %sign3A_597 : i32
        %sign3A_599 = arith.constant 0 : i32
        %sign3A_600 = arith.cmpi sgt, %jit3A_590, %sign3A_599 : i32
        %sign3A_601 = arith.extui %sign3A_600 : i1 to i32
        %sign3A_602 = arith.constant 0 : i32
        %sign3A_603 = arith.cmpi slt, %jit3A_590, %sign3A_602 : i32
        %sign3A_604 = arith.extui %sign3A_603 : i1 to i32
        %sign3A_605 = arith.subi %sign3A_601, %sign3A_604 : i32
        %ne3A_606 = arith.cmpi ne, %sign3A_598, %sign3A_605 : i32
        %rem3A_607 = arith.remsi %add3A_589, %jit3A_590 : i32
        %ne3A_608 = arith.constant 0 : i32
        %ne3A_609 = arith.cmpi ne, %rem3A_607, %ne3A_608 : i32
        %and3A_610 = arith.andi %ne3A_606, %ne3A_609 : i1
        %sub3A_611 = arith.constant 1 : i32
        %sub3A_612 = arith.subi %div3A_591, %sub3A_611 : i32
        %select_n3A_613 = arith.select %and3A_610, %sub3A_612, %div3A_591 : i32
        %broadcast_in_dim3A_614 = vector.broadcast %select_n3A_613 : i32 to vector<16xi32>
        %broadcast_in_dim3A_615 = vector.shape_cast %broadcast_in_dim3A_614 : vector<16xi32> to vector<16x1xi32>
        %gather3A_616 = vector.shape_cast %broadcast_in_dim3A_615 : vector<16x1xi32> to vector<16xi32>
        %gather3A_617 = tpu.dynamic_gather %exp3A[%gather3A_616] in [0] : vector<16xf32>, vector<16xi32> -> vector<16xf32>
        %get3A_618 = arith.index_cast %scan3A_198 : i32 to index
        %get3A_619 = arith.constant 144 : index
        %get3A_620 = tpu.vector_load %arg12[%get3A_618, %get3A_619] {strides = array<i32>} : memref<32x160xf32, #tpu.memory_space<vmem>>, vector<1x16xf32>,
        %get3A_621 = vector.shape_cast %get3A_620 : vector<1x16xf32> to vector<16xf32>
        %mul3A_622 = arith.mulf %get3A_621, %gather3A_617 : vector<16xf32>
        %swap3A_623 = arith.index_cast %scan3A_198 : i32 to index
        %swap3A_624 = arith.constant 144 : index
        %swap3A_625 = tpu.vector_load %arg12[%swap3A_623, %swap3A_624] {strides = array<i32>} : memref<32x160xf32, #tpu.memory_space<vmem>>, vector<1x16xf32>,
        %swap3A_626 = vector.shape_cast %swap3A_625 : vector<1x16xf32> to vector<16xf32>
        %swap3A_627 = vector.shape_cast %mul3A_622 : vector<16xf32> to vector<1x16xf32>
        tpu.vector_store %arg12[%swap3A_623, %swap3A_624], %swap3A_627 {strides = array<i32>} : memref<32x160xf32, #tpu.memory_space<vmem>>, vector<1x16xf32>,
        %scan3A_628 = arith.constant 0 : i32
        scf.yield %scan3A_628 : i32
      }
      %scan3A_170 = arith.constant 32 : i32
      "tpu.region"() ({
        %run_scoped3A = tpu.sem_alloc : memref<!tpu.dma_semaphore, #tpu.memory_space<semaphore_mem>>
        %dma_start3A_198 = arith.constant 0 : i32
        %dma_start3A_199 = arith.constant 0 : i32
        %dma_start3A_200 = tpu.memref_slice %arg29[%dma_start3A_198, %dma_start3A_199] : memref<10112x160xf32, #tpu.memory_space<vmem_shared>> -> memref<10112x160xf32, #tpu.memory_space<vmem_shared>>
        tpu.enqueue_indirect_dma source(%arg12 : memref<32x160xf32, #tpu.memory_space<vmem>>) target(%dma_start3A_200 : memref<10112x160xf32, #tpu.memory_space<vmem_shared>>) offsets(%arg11 : memref<32xi32, #tpu.memory_space<vmem>>) semaphore(%run_scoped3A : memref<!tpu.dma_semaphore, #tpu.memory_space<semaphore_mem>>) {add = true}
        %dma_wait3A_201 = arith.constant 0 : i32
        %dma_wait3A_202 = arith.constant 0 : i32
        %dma_wait3A_203 = tpu.memref_slice %arg29[%dma_wait3A_201, %dma_wait3A_202] : memref<10112x160xf32, #tpu.memory_space<vmem_shared>> -> memref<10112x160xf32, #tpu.memory_space<vmem_shared>>
        tpu.wait_indirect_dma semaphore(%run_scoped3A : memref<!tpu.dma_semaphore, #tpu.memory_space<semaphore_mem>>) src(%arg12 : memref<32x160xf32, #tpu.memory_space<vmem>>) dst(%dma_wait3A_203 : memref<10112x160xf32, #tpu.memory_space<vmem_shared>>)
        tpu.yield
      }) : () -> ()
      %eq3A_171 = arith.constant 0 : i32
      %eq3A_172 = arith.cmpi eq, %arg0, %eq3A_171 : i32
      %convert_element_type3A_173 = arith.extui %eq3A_172 : i1 to i32
      %cond3A_174 = arith.constant 0 : i32
      %cond3A_175 = arith.cmpi ne, %convert_element_type3A_173, %cond3A_174 : i32
      scf.if %cond3A_175 {
        "tpu.region"() ({
          %run_scoped3A = tpu.sem_alloc : memref<!tpu.dma_semaphore, #tpu.memory_space<semaphore_mem>>
          %dma_start3A_198 = arith.constant 0 : i32
          %dma_start3A_199 = arith.constant 0 : i32
          %dma_start3A_200 = tpu.memref_slice %arg30[%dma_start3A_198, %dma_start3A_199] : memref<10112x16xf32, #tpu.memory_space<vmem_shared>> -> memref<10112x16xf32, #tpu.memory_space<vmem_shared>>
          tpu.enqueue_indirect_dma source(%arg15 : memref<32x16xf32, #tpu.memory_space<vmem>>) target(%dma_start3A_200 : memref<10112x16xf32, #tpu.memory_space<vmem_shared>>) offsets(%arg11 : memref<32xi32, #tpu.memory_space<vmem>>) semaphore(%run_scoped3A : memref<!tpu.dma_semaphore, #tpu.memory_space<semaphore_mem>>) {add = true}
          %dma_wait3A_201 = arith.constant 0 : i32
          %dma_wait3A_202 = arith.constant 0 : i32
          %dma_wait3A_203 = tpu.memref_slice %arg30[%dma_wait3A_201, %dma_wait3A_202] : memref<10112x16xf32, #tpu.memory_space<vmem_shared>> -> memref<10112x16xf32, #tpu.memory_space<vmem_shared>>
          tpu.wait_indirect_dma semaphore(%run_scoped3A : memref<!tpu.dma_semaphore, #tpu.memory_space<semaphore_mem>>) src(%arg15 : memref<32x16xf32, #tpu.memory_space<vmem>>) dst(%dma_wait3A_203 : memref<10112x16xf32, #tpu.memory_space<vmem_shared>>)
          tpu.yield
        }) : () -> ()
      } else {
      }
      %dma_wait3A_176 = arith.constant 0 : i32
      %dma_wait3A_177 = arith.constant 0 : i32
      %dma_wait3A_178 = tpu.memref_slice %arg2[%dma_wait3A_176, %dma_wait3A_177] : memref<20224x160xf32, #tpu.memory_space<hbm>> -> memref<20224x160xf32, #tpu.memory_space<hbm>>
      tpu.wait_indirect_dma semaphore(%arg26 : memref<!tpu.dma_semaphore, #tpu.memory_space<semaphore_mem>>) src(%dma_wait3A_178 : memref<20224x160xf32, #tpu.memory_space<hbm>>) dst(%arg22 : memref<32x160xf32, #tpu.memory_space<vmem>>)
      %dma_wait3A_179 = arith.constant 0 : i32
      %dma_wait3A_180 = arith.constant 0 : i32
      %dma_wait3A_181 = tpu.memref_slice %arg3[%dma_wait3A_179, %dma_wait3A_180] : memref<20224x16xf32, #tpu.memory_space<hbm>> -> memref<20224x16xf32, #tpu.memory_space<hbm>>
      tpu.wait_indirect_dma semaphore(%arg27 : memref<!tpu.dma_semaphore, #tpu.memory_space<semaphore_mem>>) src(%dma_wait3A_181 : memref<20224x16xf32, #tpu.memory_space<hbm>>) dst(%arg23 : memref<32x16xf32, #tpu.memory_space<vmem>>)
      %dma_wait3A_182 = arith.constant 0 : i32
      %dma_wait3A_183 = arith.constant 0 : i32
      %dma_wait3A_184 = tpu.memref_slice %arg4[%dma_wait3A_182, %dma_wait3A_183] : memref<10112x16xf32, #tpu.memory_space<hbm>> -> memref<10112x16xf32, #tpu.memory_space<hbm>>
      tpu.wait_indirect_dma semaphore(%arg28 : memref<!tpu.dma_semaphore, #tpu.memory_space<semaphore_mem>>) src(%dma_wait3A_184 : memref<10112x16xf32, #tpu.memory_space<hbm>>) dst(%arg24 : memref<32x16xf32, #tpu.memory_space<vmem>>)
      %scan3A_185 = arith.constant 0 : i32
      %scan3A_186 = arith.constant 0 : i32
      %scan3A_187 = arith.constant 32 : i32
      %scan3A_188 = arith.addi %scan3A_186, %scan3A_187 : i32
      %scan3A_189 = arith.constant 1 : i32
      %scan3A_190 = scf.for %scan3A_198 = %scan3A_186 to %scan3A_188 step %scan3A_189 iter_args(%scan3A_199 = %scan3A_185) -> (i32)  : i32 {
        %get3A_200 = arith.index_cast %scan3A_198 : i32 to index
        %get3A_201 = arith.constant 0 : index
        %get3A_202 = tpu.vector_load %arg23[%get3A_200, %get3A_201] {strides = array<i32>} : memref<32x16xf32, #tpu.memory_space<vmem>>, vector<1x16xf32>,
        %get3A_203 = vector.shape_cast %get3A_202 : vector<1x16xf32> to vector<16xf32>
        %get3A_204 = arith.index_cast %scan3A_198 : i32 to index
        %get3A_205 = arith.constant 0 : index
        %get3A_206 = tpu.vector_load %arg24[%get3A_204, %get3A_205] {strides = array<i32>} : memref<32x16xf32, #tpu.memory_space<vmem>>, vector<1x16xf32>,
        %get3A_207 = vector.shape_cast %get3A_206 : vector<1x16xf32> to vector<16xf32>
        %add3A_208 = arith.addf %get3A_203, %get3A_207 : vector<16xf32>
        %mul3A_209 = arith.constant 2.000000e-01 : f32
        %mul3A_210 = vector.broadcast %mul3A_209 : f32 to vector<16xf32>
        %mul3A_211 = arith.mulf %mul3A_210, %add3A_208 : vector<16xf32>
        %max3A = arith.maximumf %add3A_208, %mul3A_211 : vector<16xf32>
        %exp3A = math.exp %max3A : vector<16xf32>
        %swap3A_212 = arith.index_cast %scan3A_198 : i32 to index
        %swap3A_213 = arith.constant 0 : index
        %swap3A_214 = tpu.vector_load %arg25[%swap3A_212, %swap3A_213] {strides = array<i32>} : memref<32x16xf32, #tpu.memory_space<vmem>>, vector<1x16xf32>,
        %swap3A_215 = vector.shape_cast %swap3A_214 : vector<1x16xf32> to vector<16xf32>
        %swap3A_216 = vector.shape_cast %exp3A : vector<16xf32> to vector<1x16xf32>
        tpu.vector_store %arg25[%swap3A_212, %swap3A_213], %swap3A_216 {strides = array<i32>} : memref<32x16xf32, #tpu.memory_space<vmem>>, vector<1x16xf32>,
        %mul3A_217 = arith.constant 10 : i32
        %mul3A_218 = arith.muli %arg0, %mul3A_217 : i32
        %add3A_219 = arith.constant 0 : i32
        %add3A_220 = arith.addi %mul3A_218, %add3A_219 : i32
        %jit3A = arith.constant 4 : i32
        %div3A = arith.divsi %add3A_220, %jit3A : i32
        %sign3A = arith.constant 0 : i32
        %sign3A_221 = arith.cmpi sgt, %add3A_220, %sign3A : i32
        %sign3A_222 = arith.extui %sign3A_221 : i1 to i32
        %sign3A_223 = arith.constant 0 : i32
        %sign3A_224 = arith.cmpi slt, %add3A_220, %sign3A_223 : i32
        %sign3A_225 = arith.extui %sign3A_224 : i1 to i32
        %sign3A_226 = arith.subi %sign3A_222, %sign3A_225 : i32
        %sign3A_227 = arith.constant 0 : i32
        %sign3A_228 = arith.cmpi sgt, %jit3A, %sign3A_227 : i32
        %sign3A_229 = arith.extui %sign3A_228 : i1 to i32
        %sign3A_230 = arith.constant 0 : i32
        %sign3A_231 = arith.cmpi slt, %jit3A, %sign3A_230 : i32
        %sign3A_232 = arith.extui %sign3A_231 : i1 to i32
        %sign3A_233 = arith.subi %sign3A_229, %sign3A_232 : i32
        %ne3A = arith.cmpi ne, %sign3A_226, %sign3A_233 : i32
        %rem3A = arith.remsi %add3A_220, %jit3A : i32
        %ne3A_234 = arith.constant 0 : i32
        %ne3A_235 = arith.cmpi ne, %rem3A, %ne3A_234 : i32
        %and3A = arith.andi %ne3A, %ne3A_235 : i1
        %sub3A = arith.constant 1 : i32
        %sub3A_236 = arith.subi %div3A, %sub3A : i32
        %select_n3A = arith.select %and3A, %sub3A_236, %div3A : i32
        %broadcast_in_dim3A_237 = vector.broadcast %select_n3A : i32 to vector<16xi32>
        %broadcast_in_dim3A_238 = vector.shape_cast %broadcast_in_dim3A_237 : vector<16xi32> to vector<16x1xi32>
        %gather3A = vector.shape_cast %broadcast_in_dim3A_238 : vector<16x1xi32> to vector<16xi32>
        %gather3A_239 = tpu.dynamic_gather %exp3A[%gather3A] in [0] : vector<16xf32>, vector<16xi32> -> vector<16xf32>
        %get3A_240 = arith.index_cast %scan3A_198 : i32 to index
        %get3A_241 = arith.constant 0 : index
        %get3A_242 = tpu.vector_load %arg22[%get3A_240, %get3A_241] {strides = array<i32>} : memref<32x160xf32, #tpu.memory_space<vmem>>, vector<1x16xf32>,
        %get3A_243 = vector.shape_cast %get3A_242 : vector<1x16xf32> to vector<16xf32>
        %mul3A_244 = arith.mulf %get3A_243, %gather3A_239 : vector<16xf32>
        %swap3A_245 = arith.index_cast %scan3A_198 : i32 to index
        %swap3A_246 = arith.constant 0 : index
        %swap3A_247 = tpu.vector_load %arg22[%swap3A_245, %swap3A_246] {strides = array<i32>} : memref<32x160xf32, #tpu.memory_space<vmem>>, vector<1x16xf32>,
        %swap3A_248 = vector.shape_cast %swap3A_247 : vector<1x16xf32> to vector<16xf32>
        %swap3A_249 = vector.shape_cast %mul3A_244 : vector<16xf32> to vector<1x16xf32>
        tpu.vector_store %arg22[%swap3A_245, %swap3A_246], %swap3A_249 {strides = array<i32>} : memref<32x160xf32, #tpu.memory_space<vmem>>, vector<1x16xf32>,
        %mul3A_250 = arith.constant 10 : i32
        %mul3A_251 = arith.muli %arg0, %mul3A_250 : i32
        %add3A_252 = arith.constant 1 : i32
        %add3A_253 = arith.addi %mul3A_251, %add3A_252 : i32
        %jit3A_254 = arith.constant 4 : i32
        %div3A_255 = arith.divsi %add3A_253, %jit3A_254 : i32
        %sign3A_256 = arith.constant 0 : i32
        %sign3A_257 = arith.cmpi sgt, %add3A_253, %sign3A_256 : i32
        %sign3A_258 = arith.extui %sign3A_257 : i1 to i32
        %sign3A_259 = arith.constant 0 : i32
        %sign3A_260 = arith.cmpi slt, %add3A_253, %sign3A_259 : i32
        %sign3A_261 = arith.extui %sign3A_260 : i1 to i32
        %sign3A_262 = arith.subi %sign3A_258, %sign3A_261 : i32
        %sign3A_263 = arith.constant 0 : i32
        %sign3A_264 = arith.cmpi sgt, %jit3A_254, %sign3A_263 : i32
        %sign3A_265 = arith.extui %sign3A_264 : i1 to i32
        %sign3A_266 = arith.constant 0 : i32
        %sign3A_267 = arith.cmpi slt, %jit3A_254, %sign3A_266 : i32
        %sign3A_268 = arith.extui %sign3A_267 : i1 to i32
        %sign3A_269 = arith.subi %sign3A_265, %sign3A_268 : i32
        %ne3A_270 = arith.cmpi ne, %sign3A_262, %sign3A_269 : i32
        %rem3A_271 = arith.remsi %add3A_253, %jit3A_254 : i32
        %ne3A_272 = arith.constant 0 : i32
        %ne3A_273 = arith.cmpi ne, %rem3A_271, %ne3A_272 : i32
        %and3A_274 = arith.andi %ne3A_270, %ne3A_273 : i1
        %sub3A_275 = arith.constant 1 : i32
        %sub3A_276 = arith.subi %div3A_255, %sub3A_275 : i32
        %select_n3A_277 = arith.select %and3A_274, %sub3A_276, %div3A_255 : i32
        %broadcast_in_dim3A_278 = vector.broadcast %select_n3A_277 : i32 to vector<16xi32>
        %broadcast_in_dim3A_279 = vector.shape_cast %broadcast_in_dim3A_278 : vector<16xi32> to vector<16x1xi32>
        %gather3A_280 = vector.shape_cast %broadcast_in_dim3A_279 : vector<16x1xi32> to vector<16xi32>
        %gather3A_281 = tpu.dynamic_gather %exp3A[%gather3A_280] in [0] : vector<16xf32>, vector<16xi32> -> vector<16xf32>
        %get3A_282 = arith.index_cast %scan3A_198 : i32 to index
        %get3A_283 = arith.constant 16 : index
        %get3A_284 = tpu.vector_load %arg22[%get3A_282, %get3A_283] {strides = array<i32>} : memref<32x160xf32, #tpu.memory_space<vmem>>, vector<1x16xf32>,
        %get3A_285 = vector.shape_cast %get3A_284 : vector<1x16xf32> to vector<16xf32>
        %mul3A_286 = arith.mulf %get3A_285, %gather3A_281 : vector<16xf32>
        %swap3A_287 = arith.index_cast %scan3A_198 : i32 to index
        %swap3A_288 = arith.constant 16 : index
        %swap3A_289 = tpu.vector_load %arg22[%swap3A_287, %swap3A_288] {strides = array<i32>} : memref<32x160xf32, #tpu.memory_space<vmem>>, vector<1x16xf32>,
        %swap3A_290 = vector.shape_cast %swap3A_289 : vector<1x16xf32> to vector<16xf32>
        %swap3A_291 = vector.shape_cast %mul3A_286 : vector<16xf32> to vector<1x16xf32>
        tpu.vector_store %arg22[%swap3A_287, %swap3A_288], %swap3A_291 {strides = array<i32>} : memref<32x160xf32, #tpu.memory_space<vmem>>, vector<1x16xf32>,
        %mul3A_292 = arith.constant 10 : i32
        %mul3A_293 = arith.muli %arg0, %mul3A_292 : i32
        %add3A_294 = arith.constant 2 : i32
        %add3A_295 = arith.addi %mul3A_293, %add3A_294 : i32
        %jit3A_296 = arith.constant 4 : i32
        %div3A_297 = arith.divsi %add3A_295, %jit3A_296 : i32
        %sign3A_298 = arith.constant 0 : i32
        %sign3A_299 = arith.cmpi sgt, %add3A_295, %sign3A_298 : i32
        %sign3A_300 = arith.extui %sign3A_299 : i1 to i32
        %sign3A_301 = arith.constant 0 : i32
        %sign3A_302 = arith.cmpi slt, %add3A_295, %sign3A_301 : i32
        %sign3A_303 = arith.extui %sign3A_302 : i1 to i32
        %sign3A_304 = arith.subi %sign3A_300, %sign3A_303 : i32
        %sign3A_305 = arith.constant 0 : i32
        %sign3A_306 = arith.cmpi sgt, %jit3A_296, %sign3A_305 : i32
        %sign3A_307 = arith.extui %sign3A_306 : i1 to i32
        %sign3A_308 = arith.constant 0 : i32
        %sign3A_309 = arith.cmpi slt, %jit3A_296, %sign3A_308 : i32
        %sign3A_310 = arith.extui %sign3A_309 : i1 to i32
        %sign3A_311 = arith.subi %sign3A_307, %sign3A_310 : i32
        %ne3A_312 = arith.cmpi ne, %sign3A_304, %sign3A_311 : i32
        %rem3A_313 = arith.remsi %add3A_295, %jit3A_296 : i32
        %ne3A_314 = arith.constant 0 : i32
        %ne3A_315 = arith.cmpi ne, %rem3A_313, %ne3A_314 : i32
        %and3A_316 = arith.andi %ne3A_312, %ne3A_315 : i1
        %sub3A_317 = arith.constant 1 : i32
        %sub3A_318 = arith.subi %div3A_297, %sub3A_317 : i32
        %select_n3A_319 = arith.select %and3A_316, %sub3A_318, %div3A_297 : i32
        %broadcast_in_dim3A_320 = vector.broadcast %select_n3A_319 : i32 to vector<16xi32>
        %broadcast_in_dim3A_321 = vector.shape_cast %broadcast_in_dim3A_320 : vector<16xi32> to vector<16x1xi32>
        %gather3A_322 = vector.shape_cast %broadcast_in_dim3A_321 : vector<16x1xi32> to vector<16xi32>
        %gather3A_323 = tpu.dynamic_gather %exp3A[%gather3A_322] in [0] : vector<16xf32>, vector<16xi32> -> vector<16xf32>
        %get3A_324 = arith.index_cast %scan3A_198 : i32 to index
        %get3A_325 = arith.constant 32 : index
        %get3A_326 = tpu.vector_load %arg22[%get3A_324, %get3A_325] {strides = array<i32>} : memref<32x160xf32, #tpu.memory_space<vmem>>, vector<1x16xf32>,
        %get3A_327 = vector.shape_cast %get3A_326 : vector<1x16xf32> to vector<16xf32>
        %mul3A_328 = arith.mulf %get3A_327, %gather3A_323 : vector<16xf32>
        %swap3A_329 = arith.index_cast %scan3A_198 : i32 to index
        %swap3A_330 = arith.constant 32 : index
        %swap3A_331 = tpu.vector_load %arg22[%swap3A_329, %swap3A_330] {strides = array<i32>} : memref<32x160xf32, #tpu.memory_space<vmem>>, vector<1x16xf32>,
        %swap3A_332 = vector.shape_cast %swap3A_331 : vector<1x16xf32> to vector<16xf32>
        %swap3A_333 = vector.shape_cast %mul3A_328 : vector<16xf32> to vector<1x16xf32>
        tpu.vector_store %arg22[%swap3A_329, %swap3A_330], %swap3A_333 {strides = array<i32>} : memref<32x160xf32, #tpu.memory_space<vmem>>, vector<1x16xf32>,
        %mul3A_334 = arith.constant 10 : i32
        %mul3A_335 = arith.muli %arg0, %mul3A_334 : i32
        %add3A_336 = arith.constant 3 : i32
        %add3A_337 = arith.addi %mul3A_335, %add3A_336 : i32
        %jit3A_338 = arith.constant 4 : i32
        %div3A_339 = arith.divsi %add3A_337, %jit3A_338 : i32
        %sign3A_340 = arith.constant 0 : i32
        %sign3A_341 = arith.cmpi sgt, %add3A_337, %sign3A_340 : i32
        %sign3A_342 = arith.extui %sign3A_341 : i1 to i32
        %sign3A_343 = arith.constant 0 : i32
        %sign3A_344 = arith.cmpi slt, %add3A_337, %sign3A_343 : i32
        %sign3A_345 = arith.extui %sign3A_344 : i1 to i32
        %sign3A_346 = arith.subi %sign3A_342, %sign3A_345 : i32
        %sign3A_347 = arith.constant 0 : i32
        %sign3A_348 = arith.cmpi sgt, %jit3A_338, %sign3A_347 : i32
        %sign3A_349 = arith.extui %sign3A_348 : i1 to i32
        %sign3A_350 = arith.constant 0 : i32
        %sign3A_351 = arith.cmpi slt, %jit3A_338, %sign3A_350 : i32
        %sign3A_352 = arith.extui %sign3A_351 : i1 to i32
        %sign3A_353 = arith.subi %sign3A_349, %sign3A_352 : i32
        %ne3A_354 = arith.cmpi ne, %sign3A_346, %sign3A_353 : i32
        %rem3A_355 = arith.remsi %add3A_337, %jit3A_338 : i32
        %ne3A_356 = arith.constant 0 : i32
        %ne3A_357 = arith.cmpi ne, %rem3A_355, %ne3A_356 : i32
        %and3A_358 = arith.andi %ne3A_354, %ne3A_357 : i1
        %sub3A_359 = arith.constant 1 : i32
        %sub3A_360 = arith.subi %div3A_339, %sub3A_359 : i32
        %select_n3A_361 = arith.select %and3A_358, %sub3A_360, %div3A_339 : i32
        %broadcast_in_dim3A_362 = vector.broadcast %select_n3A_361 : i32 to vector<16xi32>
        %broadcast_in_dim3A_363 = vector.shape_cast %broadcast_in_dim3A_362 : vector<16xi32> to vector<16x1xi32>
        %gather3A_364 = vector.shape_cast %broadcast_in_dim3A_363 : vector<16x1xi32> to vector<16xi32>
        %gather3A_365 = tpu.dynamic_gather %exp3A[%gather3A_364] in [0] : vector<16xf32>, vector<16xi32> -> vector<16xf32>
        %get3A_366 = arith.index_cast %scan3A_198 : i32 to index
        %get3A_367 = arith.constant 48 : index
        %get3A_368 = tpu.vector_load %arg22[%get3A_366, %get3A_367] {strides = array<i32>} : memref<32x160xf32, #tpu.memory_space<vmem>>, vector<1x16xf32>,
        %get3A_369 = vector.shape_cast %get3A_368 : vector<1x16xf32> to vector<16xf32>
        %mul3A_370 = arith.mulf %get3A_369, %gather3A_365 : vector<16xf32>
        %swap3A_371 = arith.index_cast %scan3A_198 : i32 to index
        %swap3A_372 = arith.constant 48 : index
        %swap3A_373 = tpu.vector_load %arg22[%swap3A_371, %swap3A_372] {strides = array<i32>} : memref<32x160xf32, #tpu.memory_space<vmem>>, vector<1x16xf32>,
        %swap3A_374 = vector.shape_cast %swap3A_373 : vector<1x16xf32> to vector<16xf32>
        %swap3A_375 = vector.shape_cast %mul3A_370 : vector<16xf32> to vector<1x16xf32>
        tpu.vector_store %arg22[%swap3A_371, %swap3A_372], %swap3A_375 {strides = array<i32>} : memref<32x160xf32, #tpu.memory_space<vmem>>, vector<1x16xf32>,
        %mul3A_376 = arith.constant 10 : i32
        %mul3A_377 = arith.muli %arg0, %mul3A_376 : i32
        %add3A_378 = arith.constant 4 : i32
        %add3A_379 = arith.addi %mul3A_377, %add3A_378 : i32
        %jit3A_380 = arith.constant 4 : i32
        %div3A_381 = arith.divsi %add3A_379, %jit3A_380 : i32
        %sign3A_382 = arith.constant 0 : i32
        %sign3A_383 = arith.cmpi sgt, %add3A_379, %sign3A_382 : i32
        %sign3A_384 = arith.extui %sign3A_383 : i1 to i32
        %sign3A_385 = arith.constant 0 : i32
        %sign3A_386 = arith.cmpi slt, %add3A_379, %sign3A_385 : i32
        %sign3A_387 = arith.extui %sign3A_386 : i1 to i32
        %sign3A_388 = arith.subi %sign3A_384, %sign3A_387 : i32
        %sign3A_389 = arith.constant 0 : i32
        %sign3A_390 = arith.cmpi sgt, %jit3A_380, %sign3A_389 : i32
        %sign3A_391 = arith.extui %sign3A_390 : i1 to i32
        %sign3A_392 = arith.constant 0 : i32
        %sign3A_393 = arith.cmpi slt, %jit3A_380, %sign3A_392 : i32
        %sign3A_394 = arith.extui %sign3A_393 : i1 to i32
        %sign3A_395 = arith.subi %sign3A_391, %sign3A_394 : i32
        %ne3A_396 = arith.cmpi ne, %sign3A_388, %sign3A_395 : i32
        %rem3A_397 = arith.remsi %add3A_379, %jit3A_380 : i32
        %ne3A_398 = arith.constant 0 : i32
        %ne3A_399 = arith.cmpi ne, %rem3A_397, %ne3A_398 : i32
        %and3A_400 = arith.andi %ne3A_396, %ne3A_399 : i1
        %sub3A_401 = arith.constant 1 : i32
        %sub3A_402 = arith.subi %div3A_381, %sub3A_401 : i32
        %select_n3A_403 = arith.select %and3A_400, %sub3A_402, %div3A_381 : i32
        %broadcast_in_dim3A_404 = vector.broadcast %select_n3A_403 : i32 to vector<16xi32>
        %broadcast_in_dim3A_405 = vector.shape_cast %broadcast_in_dim3A_404 : vector<16xi32> to vector<16x1xi32>
        %gather3A_406 = vector.shape_cast %broadcast_in_dim3A_405 : vector<16x1xi32> to vector<16xi32>
        %gather3A_407 = tpu.dynamic_gather %exp3A[%gather3A_406] in [0] : vector<16xf32>, vector<16xi32> -> vector<16xf32>
        %get3A_408 = arith.index_cast %scan3A_198 : i32 to index
        %get3A_409 = arith.constant 64 : index
        %get3A_410 = tpu.vector_load %arg22[%get3A_408, %get3A_409] {strides = array<i32>} : memref<32x160xf32, #tpu.memory_space<vmem>>, vector<1x16xf32>,
        %get3A_411 = vector.shape_cast %get3A_410 : vector<1x16xf32> to vector<16xf32>
        %mul3A_412 = arith.mulf %get3A_411, %gather3A_407 : vector<16xf32>
        %swap3A_413 = arith.index_cast %scan3A_198 : i32 to index
        %swap3A_414 = arith.constant 64 : index
        %swap3A_415 = tpu.vector_load %arg22[%swap3A_413, %swap3A_414] {strides = array<i32>} : memref<32x160xf32, #tpu.memory_space<vmem>>, vector<1x16xf32>,
        %swap3A_416 = vector.shape_cast %swap3A_415 : vector<1x16xf32> to vector<16xf32>
        %swap3A_417 = vector.shape_cast %mul3A_412 : vector<16xf32> to vector<1x16xf32>
        tpu.vector_store %arg22[%swap3A_413, %swap3A_414], %swap3A_417 {strides = array<i32>} : memref<32x160xf32, #tpu.memory_space<vmem>>, vector<1x16xf32>,
        %mul3A_418 = arith.constant 10 : i32
        %mul3A_419 = arith.muli %arg0, %mul3A_418 : i32
        %add3A_420 = arith.constant 5 : i32
        %add3A_421 = arith.addi %mul3A_419, %add3A_420 : i32
        %jit3A_422 = arith.constant 4 : i32
        %div3A_423 = arith.divsi %add3A_421, %jit3A_422 : i32
        %sign3A_424 = arith.constant 0 : i32
        %sign3A_425 = arith.cmpi sgt, %add3A_421, %sign3A_424 : i32
        %sign3A_426 = arith.extui %sign3A_425 : i1 to i32
        %sign3A_427 = arith.constant 0 : i32
        %sign3A_428 = arith.cmpi slt, %add3A_421, %sign3A_427 : i32
        %sign3A_429 = arith.extui %sign3A_428 : i1 to i32
        %sign3A_430 = arith.subi %sign3A_426, %sign3A_429 : i32
        %sign3A_431 = arith.constant 0 : i32
        %sign3A_432 = arith.cmpi sgt, %jit3A_422, %sign3A_431 : i32
        %sign3A_433 = arith.extui %sign3A_432 : i1 to i32
        %sign3A_434 = arith.constant 0 : i32
        %sign3A_435 = arith.cmpi slt, %jit3A_422, %sign3A_434 : i32
        %sign3A_436 = arith.extui %sign3A_435 : i1 to i32
        %sign3A_437 = arith.subi %sign3A_433, %sign3A_436 : i32
        %ne3A_438 = arith.cmpi ne, %sign3A_430, %sign3A_437 : i32
        %rem3A_439 = arith.remsi %add3A_421, %jit3A_422 : i32
        %ne3A_440 = arith.constant 0 : i32
        %ne3A_441 = arith.cmpi ne, %rem3A_439, %ne3A_440 : i32
        %and3A_442 = arith.andi %ne3A_438, %ne3A_441 : i1
        %sub3A_443 = arith.constant 1 : i32
        %sub3A_444 = arith.subi %div3A_423, %sub3A_443 : i32
        %select_n3A_445 = arith.select %and3A_442, %sub3A_444, %div3A_423 : i32
        %broadcast_in_dim3A_446 = vector.broadcast %select_n3A_445 : i32 to vector<16xi32>
        %broadcast_in_dim3A_447 = vector.shape_cast %broadcast_in_dim3A_446 : vector<16xi32> to vector<16x1xi32>
        %gather3A_448 = vector.shape_cast %broadcast_in_dim3A_447 : vector<16x1xi32> to vector<16xi32>
        %gather3A_449 = tpu.dynamic_gather %exp3A[%gather3A_448] in [0] : vector<16xf32>, vector<16xi32> -> vector<16xf32>
        %get3A_450 = arith.index_cast %scan3A_198 : i32 to index
        %get3A_451 = arith.constant 80 : index
        %get3A_452 = tpu.vector_load %arg22[%get3A_450, %get3A_451] {strides = array<i32>} : memref<32x160xf32, #tpu.memory_space<vmem>>, vector<1x16xf32>,
        %get3A_453 = vector.shape_cast %get3A_452 : vector<1x16xf32> to vector<16xf32>
        %mul3A_454 = arith.mulf %get3A_453, %gather3A_449 : vector<16xf32>
        %swap3A_455 = arith.index_cast %scan3A_198 : i32 to index
        %swap3A_456 = arith.constant 80 : index
        %swap3A_457 = tpu.vector_load %arg22[%swap3A_455, %swap3A_456] {strides = array<i32>} : memref<32x160xf32, #tpu.memory_space<vmem>>, vector<1x16xf32>,
        %swap3A_458 = vector.shape_cast %swap3A_457 : vector<1x16xf32> to vector<16xf32>
        %swap3A_459 = vector.shape_cast %mul3A_454 : vector<16xf32> to vector<1x16xf32>
        tpu.vector_store %arg22[%swap3A_455, %swap3A_456], %swap3A_459 {strides = array<i32>} : memref<32x160xf32, #tpu.memory_space<vmem>>, vector<1x16xf32>,
        %mul3A_460 = arith.constant 10 : i32
        %mul3A_461 = arith.muli %arg0, %mul3A_460 : i32
        %add3A_462 = arith.constant 6 : i32
        %add3A_463 = arith.addi %mul3A_461, %add3A_462 : i32
        %jit3A_464 = arith.constant 4 : i32
        %div3A_465 = arith.divsi %add3A_463, %jit3A_464 : i32
        %sign3A_466 = arith.constant 0 : i32
        %sign3A_467 = arith.cmpi sgt, %add3A_463, %sign3A_466 : i32
        %sign3A_468 = arith.extui %sign3A_467 : i1 to i32
        %sign3A_469 = arith.constant 0 : i32
        %sign3A_470 = arith.cmpi slt, %add3A_463, %sign3A_469 : i32
        %sign3A_471 = arith.extui %sign3A_470 : i1 to i32
        %sign3A_472 = arith.subi %sign3A_468, %sign3A_471 : i32
        %sign3A_473 = arith.constant 0 : i32
        %sign3A_474 = arith.cmpi sgt, %jit3A_464, %sign3A_473 : i32
        %sign3A_475 = arith.extui %sign3A_474 : i1 to i32
        %sign3A_476 = arith.constant 0 : i32
        %sign3A_477 = arith.cmpi slt, %jit3A_464, %sign3A_476 : i32
        %sign3A_478 = arith.extui %sign3A_477 : i1 to i32
        %sign3A_479 = arith.subi %sign3A_475, %sign3A_478 : i32
        %ne3A_480 = arith.cmpi ne, %sign3A_472, %sign3A_479 : i32
        %rem3A_481 = arith.remsi %add3A_463, %jit3A_464 : i32
        %ne3A_482 = arith.constant 0 : i32
        %ne3A_483 = arith.cmpi ne, %rem3A_481, %ne3A_482 : i32
        %and3A_484 = arith.andi %ne3A_480, %ne3A_483 : i1
        %sub3A_485 = arith.constant 1 : i32
        %sub3A_486 = arith.subi %div3A_465, %sub3A_485 : i32
        %select_n3A_487 = arith.select %and3A_484, %sub3A_486, %div3A_465 : i32
        %broadcast_in_dim3A_488 = vector.broadcast %select_n3A_487 : i32 to vector<16xi32>
        %broadcast_in_dim3A_489 = vector.shape_cast %broadcast_in_dim3A_488 : vector<16xi32> to vector<16x1xi32>
        %gather3A_490 = vector.shape_cast %broadcast_in_dim3A_489 : vector<16x1xi32> to vector<16xi32>
        %gather3A_491 = tpu.dynamic_gather %exp3A[%gather3A_490] in [0] : vector<16xf32>, vector<16xi32> -> vector<16xf32>
        %get3A_492 = arith.index_cast %scan3A_198 : i32 to index
        %get3A_493 = arith.constant 96 : index
        %get3A_494 = tpu.vector_load %arg22[%get3A_492, %get3A_493] {strides = array<i32>} : memref<32x160xf32, #tpu.memory_space<vmem>>, vector<1x16xf32>,
        %get3A_495 = vector.shape_cast %get3A_494 : vector<1x16xf32> to vector<16xf32>
        %mul3A_496 = arith.mulf %get3A_495, %gather3A_491 : vector<16xf32>
        %swap3A_497 = arith.index_cast %scan3A_198 : i32 to index
        %swap3A_498 = arith.constant 96 : index
        %swap3A_499 = tpu.vector_load %arg22[%swap3A_497, %swap3A_498] {strides = array<i32>} : memref<32x160xf32, #tpu.memory_space<vmem>>, vector<1x16xf32>,
        %swap3A_500 = vector.shape_cast %swap3A_499 : vector<1x16xf32> to vector<16xf32>
        %swap3A_501 = vector.shape_cast %mul3A_496 : vector<16xf32> to vector<1x16xf32>
        tpu.vector_store %arg22[%swap3A_497, %swap3A_498], %swap3A_501 {strides = array<i32>} : memref<32x160xf32, #tpu.memory_space<vmem>>, vector<1x16xf32>,
        %mul3A_502 = arith.constant 10 : i32
        %mul3A_503 = arith.muli %arg0, %mul3A_502 : i32
        %add3A_504 = arith.constant 7 : i32
        %add3A_505 = arith.addi %mul3A_503, %add3A_504 : i32
        %jit3A_506 = arith.constant 4 : i32
        %div3A_507 = arith.divsi %add3A_505, %jit3A_506 : i32
        %sign3A_508 = arith.constant 0 : i32
        %sign3A_509 = arith.cmpi sgt, %add3A_505, %sign3A_508 : i32
        %sign3A_510 = arith.extui %sign3A_509 : i1 to i32
        %sign3A_511 = arith.constant 0 : i32
        %sign3A_512 = arith.cmpi slt, %add3A_505, %sign3A_511 : i32
        %sign3A_513 = arith.extui %sign3A_512 : i1 to i32
        %sign3A_514 = arith.subi %sign3A_510, %sign3A_513 : i32
        %sign3A_515 = arith.constant 0 : i32
        %sign3A_516 = arith.cmpi sgt, %jit3A_506, %sign3A_515 : i32
        %sign3A_517 = arith.extui %sign3A_516 : i1 to i32
        %sign3A_518 = arith.constant 0 : i32
        %sign3A_519 = arith.cmpi slt, %jit3A_506, %sign3A_518 : i32
        %sign3A_520 = arith.extui %sign3A_519 : i1 to i32
        %sign3A_521 = arith.subi %sign3A_517, %sign3A_520 : i32
        %ne3A_522 = arith.cmpi ne, %sign3A_514, %sign3A_521 : i32
        %rem3A_523 = arith.remsi %add3A_505, %jit3A_506 : i32
        %ne3A_524 = arith.constant 0 : i32
        %ne3A_525 = arith.cmpi ne, %rem3A_523, %ne3A_524 : i32
        %and3A_526 = arith.andi %ne3A_522, %ne3A_525 : i1
        %sub3A_527 = arith.constant 1 : i32
        %sub3A_528 = arith.subi %div3A_507, %sub3A_527 : i32
        %select_n3A_529 = arith.select %and3A_526, %sub3A_528, %div3A_507 : i32
        %broadcast_in_dim3A_530 = vector.broadcast %select_n3A_529 : i32 to vector<16xi32>
        %broadcast_in_dim3A_531 = vector.shape_cast %broadcast_in_dim3A_530 : vector<16xi32> to vector<16x1xi32>
        %gather3A_532 = vector.shape_cast %broadcast_in_dim3A_531 : vector<16x1xi32> to vector<16xi32>
        %gather3A_533 = tpu.dynamic_gather %exp3A[%gather3A_532] in [0] : vector<16xf32>, vector<16xi32> -> vector<16xf32>
        %get3A_534 = arith.index_cast %scan3A_198 : i32 to index
        %get3A_535 = arith.constant 112 : index
        %get3A_536 = tpu.vector_load %arg22[%get3A_534, %get3A_535] {strides = array<i32>} : memref<32x160xf32, #tpu.memory_space<vmem>>, vector<1x16xf32>,
        %get3A_537 = vector.shape_cast %get3A_536 : vector<1x16xf32> to vector<16xf32>
        %mul3A_538 = arith.mulf %get3A_537, %gather3A_533 : vector<16xf32>
        %swap3A_539 = arith.index_cast %scan3A_198 : i32 to index
        %swap3A_540 = arith.constant 112 : index
        %swap3A_541 = tpu.vector_load %arg22[%swap3A_539, %swap3A_540] {strides = array<i32>} : memref<32x160xf32, #tpu.memory_space<vmem>>, vector<1x16xf32>,
        %swap3A_542 = vector.shape_cast %swap3A_541 : vector<1x16xf32> to vector<16xf32>
        %swap3A_543 = vector.shape_cast %mul3A_538 : vector<16xf32> to vector<1x16xf32>
        tpu.vector_store %arg22[%swap3A_539, %swap3A_540], %swap3A_543 {strides = array<i32>} : memref<32x160xf32, #tpu.memory_space<vmem>>, vector<1x16xf32>,
        %mul3A_544 = arith.constant 10 : i32
        %mul3A_545 = arith.muli %arg0, %mul3A_544 : i32
        %add3A_546 = arith.constant 8 : i32
        %add3A_547 = arith.addi %mul3A_545, %add3A_546 : i32
        %jit3A_548 = arith.constant 4 : i32
        %div3A_549 = arith.divsi %add3A_547, %jit3A_548 : i32
        %sign3A_550 = arith.constant 0 : i32
        %sign3A_551 = arith.cmpi sgt, %add3A_547, %sign3A_550 : i32
        %sign3A_552 = arith.extui %sign3A_551 : i1 to i32
        %sign3A_553 = arith.constant 0 : i32
        %sign3A_554 = arith.cmpi slt, %add3A_547, %sign3A_553 : i32
        %sign3A_555 = arith.extui %sign3A_554 : i1 to i32
        %sign3A_556 = arith.subi %sign3A_552, %sign3A_555 : i32
        %sign3A_557 = arith.constant 0 : i32
        %sign3A_558 = arith.cmpi sgt, %jit3A_548, %sign3A_557 : i32
        %sign3A_559 = arith.extui %sign3A_558 : i1 to i32
        %sign3A_560 = arith.constant 0 : i32
        %sign3A_561 = arith.cmpi slt, %jit3A_548, %sign3A_560 : i32
        %sign3A_562 = arith.extui %sign3A_561 : i1 to i32
        %sign3A_563 = arith.subi %sign3A_559, %sign3A_562 : i32
        %ne3A_564 = arith.cmpi ne, %sign3A_556, %sign3A_563 : i32
        %rem3A_565 = arith.remsi %add3A_547, %jit3A_548 : i32
        %ne3A_566 = arith.constant 0 : i32
        %ne3A_567 = arith.cmpi ne, %rem3A_565, %ne3A_566 : i32
        %and3A_568 = arith.andi %ne3A_564, %ne3A_567 : i1
        %sub3A_569 = arith.constant 1 : i32
        %sub3A_570 = arith.subi %div3A_549, %sub3A_569 : i32
        %select_n3A_571 = arith.select %and3A_568, %sub3A_570, %div3A_549 : i32
        %broadcast_in_dim3A_572 = vector.broadcast %select_n3A_571 : i32 to vector<16xi32>
        %broadcast_in_dim3A_573 = vector.shape_cast %broadcast_in_dim3A_572 : vector<16xi32> to vector<16x1xi32>
        %gather3A_574 = vector.shape_cast %broadcast_in_dim3A_573 : vector<16x1xi32> to vector<16xi32>
        %gather3A_575 = tpu.dynamic_gather %exp3A[%gather3A_574] in [0] : vector<16xf32>, vector<16xi32> -> vector<16xf32>
        %get3A_576 = arith.index_cast %scan3A_198 : i32 to index
        %get3A_577 = arith.constant 128 : index
        %get3A_578 = tpu.vector_load %arg22[%get3A_576, %get3A_577] {strides = array<i32>} : memref<32x160xf32, #tpu.memory_space<vmem>>, vector<1x16xf32>,
        %get3A_579 = vector.shape_cast %get3A_578 : vector<1x16xf32> to vector<16xf32>
        %mul3A_580 = arith.mulf %get3A_579, %gather3A_575 : vector<16xf32>
        %swap3A_581 = arith.index_cast %scan3A_198 : i32 to index
        %swap3A_582 = arith.constant 128 : index
        %swap3A_583 = tpu.vector_load %arg22[%swap3A_581, %swap3A_582] {strides = array<i32>} : memref<32x160xf32, #tpu.memory_space<vmem>>, vector<1x16xf32>,
        %swap3A_584 = vector.shape_cast %swap3A_583 : vector<1x16xf32> to vector<16xf32>
        %swap3A_585 = vector.shape_cast %mul3A_580 : vector<16xf32> to vector<1x16xf32>
        tpu.vector_store %arg22[%swap3A_581, %swap3A_582], %swap3A_585 {strides = array<i32>} : memref<32x160xf32, #tpu.memory_space<vmem>>, vector<1x16xf32>,
        %mul3A_586 = arith.constant 10 : i32
        %mul3A_587 = arith.muli %arg0, %mul3A_586 : i32
        %add3A_588 = arith.constant 9 : i32
        %add3A_589 = arith.addi %mul3A_587, %add3A_588 : i32
        %jit3A_590 = arith.constant 4 : i32
        %div3A_591 = arith.divsi %add3A_589, %jit3A_590 : i32
        %sign3A_592 = arith.constant 0 : i32
        %sign3A_593 = arith.cmpi sgt, %add3A_589, %sign3A_592 : i32
        %sign3A_594 = arith.extui %sign3A_593 : i1 to i32
        %sign3A_595 = arith.constant 0 : i32
        %sign3A_596 = arith.cmpi slt, %add3A_589, %sign3A_595 : i32
        %sign3A_597 = arith.extui %sign3A_596 : i1 to i32
        %sign3A_598 = arith.subi %sign3A_594, %sign3A_597 : i32
        %sign3A_599 = arith.constant 0 : i32
        %sign3A_600 = arith.cmpi sgt, %jit3A_590, %sign3A_599 : i32
        %sign3A_601 = arith.extui %sign3A_600 : i1 to i32
        %sign3A_602 = arith.constant 0 : i32
        %sign3A_603 = arith.cmpi slt, %jit3A_590, %sign3A_602 : i32
        %sign3A_604 = arith.extui %sign3A_603 : i1 to i32
        %sign3A_605 = arith.subi %sign3A_601, %sign3A_604 : i32
        %ne3A_606 = arith.cmpi ne, %sign3A_598, %sign3A_605 : i32
        %rem3A_607 = arith.remsi %add3A_589, %jit3A_590 : i32
        %ne3A_608 = arith.constant 0 : i32
        %ne3A_609 = arith.cmpi ne, %rem3A_607, %ne3A_608 : i32
        %and3A_610 = arith.andi %ne3A_606, %ne3A_609 : i1
        %sub3A_611 = arith.constant 1 : i32
        %sub3A_612 = arith.subi %div3A_591, %sub3A_611 : i32
        %select_n3A_613 = arith.select %and3A_610, %sub3A_612, %div3A_591 : i32
        %broadcast_in_dim3A_614 = vector.broadcast %select_n3A_613 : i32 to vector<16xi32>
        %broadcast_in_dim3A_615 = vector.shape_cast %broadcast_in_dim3A_614 : vector<16xi32> to vector<16x1xi32>
        %gather3A_616 = vector.shape_cast %broadcast_in_dim3A_615 : vector<16x1xi32> to vector<16xi32>
        %gather3A_617 = tpu.dynamic_gather %exp3A[%gather3A_616] in [0] : vector<16xf32>, vector<16xi32> -> vector<16xf32>
        %get3A_618 = arith.index_cast %scan3A_198 : i32 to index
        %get3A_619 = arith.constant 144 : index
        %get3A_620 = tpu.vector_load %arg22[%get3A_618, %get3A_619] {strides = array<i32>} : memref<32x160xf32, #tpu.memory_space<vmem>>, vector<1x16xf32>,
        %get3A_621 = vector.shape_cast %get3A_620 : vector<1x16xf32> to vector<16xf32>
        %mul3A_622 = arith.mulf %get3A_621, %gather3A_617 : vector<16xf32>
        %swap3A_623 = arith.index_cast %scan3A_198 : i32 to index
        %swap3A_624 = arith.constant 144 : index
        %swap3A_625 = tpu.vector_load %arg22[%swap3A_623, %swap3A_624] {strides = array<i32>} : memref<32x160xf32, #tpu.memory_space<vmem>>, vector<1x16xf32>,
        %swap3A_626 = vector.shape_cast %swap3A_625 : vector<1x16xf32> to vector<16xf32>
        %swap3A_627 = vector.shape_cast %mul3A_622 : vector<16xf32> to vector<1x16xf32>
        tpu.vector_store %arg22[%swap3A_623, %swap3A_624], %swap3A_627 {strides = array<i32>} : memref<32x160xf32, #tpu.memory_space<vmem>>, vector<1x16xf32>,
        %scan3A_628 = arith.constant 0 : i32
        scf.yield %scan3A_628 : i32
      }
      %scan3A_191 = arith.constant 32 : i32
      "tpu.region"() ({
        %run_scoped3A = tpu.sem_alloc : memref<!tpu.dma_semaphore, #tpu.memory_space<semaphore_mem>>
        %dma_start3A_198 = arith.constant 0 : i32
        %dma_start3A_199 = arith.constant 0 : i32
        %dma_start3A_200 = tpu.memref_slice %arg29[%dma_start3A_198, %dma_start3A_199] : memref<10112x160xf32, #tpu.memory_space<vmem_shared>> -> memref<10112x160xf32, #tpu.memory_space<vmem_shared>>
        tpu.enqueue_indirect_dma source(%arg22 : memref<32x160xf32, #tpu.memory_space<vmem>>) target(%dma_start3A_200 : memref<10112x160xf32, #tpu.memory_space<vmem_shared>>) offsets(%arg21 : memref<32xi32, #tpu.memory_space<vmem>>) semaphore(%run_scoped3A : memref<!tpu.dma_semaphore, #tpu.memory_space<semaphore_mem>>) {add = true}
        %dma_wait3A_201 = arith.constant 0 : i32
        %dma_wait3A_202 = arith.constant 0 : i32
        %dma_wait3A_203 = tpu.memref_slice %arg29[%dma_wait3A_201, %dma_wait3A_202] : memref<10112x160xf32, #tpu.memory_space<vmem_shared>> -> memref<10112x160xf32, #tpu.memory_space<vmem_shared>>
        tpu.wait_indirect_dma semaphore(%run_scoped3A : memref<!tpu.dma_semaphore, #tpu.memory_space<semaphore_mem>>) src(%arg22 : memref<32x160xf32, #tpu.memory_space<vmem>>) dst(%dma_wait3A_203 : memref<10112x160xf32, #tpu.memory_space<vmem_shared>>)
        tpu.yield
      }) : () -> ()
      %eq3A_192 = arith.constant 0 : i32
      %eq3A_193 = arith.cmpi eq, %arg0, %eq3A_192 : i32
      %convert_element_type3A_194 = arith.extui %eq3A_193 : i1 to i32
      %cond3A_195 = arith.constant 0 : i32
      %cond3A_196 = arith.cmpi ne, %convert_element_type3A_194, %cond3A_195 : i32
      scf.if %cond3A_196 {
        "tpu.region"() ({
          %run_scoped3A = tpu.sem_alloc : memref<!tpu.dma_semaphore, #tpu.memory_space<semaphore_mem>>
          %dma_start3A_198 = arith.constant 0 : i32
          %dma_start3A_199 = arith.constant 0 : i32
          %dma_start3A_200 = tpu.memref_slice %arg30[%dma_start3A_198, %dma_start3A_199] : memref<10112x16xf32, #tpu.memory_space<vmem_shared>> -> memref<10112x16xf32, #tpu.memory_space<vmem_shared>>
          tpu.enqueue_indirect_dma source(%arg25 : memref<32x16xf32, #tpu.memory_space<vmem>>) target(%dma_start3A_200 : memref<10112x16xf32, #tpu.memory_space<vmem_shared>>) offsets(%arg21 : memref<32xi32, #tpu.memory_space<vmem>>) semaphore(%run_scoped3A : memref<!tpu.dma_semaphore, #tpu.memory_space<semaphore_mem>>) {add = true}
          %dma_wait3A_201 = arith.constant 0 : i32
          %dma_wait3A_202 = arith.constant 0 : i32
          %dma_wait3A_203 = tpu.memref_slice %arg30[%dma_wait3A_201, %dma_wait3A_202] : memref<10112x16xf32, #tpu.memory_space<vmem_shared>> -> memref<10112x16xf32, #tpu.memory_space<vmem_shared>>
          tpu.wait_indirect_dma semaphore(%run_scoped3A : memref<!tpu.dma_semaphore, #tpu.memory_space<semaphore_mem>>) src(%arg25 : memref<32x16xf32, #tpu.memory_space<vmem>>) dst(%dma_wait3A_203 : memref<10112x16xf32, #tpu.memory_space<vmem_shared>>)
          tpu.yield
        }) : () -> ()
      } else {
      }
      %scan3A_197 = arith.constant 0 : i32
      scf.yield %scan3A_197 : i32
    }
    %scan3A_95 = arith.constant 323 : i32
    %barrier3A_96 = arith.constant 0 : index
    tpu.barrier barrier_id(%barrier3A_96)
    "tpu.region"() ({
      %run_scoped3A = tpu.sem_alloc : memref<!tpu.dma_semaphore, #tpu.memory_space<semaphore_mem>>
      %dma_start3A = arith.constant 0 : i32
      %dma_start3A_99 = tpu.memref_slice %arg7[%arg0, %mul3A_0, %dma_start3A] : memref<2x10112x160xf32, #tpu.memory_space<hbm>> -> memref<1x632x160xf32, #tpu.memory_space<hbm>>
      %dma_start3A_100 = tpu.memref_squeeze %dma_start3A_99 : memref<1x632x160xf32, #tpu.memory_space<hbm>> -> memref<632x160xf32, #tpu.memory_space<hbm>>
      %dma_start3A_101 = arith.constant 0 : i32
      %dma_start3A_102 = tpu.memref_slice %arg29[%mul3A_0, %dma_start3A_101] : memref<10112x160xf32, #tpu.memory_space<vmem_shared>> -> memref<632x160xf32, #tpu.memory_space<vmem_shared>>
      tpu.enqueue_dma source(%dma_start3A_102 : memref<632x160xf32, #tpu.memory_space<vmem_shared>>) target(%dma_start3A_100 : memref<632x160xf32, #tpu.memory_space<hbm>>) target_semaphore(%run_scoped3A : memref<!tpu.dma_semaphore, #tpu.memory_space<semaphore_mem>>)
      %dma_wait3A = arith.constant 0 : i32
      %dma_wait3A_103 = tpu.memref_slice %arg7[%arg0, %mul3A_0, %dma_wait3A] : memref<2x10112x160xf32, #tpu.memory_space<hbm>> -> memref<1x632x160xf32, #tpu.memory_space<hbm>>
      %dma_wait3A_104 = tpu.memref_squeeze %dma_wait3A_103 : memref<1x632x160xf32, #tpu.memory_space<hbm>> -> memref<632x160xf32, #tpu.memory_space<hbm>>
      %dma_wait3A_105 = arith.constant 0 : i32
      %dma_wait3A_106 = tpu.memref_slice %arg29[%mul3A_0, %dma_wait3A_105] : memref<10112x160xf32, #tpu.memory_space<vmem_shared>> -> memref<632x160xf32, #tpu.memory_space<vmem_shared>>
      tpu.wait_dma2 semaphore(%run_scoped3A : memref<!tpu.dma_semaphore, #tpu.memory_space<semaphore_mem>>) src(%dma_wait3A_106 : memref<632x160xf32, #tpu.memory_space<vmem_shared>>) dst(%dma_wait3A_104 : memref<632x160xf32, #tpu.memory_space<hbm>>)
      tpu.yield
    }) : () -> ()
    %eq3A = arith.constant 0 : i32
    %eq3A_97 = arith.cmpi eq, %arg0, %eq3A : i32
    %convert_element_type3A = arith.extui %eq3A_97 : i1 to i32
    %cond3A = arith.constant 0 : i32
    %cond3A_98 = arith.cmpi ne, %convert_element_type3A, %cond3A : i32
    scf.if %cond3A_98 {
      "tpu.region"() ({
        %run_scoped3A = tpu.sem_alloc : memref<!tpu.dma_semaphore, #tpu.memory_space<semaphore_mem>>
        %dma_start3A = arith.constant 0 : i32
        %dma_start3A_99 = tpu.memref_slice %arg8[%mul3A_0, %dma_start3A] : memref<10112x16xf32, #tpu.memory_space<hbm>> -> memref<632x16xf32, #tpu.memory_space<hbm>>
        %dma_start3A_100 = arith.constant 0 : i32
        %dma_start3A_101 = tpu.memref_slice %arg30[%mul3A_0, %dma_start3A_100] : memref<10112x16xf32, #tpu.memory_space<vmem_shared>> -> memref<632x16xf32, #tpu.memory_space<vmem_shared>>
        tpu.enqueue_dma source(%dma_start3A_101 : memref<632x16xf32, #tpu.memory_space<vmem_shared>>) target(%dma_start3A_99 : memref<632x16xf32, #tpu.memory_space<hbm>>) target_semaphore(%run_scoped3A : memref<!tpu.dma_semaphore, #tpu.memory_space<semaphore_mem>>)
        %dma_wait3A = arith.constant 0 : i32
        %dma_wait3A_102 = tpu.memref_slice %arg8[%mul3A_0, %dma_wait3A] : memref<10112x16xf32, #tpu.memory_space<hbm>> -> memref<632x16xf32, #tpu.memory_space<hbm>>
        %dma_wait3A_103 = arith.constant 0 : i32
        %dma_wait3A_104 = tpu.memref_slice %arg30[%mul3A_0, %dma_wait3A_103] : memref<10112x16xf32, #tpu.memory_space<vmem_shared>> -> memref<632x16xf32, #tpu.memory_space<vmem_shared>>
        tpu.wait_dma2 semaphore(%run_scoped3A : memref<!tpu.dma_semaphore, #tpu.memory_space<semaphore_mem>>) src(%dma_wait3A_104 : memref<632x16xf32, #tpu.memory_space<vmem_shared>>) dst(%dma_wait3A_102 : memref<632x16xf32, #tpu.memory_space<hbm>>)
        tpu.yield
      }) : () -> ()
    } else {
    }
    return
  }
}

#map = affine_map<(d0, d1) -> (0, 0)>
#map1 = affine_map<(d0, d1) -> (0, 0, 0)>
module attributes {stable_mosaic.version = 14 : i64} {
  func.func @kfn(%arg0: i32, %arg1: i32, %arg2: memref<20224x48xf32, #tpu.memory_space<hbm>>, %arg3: memref<20224x16xf32, #tpu.memory_space<hbm>>, %arg4: memref<10112x16xf32, #tpu.memory_space<hbm>>, %arg5: memref<16x162x128xi32, #tpu.memory_space<hbm>>, %arg6: memref<16x162x128xi32, #tpu.memory_space<hbm>>, %arg7: memref<2x10112x48xf32, #tpu.memory_space<hbm>>, %arg8: memref<10112x16xf32, #tpu.memory_space<hbm>>, %arg9: memref<128xi32, #tpu.memory_space<vmem>>, %arg10: memref<128xi32, #tpu.memory_space<vmem>>, %arg11: memref<128xi32, #tpu.memory_space<vmem>>, %arg12: memref<128x48xf32, #tpu.memory_space<vmem>>, %arg13: memref<128x16xf32, #tpu.memory_space<vmem>>, %arg14: memref<128x16xf32, #tpu.memory_space<vmem>>, %arg15: memref<128x16xf32, #tpu.memory_space<vmem>>, %arg16: memref<!tpu.dma_semaphore, #tpu.memory_space<semaphore_mem>>, %arg17: memref<!tpu.dma_semaphore, #tpu.memory_space<semaphore_mem>>, %arg18: memref<!tpu.dma_semaphore, #tpu.memory_space<semaphore_mem>>, %arg19: memref<128xi32, #tpu.memory_space<vmem>>, %arg20: memref<128xi32, #tpu.memory_space<vmem>>, %arg21: memref<128xi32, #tpu.memory_space<vmem>>, %arg22: memref<128x48xf32, #tpu.memory_space<vmem>>, %arg23: memref<128x16xf32, #tpu.memory_space<vmem>>, %arg24: memref<128x16xf32, #tpu.memory_space<vmem>>, %arg25: memref<128x16xf32, #tpu.memory_space<vmem>>, %arg26: memref<!tpu.dma_semaphore, #tpu.memory_space<semaphore_mem>>, %arg27: memref<!tpu.dma_semaphore, #tpu.memory_space<semaphore_mem>>, %arg28: memref<!tpu.dma_semaphore, #tpu.memory_space<semaphore_mem>>, %arg29: memref<10112x48xf32, #tpu.memory_space<vmem_shared>>, %arg30: memref<10112x16xf32, #tpu.memory_space<vmem_shared>>) attributes {dimension_semantics = [#tpu.dimension_semantics<core_parallel>, #tpu.dimension_semantics<subcore_parallel>], iteration_bounds = array<i64: 2, 16>, scalar_prefetch = 0 : i64, scratch_operands = 22 : i64, tpu.core_type = #tpu.core_type<sc_vector_subcore>, window_params = [{transform_indices = #map}, {transform_indices = #map}, {transform_indices = #map}, {transform_indices = #map1}, {transform_indices = #map1}, {transform_indices = #map1}, {transform_indices = #map}]} {
    %mul3A = arith.constant 632 : i32
    %mul3A_0 = arith.muli %arg1, %mul3A : i32
    %broadcast_in_dim3A = arith.constant 0.000000e+00 : f32
    %broadcast_in_dim3A_1 = vector.broadcast %broadcast_in_dim3A : f32 to vector<16xf32>
    %scan3A = arith.constant 0 : i32
    %scan3A_2 = arith.constant 0 : i32
    %scan3A_3 = arith.constant 128 : i32
    %scan3A_4 = arith.addi %scan3A_2, %scan3A_3 : i32
    %scan3A_5 = arith.constant 1 : i32
    %scan3A_6 = scf.for %scan3A_39 = %scan3A_2 to %scan3A_4 step %scan3A_5 iter_args(%scan3A_40 = %scan3A) -> (i32)  : i32 {
      %swap3A = arith.index_cast %scan3A_39 : i32 to index
      %swap3A_41 = arith.constant 0 : index
      %swap3A_42 = tpu.vector_load %arg12[%swap3A, %swap3A_41] {strides = array<i32>} : memref<128x48xf32, #tpu.memory_space<vmem>>, vector<1x16xf32>,
      %swap3A_43 = vector.shape_cast %swap3A_42 : vector<1x16xf32> to vector<16xf32>
      %swap3A_44 = vector.shape_cast %broadcast_in_dim3A_1 : vector<16xf32> to vector<1x16xf32>
      tpu.vector_store %arg12[%swap3A, %swap3A_41], %swap3A_44 {strides = array<i32>} : memref<128x48xf32, #tpu.memory_space<vmem>>, vector<1x16xf32>,
      %swap3A_45 = arith.index_cast %scan3A_39 : i32 to index
      %swap3A_46 = arith.constant 16 : index
      %swap3A_47 = tpu.vector_load %arg12[%swap3A_45, %swap3A_46] {strides = array<i32>} : memref<128x48xf32, #tpu.memory_space<vmem>>, vector<1x16xf32>,
      %swap3A_48 = vector.shape_cast %swap3A_47 : vector<1x16xf32> to vector<16xf32>
      %swap3A_49 = vector.shape_cast %broadcast_in_dim3A_1 : vector<16xf32> to vector<1x16xf32>
      tpu.vector_store %arg12[%swap3A_45, %swap3A_46], %swap3A_49 {strides = array<i32>} : memref<128x48xf32, #tpu.memory_space<vmem>>, vector<1x16xf32>,
      %swap3A_50 = arith.index_cast %scan3A_39 : i32 to index
      %swap3A_51 = arith.constant 32 : index
      %swap3A_52 = tpu.vector_load %arg12[%swap3A_50, %swap3A_51] {strides = array<i32>} : memref<128x48xf32, #tpu.memory_space<vmem>>, vector<1x16xf32>,
      %swap3A_53 = vector.shape_cast %swap3A_52 : vector<1x16xf32> to vector<16xf32>
      %swap3A_54 = vector.shape_cast %broadcast_in_dim3A_1 : vector<16xf32> to vector<1x16xf32>
      tpu.vector_store %arg12[%swap3A_50, %swap3A_51], %swap3A_54 {strides = array<i32>} : memref<128x48xf32, #tpu.memory_space<vmem>>, vector<1x16xf32>,
      %swap3A_55 = arith.index_cast %scan3A_39 : i32 to index
      %swap3A_56 = arith.constant 0 : index
      %swap3A_57 = tpu.vector_load %arg15[%swap3A_55, %swap3A_56] {strides = array<i32>} : memref<128x16xf32, #tpu.memory_space<vmem>>, vector<1x16xf32>,
      %swap3A_58 = vector.shape_cast %swap3A_57 : vector<1x16xf32> to vector<16xf32>
      %swap3A_59 = vector.shape_cast %broadcast_in_dim3A_1 : vector<16xf32> to vector<1x16xf32>
      tpu.vector_store %arg15[%swap3A_55, %swap3A_56], %swap3A_59 {strides = array<i32>} : memref<128x16xf32, #tpu.memory_space<vmem>>, vector<1x16xf32>,
      %scan3A_60 = arith.constant 0 : i32
      scf.yield %scan3A_60 : i32
    }
    %scan3A_7 = arith.constant 128 : i32
    %add3A = arith.constant 0 : i32
    %add3A_8 = arith.addi %mul3A_0, %add3A : i32
    "tpu.region"() ({
      %run_scoped3A = tpu.sem_alloc : memref<!tpu.dma_semaphore, #tpu.memory_space<semaphore_mem>>
      %dma_start3A = arith.constant 0 : i32
      %dma_start3A_39 = tpu.memref_slice %arg29[%add3A_8, %dma_start3A] : memref<10112x48xf32, #tpu.memory_space<vmem_shared>> -> memref<128x48xf32, #tpu.memory_space<vmem_shared>>
      %dma_start3A_40 = arith.constant 0 : i32
      %dma_start3A_41 = tpu.memref_slice %arg29[%add3A_8, %dma_start3A_40] : memref<10112x48xf32, #tpu.memory_space<vmem_shared>> -> memref<128x48xf32, #tpu.memory_space<vmem_shared>>
      tpu.enqueue_dma source(%arg12 : memref<128x48xf32, #tpu.memory_space<vmem>>) target(%dma_start3A_41 : memref<128x48xf32, #tpu.memory_space<vmem_shared>>) target_semaphore(%run_scoped3A : memref<!tpu.dma_semaphore, #tpu.memory_space<semaphore_mem>>)
      %dma_wait3A = arith.constant 0 : i32
      %dma_wait3A_42 = tpu.memref_slice %arg29[%add3A_8, %dma_wait3A] : memref<10112x48xf32, #tpu.memory_space<vmem_shared>> -> memref<128x48xf32, #tpu.memory_space<vmem_shared>>
      %dma_wait3A_43 = arith.constant 0 : i32
      %dma_wait3A_44 = tpu.memref_slice %arg29[%add3A_8, %dma_wait3A_43] : memref<10112x48xf32, #tpu.memory_space<vmem_shared>> -> memref<128x48xf32, #tpu.memory_space<vmem_shared>>
      tpu.wait_dma2 semaphore(%run_scoped3A : memref<!tpu.dma_semaphore, #tpu.memory_space<semaphore_mem>>) src(%arg12 : memref<128x48xf32, #tpu.memory_space<vmem>>) dst(%dma_wait3A_44 : memref<128x48xf32, #tpu.memory_space<vmem_shared>>)
      tpu.yield
    }) : () -> ()
    %add3A_9 = arith.constant 0 : i32
    %add3A_10 = arith.addi %mul3A_0, %add3A_9 : i32
    "tpu.region"() ({
      %run_scoped3A = tpu.sem_alloc : memref<!tpu.dma_semaphore, #tpu.memory_space<semaphore_mem>>
      %dma_start3A = arith.constant 0 : i32
      %dma_start3A_39 = tpu.memref_slice %arg30[%add3A_10, %dma_start3A] : memref<10112x16xf32, #tpu.memory_space<vmem_shared>> -> memref<128x16xf32, #tpu.memory_space<vmem_shared>>
      %dma_start3A_40 = arith.constant 0 : i32
      %dma_start3A_41 = tpu.memref_slice %arg30[%add3A_10, %dma_start3A_40] : memref<10112x16xf32, #tpu.memory_space<vmem_shared>> -> memref<128x16xf32, #tpu.memory_space<vmem_shared>>
      tpu.enqueue_dma source(%arg15 : memref<128x16xf32, #tpu.memory_space<vmem>>) target(%dma_start3A_41 : memref<128x16xf32, #tpu.memory_space<vmem_shared>>) target_semaphore(%run_scoped3A : memref<!tpu.dma_semaphore, #tpu.memory_space<semaphore_mem>>)
      %dma_wait3A = arith.constant 0 : i32
      %dma_wait3A_42 = tpu.memref_slice %arg30[%add3A_10, %dma_wait3A] : memref<10112x16xf32, #tpu.memory_space<vmem_shared>> -> memref<128x16xf32, #tpu.memory_space<vmem_shared>>
      %dma_wait3A_43 = arith.constant 0 : i32
      %dma_wait3A_44 = tpu.memref_slice %arg30[%add3A_10, %dma_wait3A_43] : memref<10112x16xf32, #tpu.memory_space<vmem_shared>> -> memref<128x16xf32, #tpu.memory_space<vmem_shared>>
      tpu.wait_dma2 semaphore(%run_scoped3A : memref<!tpu.dma_semaphore, #tpu.memory_space<semaphore_mem>>) src(%arg15 : memref<128x16xf32, #tpu.memory_space<vmem>>) dst(%dma_wait3A_44 : memref<128x16xf32, #tpu.memory_space<vmem_shared>>)
      tpu.yield
    }) : () -> ()
    %add3A_11 = arith.constant 128 : i32
    %add3A_12 = arith.addi %mul3A_0, %add3A_11 : i32
    "tpu.region"() ({
      %run_scoped3A = tpu.sem_alloc : memref<!tpu.dma_semaphore, #tpu.memory_space<semaphore_mem>>
      %dma_start3A = arith.constant 0 : i32
      %dma_start3A_39 = tpu.memref_slice %arg29[%add3A_12, %dma_start3A] : memref<10112x48xf32, #tpu.memory_space<vmem_shared>> -> memref<128x48xf32, #tpu.memory_space<vmem_shared>>
      %dma_start3A_40 = arith.constant 0 : i32
      %dma_start3A_41 = tpu.memref_slice %arg29[%add3A_12, %dma_start3A_40] : memref<10112x48xf32, #tpu.memory_space<vmem_shared>> -> memref<128x48xf32, #tpu.memory_space<vmem_shared>>
      tpu.enqueue_dma source(%arg12 : memref<128x48xf32, #tpu.memory_space<vmem>>) target(%dma_start3A_41 : memref<128x48xf32, #tpu.memory_space<vmem_shared>>) target_semaphore(%run_scoped3A : memref<!tpu.dma_semaphore, #tpu.memory_space<semaphore_mem>>)
      %dma_wait3A = arith.constant 0 : i32
      %dma_wait3A_42 = tpu.memref_slice %arg29[%add3A_12, %dma_wait3A] : memref<10112x48xf32, #tpu.memory_space<vmem_shared>> -> memref<128x48xf32, #tpu.memory_space<vmem_shared>>
      %dma_wait3A_43 = arith.constant 0 : i32
      %dma_wait3A_44 = tpu.memref_slice %arg29[%add3A_12, %dma_wait3A_43] : memref<10112x48xf32, #tpu.memory_space<vmem_shared>> -> memref<128x48xf32, #tpu.memory_space<vmem_shared>>
      tpu.wait_dma2 semaphore(%run_scoped3A : memref<!tpu.dma_semaphore, #tpu.memory_space<semaphore_mem>>) src(%arg12 : memref<128x48xf32, #tpu.memory_space<vmem>>) dst(%dma_wait3A_44 : memref<128x48xf32, #tpu.memory_space<vmem_shared>>)
      tpu.yield
    }) : () -> ()
    %add3A_13 = arith.constant 128 : i32
    %add3A_14 = arith.addi %mul3A_0, %add3A_13 : i32
    "tpu.region"() ({
      %run_scoped3A = tpu.sem_alloc : memref<!tpu.dma_semaphore, #tpu.memory_space<semaphore_mem>>
      %dma_start3A = arith.constant 0 : i32
      %dma_start3A_39 = tpu.memref_slice %arg30[%add3A_14, %dma_start3A] : memref<10112x16xf32, #tpu.memory_space<vmem_shared>> -> memref<128x16xf32, #tpu.memory_space<vmem_shared>>
      %dma_start3A_40 = arith.constant 0 : i32
      %dma_start3A_41 = tpu.memref_slice %arg30[%add3A_14, %dma_start3A_40] : memref<10112x16xf32, #tpu.memory_space<vmem_shared>> -> memref<128x16xf32, #tpu.memory_space<vmem_shared>>
      tpu.enqueue_dma source(%arg15 : memref<128x16xf32, #tpu.memory_space<vmem>>) target(%dma_start3A_41 : memref<128x16xf32, #tpu.memory_space<vmem_shared>>) target_semaphore(%run_scoped3A : memref<!tpu.dma_semaphore, #tpu.memory_space<semaphore_mem>>)
      %dma_wait3A = arith.constant 0 : i32
      %dma_wait3A_42 = tpu.memref_slice %arg30[%add3A_14, %dma_wait3A] : memref<10112x16xf32, #tpu.memory_space<vmem_shared>> -> memref<128x16xf32, #tpu.memory_space<vmem_shared>>
      %dma_wait3A_43 = arith.constant 0 : i32
      %dma_wait3A_44 = tpu.memref_slice %arg30[%add3A_14, %dma_wait3A_43] : memref<10112x16xf32, #tpu.memory_space<vmem_shared>> -> memref<128x16xf32, #tpu.memory_space<vmem_shared>>
      tpu.wait_dma2 semaphore(%run_scoped3A : memref<!tpu.dma_semaphore, #tpu.memory_space<semaphore_mem>>) src(%arg15 : memref<128x16xf32, #tpu.memory_space<vmem>>) dst(%dma_wait3A_44 : memref<128x16xf32, #tpu.memory_space<vmem_shared>>)
      tpu.yield
    }) : () -> ()
    %add3A_15 = arith.constant 256 : i32
    %add3A_16 = arith.addi %mul3A_0, %add3A_15 : i32
    "tpu.region"() ({
      %run_scoped3A = tpu.sem_alloc : memref<!tpu.dma_semaphore, #tpu.memory_space<semaphore_mem>>
      %dma_start3A = arith.constant 0 : i32
      %dma_start3A_39 = tpu.memref_slice %arg29[%add3A_16, %dma_start3A] : memref<10112x48xf32, #tpu.memory_space<vmem_shared>> -> memref<128x48xf32, #tpu.memory_space<vmem_shared>>
      %dma_start3A_40 = arith.constant 0 : i32
      %dma_start3A_41 = tpu.memref_slice %arg29[%add3A_16, %dma_start3A_40] : memref<10112x48xf32, #tpu.memory_space<vmem_shared>> -> memref<128x48xf32, #tpu.memory_space<vmem_shared>>
      tpu.enqueue_dma source(%arg12 : memref<128x48xf32, #tpu.memory_space<vmem>>) target(%dma_start3A_41 : memref<128x48xf32, #tpu.memory_space<vmem_shared>>) target_semaphore(%run_scoped3A : memref<!tpu.dma_semaphore, #tpu.memory_space<semaphore_mem>>)
      %dma_wait3A = arith.constant 0 : i32
      %dma_wait3A_42 = tpu.memref_slice %arg29[%add3A_16, %dma_wait3A] : memref<10112x48xf32, #tpu.memory_space<vmem_shared>> -> memref<128x48xf32, #tpu.memory_space<vmem_shared>>
      %dma_wait3A_43 = arith.constant 0 : i32
      %dma_wait3A_44 = tpu.memref_slice %arg29[%add3A_16, %dma_wait3A_43] : memref<10112x48xf32, #tpu.memory_space<vmem_shared>> -> memref<128x48xf32, #tpu.memory_space<vmem_shared>>
      tpu.wait_dma2 semaphore(%run_scoped3A : memref<!tpu.dma_semaphore, #tpu.memory_space<semaphore_mem>>) src(%arg12 : memref<128x48xf32, #tpu.memory_space<vmem>>) dst(%dma_wait3A_44 : memref<128x48xf32, #tpu.memory_space<vmem_shared>>)
      tpu.yield
    }) : () -> ()
    %add3A_17 = arith.constant 256 : i32
    %add3A_18 = arith.addi %mul3A_0, %add3A_17 : i32
    "tpu.region"() ({
      %run_scoped3A = tpu.sem_alloc : memref<!tpu.dma_semaphore, #tpu.memory_space<semaphore_mem>>
      %dma_start3A = arith.constant 0 : i32
      %dma_start3A_39 = tpu.memref_slice %arg30[%add3A_18, %dma_start3A] : memref<10112x16xf32, #tpu.memory_space<vmem_shared>> -> memref<128x16xf32, #tpu.memory_space<vmem_shared>>
      %dma_start3A_40 = arith.constant 0 : i32
      %dma_start3A_41 = tpu.memref_slice %arg30[%add3A_18, %dma_start3A_40] : memref<10112x16xf32, #tpu.memory_space<vmem_shared>> -> memref<128x16xf32, #tpu.memory_space<vmem_shared>>
      tpu.enqueue_dma source(%arg15 : memref<128x16xf32, #tpu.memory_space<vmem>>) target(%dma_start3A_41 : memref<128x16xf32, #tpu.memory_space<vmem_shared>>) target_semaphore(%run_scoped3A : memref<!tpu.dma_semaphore, #tpu.memory_space<semaphore_mem>>)
      %dma_wait3A = arith.constant 0 : i32
      %dma_wait3A_42 = tpu.memref_slice %arg30[%add3A_18, %dma_wait3A] : memref<10112x16xf32, #tpu.memory_space<vmem_shared>> -> memref<128x16xf32, #tpu.memory_space<vmem_shared>>
      %dma_wait3A_43 = arith.constant 0 : i32
      %dma_wait3A_44 = tpu.memref_slice %arg30[%add3A_18, %dma_wait3A_43] : memref<10112x16xf32, #tpu.memory_space<vmem_shared>> -> memref<128x16xf32, #tpu.memory_space<vmem_shared>>
      tpu.wait_dma2 semaphore(%run_scoped3A : memref<!tpu.dma_semaphore, #tpu.memory_space<semaphore_mem>>) src(%arg15 : memref<128x16xf32, #tpu.memory_space<vmem>>) dst(%dma_wait3A_44 : memref<128x16xf32, #tpu.memory_space<vmem_shared>>)
      tpu.yield
    }) : () -> ()
    %add3A_19 = arith.constant 384 : i32
    %add3A_20 = arith.addi %mul3A_0, %add3A_19 : i32
    "tpu.region"() ({
      %run_scoped3A = tpu.sem_alloc : memref<!tpu.dma_semaphore, #tpu.memory_space<semaphore_mem>>
      %dma_start3A = arith.constant 0 : i32
      %dma_start3A_39 = tpu.memref_slice %arg29[%add3A_20, %dma_start3A] : memref<10112x48xf32, #tpu.memory_space<vmem_shared>> -> memref<128x48xf32, #tpu.memory_space<vmem_shared>>
      %dma_start3A_40 = arith.constant 0 : i32
      %dma_start3A_41 = tpu.memref_slice %arg29[%add3A_20, %dma_start3A_40] : memref<10112x48xf32, #tpu.memory_space<vmem_shared>> -> memref<128x48xf32, #tpu.memory_space<vmem_shared>>
      tpu.enqueue_dma source(%arg12 : memref<128x48xf32, #tpu.memory_space<vmem>>) target(%dma_start3A_41 : memref<128x48xf32, #tpu.memory_space<vmem_shared>>) target_semaphore(%run_scoped3A : memref<!tpu.dma_semaphore, #tpu.memory_space<semaphore_mem>>)
      %dma_wait3A = arith.constant 0 : i32
      %dma_wait3A_42 = tpu.memref_slice %arg29[%add3A_20, %dma_wait3A] : memref<10112x48xf32, #tpu.memory_space<vmem_shared>> -> memref<128x48xf32, #tpu.memory_space<vmem_shared>>
      %dma_wait3A_43 = arith.constant 0 : i32
      %dma_wait3A_44 = tpu.memref_slice %arg29[%add3A_20, %dma_wait3A_43] : memref<10112x48xf32, #tpu.memory_space<vmem_shared>> -> memref<128x48xf32, #tpu.memory_space<vmem_shared>>
      tpu.wait_dma2 semaphore(%run_scoped3A : memref<!tpu.dma_semaphore, #tpu.memory_space<semaphore_mem>>) src(%arg12 : memref<128x48xf32, #tpu.memory_space<vmem>>) dst(%dma_wait3A_44 : memref<128x48xf32, #tpu.memory_space<vmem_shared>>)
      tpu.yield
    }) : () -> ()
    %add3A_21 = arith.constant 384 : i32
    %add3A_22 = arith.addi %mul3A_0, %add3A_21 : i32
    "tpu.region"() ({
      %run_scoped3A = tpu.sem_alloc : memref<!tpu.dma_semaphore, #tpu.memory_space<semaphore_mem>>
      %dma_start3A = arith.constant 0 : i32
      %dma_start3A_39 = tpu.memref_slice %arg30[%add3A_22, %dma_start3A] : memref<10112x16xf32, #tpu.memory_space<vmem_shared>> -> memref<128x16xf32, #tpu.memory_space<vmem_shared>>
      %dma_start3A_40 = arith.constant 0 : i32
      %dma_start3A_41 = tpu.memref_slice %arg30[%add3A_22, %dma_start3A_40] : memref<10112x16xf32, #tpu.memory_space<vmem_shared>> -> memref<128x16xf32, #tpu.memory_space<vmem_shared>>
      tpu.enqueue_dma source(%arg15 : memref<128x16xf32, #tpu.memory_space<vmem>>) target(%dma_start3A_41 : memref<128x16xf32, #tpu.memory_space<vmem_shared>>) target_semaphore(%run_scoped3A : memref<!tpu.dma_semaphore, #tpu.memory_space<semaphore_mem>>)
      %dma_wait3A = arith.constant 0 : i32
      %dma_wait3A_42 = tpu.memref_slice %arg30[%add3A_22, %dma_wait3A] : memref<10112x16xf32, #tpu.memory_space<vmem_shared>> -> memref<128x16xf32, #tpu.memory_space<vmem_shared>>
      %dma_wait3A_43 = arith.constant 0 : i32
      %dma_wait3A_44 = tpu.memref_slice %arg30[%add3A_22, %dma_wait3A_43] : memref<10112x16xf32, #tpu.memory_space<vmem_shared>> -> memref<128x16xf32, #tpu.memory_space<vmem_shared>>
      tpu.wait_dma2 semaphore(%run_scoped3A : memref<!tpu.dma_semaphore, #tpu.memory_space<semaphore_mem>>) src(%arg15 : memref<128x16xf32, #tpu.memory_space<vmem>>) dst(%dma_wait3A_44 : memref<128x16xf32, #tpu.memory_space<vmem_shared>>)
      tpu.yield
    }) : () -> ()
    %add3A_23 = arith.constant 512 : i32
    %add3A_24 = arith.addi %mul3A_0, %add3A_23 : i32
    "tpu.region"() ({
      %run_scoped3A = tpu.sem_alloc : memref<!tpu.dma_semaphore, #tpu.memory_space<semaphore_mem>>
      %dma_start3A = arith.constant 0 : i32
      %dma_start3A_39 = arith.constant 0 : i32
      %dma_start3A_40 = tpu.memref_slice %arg12[%dma_start3A, %dma_start3A_39] : memref<128x48xf32, #tpu.memory_space<vmem>> -> memref<120x48xf32, #tpu.memory_space<vmem>>
      %dma_start3A_41 = arith.constant 0 : i32
      %dma_start3A_42 = tpu.memref_slice %arg29[%add3A_24, %dma_start3A_41] : memref<10112x48xf32, #tpu.memory_space<vmem_shared>> -> memref<120x48xf32, #tpu.memory_space<vmem_shared>>
      %dma_start3A_43 = arith.constant 0 : i32
      %dma_start3A_44 = tpu.memref_slice %arg29[%add3A_24, %dma_start3A_43] : memref<10112x48xf32, #tpu.memory_space<vmem_shared>> -> memref<120x48xf32, #tpu.memory_space<vmem_shared>>
      %dma_start3A_45 = arith.constant 0 : i32
      %dma_start3A_46 = arith.constant 0 : i32
      %dma_start3A_47 = tpu.memref_slice %arg12[%dma_start3A_45, %dma_start3A_46] : memref<128x48xf32, #tpu.memory_space<vmem>> -> memref<120x48xf32, #tpu.memory_space<vmem>>
      tpu.enqueue_dma source(%dma_start3A_47 : memref<120x48xf32, #tpu.memory_space<vmem>>) target(%dma_start3A_44 : memref<120x48xf32, #tpu.memory_space<vmem_shared>>) target_semaphore(%run_scoped3A : memref<!tpu.dma_semaphore, #tpu.memory_space<semaphore_mem>>)
      %dma_wait3A = arith.constant 0 : i32
      %dma_wait3A_48 = arith.constant 0 : i32
      %dma_wait3A_49 = tpu.memref_slice %arg12[%dma_wait3A, %dma_wait3A_48] : memref<128x48xf32, #tpu.memory_space<vmem>> -> memref<120x48xf32, #tpu.memory_space<vmem>>
      %dma_wait3A_50 = arith.constant 0 : i32
      %dma_wait3A_51 = tpu.memref_slice %arg29[%add3A_24, %dma_wait3A_50] : memref<10112x48xf32, #tpu.memory_space<vmem_shared>> -> memref<120x48xf32, #tpu.memory_space<vmem_shared>>
      %dma_wait3A_52 = arith.constant 0 : i32
      %dma_wait3A_53 = tpu.memref_slice %arg29[%add3A_24, %dma_wait3A_52] : memref<10112x48xf32, #tpu.memory_space<vmem_shared>> -> memref<120x48xf32, #tpu.memory_space<vmem_shared>>
      %dma_wait3A_54 = arith.constant 0 : i32
      %dma_wait3A_55 = arith.constant 0 : i32
      %dma_wait3A_56 = tpu.memref_slice %arg12[%dma_wait3A_54, %dma_wait3A_55] : memref<128x48xf32, #tpu.memory_space<vmem>> -> memref<120x48xf32, #tpu.memory_space<vmem>>
      tpu.wait_dma2 semaphore(%run_scoped3A : memref<!tpu.dma_semaphore, #tpu.memory_space<semaphore_mem>>) src(%dma_wait3A_56 : memref<120x48xf32, #tpu.memory_space<vmem>>) dst(%dma_wait3A_53 : memref<120x48xf32, #tpu.memory_space<vmem_shared>>)
      tpu.yield
    }) : () -> ()
    %add3A_25 = arith.constant 512 : i32
    %add3A_26 = arith.addi %mul3A_0, %add3A_25 : i32
    "tpu.region"() ({
      %run_scoped3A = tpu.sem_alloc : memref<!tpu.dma_semaphore, #tpu.memory_space<semaphore_mem>>
      %dma_start3A = arith.constant 0 : i32
      %dma_start3A_39 = arith.constant 0 : i32
      %dma_start3A_40 = tpu.memref_slice %arg15[%dma_start3A, %dma_start3A_39] : memref<128x16xf32, #tpu.memory_space<vmem>> -> memref<120x16xf32, #tpu.memory_space<vmem>>
      %dma_start3A_41 = arith.constant 0 : i32
      %dma_start3A_42 = tpu.memref_slice %arg30[%add3A_26, %dma_start3A_41] : memref<10112x16xf32, #tpu.memory_space<vmem_shared>> -> memref<120x16xf32, #tpu.memory_space<vmem_shared>>
      %dma_start3A_43 = arith.constant 0 : i32
      %dma_start3A_44 = tpu.memref_slice %arg30[%add3A_26, %dma_start3A_43] : memref<10112x16xf32, #tpu.memory_space<vmem_shared>> -> memref<120x16xf32, #tpu.memory_space<vmem_shared>>
      %dma_start3A_45 = arith.constant 0 : i32
      %dma_start3A_46 = arith.constant 0 : i32
      %dma_start3A_47 = tpu.memref_slice %arg15[%dma_start3A_45, %dma_start3A_46] : memref<128x16xf32, #tpu.memory_space<vmem>> -> memref<120x16xf32, #tpu.memory_space<vmem>>
      tpu.enqueue_dma source(%dma_start3A_47 : memref<120x16xf32, #tpu.memory_space<vmem>>) target(%dma_start3A_44 : memref<120x16xf32, #tpu.memory_space<vmem_shared>>) target_semaphore(%run_scoped3A : memref<!tpu.dma_semaphore, #tpu.memory_space<semaphore_mem>>)
      %dma_wait3A = arith.constant 0 : i32
      %dma_wait3A_48 = arith.constant 0 : i32
      %dma_wait3A_49 = tpu.memref_slice %arg15[%dma_wait3A, %dma_wait3A_48] : memref<128x16xf32, #tpu.memory_space<vmem>> -> memref<120x16xf32, #tpu.memory_space<vmem>>
      %dma_wait3A_50 = arith.constant 0 : i32
      %dma_wait3A_51 = tpu.memref_slice %arg30[%add3A_26, %dma_wait3A_50] : memref<10112x16xf32, #tpu.memory_space<vmem_shared>> -> memref<120x16xf32, #tpu.memory_space<vmem_shared>>
      %dma_wait3A_52 = arith.constant 0 : i32
      %dma_wait3A_53 = tpu.memref_slice %arg30[%add3A_26, %dma_wait3A_52] : memref<10112x16xf32, #tpu.memory_space<vmem_shared>> -> memref<120x16xf32, #tpu.memory_space<vmem_shared>>
      %dma_wait3A_54 = arith.constant 0 : i32
      %dma_wait3A_55 = arith.constant 0 : i32
      %dma_wait3A_56 = tpu.memref_slice %arg15[%dma_wait3A_54, %dma_wait3A_55] : memref<128x16xf32, #tpu.memory_space<vmem>> -> memref<120x16xf32, #tpu.memory_space<vmem>>
      tpu.wait_dma2 semaphore(%run_scoped3A : memref<!tpu.dma_semaphore, #tpu.memory_space<semaphore_mem>>) src(%dma_wait3A_56 : memref<120x16xf32, #tpu.memory_space<vmem>>) dst(%dma_wait3A_53 : memref<120x16xf32, #tpu.memory_space<vmem_shared>>)
      tpu.yield
    }) : () -> ()
    %mul3A_27 = arith.constant 10112 : i32
    %mul3A_28 = arith.muli %arg0, %mul3A_27 : i32
    %barrier3A = arith.constant 0 : index
    tpu.barrier barrier_id(%barrier3A)
    %scan3A_29 = arith.constant 0 : i32
    %scan3A_30 = arith.constant 0 : i32
    %scan3A_31 = arith.constant 81 : i32
    %scan3A_32 = arith.addi %scan3A_30, %scan3A_31 : i32
    %scan3A_33 = arith.constant 1 : i32
    %scan3A_34 = scf.for %scan3A_39 = %scan3A_30 to %scan3A_32 step %scan3A_33 iter_args(%scan3A_40 = %scan3A_29) -> (i32)  : i32 {
      %mul3A_41 = arith.constant 2 : i32
      %mul3A_42 = arith.muli %mul3A_41, %scan3A_39 : i32
      "tpu.region"() ({
        %run_scoped3A = tpu.sem_alloc : memref<!tpu.dma_semaphore, #tpu.memory_space<semaphore_mem>>
        %dma_start3A_246 = arith.constant 0 : i32
        %dma_start3A_247 = tpu.memref_slice %arg5[%arg1, %mul3A_42, %dma_start3A_246] : memref<16x162x128xi32, #tpu.memory_space<hbm>> -> memref<1x1x128xi32, #tpu.memory_space<hbm>>
        %dma_start3A_248 = tpu.memref_squeeze %dma_start3A_247 : memref<1x1x128xi32, #tpu.memory_space<hbm>> -> memref<128xi32, #tpu.memory_space<hbm>>
        %dma_start3A_249 = arith.constant 0 : i32
        %dma_start3A_250 = tpu.memref_slice %arg5[%arg1, %mul3A_42, %dma_start3A_249] : memref<16x162x128xi32, #tpu.memory_space<hbm>> -> memref<1x1x128xi32, #tpu.memory_space<hbm>>
        %dma_start3A_251 = tpu.memref_squeeze %dma_start3A_250 : memref<1x1x128xi32, #tpu.memory_space<hbm>> -> memref<128xi32, #tpu.memory_space<hbm>>
        tpu.enqueue_dma source(%dma_start3A_251 : memref<128xi32, #tpu.memory_space<hbm>>) target(%arg9 : memref<128xi32, #tpu.memory_space<vmem>>) target_semaphore(%run_scoped3A : memref<!tpu.dma_semaphore, #tpu.memory_space<semaphore_mem>>)
        %dma_wait3A_252 = arith.constant 0 : i32
        %dma_wait3A_253 = tpu.memref_slice %arg5[%arg1, %mul3A_42, %dma_wait3A_252] : memref<16x162x128xi32, #tpu.memory_space<hbm>> -> memref<1x1x128xi32, #tpu.memory_space<hbm>>
        %dma_wait3A_254 = tpu.memref_squeeze %dma_wait3A_253 : memref<1x1x128xi32, #tpu.memory_space<hbm>> -> memref<128xi32, #tpu.memory_space<hbm>>
        %dma_wait3A_255 = arith.constant 0 : i32
        %dma_wait3A_256 = tpu.memref_slice %arg5[%arg1, %mul3A_42, %dma_wait3A_255] : memref<16x162x128xi32, #tpu.memory_space<hbm>> -> memref<1x1x128xi32, #tpu.memory_space<hbm>>
        %dma_wait3A_257 = tpu.memref_squeeze %dma_wait3A_256 : memref<1x1x128xi32, #tpu.memory_space<hbm>> -> memref<128xi32, #tpu.memory_space<hbm>>
        tpu.wait_dma2 semaphore(%run_scoped3A : memref<!tpu.dma_semaphore, #tpu.memory_space<semaphore_mem>>) src(%dma_wait3A_257 : memref<128xi32, #tpu.memory_space<hbm>>) dst(%arg9 : memref<128xi32, #tpu.memory_space<vmem>>)
        tpu.yield
      }) : () -> ()
      "tpu.region"() ({
        %run_scoped3A = tpu.sem_alloc : memref<!tpu.dma_semaphore, #tpu.memory_space<semaphore_mem>>
        %dma_start3A_246 = arith.constant 0 : i32
        %dma_start3A_247 = tpu.memref_slice %arg6[%arg1, %mul3A_42, %dma_start3A_246] : memref<16x162x128xi32, #tpu.memory_space<hbm>> -> memref<1x1x128xi32, #tpu.memory_space<hbm>>
        %dma_start3A_248 = tpu.memref_squeeze %dma_start3A_247 : memref<1x1x128xi32, #tpu.memory_space<hbm>> -> memref<128xi32, #tpu.memory_space<hbm>>
        %dma_start3A_249 = arith.constant 0 : i32
        %dma_start3A_250 = tpu.memref_slice %arg6[%arg1, %mul3A_42, %dma_start3A_249] : memref<16x162x128xi32, #tpu.memory_space<hbm>> -> memref<1x1x128xi32, #tpu.memory_space<hbm>>
        %dma_start3A_251 = tpu.memref_squeeze %dma_start3A_250 : memref<1x1x128xi32, #tpu.memory_space<hbm>> -> memref<128xi32, #tpu.memory_space<hbm>>
        tpu.enqueue_dma source(%dma_start3A_251 : memref<128xi32, #tpu.memory_space<hbm>>) target(%arg11 : memref<128xi32, #tpu.memory_space<vmem>>) target_semaphore(%run_scoped3A : memref<!tpu.dma_semaphore, #tpu.memory_space<semaphore_mem>>)
        %dma_wait3A_252 = arith.constant 0 : i32
        %dma_wait3A_253 = tpu.memref_slice %arg6[%arg1, %mul3A_42, %dma_wait3A_252] : memref<16x162x128xi32, #tpu.memory_space<hbm>> -> memref<1x1x128xi32, #tpu.memory_space<hbm>>
        %dma_wait3A_254 = tpu.memref_squeeze %dma_wait3A_253 : memref<1x1x128xi32, #tpu.memory_space<hbm>> -> memref<128xi32, #tpu.memory_space<hbm>>
        %dma_wait3A_255 = arith.constant 0 : i32
        %dma_wait3A_256 = tpu.memref_slice %arg6[%arg1, %mul3A_42, %dma_wait3A_255] : memref<16x162x128xi32, #tpu.memory_space<hbm>> -> memref<1x1x128xi32, #tpu.memory_space<hbm>>
        %dma_wait3A_257 = tpu.memref_squeeze %dma_wait3A_256 : memref<1x1x128xi32, #tpu.memory_space<hbm>> -> memref<128xi32, #tpu.memory_space<hbm>>
        tpu.wait_dma2 semaphore(%run_scoped3A : memref<!tpu.dma_semaphore, #tpu.memory_space<semaphore_mem>>) src(%dma_wait3A_257 : memref<128xi32, #tpu.memory_space<hbm>>) dst(%arg11 : memref<128xi32, #tpu.memory_space<vmem>>)
        tpu.yield
      }) : () -> ()
      %get3A = arith.constant 0 : index
      %get3A_43 = tpu.vector_load %arg9[%get3A] {strides = array<i32>} : memref<128xi32, #tpu.memory_space<vmem>>, vector<16xi32>,
      %get3A_44 = vector.shape_cast %get3A_43 : vector<16xi32> to vector<16xi32>
      %add3A_45 = vector.broadcast %mul3A_28 : i32 to vector<16xi32>
      %add3A_46 = arith.addi %get3A_44, %add3A_45 : vector<16xi32>
      %swap3A = arith.constant 0 : index
      %swap3A_47 = tpu.vector_load %arg10[%swap3A] {strides = array<i32>} : memref<128xi32, #tpu.memory_space<vmem>>, vector<16xi32>,
      %swap3A_48 = vector.shape_cast %swap3A_47 : vector<16xi32> to vector<16xi32>
      %swap3A_49 = vector.shape_cast %add3A_46 : vector<16xi32> to vector<16xi32>
      tpu.vector_store %arg10[%swap3A], %swap3A_49 {strides = array<i32>} : memref<128xi32, #tpu.memory_space<vmem>>, vector<16xi32>,
      %get3A_50 = arith.constant 16 : index
      %get3A_51 = tpu.vector_load %arg9[%get3A_50] {strides = array<i32>} : memref<128xi32, #tpu.memory_space<vmem>>, vector<16xi32>,
      %get3A_52 = vector.shape_cast %get3A_51 : vector<16xi32> to vector<16xi32>
      %add3A_53 = vector.broadcast %mul3A_28 : i32 to vector<16xi32>
      %add3A_54 = arith.addi %get3A_52, %add3A_53 : vector<16xi32>
      %swap3A_55 = arith.constant 16 : index
      %swap3A_56 = tpu.vector_load %arg10[%swap3A_55] {strides = array<i32>} : memref<128xi32, #tpu.memory_space<vmem>>, vector<16xi32>,
      %swap3A_57 = vector.shape_cast %swap3A_56 : vector<16xi32> to vector<16xi32>
      %swap3A_58 = vector.shape_cast %add3A_54 : vector<16xi32> to vector<16xi32>
      tpu.vector_store %arg10[%swap3A_55], %swap3A_58 {strides = array<i32>} : memref<128xi32, #tpu.memory_space<vmem>>, vector<16xi32>,
      %get3A_59 = arith.constant 32 : index
      %get3A_60 = tpu.vector_load %arg9[%get3A_59] {strides = array<i32>} : memref<128xi32, #tpu.memory_space<vmem>>, vector<16xi32>,
      %get3A_61 = vector.shape_cast %get3A_60 : vector<16xi32> to vector<16xi32>
      %add3A_62 = vector.broadcast %mul3A_28 : i32 to vector<16xi32>
      %add3A_63 = arith.addi %get3A_61, %add3A_62 : vector<16xi32>
      %swap3A_64 = arith.constant 32 : index
      %swap3A_65 = tpu.vector_load %arg10[%swap3A_64] {strides = array<i32>} : memref<128xi32, #tpu.memory_space<vmem>>, vector<16xi32>,
      %swap3A_66 = vector.shape_cast %swap3A_65 : vector<16xi32> to vector<16xi32>
      %swap3A_67 = vector.shape_cast %add3A_63 : vector<16xi32> to vector<16xi32>
      tpu.vector_store %arg10[%swap3A_64], %swap3A_67 {strides = array<i32>} : memref<128xi32, #tpu.memory_space<vmem>>, vector<16xi32>,
      %get3A_68 = arith.constant 48 : index
      %get3A_69 = tpu.vector_load %arg9[%get3A_68] {strides = array<i32>} : memref<128xi32, #tpu.memory_space<vmem>>, vector<16xi32>,
      %get3A_70 = vector.shape_cast %get3A_69 : vector<16xi32> to vector<16xi32>
      %add3A_71 = vector.broadcast %mul3A_28 : i32 to vector<16xi32>
      %add3A_72 = arith.addi %get3A_70, %add3A_71 : vector<16xi32>
      %swap3A_73 = arith.constant 48 : index
      %swap3A_74 = tpu.vector_load %arg10[%swap3A_73] {strides = array<i32>} : memref<128xi32, #tpu.memory_space<vmem>>, vector<16xi32>,
      %swap3A_75 = vector.shape_cast %swap3A_74 : vector<16xi32> to vector<16xi32>
      %swap3A_76 = vector.shape_cast %add3A_72 : vector<16xi32> to vector<16xi32>
      tpu.vector_store %arg10[%swap3A_73], %swap3A_76 {strides = array<i32>} : memref<128xi32, #tpu.memory_space<vmem>>, vector<16xi32>,
      %get3A_77 = arith.constant 64 : index
      %get3A_78 = tpu.vector_load %arg9[%get3A_77] {strides = array<i32>} : memref<128xi32, #tpu.memory_space<vmem>>, vector<16xi32>,
      %get3A_79 = vector.shape_cast %get3A_78 : vector<16xi32> to vector<16xi32>
      %add3A_80 = vector.broadcast %mul3A_28 : i32 to vector<16xi32>
      %add3A_81 = arith.addi %get3A_79, %add3A_80 : vector<16xi32>
      %swap3A_82 = arith.constant 64 : index
      %swap3A_83 = tpu.vector_load %arg10[%swap3A_82] {strides = array<i32>} : memref<128xi32, #tpu.memory_space<vmem>>, vector<16xi32>,
      %swap3A_84 = vector.shape_cast %swap3A_83 : vector<16xi32> to vector<16xi32>
      %swap3A_85 = vector.shape_cast %add3A_81 : vector<16xi32> to vector<16xi32>
      tpu.vector_store %arg10[%swap3A_82], %swap3A_85 {strides = array<i32>} : memref<128xi32, #tpu.memory_space<vmem>>, vector<16xi32>,
      %get3A_86 = arith.constant 80 : index
      %get3A_87 = tpu.vector_load %arg9[%get3A_86] {strides = array<i32>} : memref<128xi32, #tpu.memory_space<vmem>>, vector<16xi32>,
      %get3A_88 = vector.shape_cast %get3A_87 : vector<16xi32> to vector<16xi32>
      %add3A_89 = vector.broadcast %mul3A_28 : i32 to vector<16xi32>
      %add3A_90 = arith.addi %get3A_88, %add3A_89 : vector<16xi32>
      %swap3A_91 = arith.constant 80 : index
      %swap3A_92 = tpu.vector_load %arg10[%swap3A_91] {strides = array<i32>} : memref<128xi32, #tpu.memory_space<vmem>>, vector<16xi32>,
      %swap3A_93 = vector.shape_cast %swap3A_92 : vector<16xi32> to vector<16xi32>
      %swap3A_94 = vector.shape_cast %add3A_90 : vector<16xi32> to vector<16xi32>
      tpu.vector_store %arg10[%swap3A_91], %swap3A_94 {strides = array<i32>} : memref<128xi32, #tpu.memory_space<vmem>>, vector<16xi32>,
      %get3A_95 = arith.constant 96 : index
      %get3A_96 = tpu.vector_load %arg9[%get3A_95] {strides = array<i32>} : memref<128xi32, #tpu.memory_space<vmem>>, vector<16xi32>,
      %get3A_97 = vector.shape_cast %get3A_96 : vector<16xi32> to vector<16xi32>
      %add3A_98 = vector.broadcast %mul3A_28 : i32 to vector<16xi32>
      %add3A_99 = arith.addi %get3A_97, %add3A_98 : vector<16xi32>
      %swap3A_100 = arith.constant 96 : index
      %swap3A_101 = tpu.vector_load %arg10[%swap3A_100] {strides = array<i32>} : memref<128xi32, #tpu.memory_space<vmem>>, vector<16xi32>,
      %swap3A_102 = vector.shape_cast %swap3A_101 : vector<16xi32> to vector<16xi32>
      %swap3A_103 = vector.shape_cast %add3A_99 : vector<16xi32> to vector<16xi32>
      tpu.vector_store %arg10[%swap3A_100], %swap3A_103 {strides = array<i32>} : memref<128xi32, #tpu.memory_space<vmem>>, vector<16xi32>,
      %get3A_104 = arith.constant 112 : index
      %get3A_105 = tpu.vector_load %arg9[%get3A_104] {strides = array<i32>} : memref<128xi32, #tpu.memory_space<vmem>>, vector<16xi32>,
      %get3A_106 = vector.shape_cast %get3A_105 : vector<16xi32> to vector<16xi32>
      %add3A_107 = vector.broadcast %mul3A_28 : i32 to vector<16xi32>
      %add3A_108 = arith.addi %get3A_106, %add3A_107 : vector<16xi32>
      %swap3A_109 = arith.constant 112 : index
      %swap3A_110 = tpu.vector_load %arg10[%swap3A_109] {strides = array<i32>} : memref<128xi32, #tpu.memory_space<vmem>>, vector<16xi32>,
      %swap3A_111 = vector.shape_cast %swap3A_110 : vector<16xi32> to vector<16xi32>
      %swap3A_112 = vector.shape_cast %add3A_108 : vector<16xi32> to vector<16xi32>
      tpu.vector_store %arg10[%swap3A_109], %swap3A_112 {strides = array<i32>} : memref<128xi32, #tpu.memory_space<vmem>>, vector<16xi32>,
      %dma_start3A = arith.constant 0 : i32
      %dma_start3A_113 = arith.constant 0 : i32
      %dma_start3A_114 = tpu.memref_slice %arg2[%dma_start3A, %dma_start3A_113] : memref<20224x48xf32, #tpu.memory_space<hbm>> -> memref<20224x48xf32, #tpu.memory_space<hbm>>
      tpu.enqueue_indirect_dma source(%dma_start3A_114 : memref<20224x48xf32, #tpu.memory_space<hbm>>) target(%arg12 : memref<128x48xf32, #tpu.memory_space<vmem>>) offsets(%arg10 : memref<128xi32, #tpu.memory_space<vmem>>) semaphore(%arg16 : memref<!tpu.dma_semaphore, #tpu.memory_space<semaphore_mem>>)
      %dma_start3A_115 = arith.constant 0 : i32
      %dma_start3A_116 = arith.constant 0 : i32
      %dma_start3A_117 = tpu.memref_slice %arg3[%dma_start3A_115, %dma_start3A_116] : memref<20224x16xf32, #tpu.memory_space<hbm>> -> memref<20224x16xf32, #tpu.memory_space<hbm>>
      tpu.enqueue_indirect_dma source(%dma_start3A_117 : memref<20224x16xf32, #tpu.memory_space<hbm>>) target(%arg13 : memref<128x16xf32, #tpu.memory_space<vmem>>) offsets(%arg10 : memref<128xi32, #tpu.memory_space<vmem>>) semaphore(%arg17 : memref<!tpu.dma_semaphore, #tpu.memory_space<semaphore_mem>>)
      %dma_start3A_118 = arith.constant 0 : i32
      %dma_start3A_119 = arith.constant 0 : i32
      %dma_start3A_120 = tpu.memref_slice %arg4[%dma_start3A_118, %dma_start3A_119] : memref<10112x16xf32, #tpu.memory_space<hbm>> -> memref<10112x16xf32, #tpu.memory_space<hbm>>
      tpu.enqueue_indirect_dma source(%dma_start3A_120 : memref<10112x16xf32, #tpu.memory_space<hbm>>) target(%arg14 : memref<128x16xf32, #tpu.memory_space<vmem>>) offsets(%arg11 : memref<128xi32, #tpu.memory_space<vmem>>) semaphore(%arg18 : memref<!tpu.dma_semaphore, #tpu.memory_space<semaphore_mem>>)
      %add3A_121 = arith.constant 1 : i32
      %add3A_122 = arith.addi %mul3A_42, %add3A_121 : i32
      "tpu.region"() ({
        %run_scoped3A = tpu.sem_alloc : memref<!tpu.dma_semaphore, #tpu.memory_space<semaphore_mem>>
        %dma_start3A_246 = arith.constant 0 : i32
        %dma_start3A_247 = tpu.memref_slice %arg5[%arg1, %add3A_122, %dma_start3A_246] : memref<16x162x128xi32, #tpu.memory_space<hbm>> -> memref<1x1x128xi32, #tpu.memory_space<hbm>>
        %dma_start3A_248 = tpu.memref_squeeze %dma_start3A_247 : memref<1x1x128xi32, #tpu.memory_space<hbm>> -> memref<128xi32, #tpu.memory_space<hbm>>
        %dma_start3A_249 = arith.constant 0 : i32
        %dma_start3A_250 = tpu.memref_slice %arg5[%arg1, %add3A_122, %dma_start3A_249] : memref<16x162x128xi32, #tpu.memory_space<hbm>> -> memref<1x1x128xi32, #tpu.memory_space<hbm>>
        %dma_start3A_251 = tpu.memref_squeeze %dma_start3A_250 : memref<1x1x128xi32, #tpu.memory_space<hbm>> -> memref<128xi32, #tpu.memory_space<hbm>>
        tpu.enqueue_dma source(%dma_start3A_251 : memref<128xi32, #tpu.memory_space<hbm>>) target(%arg19 : memref<128xi32, #tpu.memory_space<vmem>>) target_semaphore(%run_scoped3A : memref<!tpu.dma_semaphore, #tpu.memory_space<semaphore_mem>>)
        %dma_wait3A_252 = arith.constant 0 : i32
        %dma_wait3A_253 = tpu.memref_slice %arg5[%arg1, %add3A_122, %dma_wait3A_252] : memref<16x162x128xi32, #tpu.memory_space<hbm>> -> memref<1x1x128xi32, #tpu.memory_space<hbm>>
        %dma_wait3A_254 = tpu.memref_squeeze %dma_wait3A_253 : memref<1x1x128xi32, #tpu.memory_space<hbm>> -> memref<128xi32, #tpu.memory_space<hbm>>
        %dma_wait3A_255 = arith.constant 0 : i32
        %dma_wait3A_256 = tpu.memref_slice %arg5[%arg1, %add3A_122, %dma_wait3A_255] : memref<16x162x128xi32, #tpu.memory_space<hbm>> -> memref<1x1x128xi32, #tpu.memory_space<hbm>>
        %dma_wait3A_257 = tpu.memref_squeeze %dma_wait3A_256 : memref<1x1x128xi32, #tpu.memory_space<hbm>> -> memref<128xi32, #tpu.memory_space<hbm>>
        tpu.wait_dma2 semaphore(%run_scoped3A : memref<!tpu.dma_semaphore, #tpu.memory_space<semaphore_mem>>) src(%dma_wait3A_257 : memref<128xi32, #tpu.memory_space<hbm>>) dst(%arg19 : memref<128xi32, #tpu.memory_space<vmem>>)
        tpu.yield
      }) : () -> ()
      "tpu.region"() ({
        %run_scoped3A = tpu.sem_alloc : memref<!tpu.dma_semaphore, #tpu.memory_space<semaphore_mem>>
        %dma_start3A_246 = arith.constant 0 : i32
        %dma_start3A_247 = tpu.memref_slice %arg6[%arg1, %add3A_122, %dma_start3A_246] : memref<16x162x128xi32, #tpu.memory_space<hbm>> -> memref<1x1x128xi32, #tpu.memory_space<hbm>>
        %dma_start3A_248 = tpu.memref_squeeze %dma_start3A_247 : memref<1x1x128xi32, #tpu.memory_space<hbm>> -> memref<128xi32, #tpu.memory_space<hbm>>
        %dma_start3A_249 = arith.constant 0 : i32
        %dma_start3A_250 = tpu.memref_slice %arg6[%arg1, %add3A_122, %dma_start3A_249] : memref<16x162x128xi32, #tpu.memory_space<hbm>> -> memref<1x1x128xi32, #tpu.memory_space<hbm>>
        %dma_start3A_251 = tpu.memref_squeeze %dma_start3A_250 : memref<1x1x128xi32, #tpu.memory_space<hbm>> -> memref<128xi32, #tpu.memory_space<hbm>>
        tpu.enqueue_dma source(%dma_start3A_251 : memref<128xi32, #tpu.memory_space<hbm>>) target(%arg21 : memref<128xi32, #tpu.memory_space<vmem>>) target_semaphore(%run_scoped3A : memref<!tpu.dma_semaphore, #tpu.memory_space<semaphore_mem>>)
        %dma_wait3A_252 = arith.constant 0 : i32
        %dma_wait3A_253 = tpu.memref_slice %arg6[%arg1, %add3A_122, %dma_wait3A_252] : memref<16x162x128xi32, #tpu.memory_space<hbm>> -> memref<1x1x128xi32, #tpu.memory_space<hbm>>
        %dma_wait3A_254 = tpu.memref_squeeze %dma_wait3A_253 : memref<1x1x128xi32, #tpu.memory_space<hbm>> -> memref<128xi32, #tpu.memory_space<hbm>>
        %dma_wait3A_255 = arith.constant 0 : i32
        %dma_wait3A_256 = tpu.memref_slice %arg6[%arg1, %add3A_122, %dma_wait3A_255] : memref<16x162x128xi32, #tpu.memory_space<hbm>> -> memref<1x1x128xi32, #tpu.memory_space<hbm>>
        %dma_wait3A_257 = tpu.memref_squeeze %dma_wait3A_256 : memref<1x1x128xi32, #tpu.memory_space<hbm>> -> memref<128xi32, #tpu.memory_space<hbm>>
        tpu.wait_dma2 semaphore(%run_scoped3A : memref<!tpu.dma_semaphore, #tpu.memory_space<semaphore_mem>>) src(%dma_wait3A_257 : memref<128xi32, #tpu.memory_space<hbm>>) dst(%arg21 : memref<128xi32, #tpu.memory_space<vmem>>)
        tpu.yield
      }) : () -> ()
      %get3A_123 = arith.constant 0 : index
      %get3A_124 = tpu.vector_load %arg19[%get3A_123] {strides = array<i32>} : memref<128xi32, #tpu.memory_space<vmem>>, vector<16xi32>,
      %get3A_125 = vector.shape_cast %get3A_124 : vector<16xi32> to vector<16xi32>
      %add3A_126 = vector.broadcast %mul3A_28 : i32 to vector<16xi32>
      %add3A_127 = arith.addi %get3A_125, %add3A_126 : vector<16xi32>
      %swap3A_128 = arith.constant 0 : index
      %swap3A_129 = tpu.vector_load %arg20[%swap3A_128] {strides = array<i32>} : memref<128xi32, #tpu.memory_space<vmem>>, vector<16xi32>,
      %swap3A_130 = vector.shape_cast %swap3A_129 : vector<16xi32> to vector<16xi32>
      %swap3A_131 = vector.shape_cast %add3A_127 : vector<16xi32> to vector<16xi32>
      tpu.vector_store %arg20[%swap3A_128], %swap3A_131 {strides = array<i32>} : memref<128xi32, #tpu.memory_space<vmem>>, vector<16xi32>,
      %get3A_132 = arith.constant 16 : index
      %get3A_133 = tpu.vector_load %arg19[%get3A_132] {strides = array<i32>} : memref<128xi32, #tpu.memory_space<vmem>>, vector<16xi32>,
      %get3A_134 = vector.shape_cast %get3A_133 : vector<16xi32> to vector<16xi32>
      %add3A_135 = vector.broadcast %mul3A_28 : i32 to vector<16xi32>
      %add3A_136 = arith.addi %get3A_134, %add3A_135 : vector<16xi32>
      %swap3A_137 = arith.constant 16 : index
      %swap3A_138 = tpu.vector_load %arg20[%swap3A_137] {strides = array<i32>} : memref<128xi32, #tpu.memory_space<vmem>>, vector<16xi32>,
      %swap3A_139 = vector.shape_cast %swap3A_138 : vector<16xi32> to vector<16xi32>
      %swap3A_140 = vector.shape_cast %add3A_136 : vector<16xi32> to vector<16xi32>
      tpu.vector_store %arg20[%swap3A_137], %swap3A_140 {strides = array<i32>} : memref<128xi32, #tpu.memory_space<vmem>>, vector<16xi32>,
      %get3A_141 = arith.constant 32 : index
      %get3A_142 = tpu.vector_load %arg19[%get3A_141] {strides = array<i32>} : memref<128xi32, #tpu.memory_space<vmem>>, vector<16xi32>,
      %get3A_143 = vector.shape_cast %get3A_142 : vector<16xi32> to vector<16xi32>
      %add3A_144 = vector.broadcast %mul3A_28 : i32 to vector<16xi32>
      %add3A_145 = arith.addi %get3A_143, %add3A_144 : vector<16xi32>
      %swap3A_146 = arith.constant 32 : index
      %swap3A_147 = tpu.vector_load %arg20[%swap3A_146] {strides = array<i32>} : memref<128xi32, #tpu.memory_space<vmem>>, vector<16xi32>,
      %swap3A_148 = vector.shape_cast %swap3A_147 : vector<16xi32> to vector<16xi32>
      %swap3A_149 = vector.shape_cast %add3A_145 : vector<16xi32> to vector<16xi32>
      tpu.vector_store %arg20[%swap3A_146], %swap3A_149 {strides = array<i32>} : memref<128xi32, #tpu.memory_space<vmem>>, vector<16xi32>,
      %get3A_150 = arith.constant 48 : index
      %get3A_151 = tpu.vector_load %arg19[%get3A_150] {strides = array<i32>} : memref<128xi32, #tpu.memory_space<vmem>>, vector<16xi32>,
      %get3A_152 = vector.shape_cast %get3A_151 : vector<16xi32> to vector<16xi32>
      %add3A_153 = vector.broadcast %mul3A_28 : i32 to vector<16xi32>
      %add3A_154 = arith.addi %get3A_152, %add3A_153 : vector<16xi32>
      %swap3A_155 = arith.constant 48 : index
      %swap3A_156 = tpu.vector_load %arg20[%swap3A_155] {strides = array<i32>} : memref<128xi32, #tpu.memory_space<vmem>>, vector<16xi32>,
      %swap3A_157 = vector.shape_cast %swap3A_156 : vector<16xi32> to vector<16xi32>
      %swap3A_158 = vector.shape_cast %add3A_154 : vector<16xi32> to vector<16xi32>
      tpu.vector_store %arg20[%swap3A_155], %swap3A_158 {strides = array<i32>} : memref<128xi32, #tpu.memory_space<vmem>>, vector<16xi32>,
      %get3A_159 = arith.constant 64 : index
      %get3A_160 = tpu.vector_load %arg19[%get3A_159] {strides = array<i32>} : memref<128xi32, #tpu.memory_space<vmem>>, vector<16xi32>,
      %get3A_161 = vector.shape_cast %get3A_160 : vector<16xi32> to vector<16xi32>
      %add3A_162 = vector.broadcast %mul3A_28 : i32 to vector<16xi32>
      %add3A_163 = arith.addi %get3A_161, %add3A_162 : vector<16xi32>
      %swap3A_164 = arith.constant 64 : index
      %swap3A_165 = tpu.vector_load %arg20[%swap3A_164] {strides = array<i32>} : memref<128xi32, #tpu.memory_space<vmem>>, vector<16xi32>,
      %swap3A_166 = vector.shape_cast %swap3A_165 : vector<16xi32> to vector<16xi32>
      %swap3A_167 = vector.shape_cast %add3A_163 : vector<16xi32> to vector<16xi32>
      tpu.vector_store %arg20[%swap3A_164], %swap3A_167 {strides = array<i32>} : memref<128xi32, #tpu.memory_space<vmem>>, vector<16xi32>,
      %get3A_168 = arith.constant 80 : index
      %get3A_169 = tpu.vector_load %arg19[%get3A_168] {strides = array<i32>} : memref<128xi32, #tpu.memory_space<vmem>>, vector<16xi32>,
      %get3A_170 = vector.shape_cast %get3A_169 : vector<16xi32> to vector<16xi32>
      %add3A_171 = vector.broadcast %mul3A_28 : i32 to vector<16xi32>
      %add3A_172 = arith.addi %get3A_170, %add3A_171 : vector<16xi32>
      %swap3A_173 = arith.constant 80 : index
      %swap3A_174 = tpu.vector_load %arg20[%swap3A_173] {strides = array<i32>} : memref<128xi32, #tpu.memory_space<vmem>>, vector<16xi32>,
      %swap3A_175 = vector.shape_cast %swap3A_174 : vector<16xi32> to vector<16xi32>
      %swap3A_176 = vector.shape_cast %add3A_172 : vector<16xi32> to vector<16xi32>
      tpu.vector_store %arg20[%swap3A_173], %swap3A_176 {strides = array<i32>} : memref<128xi32, #tpu.memory_space<vmem>>, vector<16xi32>,
      %get3A_177 = arith.constant 96 : index
      %get3A_178 = tpu.vector_load %arg19[%get3A_177] {strides = array<i32>} : memref<128xi32, #tpu.memory_space<vmem>>, vector<16xi32>,
      %get3A_179 = vector.shape_cast %get3A_178 : vector<16xi32> to vector<16xi32>
      %add3A_180 = vector.broadcast %mul3A_28 : i32 to vector<16xi32>
      %add3A_181 = arith.addi %get3A_179, %add3A_180 : vector<16xi32>
      %swap3A_182 = arith.constant 96 : index
      %swap3A_183 = tpu.vector_load %arg20[%swap3A_182] {strides = array<i32>} : memref<128xi32, #tpu.memory_space<vmem>>, vector<16xi32>,
      %swap3A_184 = vector.shape_cast %swap3A_183 : vector<16xi32> to vector<16xi32>
      %swap3A_185 = vector.shape_cast %add3A_181 : vector<16xi32> to vector<16xi32>
      tpu.vector_store %arg20[%swap3A_182], %swap3A_185 {strides = array<i32>} : memref<128xi32, #tpu.memory_space<vmem>>, vector<16xi32>,
      %get3A_186 = arith.constant 112 : index
      %get3A_187 = tpu.vector_load %arg19[%get3A_186] {strides = array<i32>} : memref<128xi32, #tpu.memory_space<vmem>>, vector<16xi32>,
      %get3A_188 = vector.shape_cast %get3A_187 : vector<16xi32> to vector<16xi32>
      %add3A_189 = vector.broadcast %mul3A_28 : i32 to vector<16xi32>
      %add3A_190 = arith.addi %get3A_188, %add3A_189 : vector<16xi32>
      %swap3A_191 = arith.constant 112 : index
      %swap3A_192 = tpu.vector_load %arg20[%swap3A_191] {strides = array<i32>} : memref<128xi32, #tpu.memory_space<vmem>>, vector<16xi32>,
      %swap3A_193 = vector.shape_cast %swap3A_192 : vector<16xi32> to vector<16xi32>
      %swap3A_194 = vector.shape_cast %add3A_190 : vector<16xi32> to vector<16xi32>
      tpu.vector_store %arg20[%swap3A_191], %swap3A_194 {strides = array<i32>} : memref<128xi32, #tpu.memory_space<vmem>>, vector<16xi32>,
      %dma_start3A_195 = arith.constant 0 : i32
      %dma_start3A_196 = arith.constant 0 : i32
      %dma_start3A_197 = tpu.memref_slice %arg2[%dma_start3A_195, %dma_start3A_196] : memref<20224x48xf32, #tpu.memory_space<hbm>> -> memref<20224x48xf32, #tpu.memory_space<hbm>>
      tpu.enqueue_indirect_dma source(%dma_start3A_197 : memref<20224x48xf32, #tpu.memory_space<hbm>>) target(%arg22 : memref<128x48xf32, #tpu.memory_space<vmem>>) offsets(%arg20 : memref<128xi32, #tpu.memory_space<vmem>>) semaphore(%arg26 : memref<!tpu.dma_semaphore, #tpu.memory_space<semaphore_mem>>)
      %dma_start3A_198 = arith.constant 0 : i32
      %dma_start3A_199 = arith.constant 0 : i32
      %dma_start3A_200 = tpu.memref_slice %arg3[%dma_start3A_198, %dma_start3A_199] : memref<20224x16xf32, #tpu.memory_space<hbm>> -> memref<20224x16xf32, #tpu.memory_space<hbm>>
      tpu.enqueue_indirect_dma source(%dma_start3A_200 : memref<20224x16xf32, #tpu.memory_space<hbm>>) target(%arg23 : memref<128x16xf32, #tpu.memory_space<vmem>>) offsets(%arg20 : memref<128xi32, #tpu.memory_space<vmem>>) semaphore(%arg27 : memref<!tpu.dma_semaphore, #tpu.memory_space<semaphore_mem>>)
      %dma_start3A_201 = arith.constant 0 : i32
      %dma_start3A_202 = arith.constant 0 : i32
      %dma_start3A_203 = tpu.memref_slice %arg4[%dma_start3A_201, %dma_start3A_202] : memref<10112x16xf32, #tpu.memory_space<hbm>> -> memref<10112x16xf32, #tpu.memory_space<hbm>>
      tpu.enqueue_indirect_dma source(%dma_start3A_203 : memref<10112x16xf32, #tpu.memory_space<hbm>>) target(%arg24 : memref<128x16xf32, #tpu.memory_space<vmem>>) offsets(%arg21 : memref<128xi32, #tpu.memory_space<vmem>>) semaphore(%arg28 : memref<!tpu.dma_semaphore, #tpu.memory_space<semaphore_mem>>)
      %dma_wait3A = arith.constant 0 : i32
      %dma_wait3A_204 = arith.constant 0 : i32
      %dma_wait3A_205 = tpu.memref_slice %arg2[%dma_wait3A, %dma_wait3A_204] : memref<20224x48xf32, #tpu.memory_space<hbm>> -> memref<20224x48xf32, #tpu.memory_space<hbm>>
      tpu.wait_indirect_dma semaphore(%arg16 : memref<!tpu.dma_semaphore, #tpu.memory_space<semaphore_mem>>) src(%dma_wait3A_205 : memref<20224x48xf32, #tpu.memory_space<hbm>>) dst(%arg12 : memref<128x48xf32, #tpu.memory_space<vmem>>)
      %dma_wait3A_206 = arith.constant 0 : i32
      %dma_wait3A_207 = arith.constant 0 : i32
      %dma_wait3A_208 = tpu.memref_slice %arg3[%dma_wait3A_206, %dma_wait3A_207] : memref<20224x16xf32, #tpu.memory_space<hbm>> -> memref<20224x16xf32, #tpu.memory_space<hbm>>
      tpu.wait_indirect_dma semaphore(%arg17 : memref<!tpu.dma_semaphore, #tpu.memory_space<semaphore_mem>>) src(%dma_wait3A_208 : memref<20224x16xf32, #tpu.memory_space<hbm>>) dst(%arg13 : memref<128x16xf32, #tpu.memory_space<vmem>>)
      %dma_wait3A_209 = arith.constant 0 : i32
      %dma_wait3A_210 = arith.constant 0 : i32
      %dma_wait3A_211 = tpu.memref_slice %arg4[%dma_wait3A_209, %dma_wait3A_210] : memref<10112x16xf32, #tpu.memory_space<hbm>> -> memref<10112x16xf32, #tpu.memory_space<hbm>>
      tpu.wait_indirect_dma semaphore(%arg18 : memref<!tpu.dma_semaphore, #tpu.memory_space<semaphore_mem>>) src(%dma_wait3A_211 : memref<10112x16xf32, #tpu.memory_space<hbm>>) dst(%arg14 : memref<128x16xf32, #tpu.memory_space<vmem>>)
      %scan3A_212 = arith.constant 0 : i32
      %scan3A_213 = arith.constant 0 : i32
      %scan3A_214 = arith.constant 128 : i32
      %scan3A_215 = arith.addi %scan3A_213, %scan3A_214 : i32
      %scan3A_216 = arith.constant 1 : i32
      %scan3A_217 = scf.for %scan3A_246 = %scan3A_213 to %scan3A_215 step %scan3A_216 iter_args(%scan3A_247 = %scan3A_212) -> (i32)  : i32 {
        %get3A_248 = arith.index_cast %scan3A_246 : i32 to index
        %get3A_249 = arith.constant 0 : index
        %get3A_250 = tpu.vector_load %arg13[%get3A_248, %get3A_249] {strides = array<i32>} : memref<128x16xf32, #tpu.memory_space<vmem>>, vector<1x16xf32>,
        %get3A_251 = vector.shape_cast %get3A_250 : vector<1x16xf32> to vector<16xf32>
        %get3A_252 = arith.index_cast %scan3A_246 : i32 to index
        %get3A_253 = arith.constant 0 : index
        %get3A_254 = tpu.vector_load %arg14[%get3A_252, %get3A_253] {strides = array<i32>} : memref<128x16xf32, #tpu.memory_space<vmem>>, vector<1x16xf32>,
        %get3A_255 = vector.shape_cast %get3A_254 : vector<1x16xf32> to vector<16xf32>
        %add3A_256 = arith.addf %get3A_251, %get3A_255 : vector<16xf32>
        %mul3A_257 = arith.constant 2.000000e-01 : f32
        %mul3A_258 = vector.broadcast %mul3A_257 : f32 to vector<16xf32>
        %mul3A_259 = arith.mulf %mul3A_258, %add3A_256 : vector<16xf32>
        %max3A = arith.maximumf %add3A_256, %mul3A_259 : vector<16xf32>
        %exp3A = math.exp %max3A : vector<16xf32>
        %swap3A_260 = arith.index_cast %scan3A_246 : i32 to index
        %swap3A_261 = arith.constant 0 : index
        %swap3A_262 = tpu.vector_load %arg15[%swap3A_260, %swap3A_261] {strides = array<i32>} : memref<128x16xf32, #tpu.memory_space<vmem>>, vector<1x16xf32>,
        %swap3A_263 = vector.shape_cast %swap3A_262 : vector<1x16xf32> to vector<16xf32>
        %swap3A_264 = vector.shape_cast %exp3A : vector<16xf32> to vector<1x16xf32>
        tpu.vector_store %arg15[%swap3A_260, %swap3A_261], %swap3A_264 {strides = array<i32>} : memref<128x16xf32, #tpu.memory_space<vmem>>, vector<1x16xf32>,
        %mul3A_265 = arith.constant 3 : i32
        %mul3A_266 = arith.muli %arg0, %mul3A_265 : i32
        %add3A_267 = arith.constant 0 : i32
        %add3A_268 = arith.addi %mul3A_266, %add3A_267 : i32
        %jit3A = arith.constant 1 : i32
        %div3A = arith.divsi %add3A_268, %jit3A : i32
        %sign3A = arith.constant 0 : i32
        %sign3A_269 = arith.cmpi sgt, %add3A_268, %sign3A : i32
        %sign3A_270 = arith.extui %sign3A_269 : i1 to i32
        %sign3A_271 = arith.constant 0 : i32
        %sign3A_272 = arith.cmpi slt, %add3A_268, %sign3A_271 : i32
        %sign3A_273 = arith.extui %sign3A_272 : i1 to i32
        %sign3A_274 = arith.subi %sign3A_270, %sign3A_273 : i32
        %sign3A_275 = arith.constant 0 : i32
        %sign3A_276 = arith.cmpi sgt, %jit3A, %sign3A_275 : i32
        %sign3A_277 = arith.extui %sign3A_276 : i1 to i32
        %sign3A_278 = arith.constant 0 : i32
        %sign3A_279 = arith.cmpi slt, %jit3A, %sign3A_278 : i32
        %sign3A_280 = arith.extui %sign3A_279 : i1 to i32
        %sign3A_281 = arith.subi %sign3A_277, %sign3A_280 : i32
        %ne3A = arith.cmpi ne, %sign3A_274, %sign3A_281 : i32
        %rem3A = arith.remsi %add3A_268, %jit3A : i32
        %ne3A_282 = arith.constant 0 : i32
        %ne3A_283 = arith.cmpi ne, %rem3A, %ne3A_282 : i32
        %and3A = arith.andi %ne3A, %ne3A_283 : i1
        %sub3A = arith.constant 1 : i32
        %sub3A_284 = arith.subi %div3A, %sub3A : i32
        %select_n3A = arith.select %and3A, %sub3A_284, %div3A : i32
        %broadcast_in_dim3A_285 = vector.broadcast %select_n3A : i32 to vector<16xi32>
        %broadcast_in_dim3A_286 = vector.shape_cast %broadcast_in_dim3A_285 : vector<16xi32> to vector<16x1xi32>
        %gather3A = vector.shape_cast %broadcast_in_dim3A_286 : vector<16x1xi32> to vector<16xi32>
        %gather3A_287 = tpu.dynamic_gather %exp3A[%gather3A] in [0] : vector<16xf32>, vector<16xi32> -> vector<16xf32>
        %get3A_288 = arith.index_cast %scan3A_246 : i32 to index
        %get3A_289 = arith.constant 0 : index
        %get3A_290 = tpu.vector_load %arg12[%get3A_288, %get3A_289] {strides = array<i32>} : memref<128x48xf32, #tpu.memory_space<vmem>>, vector<1x16xf32>,
        %get3A_291 = vector.shape_cast %get3A_290 : vector<1x16xf32> to vector<16xf32>
        %mul3A_292 = arith.mulf %get3A_291, %gather3A_287 : vector<16xf32>
        %swap3A_293 = arith.index_cast %scan3A_246 : i32 to index
        %swap3A_294 = arith.constant 0 : index
        %swap3A_295 = tpu.vector_load %arg12[%swap3A_293, %swap3A_294] {strides = array<i32>} : memref<128x48xf32, #tpu.memory_space<vmem>>, vector<1x16xf32>,
        %swap3A_296 = vector.shape_cast %swap3A_295 : vector<1x16xf32> to vector<16xf32>
        %swap3A_297 = vector.shape_cast %mul3A_292 : vector<16xf32> to vector<1x16xf32>
        tpu.vector_store %arg12[%swap3A_293, %swap3A_294], %swap3A_297 {strides = array<i32>} : memref<128x48xf32, #tpu.memory_space<vmem>>, vector<1x16xf32>,
        %mul3A_298 = arith.constant 3 : i32
        %mul3A_299 = arith.muli %arg0, %mul3A_298 : i32
        %add3A_300 = arith.constant 1 : i32
        %add3A_301 = arith.addi %mul3A_299, %add3A_300 : i32
        %jit3A_302 = arith.constant 1 : i32
        %div3A_303 = arith.divsi %add3A_301, %jit3A_302 : i32
        %sign3A_304 = arith.constant 0 : i32
        %sign3A_305 = arith.cmpi sgt, %add3A_301, %sign3A_304 : i32
        %sign3A_306 = arith.extui %sign3A_305 : i1 to i32
        %sign3A_307 = arith.constant 0 : i32
        %sign3A_308 = arith.cmpi slt, %add3A_301, %sign3A_307 : i32
        %sign3A_309 = arith.extui %sign3A_308 : i1 to i32
        %sign3A_310 = arith.subi %sign3A_306, %sign3A_309 : i32
        %sign3A_311 = arith.constant 0 : i32
        %sign3A_312 = arith.cmpi sgt, %jit3A_302, %sign3A_311 : i32
        %sign3A_313 = arith.extui %sign3A_312 : i1 to i32
        %sign3A_314 = arith.constant 0 : i32
        %sign3A_315 = arith.cmpi slt, %jit3A_302, %sign3A_314 : i32
        %sign3A_316 = arith.extui %sign3A_315 : i1 to i32
        %sign3A_317 = arith.subi %sign3A_313, %sign3A_316 : i32
        %ne3A_318 = arith.cmpi ne, %sign3A_310, %sign3A_317 : i32
        %rem3A_319 = arith.remsi %add3A_301, %jit3A_302 : i32
        %ne3A_320 = arith.constant 0 : i32
        %ne3A_321 = arith.cmpi ne, %rem3A_319, %ne3A_320 : i32
        %and3A_322 = arith.andi %ne3A_318, %ne3A_321 : i1
        %sub3A_323 = arith.constant 1 : i32
        %sub3A_324 = arith.subi %div3A_303, %sub3A_323 : i32
        %select_n3A_325 = arith.select %and3A_322, %sub3A_324, %div3A_303 : i32
        %broadcast_in_dim3A_326 = vector.broadcast %select_n3A_325 : i32 to vector<16xi32>
        %broadcast_in_dim3A_327 = vector.shape_cast %broadcast_in_dim3A_326 : vector<16xi32> to vector<16x1xi32>
        %gather3A_328 = vector.shape_cast %broadcast_in_dim3A_327 : vector<16x1xi32> to vector<16xi32>
        %gather3A_329 = tpu.dynamic_gather %exp3A[%gather3A_328] in [0] : vector<16xf32>, vector<16xi32> -> vector<16xf32>
        %get3A_330 = arith.index_cast %scan3A_246 : i32 to index
        %get3A_331 = arith.constant 16 : index
        %get3A_332 = tpu.vector_load %arg12[%get3A_330, %get3A_331] {strides = array<i32>} : memref<128x48xf32, #tpu.memory_space<vmem>>, vector<1x16xf32>,
        %get3A_333 = vector.shape_cast %get3A_332 : vector<1x16xf32> to vector<16xf32>
        %mul3A_334 = arith.mulf %get3A_333, %gather3A_329 : vector<16xf32>
        %swap3A_335 = arith.index_cast %scan3A_246 : i32 to index
        %swap3A_336 = arith.constant 16 : index
        %swap3A_337 = tpu.vector_load %arg12[%swap3A_335, %swap3A_336] {strides = array<i32>} : memref<128x48xf32, #tpu.memory_space<vmem>>, vector<1x16xf32>,
        %swap3A_338 = vector.shape_cast %swap3A_337 : vector<1x16xf32> to vector<16xf32>
        %swap3A_339 = vector.shape_cast %mul3A_334 : vector<16xf32> to vector<1x16xf32>
        tpu.vector_store %arg12[%swap3A_335, %swap3A_336], %swap3A_339 {strides = array<i32>} : memref<128x48xf32, #tpu.memory_space<vmem>>, vector<1x16xf32>,
        %mul3A_340 = arith.constant 3 : i32
        %mul3A_341 = arith.muli %arg0, %mul3A_340 : i32
        %add3A_342 = arith.constant 2 : i32
        %add3A_343 = arith.addi %mul3A_341, %add3A_342 : i32
        %jit3A_344 = arith.constant 1 : i32
        %div3A_345 = arith.divsi %add3A_343, %jit3A_344 : i32
        %sign3A_346 = arith.constant 0 : i32
        %sign3A_347 = arith.cmpi sgt, %add3A_343, %sign3A_346 : i32
        %sign3A_348 = arith.extui %sign3A_347 : i1 to i32
        %sign3A_349 = arith.constant 0 : i32
        %sign3A_350 = arith.cmpi slt, %add3A_343, %sign3A_349 : i32
        %sign3A_351 = arith.extui %sign3A_350 : i1 to i32
        %sign3A_352 = arith.subi %sign3A_348, %sign3A_351 : i32
        %sign3A_353 = arith.constant 0 : i32
        %sign3A_354 = arith.cmpi sgt, %jit3A_344, %sign3A_353 : i32
        %sign3A_355 = arith.extui %sign3A_354 : i1 to i32
        %sign3A_356 = arith.constant 0 : i32
        %sign3A_357 = arith.cmpi slt, %jit3A_344, %sign3A_356 : i32
        %sign3A_358 = arith.extui %sign3A_357 : i1 to i32
        %sign3A_359 = arith.subi %sign3A_355, %sign3A_358 : i32
        %ne3A_360 = arith.cmpi ne, %sign3A_352, %sign3A_359 : i32
        %rem3A_361 = arith.remsi %add3A_343, %jit3A_344 : i32
        %ne3A_362 = arith.constant 0 : i32
        %ne3A_363 = arith.cmpi ne, %rem3A_361, %ne3A_362 : i32
        %and3A_364 = arith.andi %ne3A_360, %ne3A_363 : i1
        %sub3A_365 = arith.constant 1 : i32
        %sub3A_366 = arith.subi %div3A_345, %sub3A_365 : i32
        %select_n3A_367 = arith.select %and3A_364, %sub3A_366, %div3A_345 : i32
        %broadcast_in_dim3A_368 = vector.broadcast %select_n3A_367 : i32 to vector<16xi32>
        %broadcast_in_dim3A_369 = vector.shape_cast %broadcast_in_dim3A_368 : vector<16xi32> to vector<16x1xi32>
        %gather3A_370 = vector.shape_cast %broadcast_in_dim3A_369 : vector<16x1xi32> to vector<16xi32>
        %gather3A_371 = tpu.dynamic_gather %exp3A[%gather3A_370] in [0] : vector<16xf32>, vector<16xi32> -> vector<16xf32>
        %get3A_372 = arith.index_cast %scan3A_246 : i32 to index
        %get3A_373 = arith.constant 32 : index
        %get3A_374 = tpu.vector_load %arg12[%get3A_372, %get3A_373] {strides = array<i32>} : memref<128x48xf32, #tpu.memory_space<vmem>>, vector<1x16xf32>,
        %get3A_375 = vector.shape_cast %get3A_374 : vector<1x16xf32> to vector<16xf32>
        %mul3A_376 = arith.mulf %get3A_375, %gather3A_371 : vector<16xf32>
        %swap3A_377 = arith.index_cast %scan3A_246 : i32 to index
        %swap3A_378 = arith.constant 32 : index
        %swap3A_379 = tpu.vector_load %arg12[%swap3A_377, %swap3A_378] {strides = array<i32>} : memref<128x48xf32, #tpu.memory_space<vmem>>, vector<1x16xf32>,
        %swap3A_380 = vector.shape_cast %swap3A_379 : vector<1x16xf32> to vector<16xf32>
        %swap3A_381 = vector.shape_cast %mul3A_376 : vector<16xf32> to vector<1x16xf32>
        tpu.vector_store %arg12[%swap3A_377, %swap3A_378], %swap3A_381 {strides = array<i32>} : memref<128x48xf32, #tpu.memory_space<vmem>>, vector<1x16xf32>,
        %scan3A_382 = arith.constant 0 : i32
        scf.yield %scan3A_382 : i32
      }
      %scan3A_218 = arith.constant 128 : i32
      "tpu.region"() ({
        %run_scoped3A = tpu.sem_alloc : memref<!tpu.dma_semaphore, #tpu.memory_space<semaphore_mem>>
        %dma_start3A_246 = arith.constant 0 : i32
        %dma_start3A_247 = arith.constant 0 : i32
        %dma_start3A_248 = tpu.memref_slice %arg29[%dma_start3A_246, %dma_start3A_247] : memref<10112x48xf32, #tpu.memory_space<vmem_shared>> -> memref<10112x48xf32, #tpu.memory_space<vmem_shared>>
        tpu.enqueue_indirect_dma source(%arg12 : memref<128x48xf32, #tpu.memory_space<vmem>>) target(%dma_start3A_248 : memref<10112x48xf32, #tpu.memory_space<vmem_shared>>) offsets(%arg11 : memref<128xi32, #tpu.memory_space<vmem>>) semaphore(%run_scoped3A : memref<!tpu.dma_semaphore, #tpu.memory_space<semaphore_mem>>) {add = true}
        %dma_wait3A_249 = arith.constant 0 : i32
        %dma_wait3A_250 = arith.constant 0 : i32
        %dma_wait3A_251 = tpu.memref_slice %arg29[%dma_wait3A_249, %dma_wait3A_250] : memref<10112x48xf32, #tpu.memory_space<vmem_shared>> -> memref<10112x48xf32, #tpu.memory_space<vmem_shared>>
        tpu.wait_indirect_dma semaphore(%run_scoped3A : memref<!tpu.dma_semaphore, #tpu.memory_space<semaphore_mem>>) src(%arg12 : memref<128x48xf32, #tpu.memory_space<vmem>>) dst(%dma_wait3A_251 : memref<10112x48xf32, #tpu.memory_space<vmem_shared>>)
        tpu.yield
      }) : () -> ()
      %eq3A_219 = arith.constant 0 : i32
      %eq3A_220 = arith.cmpi eq, %arg0, %eq3A_219 : i32
      %convert_element_type3A_221 = arith.extui %eq3A_220 : i1 to i32
      %cond3A_222 = arith.constant 0 : i32
      %cond3A_223 = arith.cmpi ne, %convert_element_type3A_221, %cond3A_222 : i32
      scf.if %cond3A_223 {
        "tpu.region"() ({
          %run_scoped3A = tpu.sem_alloc : memref<!tpu.dma_semaphore, #tpu.memory_space<semaphore_mem>>
          %dma_start3A_246 = arith.constant 0 : i32
          %dma_start3A_247 = arith.constant 0 : i32
          %dma_start3A_248 = tpu.memref_slice %arg30[%dma_start3A_246, %dma_start3A_247] : memref<10112x16xf32, #tpu.memory_space<vmem_shared>> -> memref<10112x16xf32, #tpu.memory_space<vmem_shared>>
          tpu.enqueue_indirect_dma source(%arg15 : memref<128x16xf32, #tpu.memory_space<vmem>>) target(%dma_start3A_248 : memref<10112x16xf32, #tpu.memory_space<vmem_shared>>) offsets(%arg11 : memref<128xi32, #tpu.memory_space<vmem>>) semaphore(%run_scoped3A : memref<!tpu.dma_semaphore, #tpu.memory_space<semaphore_mem>>) {add = true}
          %dma_wait3A_249 = arith.constant 0 : i32
          %dma_wait3A_250 = arith.constant 0 : i32
          %dma_wait3A_251 = tpu.memref_slice %arg30[%dma_wait3A_249, %dma_wait3A_250] : memref<10112x16xf32, #tpu.memory_space<vmem_shared>> -> memref<10112x16xf32, #tpu.memory_space<vmem_shared>>
          tpu.wait_indirect_dma semaphore(%run_scoped3A : memref<!tpu.dma_semaphore, #tpu.memory_space<semaphore_mem>>) src(%arg15 : memref<128x16xf32, #tpu.memory_space<vmem>>) dst(%dma_wait3A_251 : memref<10112x16xf32, #tpu.memory_space<vmem_shared>>)
          tpu.yield
        }) : () -> ()
      } else {
      }
      %dma_wait3A_224 = arith.constant 0 : i32
      %dma_wait3A_225 = arith.constant 0 : i32
      %dma_wait3A_226 = tpu.memref_slice %arg2[%dma_wait3A_224, %dma_wait3A_225] : memref<20224x48xf32, #tpu.memory_space<hbm>> -> memref<20224x48xf32, #tpu.memory_space<hbm>>
      tpu.wait_indirect_dma semaphore(%arg26 : memref<!tpu.dma_semaphore, #tpu.memory_space<semaphore_mem>>) src(%dma_wait3A_226 : memref<20224x48xf32, #tpu.memory_space<hbm>>) dst(%arg22 : memref<128x48xf32, #tpu.memory_space<vmem>>)
      %dma_wait3A_227 = arith.constant 0 : i32
      %dma_wait3A_228 = arith.constant 0 : i32
      %dma_wait3A_229 = tpu.memref_slice %arg3[%dma_wait3A_227, %dma_wait3A_228] : memref<20224x16xf32, #tpu.memory_space<hbm>> -> memref<20224x16xf32, #tpu.memory_space<hbm>>
      tpu.wait_indirect_dma semaphore(%arg27 : memref<!tpu.dma_semaphore, #tpu.memory_space<semaphore_mem>>) src(%dma_wait3A_229 : memref<20224x16xf32, #tpu.memory_space<hbm>>) dst(%arg23 : memref<128x16xf32, #tpu.memory_space<vmem>>)
      %dma_wait3A_230 = arith.constant 0 : i32
      %dma_wait3A_231 = arith.constant 0 : i32
      %dma_wait3A_232 = tpu.memref_slice %arg4[%dma_wait3A_230, %dma_wait3A_231] : memref<10112x16xf32, #tpu.memory_space<hbm>> -> memref<10112x16xf32, #tpu.memory_space<hbm>>
      tpu.wait_indirect_dma semaphore(%arg28 : memref<!tpu.dma_semaphore, #tpu.memory_space<semaphore_mem>>) src(%dma_wait3A_232 : memref<10112x16xf32, #tpu.memory_space<hbm>>) dst(%arg24 : memref<128x16xf32, #tpu.memory_space<vmem>>)
      %scan3A_233 = arith.constant 0 : i32
      %scan3A_234 = arith.constant 0 : i32
      %scan3A_235 = arith.constant 128 : i32
      %scan3A_236 = arith.addi %scan3A_234, %scan3A_235 : i32
      %scan3A_237 = arith.constant 1 : i32
      %scan3A_238 = scf.for %scan3A_246 = %scan3A_234 to %scan3A_236 step %scan3A_237 iter_args(%scan3A_247 = %scan3A_233) -> (i32)  : i32 {
        %get3A_248 = arith.index_cast %scan3A_246 : i32 to index
        %get3A_249 = arith.constant 0 : index
        %get3A_250 = tpu.vector_load %arg23[%get3A_248, %get3A_249] {strides = array<i32>} : memref<128x16xf32, #tpu.memory_space<vmem>>, vector<1x16xf32>,
        %get3A_251 = vector.shape_cast %get3A_250 : vector<1x16xf32> to vector<16xf32>
        %get3A_252 = arith.index_cast %scan3A_246 : i32 to index
        %get3A_253 = arith.constant 0 : index
        %get3A_254 = tpu.vector_load %arg24[%get3A_252, %get3A_253] {strides = array<i32>} : memref<128x16xf32, #tpu.memory_space<vmem>>, vector<1x16xf32>,
        %get3A_255 = vector.shape_cast %get3A_254 : vector<1x16xf32> to vector<16xf32>
        %add3A_256 = arith.addf %get3A_251, %get3A_255 : vector<16xf32>
        %mul3A_257 = arith.constant 2.000000e-01 : f32
        %mul3A_258 = vector.broadcast %mul3A_257 : f32 to vector<16xf32>
        %mul3A_259 = arith.mulf %mul3A_258, %add3A_256 : vector<16xf32>
        %max3A = arith.maximumf %add3A_256, %mul3A_259 : vector<16xf32>
        %exp3A = math.exp %max3A : vector<16xf32>
        %swap3A_260 = arith.index_cast %scan3A_246 : i32 to index
        %swap3A_261 = arith.constant 0 : index
        %swap3A_262 = tpu.vector_load %arg25[%swap3A_260, %swap3A_261] {strides = array<i32>} : memref<128x16xf32, #tpu.memory_space<vmem>>, vector<1x16xf32>,
        %swap3A_263 = vector.shape_cast %swap3A_262 : vector<1x16xf32> to vector<16xf32>
        %swap3A_264 = vector.shape_cast %exp3A : vector<16xf32> to vector<1x16xf32>
        tpu.vector_store %arg25[%swap3A_260, %swap3A_261], %swap3A_264 {strides = array<i32>} : memref<128x16xf32, #tpu.memory_space<vmem>>, vector<1x16xf32>,
        %mul3A_265 = arith.constant 3 : i32
        %mul3A_266 = arith.muli %arg0, %mul3A_265 : i32
        %add3A_267 = arith.constant 0 : i32
        %add3A_268 = arith.addi %mul3A_266, %add3A_267 : i32
        %jit3A = arith.constant 1 : i32
        %div3A = arith.divsi %add3A_268, %jit3A : i32
        %sign3A = arith.constant 0 : i32
        %sign3A_269 = arith.cmpi sgt, %add3A_268, %sign3A : i32
        %sign3A_270 = arith.extui %sign3A_269 : i1 to i32
        %sign3A_271 = arith.constant 0 : i32
        %sign3A_272 = arith.cmpi slt, %add3A_268, %sign3A_271 : i32
        %sign3A_273 = arith.extui %sign3A_272 : i1 to i32
        %sign3A_274 = arith.subi %sign3A_270, %sign3A_273 : i32
        %sign3A_275 = arith.constant 0 : i32
        %sign3A_276 = arith.cmpi sgt, %jit3A, %sign3A_275 : i32
        %sign3A_277 = arith.extui %sign3A_276 : i1 to i32
        %sign3A_278 = arith.constant 0 : i32
        %sign3A_279 = arith.cmpi slt, %jit3A, %sign3A_278 : i32
        %sign3A_280 = arith.extui %sign3A_279 : i1 to i32
        %sign3A_281 = arith.subi %sign3A_277, %sign3A_280 : i32
        %ne3A = arith.cmpi ne, %sign3A_274, %sign3A_281 : i32
        %rem3A = arith.remsi %add3A_268, %jit3A : i32
        %ne3A_282 = arith.constant 0 : i32
        %ne3A_283 = arith.cmpi ne, %rem3A, %ne3A_282 : i32
        %and3A = arith.andi %ne3A, %ne3A_283 : i1
        %sub3A = arith.constant 1 : i32
        %sub3A_284 = arith.subi %div3A, %sub3A : i32
        %select_n3A = arith.select %and3A, %sub3A_284, %div3A : i32
        %broadcast_in_dim3A_285 = vector.broadcast %select_n3A : i32 to vector<16xi32>
        %broadcast_in_dim3A_286 = vector.shape_cast %broadcast_in_dim3A_285 : vector<16xi32> to vector<16x1xi32>
        %gather3A = vector.shape_cast %broadcast_in_dim3A_286 : vector<16x1xi32> to vector<16xi32>
        %gather3A_287 = tpu.dynamic_gather %exp3A[%gather3A] in [0] : vector<16xf32>, vector<16xi32> -> vector<16xf32>
        %get3A_288 = arith.index_cast %scan3A_246 : i32 to index
        %get3A_289 = arith.constant 0 : index
        %get3A_290 = tpu.vector_load %arg22[%get3A_288, %get3A_289] {strides = array<i32>} : memref<128x48xf32, #tpu.memory_space<vmem>>, vector<1x16xf32>,
        %get3A_291 = vector.shape_cast %get3A_290 : vector<1x16xf32> to vector<16xf32>
        %mul3A_292 = arith.mulf %get3A_291, %gather3A_287 : vector<16xf32>
        %swap3A_293 = arith.index_cast %scan3A_246 : i32 to index
        %swap3A_294 = arith.constant 0 : index
        %swap3A_295 = tpu.vector_load %arg22[%swap3A_293, %swap3A_294] {strides = array<i32>} : memref<128x48xf32, #tpu.memory_space<vmem>>, vector<1x16xf32>,
        %swap3A_296 = vector.shape_cast %swap3A_295 : vector<1x16xf32> to vector<16xf32>
        %swap3A_297 = vector.shape_cast %mul3A_292 : vector<16xf32> to vector<1x16xf32>
        tpu.vector_store %arg22[%swap3A_293, %swap3A_294], %swap3A_297 {strides = array<i32>} : memref<128x48xf32, #tpu.memory_space<vmem>>, vector<1x16xf32>,
        %mul3A_298 = arith.constant 3 : i32
        %mul3A_299 = arith.muli %arg0, %mul3A_298 : i32
        %add3A_300 = arith.constant 1 : i32
        %add3A_301 = arith.addi %mul3A_299, %add3A_300 : i32
        %jit3A_302 = arith.constant 1 : i32
        %div3A_303 = arith.divsi %add3A_301, %jit3A_302 : i32
        %sign3A_304 = arith.constant 0 : i32
        %sign3A_305 = arith.cmpi sgt, %add3A_301, %sign3A_304 : i32
        %sign3A_306 = arith.extui %sign3A_305 : i1 to i32
        %sign3A_307 = arith.constant 0 : i32
        %sign3A_308 = arith.cmpi slt, %add3A_301, %sign3A_307 : i32
        %sign3A_309 = arith.extui %sign3A_308 : i1 to i32
        %sign3A_310 = arith.subi %sign3A_306, %sign3A_309 : i32
        %sign3A_311 = arith.constant 0 : i32
        %sign3A_312 = arith.cmpi sgt, %jit3A_302, %sign3A_311 : i32
        %sign3A_313 = arith.extui %sign3A_312 : i1 to i32
        %sign3A_314 = arith.constant 0 : i32
        %sign3A_315 = arith.cmpi slt, %jit3A_302, %sign3A_314 : i32
        %sign3A_316 = arith.extui %sign3A_315 : i1 to i32
        %sign3A_317 = arith.subi %sign3A_313, %sign3A_316 : i32
        %ne3A_318 = arith.cmpi ne, %sign3A_310, %sign3A_317 : i32
        %rem3A_319 = arith.remsi %add3A_301, %jit3A_302 : i32
        %ne3A_320 = arith.constant 0 : i32
        %ne3A_321 = arith.cmpi ne, %rem3A_319, %ne3A_320 : i32
        %and3A_322 = arith.andi %ne3A_318, %ne3A_321 : i1
        %sub3A_323 = arith.constant 1 : i32
        %sub3A_324 = arith.subi %div3A_303, %sub3A_323 : i32
        %select_n3A_325 = arith.select %and3A_322, %sub3A_324, %div3A_303 : i32
        %broadcast_in_dim3A_326 = vector.broadcast %select_n3A_325 : i32 to vector<16xi32>
        %broadcast_in_dim3A_327 = vector.shape_cast %broadcast_in_dim3A_326 : vector<16xi32> to vector<16x1xi32>
        %gather3A_328 = vector.shape_cast %broadcast_in_dim3A_327 : vector<16x1xi32> to vector<16xi32>
        %gather3A_329 = tpu.dynamic_gather %exp3A[%gather3A_328] in [0] : vector<16xf32>, vector<16xi32> -> vector<16xf32>
        %get3A_330 = arith.index_cast %scan3A_246 : i32 to index
        %get3A_331 = arith.constant 16 : index
        %get3A_332 = tpu.vector_load %arg22[%get3A_330, %get3A_331] {strides = array<i32>} : memref<128x48xf32, #tpu.memory_space<vmem>>, vector<1x16xf32>,
        %get3A_333 = vector.shape_cast %get3A_332 : vector<1x16xf32> to vector<16xf32>
        %mul3A_334 = arith.mulf %get3A_333, %gather3A_329 : vector<16xf32>
        %swap3A_335 = arith.index_cast %scan3A_246 : i32 to index
        %swap3A_336 = arith.constant 16 : index
        %swap3A_337 = tpu.vector_load %arg22[%swap3A_335, %swap3A_336] {strides = array<i32>} : memref<128x48xf32, #tpu.memory_space<vmem>>, vector<1x16xf32>,
        %swap3A_338 = vector.shape_cast %swap3A_337 : vector<1x16xf32> to vector<16xf32>
        %swap3A_339 = vector.shape_cast %mul3A_334 : vector<16xf32> to vector<1x16xf32>
        tpu.vector_store %arg22[%swap3A_335, %swap3A_336], %swap3A_339 {strides = array<i32>} : memref<128x48xf32, #tpu.memory_space<vmem>>, vector<1x16xf32>,
        %mul3A_340 = arith.constant 3 : i32
        %mul3A_341 = arith.muli %arg0, %mul3A_340 : i32
        %add3A_342 = arith.constant 2 : i32
        %add3A_343 = arith.addi %mul3A_341, %add3A_342 : i32
        %jit3A_344 = arith.constant 1 : i32
        %div3A_345 = arith.divsi %add3A_343, %jit3A_344 : i32
        %sign3A_346 = arith.constant 0 : i32
        %sign3A_347 = arith.cmpi sgt, %add3A_343, %sign3A_346 : i32
        %sign3A_348 = arith.extui %sign3A_347 : i1 to i32
        %sign3A_349 = arith.constant 0 : i32
        %sign3A_350 = arith.cmpi slt, %add3A_343, %sign3A_349 : i32
        %sign3A_351 = arith.extui %sign3A_350 : i1 to i32
        %sign3A_352 = arith.subi %sign3A_348, %sign3A_351 : i32
        %sign3A_353 = arith.constant 0 : i32
        %sign3A_354 = arith.cmpi sgt, %jit3A_344, %sign3A_353 : i32
        %sign3A_355 = arith.extui %sign3A_354 : i1 to i32
        %sign3A_356 = arith.constant 0 : i32
        %sign3A_357 = arith.cmpi slt, %jit3A_344, %sign3A_356 : i32
        %sign3A_358 = arith.extui %sign3A_357 : i1 to i32
        %sign3A_359 = arith.subi %sign3A_355, %sign3A_358 : i32
        %ne3A_360 = arith.cmpi ne, %sign3A_352, %sign3A_359 : i32
        %rem3A_361 = arith.remsi %add3A_343, %jit3A_344 : i32
        %ne3A_362 = arith.constant 0 : i32
        %ne3A_363 = arith.cmpi ne, %rem3A_361, %ne3A_362 : i32
        %and3A_364 = arith.andi %ne3A_360, %ne3A_363 : i1
        %sub3A_365 = arith.constant 1 : i32
        %sub3A_366 = arith.subi %div3A_345, %sub3A_365 : i32
        %select_n3A_367 = arith.select %and3A_364, %sub3A_366, %div3A_345 : i32
        %broadcast_in_dim3A_368 = vector.broadcast %select_n3A_367 : i32 to vector<16xi32>
        %broadcast_in_dim3A_369 = vector.shape_cast %broadcast_in_dim3A_368 : vector<16xi32> to vector<16x1xi32>
        %gather3A_370 = vector.shape_cast %broadcast_in_dim3A_369 : vector<16x1xi32> to vector<16xi32>
        %gather3A_371 = tpu.dynamic_gather %exp3A[%gather3A_370] in [0] : vector<16xf32>, vector<16xi32> -> vector<16xf32>
        %get3A_372 = arith.index_cast %scan3A_246 : i32 to index
        %get3A_373 = arith.constant 32 : index
        %get3A_374 = tpu.vector_load %arg22[%get3A_372, %get3A_373] {strides = array<i32>} : memref<128x48xf32, #tpu.memory_space<vmem>>, vector<1x16xf32>,
        %get3A_375 = vector.shape_cast %get3A_374 : vector<1x16xf32> to vector<16xf32>
        %mul3A_376 = arith.mulf %get3A_375, %gather3A_371 : vector<16xf32>
        %swap3A_377 = arith.index_cast %scan3A_246 : i32 to index
        %swap3A_378 = arith.constant 32 : index
        %swap3A_379 = tpu.vector_load %arg22[%swap3A_377, %swap3A_378] {strides = array<i32>} : memref<128x48xf32, #tpu.memory_space<vmem>>, vector<1x16xf32>,
        %swap3A_380 = vector.shape_cast %swap3A_379 : vector<1x16xf32> to vector<16xf32>
        %swap3A_381 = vector.shape_cast %mul3A_376 : vector<16xf32> to vector<1x16xf32>
        tpu.vector_store %arg22[%swap3A_377, %swap3A_378], %swap3A_381 {strides = array<i32>} : memref<128x48xf32, #tpu.memory_space<vmem>>, vector<1x16xf32>,
        %scan3A_382 = arith.constant 0 : i32
        scf.yield %scan3A_382 : i32
      }
      %scan3A_239 = arith.constant 128 : i32
      "tpu.region"() ({
        %run_scoped3A = tpu.sem_alloc : memref<!tpu.dma_semaphore, #tpu.memory_space<semaphore_mem>>
        %dma_start3A_246 = arith.constant 0 : i32
        %dma_start3A_247 = arith.constant 0 : i32
        %dma_start3A_248 = tpu.memref_slice %arg29[%dma_start3A_246, %dma_start3A_247] : memref<10112x48xf32, #tpu.memory_space<vmem_shared>> -> memref<10112x48xf32, #tpu.memory_space<vmem_shared>>
        tpu.enqueue_indirect_dma source(%arg22 : memref<128x48xf32, #tpu.memory_space<vmem>>) target(%dma_start3A_248 : memref<10112x48xf32, #tpu.memory_space<vmem_shared>>) offsets(%arg21 : memref<128xi32, #tpu.memory_space<vmem>>) semaphore(%run_scoped3A : memref<!tpu.dma_semaphore, #tpu.memory_space<semaphore_mem>>) {add = true}
        %dma_wait3A_249 = arith.constant 0 : i32
        %dma_wait3A_250 = arith.constant 0 : i32
        %dma_wait3A_251 = tpu.memref_slice %arg29[%dma_wait3A_249, %dma_wait3A_250] : memref<10112x48xf32, #tpu.memory_space<vmem_shared>> -> memref<10112x48xf32, #tpu.memory_space<vmem_shared>>
        tpu.wait_indirect_dma semaphore(%run_scoped3A : memref<!tpu.dma_semaphore, #tpu.memory_space<semaphore_mem>>) src(%arg22 : memref<128x48xf32, #tpu.memory_space<vmem>>) dst(%dma_wait3A_251 : memref<10112x48xf32, #tpu.memory_space<vmem_shared>>)
        tpu.yield
      }) : () -> ()
      %eq3A_240 = arith.constant 0 : i32
      %eq3A_241 = arith.cmpi eq, %arg0, %eq3A_240 : i32
      %convert_element_type3A_242 = arith.extui %eq3A_241 : i1 to i32
      %cond3A_243 = arith.constant 0 : i32
      %cond3A_244 = arith.cmpi ne, %convert_element_type3A_242, %cond3A_243 : i32
      scf.if %cond3A_244 {
        "tpu.region"() ({
          %run_scoped3A = tpu.sem_alloc : memref<!tpu.dma_semaphore, #tpu.memory_space<semaphore_mem>>
          %dma_start3A_246 = arith.constant 0 : i32
          %dma_start3A_247 = arith.constant 0 : i32
          %dma_start3A_248 = tpu.memref_slice %arg30[%dma_start3A_246, %dma_start3A_247] : memref<10112x16xf32, #tpu.memory_space<vmem_shared>> -> memref<10112x16xf32, #tpu.memory_space<vmem_shared>>
          tpu.enqueue_indirect_dma source(%arg25 : memref<128x16xf32, #tpu.memory_space<vmem>>) target(%dma_start3A_248 : memref<10112x16xf32, #tpu.memory_space<vmem_shared>>) offsets(%arg21 : memref<128xi32, #tpu.memory_space<vmem>>) semaphore(%run_scoped3A : memref<!tpu.dma_semaphore, #tpu.memory_space<semaphore_mem>>) {add = true}
          %dma_wait3A_249 = arith.constant 0 : i32
          %dma_wait3A_250 = arith.constant 0 : i32
          %dma_wait3A_251 = tpu.memref_slice %arg30[%dma_wait3A_249, %dma_wait3A_250] : memref<10112x16xf32, #tpu.memory_space<vmem_shared>> -> memref<10112x16xf32, #tpu.memory_space<vmem_shared>>
          tpu.wait_indirect_dma semaphore(%run_scoped3A : memref<!tpu.dma_semaphore, #tpu.memory_space<semaphore_mem>>) src(%arg25 : memref<128x16xf32, #tpu.memory_space<vmem>>) dst(%dma_wait3A_251 : memref<10112x16xf32, #tpu.memory_space<vmem_shared>>)
          tpu.yield
        }) : () -> ()
      } else {
      }
      %scan3A_245 = arith.constant 0 : i32
      scf.yield %scan3A_245 : i32
    }
    %scan3A_35 = arith.constant 81 : i32
    %barrier3A_36 = arith.constant 0 : index
    tpu.barrier barrier_id(%barrier3A_36)
    "tpu.region"() ({
      %run_scoped3A = tpu.sem_alloc : memref<!tpu.dma_semaphore, #tpu.memory_space<semaphore_mem>>
      %dma_start3A = arith.constant 0 : i32
      %dma_start3A_39 = tpu.memref_slice %arg7[%arg0, %mul3A_0, %dma_start3A] : memref<2x10112x48xf32, #tpu.memory_space<hbm>> -> memref<1x632x48xf32, #tpu.memory_space<hbm>>
      %dma_start3A_40 = tpu.memref_squeeze %dma_start3A_39 : memref<1x632x48xf32, #tpu.memory_space<hbm>> -> memref<632x48xf32, #tpu.memory_space<hbm>>
      %dma_start3A_41 = arith.constant 0 : i32
      %dma_start3A_42 = tpu.memref_slice %arg29[%mul3A_0, %dma_start3A_41] : memref<10112x48xf32, #tpu.memory_space<vmem_shared>> -> memref<632x48xf32, #tpu.memory_space<vmem_shared>>
      tpu.enqueue_dma source(%dma_start3A_42 : memref<632x48xf32, #tpu.memory_space<vmem_shared>>) target(%dma_start3A_40 : memref<632x48xf32, #tpu.memory_space<hbm>>) target_semaphore(%run_scoped3A : memref<!tpu.dma_semaphore, #tpu.memory_space<semaphore_mem>>)
      %dma_wait3A = arith.constant 0 : i32
      %dma_wait3A_43 = tpu.memref_slice %arg7[%arg0, %mul3A_0, %dma_wait3A] : memref<2x10112x48xf32, #tpu.memory_space<hbm>> -> memref<1x632x48xf32, #tpu.memory_space<hbm>>
      %dma_wait3A_44 = tpu.memref_squeeze %dma_wait3A_43 : memref<1x632x48xf32, #tpu.memory_space<hbm>> -> memref<632x48xf32, #tpu.memory_space<hbm>>
      %dma_wait3A_45 = arith.constant 0 : i32
      %dma_wait3A_46 = tpu.memref_slice %arg29[%mul3A_0, %dma_wait3A_45] : memref<10112x48xf32, #tpu.memory_space<vmem_shared>> -> memref<632x48xf32, #tpu.memory_space<vmem_shared>>
      tpu.wait_dma2 semaphore(%run_scoped3A : memref<!tpu.dma_semaphore, #tpu.memory_space<semaphore_mem>>) src(%dma_wait3A_46 : memref<632x48xf32, #tpu.memory_space<vmem_shared>>) dst(%dma_wait3A_44 : memref<632x48xf32, #tpu.memory_space<hbm>>)
      tpu.yield
    }) : () -> ()
    %eq3A = arith.constant 0 : i32
    %eq3A_37 = arith.cmpi eq, %arg0, %eq3A : i32
    %convert_element_type3A = arith.extui %eq3A_37 : i1 to i32
    %cond3A = arith.constant 0 : i32
    %cond3A_38 = arith.cmpi ne, %convert_element_type3A, %cond3A : i32
    scf.if %cond3A_38 {
      "tpu.region"() ({
        %run_scoped3A = tpu.sem_alloc : memref<!tpu.dma_semaphore, #tpu.memory_space<semaphore_mem>>
        %dma_start3A = arith.constant 0 : i32
        %dma_start3A_39 = tpu.memref_slice %arg8[%mul3A_0, %dma_start3A] : memref<10112x16xf32, #tpu.memory_space<hbm>> -> memref<632x16xf32, #tpu.memory_space<hbm>>
        %dma_start3A_40 = arith.constant 0 : i32
        %dma_start3A_41 = tpu.memref_slice %arg30[%mul3A_0, %dma_start3A_40] : memref<10112x16xf32, #tpu.memory_space<vmem_shared>> -> memref<632x16xf32, #tpu.memory_space<vmem_shared>>
        tpu.enqueue_dma source(%dma_start3A_41 : memref<632x16xf32, #tpu.memory_space<vmem_shared>>) target(%dma_start3A_39 : memref<632x16xf32, #tpu.memory_space<hbm>>) target_semaphore(%run_scoped3A : memref<!tpu.dma_semaphore, #tpu.memory_space<semaphore_mem>>)
        %dma_wait3A = arith.constant 0 : i32
        %dma_wait3A_42 = tpu.memref_slice %arg8[%mul3A_0, %dma_wait3A] : memref<10112x16xf32, #tpu.memory_space<hbm>> -> memref<632x16xf32, #tpu.memory_space<hbm>>
        %dma_wait3A_43 = arith.constant 0 : i32
        %dma_wait3A_44 = tpu.memref_slice %arg30[%mul3A_0, %dma_wait3A_43] : memref<10112x16xf32, #tpu.memory_space<vmem_shared>> -> memref<632x16xf32, #tpu.memory_space<vmem_shared>>
        tpu.wait_dma2 semaphore(%run_scoped3A : memref<!tpu.dma_semaphore, #tpu.memory_space<semaphore_mem>>) src(%dma_wait3A_44 : memref<632x16xf32, #tpu.memory_space<vmem_shared>>) dst(%dma_wait3A_42 : memref<632x16xf32, #tpu.memory_space<hbm>>)
        tpu.yield
      }) : () -> ()
    } else {
    }
    return
  }
}

module attributes {stable_mosaic.version = 14 : i64} {
  func.func @_mm_body(%arg0: i32, %arg1: memref<1024x128xf32, #tpu.memory_space<vmem>>, %arg2: memref<128x384xf32, #tpu.memory_space<vmem>>, %arg3: memref<1024x384xf32, #tpu.memory_space<vmem>>) attributes {dimension_semantics = [#tpu.dimension_semantics<arbitrary>], iteration_bounds = array<i64: 10>, scalar_prefetch = 0 : i64, scratch_operands = 0 : i64, tpu.core_type = #tpu.core_type<tc>, window_params = [{transform_indices = @transform_0, window_bounds = array<i64: 1024, 128>}, {pipeline_mode = #tpu.pipeline_mode<synchronous>, transform_indices = @transform_1, window_bounds = array<i64: 128, 384>}, {transform_indices = @transform_2, window_bounds = array<i64: 1024, 384>}]} {
    %get3A = arith.constant 0 : index
    %get3A_0 = arith.constant 0 : index
    %get3A_1 = vector.load %arg1[%get3A, %get3A_0] : memref<1024x128xf32, #tpu.memory_space<vmem>>, vector<1024x128xf32>
    %get3A_2 = arith.constant 0 : index
    %get3A_3 = arith.constant 0 : index
    %get3A_4 = vector.load %arg2[%get3A_2, %get3A_3] : memref<128x384xf32, #tpu.memory_space<vmem>>, vector<128x384xf32>
    %dot_general3A = arith.constant dense<0.000000e+00> : vector<1024x384xf32>
    %dot_general3A_5 = tpu.matmul %get3A_1, %get3A_4, %dot_general3A {dimension_numbers = #tpu.dot_dimension_numbers<[1], [0], [0], [1], [0, 0, 1, 1], [], []>, transpose_lhs_hint = false} : vector<1024x128xf32>, vector<128x384xf32>, vector<1024x384xf32> -> vector<1024x384xf32>
    %swap3A = arith.constant 0 : index
    %swap3A_6 = arith.constant 0 : index
    %swap3A_7 = vector.load %arg3[%swap3A, %swap3A_6] : memref<1024x384xf32, #tpu.memory_space<vmem>>, vector<1024x384xf32>
    tpu.vector_store %arg3[%swap3A, %swap3A_6], %dot_general3A_5 {strides = array<i32>} : memref<1024x384xf32, #tpu.memory_space<vmem>>, vector<1024x384xf32>,
    return
  }
  func.func @transform_0(%arg0: i32) -> (i32, i32) {
    %c0_i32 = arith.constant 0 : i32
    %c0_i32_0 = arith.constant 0 : i32
    return %arg0, %c0_i32 : i32, i32
  }
  func.func @transform_1(%arg0: i32) -> (i32, i32) {
    %c0_i32 = arith.constant 0 : i32
    %c0_i32_0 = arith.constant 0 : i32
    %c0_i32_1 = arith.constant 0 : i32
    return %c0_i32, %c0_i32_0 : i32, i32
  }
  func.func @transform_2(%arg0: i32) -> (i32, i32) {
    %c0_i32 = arith.constant 0 : i32
    %c0_i32_0 = arith.constant 0 : i32
    return %arg0, %c0_i32 : i32, i32
  }
}

module attributes {stable_mosaic.version = 14 : i64} {
  func.func @_div_selu_mm_body(%arg0: i32, %arg1: memref<1024x384xf32, #tpu.memory_space<vmem>>, %arg2: memref<1024x128xf32, #tpu.memory_space<vmem>>, %arg3: memref<128x384xf32, #tpu.memory_space<vmem>>, %arg4: memref<8x384xf32, #tpu.memory_space<vmem>>, %arg5: memref<384x256xf32, #tpu.memory_space<vmem>>, %arg6: memref<1024x256xf32, #tpu.memory_space<vmem>>) attributes {dimension_semantics = [#tpu.dimension_semantics<arbitrary>], iteration_bounds = array<i64: 10>, scalar_prefetch = 0 : i64, scratch_operands = 0 : i64, tpu.core_type = #tpu.core_type<tc>, window_params = [{transform_indices = @transform_0, window_bounds = array<i64: 1024, 384>}, {transform_indices = @transform_1, window_bounds = array<i64: 1024, 128>}, {pipeline_mode = #tpu.pipeline_mode<synchronous>, transform_indices = @transform_2, window_bounds = array<i64: 128, 384>}, {pipeline_mode = #tpu.pipeline_mode<synchronous>, transform_indices = @transform_3, window_bounds = array<i64: 8, 384>}, {pipeline_mode = #tpu.pipeline_mode<synchronous>, transform_indices = @transform_4, window_bounds = array<i64: 384, 256>}, {transform_indices = @transform_5, window_bounds = array<i64: 1024, 256>}]} {
    %get3A = arith.constant 0 : index
    %get3A_0 = arith.constant 0 : index
    %get3A_1 = vector.load %arg2[%get3A, %get3A_0] : memref<1024x128xf32, #tpu.memory_space<vmem>>, vector<1024x128xf32>
    %get3A_2 = arith.constant 0 : index
    %get3A_3 = arith.constant 0 : index
    %get3A_4 = vector.load %arg3[%get3A_2, %get3A_3] : memref<128x384xf32, #tpu.memory_space<vmem>>, vector<128x384xf32>
    %dot_general3A = arith.constant dense<0.000000e+00> : vector<1024x384xf32>
    %dot_general3A_5 = tpu.matmul %get3A_1, %get3A_4, %dot_general3A {dimension_numbers = #tpu.dot_dimension_numbers<[1], [0], [0], [1], [0, 0, 1, 1], [], []>, transpose_lhs_hint = false} : vector<1024x128xf32>, vector<128x384xf32>, vector<1024x384xf32> -> vector<1024x384xf32>
    %get3A_6 = arith.constant 0 : index
    %get3A_7 = arith.constant 0 : index
    %get3A_8 = vector.load %arg1[%get3A_6, %get3A_7] : memref<1024x384xf32, #tpu.memory_space<vmem>>, vector<1024x384xf32>
    %add3A = arith.constant 1.000000e-16 : f32
    %add3A_9 = vector.broadcast %add3A : f32 to vector<1024x384xf32>
    %add3A_10 = arith.addf %dot_general3A_5, %add3A_9 : vector<1024x384xf32>
    %div3A = arith.divf %get3A_8, %add3A_10 : vector<1024x384xf32>
    %get3A_11 = arith.constant 0 : index
    %get3A_12 = arith.constant 0 : index
    %get3A_13 = vector.load %arg4[%get3A_11, %get3A_12] : memref<8x384xf32, #tpu.memory_space<vmem>>, vector<1x384xf32>
    %add3A_14 = vector.broadcast %get3A_13 : vector<1x384xf32> to vector<1024x384xf32>
    %add3A_15 = arith.addf %div3A, %add3A_14 : vector<1024x384xf32>
    %gt3A = arith.constant 0.000000e+00 : f32
    %gt3A_16 = vector.broadcast %gt3A : f32 to vector<1024x384xf32>
    %gt3A_17 = arith.cmpf ogt, %add3A_15, %gt3A_16 : vector<1024x384xf32>
    %exp3A = math.exp %add3A_15 : vector<1024x384xf32>
    %sub3A = arith.constant 1.000000e+00 : f32
    %sub3A_18 = vector.broadcast %sub3A : f32 to vector<1024x384xf32>
    %sub3A_19 = arith.subf %exp3A, %sub3A_18 : vector<1024x384xf32>
    %mul3A = arith.constant 1.67326319 : f32
    %mul3A_20 = vector.broadcast %mul3A : f32 to vector<1024x384xf32>
    %mul3A_21 = arith.mulf %mul3A_20, %sub3A_19 : vector<1024x384xf32>
    %select_n3A = arith.select %gt3A_17, %add3A_15, %mul3A_21 : vector<1024x384xi1>, vector<1024x384xf32>
    %mul3A_22 = arith.constant 1.05070102 : f32
    %mul3A_23 = vector.broadcast %mul3A_22 : f32 to vector<1024x384xf32>
    %mul3A_24 = arith.mulf %mul3A_23, %select_n3A : vector<1024x384xf32>
    %get3A_25 = arith.constant 0 : index
    %get3A_26 = arith.constant 0 : index
    %get3A_27 = vector.load %arg5[%get3A_25, %get3A_26] : memref<384x256xf32, #tpu.memory_space<vmem>>, vector<384x256xf32>
    %dot_general3A_28 = arith.constant dense<0.000000e+00> : vector<1024x256xf32>
    %dot_general3A_29 = tpu.matmul %mul3A_24, %get3A_27, %dot_general3A_28 {dimension_numbers = #tpu.dot_dimension_numbers<[1], [0], [0], [1], [0, 0, 1, 1], [], []>, transpose_lhs_hint = false} : vector<1024x384xf32>, vector<384x256xf32>, vector<1024x256xf32> -> vector<1024x256xf32>
    %swap3A = arith.constant 0 : index
    %swap3A_30 = arith.constant 0 : index
    %swap3A_31 = vector.load %arg6[%swap3A, %swap3A_30] : memref<1024x256xf32, #tpu.memory_space<vmem>>, vector<1024x256xf32>
    tpu.vector_store %arg6[%swap3A, %swap3A_30], %dot_general3A_29 {strides = array<i32>} : memref<1024x256xf32, #tpu.memory_space<vmem>>, vector<1024x256xf32>,
    return
  }
  func.func @transform_0(%arg0: i32) -> (i32, i32) {
    %c0_i32 = arith.constant 0 : i32
    %c0_i32_0 = arith.constant 0 : i32
    return %arg0, %c0_i32 : i32, i32
  }
  func.func @transform_1(%arg0: i32) -> (i32, i32) {
    %c0_i32 = arith.constant 0 : i32
    %c0_i32_0 = arith.constant 0 : i32
    return %arg0, %c0_i32 : i32, i32
  }
  func.func @transform_2(%arg0: i32) -> (i32, i32) {
    %c0_i32 = arith.constant 0 : i32
    %c0_i32_0 = arith.constant 0 : i32
    %c0_i32_1 = arith.constant 0 : i32
    return %c0_i32, %c0_i32_0 : i32, i32
  }
  func.func @transform_3(%arg0: i32) -> (i32, i32) {
    %c0_i32 = arith.constant 0 : i32
    %c0_i32_0 = arith.constant 0 : i32
    %c0_i32_1 = arith.constant 0 : i32
    return %c0_i32, %c0_i32_0 : i32, i32
  }
  func.func @transform_4(%arg0: i32) -> (i32, i32) {
    %c0_i32 = arith.constant 0 : i32
    %c0_i32_0 = arith.constant 0 : i32
    %c0_i32_1 = arith.constant 0 : i32
    return %c0_i32, %c0_i32_0 : i32, i32
  }
  func.func @transform_5(%arg0: i32) -> (i32, i32) {
    %c0_i32 = arith.constant 0 : i32
    %c0_i32_0 = arith.constant 0 : i32
    return %arg0, %c0_i32 : i32, i32
  }
}

module attributes {stable_mosaic.version = 14 : i64} {
  func.func @_div_selu_mm_body(%arg0: i32, %arg1: memref<1024x256xf32, #tpu.memory_space<vmem>>, %arg2: memref<1024x128xf32, #tpu.memory_space<vmem>>, %arg3: memref<128x256xf32, #tpu.memory_space<vmem>>, %arg4: memref<8x256xf32, #tpu.memory_space<vmem>>, %arg5: memref<256x128xf32, #tpu.memory_space<vmem>>, %arg6: memref<1024x128xf32, #tpu.memory_space<vmem>>) attributes {dimension_semantics = [#tpu.dimension_semantics<arbitrary>], iteration_bounds = array<i64: 10>, scalar_prefetch = 0 : i64, scratch_operands = 0 : i64, tpu.core_type = #tpu.core_type<tc>, window_params = [{transform_indices = @transform_0, window_bounds = array<i64: 1024, 256>}, {transform_indices = @transform_1, window_bounds = array<i64: 1024, 128>}, {pipeline_mode = #tpu.pipeline_mode<synchronous>, transform_indices = @transform_2, window_bounds = array<i64: 128, 256>}, {pipeline_mode = #tpu.pipeline_mode<synchronous>, transform_indices = @transform_3, window_bounds = array<i64: 8, 256>}, {pipeline_mode = #tpu.pipeline_mode<synchronous>, transform_indices = @transform_4, window_bounds = array<i64: 256, 128>}, {transform_indices = @transform_5, window_bounds = array<i64: 1024, 128>}]} {
    %get3A = arith.constant 0 : index
    %get3A_0 = arith.constant 0 : index
    %get3A_1 = vector.load %arg2[%get3A, %get3A_0] : memref<1024x128xf32, #tpu.memory_space<vmem>>, vector<1024x128xf32>
    %get3A_2 = arith.constant 0 : index
    %get3A_3 = arith.constant 0 : index
    %get3A_4 = vector.load %arg3[%get3A_2, %get3A_3] : memref<128x256xf32, #tpu.memory_space<vmem>>, vector<128x256xf32>
    %dot_general3A = arith.constant dense<0.000000e+00> : vector<1024x256xf32>
    %dot_general3A_5 = tpu.matmul %get3A_1, %get3A_4, %dot_general3A {dimension_numbers = #tpu.dot_dimension_numbers<[1], [0], [0], [1], [0, 0, 1, 1], [], []>, transpose_lhs_hint = false} : vector<1024x128xf32>, vector<128x256xf32>, vector<1024x256xf32> -> vector<1024x256xf32>
    %get3A_6 = arith.constant 0 : index
    %get3A_7 = arith.constant 0 : index
    %get3A_8 = vector.load %arg1[%get3A_6, %get3A_7] : memref<1024x256xf32, #tpu.memory_space<vmem>>, vector<1024x256xf32>
    %add3A = arith.constant 1.000000e-16 : f32
    %add3A_9 = vector.broadcast %add3A : f32 to vector<1024x256xf32>
    %add3A_10 = arith.addf %dot_general3A_5, %add3A_9 : vector<1024x256xf32>
    %div3A = arith.divf %get3A_8, %add3A_10 : vector<1024x256xf32>
    %get3A_11 = arith.constant 0 : index
    %get3A_12 = arith.constant 0 : index
    %get3A_13 = vector.load %arg4[%get3A_11, %get3A_12] : memref<8x256xf32, #tpu.memory_space<vmem>>, vector<1x256xf32>
    %add3A_14 = vector.broadcast %get3A_13 : vector<1x256xf32> to vector<1024x256xf32>
    %add3A_15 = arith.addf %div3A, %add3A_14 : vector<1024x256xf32>
    %gt3A = arith.constant 0.000000e+00 : f32
    %gt3A_16 = vector.broadcast %gt3A : f32 to vector<1024x256xf32>
    %gt3A_17 = arith.cmpf ogt, %add3A_15, %gt3A_16 : vector<1024x256xf32>
    %exp3A = math.exp %add3A_15 : vector<1024x256xf32>
    %sub3A = arith.constant 1.000000e+00 : f32
    %sub3A_18 = vector.broadcast %sub3A : f32 to vector<1024x256xf32>
    %sub3A_19 = arith.subf %exp3A, %sub3A_18 : vector<1024x256xf32>
    %mul3A = arith.constant 1.67326319 : f32
    %mul3A_20 = vector.broadcast %mul3A : f32 to vector<1024x256xf32>
    %mul3A_21 = arith.mulf %mul3A_20, %sub3A_19 : vector<1024x256xf32>
    %select_n3A = arith.select %gt3A_17, %add3A_15, %mul3A_21 : vector<1024x256xi1>, vector<1024x256xf32>
    %mul3A_22 = arith.constant 1.05070102 : f32
    %mul3A_23 = vector.broadcast %mul3A_22 : f32 to vector<1024x256xf32>
    %mul3A_24 = arith.mulf %mul3A_23, %select_n3A : vector<1024x256xf32>
    %get3A_25 = arith.constant 0 : index
    %get3A_26 = arith.constant 0 : index
    %get3A_27 = vector.load %arg5[%get3A_25, %get3A_26] : memref<256x128xf32, #tpu.memory_space<vmem>>, vector<256x128xf32>
    %dot_general3A_28 = arith.constant dense<0.000000e+00> : vector<1024x128xf32>
    %dot_general3A_29 = tpu.matmul %mul3A_24, %get3A_27, %dot_general3A_28 {dimension_numbers = #tpu.dot_dimension_numbers<[1], [0], [0], [1], [0, 0, 1, 1], [], []>, transpose_lhs_hint = false} : vector<1024x256xf32>, vector<256x128xf32>, vector<1024x128xf32> -> vector<1024x128xf32>
    %swap3A = arith.constant 0 : index
    %swap3A_30 = arith.constant 0 : index
    %swap3A_31 = vector.load %arg6[%swap3A, %swap3A_30] : memref<1024x128xf32, #tpu.memory_space<vmem>>, vector<1024x128xf32>
    tpu.vector_store %arg6[%swap3A, %swap3A_30], %dot_general3A_29 {strides = array<i32>} : memref<1024x128xf32, #tpu.memory_space<vmem>>, vector<1024x128xf32>,
    return
  }
  func.func @transform_0(%arg0: i32) -> (i32, i32) {
    %c0_i32 = arith.constant 0 : i32
    %c0_i32_0 = arith.constant 0 : i32
    return %arg0, %c0_i32 : i32, i32
  }
  func.func @transform_1(%arg0: i32) -> (i32, i32) {
    %c0_i32 = arith.constant 0 : i32
    %c0_i32_0 = arith.constant 0 : i32
    return %arg0, %c0_i32 : i32, i32
  }
  func.func @transform_2(%arg0: i32) -> (i32, i32) {
    %c0_i32 = arith.constant 0 : i32
    %c0_i32_0 = arith.constant 0 : i32
    %c0_i32_1 = arith.constant 0 : i32
    return %c0_i32, %c0_i32_0 : i32, i32
  }
  func.func @transform_3(%arg0: i32) -> (i32, i32) {
    %c0_i32 = arith.constant 0 : i32
    %c0_i32_0 = arith.constant 0 : i32
    %c0_i32_1 = arith.constant 0 : i32
    return %c0_i32, %c0_i32_0 : i32, i32
  }
  func.func @transform_4(%arg0: i32) -> (i32, i32) {
    %c0_i32 = arith.constant 0 : i32
    %c0_i32_0 = arith.constant 0 : i32
    %c0_i32_1 = arith.constant 0 : i32
    return %c0_i32, %c0_i32_0 : i32, i32
  }
  func.func @transform_5(%arg0: i32) -> (i32, i32) {
    %c0_i32 = arith.constant 0 : i32
    %c0_i32_0 = arith.constant 0 : i32
    return %arg0, %c0_i32 : i32, i32
  }
}

module attributes {stable_mosaic.version = 14 : i64} {
  func.func @_final_body(%arg0: i32, %arg1: memref<1024x128xf32, #tpu.memory_space<vmem>>, %arg2: memref<1024x128xf32, #tpu.memory_space<vmem>>, %arg3: memref<128x128xf32, #tpu.memory_space<vmem>>, %arg4: memref<8x128xf32, #tpu.memory_space<vmem>>, %arg5: memref<1024x128xf32, #tpu.memory_space<vmem>>) attributes {dimension_semantics = [#tpu.dimension_semantics<arbitrary>], iteration_bounds = array<i64: 10>, scalar_prefetch = 0 : i64, scratch_operands = 0 : i64, tpu.core_type = #tpu.core_type<tc>, window_params = [{transform_indices = @transform_0, window_bounds = array<i64: 1024, 128>}, {transform_indices = @transform_1, window_bounds = array<i64: 1024, 128>}, {pipeline_mode = #tpu.pipeline_mode<synchronous>, transform_indices = @transform_2, window_bounds = array<i64: 128, 128>}, {pipeline_mode = #tpu.pipeline_mode<synchronous>, transform_indices = @transform_3, window_bounds = array<i64: 8, 128>}, {transform_indices = @transform_4, window_bounds = array<i64: 1024, 128>}]} {
    %get3A = arith.constant 0 : index
    %get3A_0 = arith.constant 0 : index
    %get3A_1 = vector.load %arg2[%get3A, %get3A_0] : memref<1024x128xf32, #tpu.memory_space<vmem>>, vector<1024x128xf32>
    %get3A_2 = arith.constant 0 : index
    %get3A_3 = arith.constant 0 : index
    %get3A_4 = vector.load %arg3[%get3A_2, %get3A_3] : memref<128x128xf32, #tpu.memory_space<vmem>>, vector<128x128xf32>
    %dot_general3A = arith.constant dense<0.000000e+00> : vector<1024x128xf32>
    %dot_general3A_5 = tpu.matmul %get3A_1, %get3A_4, %dot_general3A {dimension_numbers = #tpu.dot_dimension_numbers<[1], [0], [0], [1], [0, 0, 1, 1], [], []>, transpose_lhs_hint = false} : vector<1024x128xf32>, vector<128x128xf32>, vector<1024x128xf32> -> vector<1024x128xf32>
    %get3A_6 = arith.constant 0 : index
    %get3A_7 = arith.constant 0 : index
    %get3A_8 = vector.load %arg1[%get3A_6, %get3A_7] : memref<1024x128xf32, #tpu.memory_space<vmem>>, vector<1024x128xf32>
    %add3A = arith.constant 1.000000e-16 : f32
    %add3A_9 = vector.broadcast %add3A : f32 to vector<1024x128xf32>
    %add3A_10 = arith.addf %dot_general3A_5, %add3A_9 : vector<1024x128xf32>
    %div3A = arith.divf %get3A_8, %add3A_10 : vector<1024x128xf32>
    %get3A_11 = arith.constant 0 : index
    %get3A_12 = arith.constant 0 : index
    %get3A_13 = vector.load %arg4[%get3A_11, %get3A_12] : memref<8x128xf32, #tpu.memory_space<vmem>>, vector<1x128xf32>
    %add3A_14 = vector.broadcast %get3A_13 : vector<1x128xf32> to vector<1024x128xf32>
    %add3A_15 = arith.addf %div3A, %add3A_14 : vector<1024x128xf32>
    %jit3A = arith.constant 0.000000e+00 : f32
    %jit3A_16 = arith.constant 1.000000e+00 : f32
    %max3A = vector.broadcast %jit3A : f32 to vector<1024x128xf32>
    %max3A_17 = arith.maximumf %max3A, %add3A_15 : vector<1024x128xf32>
    %min3A = vector.broadcast %jit3A_16 : f32 to vector<1024x128xf32>
    %min3A_18 = arith.minimumf %min3A, %max3A_17 : vector<1024x128xf32>
    %integer_pow3A = arith.mulf %min3A_18, %min3A_18 : vector<1024x128xf32>
    %mul3A = arith.mulf %integer_pow3A, %integer_pow3A : vector<1024x128xf32>
    %reduce_sum3A = arith.constant dense<0.000000e+00> : vector<1024xf32>
    %reduce_sum3A_19 = vector.multi_reduction <add>, %mul3A, %reduce_sum3A [1] : vector<1024x128xf32> to vector<1024xf32>
    %broadcast_in_dim3A = vector.shape_cast %reduce_sum3A_19 : vector<1024xf32> to vector<1024x1xf32>
    %sqrt3A = math.sqrt %broadcast_in_dim3A : vector<1024x1xf32>
    %max3A_20 = arith.constant 9.99999996E-13 : f32
    %max3A_21 = vector.broadcast %max3A_20 : f32 to vector<1024x1xf32>
    %max3A_22 = arith.maximumf %sqrt3A, %max3A_21 : vector<1024x1xf32>
    %div3A_23 = vector.broadcast %max3A_22 : vector<1024x1xf32> to vector<1024x128xf32>
    %div3A_24 = arith.divf %integer_pow3A, %div3A_23 : vector<1024x128xf32>
    %swap3A = arith.constant 0 : index
    %swap3A_25 = arith.constant 0 : index
    %swap3A_26 = vector.load %arg5[%swap3A, %swap3A_25] : memref<1024x128xf32, #tpu.memory_space<vmem>>, vector<1024x128xf32>
    tpu.vector_store %arg5[%swap3A, %swap3A_25], %div3A_24 {strides = array<i32>} : memref<1024x128xf32, #tpu.memory_space<vmem>>, vector<1024x128xf32>,
    return
  }
  func.func @transform_0(%arg0: i32) -> (i32, i32) {
    %c0_i32 = arith.constant 0 : i32
    %c0_i32_0 = arith.constant 0 : i32
    return %arg0, %c0_i32 : i32, i32
  }
  func.func @transform_1(%arg0: i32) -> (i32, i32) {
    %c0_i32 = arith.constant 0 : i32
    %c0_i32_0 = arith.constant 0 : i32
    return %arg0, %c0_i32 : i32, i32
  }
  func.func @transform_2(%arg0: i32) -> (i32, i32) {
    %c0_i32 = arith.constant 0 : i32
    %c0_i32_0 = arith.constant 0 : i32
    %c0_i32_1 = arith.constant 0 : i32
    return %c0_i32, %c0_i32_0 : i32, i32
  }
  func.func @transform_3(%arg0: i32) -> (i32, i32) {
    %c0_i32 = arith.constant 0 : i32
    %c0_i32_0 = arith.constant 0 : i32
    %c0_i32_1 = arith.constant 0 : i32
    return %c0_i32, %c0_i32_0 : i32, i32
  }
  func.func @transform_4(%arg0: i32) -> (i32, i32) {
    %c0_i32 = arith.constant 0 : i32
    %c0_i32_0 = arith.constant 0 : i32
    return %arg0, %c0_i32 : i32, i32
  }
}

</mosaic_0001>

<sc_bundles>
// kernel: kernel.12.cloned.1.call-start
scs
__scs_entry_jumppad:
0x0: {  	(pc) =	sbr.rel $0x88, $3  }
0x1: {  	(tag) =	ssettag $0x0;
	lr =	simm.s32 $0x1  }
0x2: {  	[smem:$0x3F93] =	sst lr;
	_ =	strace $0xD0000000  }
0x3: {  	_ = 	snop  }
0x4: {  	_ = 	snop  }
0x5: {  	_ = 	snop  }
0x6: {  	_ = 	snop  }
0x7: {  	_ = 	snop  }
__scs_overlays_trampoline_lowered:
0x8: {  	[smem:$0x3FA2] =	sst s0  }
0x9: {  	[smem:$0x3FA3] =	sst s1  }
0xa: {  	[smem:$0x3FA4] =	sst s2  }
0xb: {  	[smem:$0x3FA5] =	sst s3  }
0xc: {  	[smem:$0x3FA6] =	sst s4  }
0xd: {  	[smem:$0x3FA7] =	sst s5  }
0xe: {  	[smem:$0x3FA8] =	sst s6  }
0xf: {  	[smem:$0x3FA9] =	sst s7  }
0x10: {  	[smem:$0x3FAA] =	sst s8  }
0x11: {  	[smem:$0x3FAB] =	sst s9;
	s0 =	simm.s32 @!p0 $0x0  }
0x12: {  	s1 =	sld [smem:$0x3F91];
	s0 =	simm.s32 @p0 $0x1  }
0x13: {  	[smem:$0x3FAC] =	sst s0;
	s0 =	simm.s32 @!p1 $0x0  }
0x14: {  	s2 =	sld [smem:$0x3F90];
	s0 =	simm.s32 @p1 $0x1  }
0x15: {  	[smem:$0x3FAD] =	sst s0;
	s0 =	simm.s32 @!p2 $0x0  }
0x16: {  	s3 =	sld [smem:$0x3FDB];
	s0 =	simm.s32 @p2 $0x1  }
0x17: {  	s4 =	simm.s32 $0x1BF5;
	[smem:$0x3FAF] =	sst s0  }
0x18: {  	s0 =	sld [smem:$0x3F92];
	_ =	swait.ge [sflag:s4], $0x0  }
0x19: {  	s7 =	sld [smem:$0x3F93]  }
0x1a: {  	s8 =	sadd.s32 $0xFFFFE003, lr  }
0x1b: {  	s9 =	sadd.s32 $0xFFFFFEF7, lr;
	s5 =	simm.s32 $0xFFFFFFFF;
	p2 =	slt.u32 s8, $0xFFFFF086  }
0x1c: {  	p1 =	slt.u32 s9, $0xF7A;
	s5 =	simm.s32 @!p2 $0x0  }
0x1d: {  	s5 =	simm.s32 @p1 $0x1;
	p0 =	seq.s32 s7, s2  }
0x1e: {  	s7 =	smul.u32 @!p0 $0xF7A, s2;
	p2 =	seq.s32 @!p0 s5, $0x0  }
0x1f: {  	s9 =	smul.u32 $0xF7A, s1;
	s8 =	simm.s32 @!p0 $0x1BF5;
	p2 =	por !p2, p0  }
0x20: {  	[sflag:s8] =	ssyncset.s32 @!p0 $0xFFFFF086;
	s6 =	sadd.s32 @!p0 s3, s7;
	s7 =	simm.s32 @!p0 $0x108  }
0x21: {  	s3 =	sadd.s32 s3, s9;
	s6 =	sadd.s32 @!p0 $0x88, s6;
	s7 =	simm.s32 @p2 $0x1082  }
0x22: {  	[simem:s7], [sflag:s8] =	dma.local @!p0 [hbm:s6], $0xF7A  }
0x23: {  	s9 =	sor.u32 $0xD0000000, s2;
	s6 =	simm.s32 $0x108;
	_ =	swait.ge @!p0 [sflag:s8], $0x0  }
0x24: {  	s3 =	sadd.s32 $0x88, s3;
	s6 =	simm.s32 @!p1 $0x1082;
	[sflag:s4] =	ssyncset.s32 $0xFFFFF086  }
0x25: {  	[simem:s6], [sflag:s4] =	dma.local [hbm:s3], $0xF7A  }
0x26: {  	[smem:$0x3F93] =	sst s1;
	(tag) =	ssettag s2;
	_ =	strace s9  }
0x27: {  	s1 =	sld [smem:$0x3FA3]  }
0x28: {  	s2 =	sld [smem:$0x3FA4]  }
0x29: {  	s4 =	sld [smem:$0x3FA6]  }
0x2a: {  	p0 =	seq.s32 s5, $0x0;
	s5 =	sld [smem:$0x3FA7]  }
0x2b: {  	s6 =	sld [smem:$0x3FA8]  }
0x2c: {  	s7 =	sld [smem:$0x3FA9]  }
0x2d: {  	s3 =	simm.s32 $0x108;
	s8 =	sld [smem:$0x3FAA]  }
0x2e: {  	s3 =	simm.s32 @!p0 $0x1082;
	s9 =	sld [smem:$0x3FAB]  }
0x2f: {  	lr =	sadd.s32 s0, s3;
	s0 =	sld [smem:$0x3FA2]  }
0x30: {  	s3 =	sld [smem:$0x3FA5]  }
0x31: {  	[smem:$0x3FAE] =	sst s10  }
0x32: {  	s10 =	sld [smem:$0x3FAC];
	_ =	sdelay $0x3  }
0x33: {  	p0 =	seq.s32 s10, $0x1;
	s10 =	sld [smem:$0x3FAE];
	_ =	sdelay $0x3  }
0x34: {  	[smem:$0x3FAE] =	sst s10  }
0x35: {  	s10 =	sld [smem:$0x3FAD];
	_ =	sdelay $0x3  }
0x36: {  	p1 =	seq.s32 s10, $0x1;
	s10 =	sld [smem:$0x3FAE];
	_ =	sdelay $0x3  }
0x37: {  	[smem:$0x3FAE] =	sst s10  }
0x38: {  	s10 =	sld [smem:$0x3FAF]  }
0x39: {  	_ = 	snop;
	(pc) =	sbr.ind lr, $3  }
0x3a: {  	_ = 	snop  }
0x3b: {  	_ = 	snop  }
0x3c: {  	p2 =	seq.s32 s10, $0x1;
	s10 =	sld [smem:$0x3FAE]  }
0x3d: {  	_ =	shalt  }
0x3e: {  	_ =	shalt  }
0x3f: {  	_ =	shalt  }
0x40: {  	_ =	shalt  }
0x41: {  	_ =	shalt  }
0x42: {  	_ =	shalt  }
0x43: {  	_ =	shalt  }
0x44: {  	_ =	shalt  }
0x45: {  	_ =	shalt  }
0x46: {  	_ =	shalt  }
0x47: {  	_ =	shalt  }
0x48: {  	_ =	shalt  }
0x49: {  	_ =	shalt  }
0x4a: {  	_ =	shalt  }
0x4b: {  	_ =	shalt  }
0x4c: {  	_ =	shalt  }
0x4d: {  	_ =	shalt  }
0x4e: {  	_ =	shalt  }
0x4f: {  	_ =	shalt  }
0x50: {  	_ =	shalt  }
0x51: {  	_ =	shalt  }
0x52: {  	_ =	shalt  }
0x53: {  	_ =	shalt  }
0x54: {  	_ =	shalt  }
0x55: {  	_ =	shalt  }
0x56: {  	_ =	shalt  }
0x57: {  	_ =	shalt  }
0x58: {  	_ =	shalt  }
0x59: {  	_ =	shalt  }
0x5a: {  	_ =	shalt  }
0x5b: {  	_ =	shalt  }
0x5c: {  	_ =	shalt  }
0x5d: {  	_ =	shalt  }
0x5e: {  	_ =	shalt  }
0x5f: {  	_ =	shalt  }
0x60: {  	_ =	shalt  }
0x61: {  	_ =	shalt  }
0x62: {  	_ =	shalt  }
0x63: {  	_ =	shalt  }
0x64: {  	_ =	shalt  }
0x65: {  	_ =	shalt  }
0x66: {  	_ =	shalt  }
0x67: {  	_ =	shalt  }
0x68: {  	_ =	shalt  }
0x69: {  	_ =	shalt  }
0x6a: {  	_ =	shalt  }
0x6b: {  	_ =	shalt  }
0x6c: {  	_ =	shalt  }
0x6d: {  	_ =	shalt  }
0x6e: {  	_ =	shalt  }
0x6f: {  	_ =	shalt  }
0x70: {  	_ =	shalt  }
0x71: {  	_ =	shalt  }
0x72: {  	_ =	shalt  }
0x73: {  	_ =	shalt  }
0x74: {  	_ =	shalt  }
0x75: {  	_ =	shalt  }
0x76: {  	_ =	shalt  }
0x77: {  	_ =	shalt  }
0x78: {  	_ =	shalt  }
0x79: {  	_ =	shalt  }
0x7a: {  	_ =	shalt  }
0x7b: {  	_ =	shalt  }
0x7c: {  	_ =	shalt  }
0x7d: {  	_ =	shalt  }
0x7e: {  	_ =	shalt  }
0x7f: {  	_ =	shalt  }
0x80: {  	_ =	shalt  }
0x81: {  	_ =	shalt  }
0x82: {  	_ =	shalt  }
0x83: {  	_ =	shalt  }
0x84: {  	_ =	shalt  }
0x85: {  	_ =	shalt  }
0x86: {  	_ =	shalt  }
0x87: {  	_ =	shalt  }
.Lfunc_end0:
.L_simem_size_0:
called_computation.1_lowered:
.L_overlay_start_0:
0x88: {  	s2 =	sld [smem:$0x3FD9]  }
0x89: {  	s3 =	sld [smem:$0x3FFE];
	_ =	sdelay $0x1  }
0x8a: {  	s1 =	srdreg.scid  }
0x8b: {  	s0 =	sand.u32 $0x1, s1  }
0x8c: {  	s17 =	sshll.u32 s0, $0xA;
	s2 =	sadd.s32 s3, s2  }
0x8d: {  	s2 =	sadd.s32 s2, s17  }
0x8e: {  	[smem:$0x3FBA] =	sst s2  }
0x8f: {  	_ = 	snop  }
0x90: {  	s2 =	sld [smem:$0x3FD0];
	(tm) =	ssettm $0x1  }
0x91: {  	s18 =	sld [smem:$0x3FFB];
	_ =	sdelay $0x3  }
0x92: {  	_ =	strace s18  }
0x93: {  	s3 =	sld [smem:$0x3FFC];
	_ =	sdelay $0x3  }
0x94: {  	_ =	strace s3  }
0x95: {  	s3 =	sld [smem:$0x3FFD];
	_ =	sdelay $0x3  }
0x96: {  	_ =	strace s3  }
0x97: {  	_ =	strace $0x8FFFFFFF  }
0x98: {  	s19 =	sld [smem:$0x3FDB];
	_ =	sdelay $0x1  }
0x99: {  	s4 =	simm.s32 $_scs_section_size  }
0x9a: {  	s5 =	simm.s32 $_size__tile_overlayer_lowered;
	s6 =	simm.s32 $_tile_overlayer_lowered  }
0x9b: {  	s22 =	simm.s32 $0x1BFF;
	s21 =	sshll.u32 s6, $0x1;
	s3 =	sadd.s32 s4, s19  }
0x9c: {  	s7 =	simm.s32 $0x0;
	s20 =	sshll.u32 s5, $0x1;
	s5 =	sadd.s32 s21, s3  }
0x9d: {  	[timem:s7], [sflag:s22] =	dma.local [hbm:s5], s20  }
0x9e: {  	_ =	swait.ge [sflag:s22], s20  }
0x9f: {  	s4 =	ssub.s32 $0x0, s20;
	[sflag:s22] =	ssyncset.done $0x0  }
0xa0: {  	[sflag:s22] =	ssyncadd.s32 s4;
	_ =	sdelay $0x1  }
0xa1: {  	s23 =	simm.s32 $0x1B8B  }
0xa2: {  	_ =	swait.ge [sflag:s23], $0x1  }
0xa3: {  	[sflag:s23] =	ssyncset.done $0x0  }
0xa4: {  	s25 =	simm.s32 $0x1B8E;
	s24 =	sld [smem:$0x3FFE];
	[sflag:s23] =	ssyncadd.s32 $0xFFFFFFFF  }
0xa5: {  	s26 =	simm.s32 $execute0_lowered;
	[smem:$0x3FD2] =	sst s25  }
0xa6: {  	s5 =	sshll.u32 s26, $0x1;
	_ =	strace $0x80000049;
	[dreg:$0x1] =	wrdreg $0xFFFFFFFF  }
0xa7: {  	s28 =	simm.s32 $_size_execute0_lowered;
	s3 =	sadd.s32 s3, s5;
	[dreg:$0x0] =	wrdreg $0x0  }
0xa8: {  	s5 =	sshll.u32 s28, $0x1;
	[dreg:$0x2] =	wrdreg s3  }
0xa9: {  	[dreg:$0x3] =	wrdreg s5  }
0xaa: {  	[dreg:$0x4] =	wrdreg $0xC0  }
0xab: {  	_ =	task [dreg:s7], $0x5FFFF  }
0xac: {  	[dreg:$0x1] =	wrdreg $0xFFFFFFFF  }
0xad: {  	[dreg:$0x0] =	wrdreg $0x60  }
0xae: {  	[dreg:$0x2] =	wrdreg s24  }
0xaf: {  	[dreg:$0x3] =	wrdreg s2  }
0xb0: {  	[dreg:$0x4] =	wrdreg $0x83000  }
0xb1: {  	[dreg:$0x5] =	wrdreg $0x148800  }
0xb2: {  	[dreg:$0x6] =	wrdreg $0x9  }
0xb3: {  	_ =	task.clear_ibuf [dreg:s7], $0x7FFFF;
	_ =	strace $0x90000049  }
0xb4: {  	s29 =	simm.s32 $0x9;
	_ =	strace $0x8000004B  }
0xb5: {  	_ =	swait.ge [sflag:s29], $0x1  }
0xb6: {  	[sflag:s29] =	ssyncadd.s32 $0xFFFFFFFF  }
0xb7: {  	_ =	strace $0x9000004B  }
0xb8: {  	_ =	sfence  }
0xb9: {  	s30 =	sld [smem:$0x0];
	_ =	sdelay $0x2  }
0xba: {  	s31 =	sshll.u32 s1, $0xD;
	s1 =	sshrl.u32 s1, $0x2  }
0xbb: {  	s3 =	sand.u32 $0x4000, s31;
	s1 =	sadd.s32 s1, s30  }
0xbc: {  	s0 =	sor.u32 s3, s0;
	s1 =	sshll.u32 s1, $0x11  }
0xbd: {  	s0 =	sor.u32 s1, s0  }
0xbe: {  	s0 =	sadd.s32 $0x8F2B, s0  }
0xbf: {  	[sflag:s0] =	ssyncadd.remote.s32 $0x1  }
0xc0: {  	_ =	sfence.sel $0xFFFF  }
0xc1: {  	[dreg:$0x0] =	wrdreg $0xFFFFFFFF;
	(pc) =	sbr.abs _section_cstart, $3  }
0xc2: {  	[dreg:$0x1] =	wrdreg $0xFFFFFFFF  }
0xc3: {  	_ =	task.clear_ibuf [dreg:s7], $0x2FFFF;
	_ =	strace $0x9FFFFFFF  }
0xc4: {  	(tm) =	ssettm $0x7FFFFFFF  }
0xc5: {  	_ =	shalt  }
tec
execute0_lowered:
.L_overlay_start_1:
0x0: {  	(tag) =	ssettag $0x1  }
0x1: {  	s0 =	rddreg [dreg:$0x0]  }
0x2: {  	s1 =	rddreg [dreg:$0x1]  }
0x3: {  	s3 =	rddreg [dreg:$0x2]  }
0x4: {  	s4 =	rddreg [dreg:$0x3];
	s18 =	stileid.u32  }
0x5: {  	s2 =	srdreg.scid;
	s28 =	simm.s32 $0x0;
	s5 =	smul.u32 $0xC580, s18  }
0x6: {  	s29 =	simm.s32 $0x8;
	s30 =	simm.s32 $0x100;
	s10 =	smul.u32 $0x278, s18  }
0x7: {  	s31 =	simm.s32 $0x80;
	s2 =	sand.u32 $0x1, s2;
	s12 =	smul.u32 $0x2780, s18  }
0x8: {  	[smem:$0x7FF] =	sst s28;
	s6 =	sadd.s32 $0x30600, s0;
	s17 =	smul.u32 $0x31600, s18  }
0x9: {  	s7 =	sadd.s32 $0x4400, s0;
	s8 =	smul.u32 $0xC5800, s2;
	_ =	strace $0x8000004A  }
0xa: {  	s15 =	ssub.s32 $0x2, s2;
	s25 =	smul.u32 $0x5, s2;
	p0 =	sne.s32 s2, $0x0  }
0xb: {  	s2 =	smul.u32 $0x2780, s2;
	s13 =	sadd.s32 $0x80, s10;
	s14 =	sshrl.u32 s12, $0x3  }
0xc: {  	s26 =	sshrl.u32 s15, $0x1;
	s12 =	sadd.s32 s12, s4;
	s20 =	sadd.s32 $0x14000, s17  }
0xd: {  	s10 =	sshll.u32 s10, $0x4;
	s23 =	sadd.s32 $0x1E000, s17;
	s24 =	sadd.s32 $0x28000, s17  }
0xe: {  	s9 =	sadd.s32 s5, s8;
	s8 =	sadd.s32 $0x2B600, s0;
	s16 =	smul.u32 $0x140, s13  }
0xf: {  	s5 =	sadd.s32 s5, s3;
	[dreg:$0x7] =	wrdreg s12;
	s21 =	sshll.u32 s13, $0x4  }
0x10: {  	s22 =	sadd.s32 s4, s10;
	s17 =	sadd.s32 $0x2, s25;
	s13 =	sadd.s32 $0x3, s25  }
0x11: {  	s11 =	sshrl.u32 s9, $0x3;
	s9 =	sadd.s32 $0xF5800, s0;
	[dreg:$0x6] =	wrdreg s5  }
0x12: {  	s12 =	sadd.s32 s21, s4;
	s10 =	sadd.s32 $0x1000, s22;
	s21 =	sshrl.u32 s13, $0x1  }
0x13: {  	s13 =	simm.s32 $0x4280;
	s11 =	sadd.s32 s11, s0;
	s0 =	sadd.s32 s14, s0  }
0x14: {  	s14 =	ssub.s32 s15, s26;
	s19 =	sshrl.u32 s16, $0x2;
	[dreg:$0x9] =	wrdreg s12  }
0x15: {  	[dreg:$0xb] =	wrdreg s10;
	s10 =	sshrl.u32 s23, $0x2;
	s12 =	sshrl.u32 s24, $0x2  }
0x16: {  	s26 =	sadd.s32 $0x1800, s22;
	s15 =	sadd.s32 $0x1, s25;
	s16 =	sshrl.u32 s25, $0x1  }
0x17: {  	s25 =	simm.s32 $0x180;
	v4 =	vmov s21;
	s21 =	simm.s32 $0x3;
	s5 =	sadd.s32 s19, s3  }
0x18: {  	s10 =	sadd.s32 s10, s3;
	[dreg:$0xd] =	wrdreg s26;
	s12 =	sadd.s32 s12, s3  }
0x19: {  	s19 =	sshrl.u32 s17, $0x1;
	s11 =	sadd.s32 $0x61C00, s11;
	[dreg:$0x8] =	wrdreg s5  }
0x1a: {  	s0 =	sadd.s32 $0xE200, s0;
	s23 =	sadd.s32 $0x2, s16;
	[dreg:$0xc] =	wrdreg s10  }
0x1b: {  	s26 =	simm.s32 $0x7;
	v1 =	vmov s16;
	s16 =	simm.s32 $0x6B00;
	[dreg:$0xe] =	wrdreg s12  }
0x1c: {  	s17 =	simm.s32 $0x7300;
	s5 =	sshrl.u32 s20, $0x2;
	[dreg:$0x10] =	wrdreg s11  }
0x1d: {  	s20 =	smul.u32 $0x5100, s18;
	[dreg:$0x11] =	wrdreg s0;
	s12 =	simm.s32 $0x4180  }
0x1e: {  	v3 =	vmov s19;
	s18 =	simm.s32 $0x1;
	s19 =	simm.s32 $0x2;
	s5 =	sadd.s32 s5, s3  }
0x1f: {  	v5 =	vmov s23;
	s23 =	simm.s32 $0x5;
	[dreg:$0xa] =	wrdreg s5;
	s5 =	sadd.s32 $0x2000, s22  }
0x20: {  	v6 =	vimm.f32 $0.0e+00;
	v4 =	vbroadcast v4, $0x0;
	s10 =	simm.s32 $0x6;
	[dreg:$0xf] =	wrdreg s5;
	s5 =	sshrl.u32 s15, $0x1  }
0x21: {  	v1 =	vbroadcast v1, $0x0;
	v3 =	vbroadcast v3, $0x0;
	s22 =	smax.u32 s14, $0x1;
	s24 =	sor.u32 $0x80, s20;
	s14 =	simm.s32 $0x4200;
	v2 =	vmov s5  }
0x22: {  	v0 =	vmov s2;
	v5 =	vbroadcast v5, $0x0;
	[dreg:$0x12] =	wrdreg s22;
	s15 =	simm.s32 $0x4300;
	s22 =	simm.s32 $0x4;
	v2 =	vbroadcast v2, $0x0  }
.LBB2_1:
0x23: {  	s0 =	simm.s32 $0x1A0  }
0x24: {  	[tilespmem:s0+$0x0] =	vst v6  }
0x25: {  	[tilespmem:s0+$0xFFFFFFE0] =	vst v6  }
0x26: {  	[tilespmem:s0+$0x20] =	vst v6  }
0x27: {  	[tilespmem:s0+$0x10] =	vst v6  }
0x28: {  	[dreg:$0x5] =	wrdreg s28;
	s2 =	simm.s32 $0x40;
	s5 =	simm.s32 $0x0;
	[tilespmem:s0+$0xFFFFFFF0] =	vst v6  }
.LBB2_2:
0x29: {  	p1 =	sne.s32 s2, $0x1FC0  }
0x2a: {  	[tilespmem:s5+$0x3980] =	vst v6;
	s0 =	sadd.s32 $0x50, s0;
	s5 =	smov.u32 s2;
	s2 =	sadd.s32 $0x40, s2  }
.Ltmp0:
0x2b: {  	[tilespmem:s0+$0x0] =	vst v6;
	(pc) =	sbr.rel @p1 .LBB2_2-.Ltmp0, $4  }
0x2c: {  	[tilespmem:s0+$0xFFFFFFE0] =	vst v6  }
0x2d: {  	[tilespmem:s0+$0x20] =	vst v6  }
0x2e: {  	[tilespmem:s0+$0x10] =	vst v6  }
0x2f: {  	s5 =	sshra.s32 s5, $0x2;
	[tilespmem:s0+$0xFFFFFFF0] =	vst v6  }
0x30: {  	[tilespmem:s5+$0x3980] =	vst v6;
	s0 =	rddreg [dreg:$0x6]  }
0x31: {  	[spmem:s0] =	stream.linear.scatter [tilespmem:s25], [sflag:$0x7], $0x2800, $0x38;
	[tilespmem:$0x17000] =	vst v63  }
0x32: {  	_ =	swait.ge [sflag:s26], $0x2800  }
0x33: {  	[sflag:s26] =	ssyncset.done $0x0  }
0x34: {  	s2 =	simm.s32 $0x3980;
	s11 =	rddreg [dreg:$0x7];
	[sflag:s26] =	ssyncadd.s32 $0xFFFFD800  }
0x35: {  	[spmem:s11] =	stream.linear.scatter [tilespmem:s2], [sflag:$0x7], $0x800, $0x38;
	[tilespmem:$0x17000] =	vst v63  }
0x36: {  	_ =	swait.ge [sflag:s26], $0x800  }
0x37: {  	[sflag:s26] =	ssyncset.done $0x0  }
0x38: {  	s5 =	rddreg [dreg:$0x8];
	[sflag:s26] =	ssyncadd.s32 $0xFFFFF800  }
0x39: {  	[spmem:s5] =	stream.linear.scatter [tilespmem:s25], [sflag:$0x7], $0x2800, $0x38;
	[tilespmem:$0x17000] =	vst v63  }
0x3a: {  	_ =	swait.ge [sflag:s26], $0x2800  }
0x3b: {  	[sflag:s26] =	ssyncset.done $0x0  }
0x3c: {  	s11 =	rddreg [dreg:$0x9];
	[sflag:s26] =	ssyncadd.s32 $0xFFFFD800  }
0x3d: {  	[spmem:s11] =	stream.linear.scatter [tilespmem:s2], [sflag:$0x7], $0x800, $0x38;
	[tilespmem:$0x17000] =	vst v63  }
0x3e: {  	_ =	swait.ge [sflag:s26], $0x800  }
0x3f: {  	[sflag:s26] =	ssyncset.done $0x0  }
0x40: {  	s5 =	rddreg [dreg:$0xa];
	[sflag:s26] =	ssyncadd.s32 $0xFFFFF800  }
0x41: {  	[spmem:s5] =	stream.linear.scatter [tilespmem:s25], [sflag:$0x7], $0x2800, $0x38;
	[tilespmem:$0x17000] =	vst v63  }
0x42: {  	_ =	swait.ge [sflag:s26], $0x2800  }
0x43: {  	[sflag:s26] =	ssyncset.done $0x0  }
0x44: {  	s11 =	rddreg [dreg:$0xb];
	[sflag:s26] =	ssyncadd.s32 $0xFFFFD800  }
0x45: {  	[spmem:s11] =	stream.linear.scatter [tilespmem:s2], [sflag:$0x7], $0x800, $0x38;
	[tilespmem:$0x17000] =	vst v63  }
0x46: {  	_ =	swait.ge [sflag:s26], $0x800  }
0x47: {  	[sflag:s26] =	ssyncset.done $0x0  }
0x48: {  	s5 =	rddreg [dreg:$0xc];
	[sflag:s26] =	ssyncadd.s32 $0xFFFFF800  }
0x49: {  	[spmem:s5] =	stream.linear.scatter [tilespmem:s25], [sflag:$0x7], $0x2800, $0x38;
	[tilespmem:$0x17000] =	vst v63  }
0x4a: {  	_ =	swait.ge [sflag:s26], $0x2800  }
0x4b: {  	[sflag:s26] =	ssyncset.done $0x0  }
0x4c: {  	s11 =	rddreg [dreg:$0xd];
	[sflag:s26] =	ssyncadd.s32 $0xFFFFD800  }
0x4d: {  	[spmem:s11] =	stream.linear.scatter [tilespmem:s2], [sflag:$0x7], $0x800, $0x38;
	[tilespmem:$0x17000] =	vst v63  }
0x4e: {  	_ =	swait.ge [sflag:s26], $0x800  }
0x4f: {  	[sflag:s26] =	ssyncset.done $0x0  }
0x50: {  	s5 =	rddreg [dreg:$0xe];
	[sflag:s26] =	ssyncadd.s32 $0xFFFFF800  }
0x51: {  	[spmem:s5] =	stream.linear.scatter [tilespmem:s25], [sflag:$0x7], $0x2580, $0x38;
	[tilespmem:$0x17000] =	vst v63  }
0x52: {  	_ =	swait.ge [sflag:s26], $0x2580  }
0x53: {  	[sflag:s26] =	ssyncset.done $0x0  }
0x54: {  	s11 =	rddreg [dreg:$0xf];
	[sflag:s26] =	ssyncadd.s32 $0xFFFFDA80  }
0x55: {  	[spmem:s11] =	stream.linear.scatter [tilespmem:s2], [sflag:$0x7], $0x780, $0x38;
	[tilespmem:$0x17000] =	vst v63  }
0x56: {  	_ =	swait.ge [sflag:s26], $0x780  }
0x57: {  	[sflag:s26] =	ssyncset.done $0x0  }
0x58: {  	[sflag:s26] =	ssyncadd.s32 $0xFFFFF880  }
0x59: {  	s28 =	simm.s32 $0x0;
	s11 =	simm.s32 $0x0;
	[bflag:$0x0] =	sbarrier.arrive $0xFFFF  }
.LBB2_4:
0x5a: {  	s0 =	sshll.u32 s28, $0x8  }
0x5b: {  	s2 =	sadd.s32 s20, s0  }
0x5c: {  	s2 =	sshrl.u32 s2, $0x3  }
0x5d: {  	s5 =	sadd.s32 s1, s2  }
0x5e: {  	[tilespmem:s11], [sflag:$0x8] =	stream.linear.gather [hbm4b:s5+s11], $0x80, $0x38;
	[tilespmem:$0x17000] =	vst v63  }
0x5f: {  	_ =	swait.ge [sflag:s29], $0x80  }
0x60: {  	[sflag:s29] =	ssyncset.done $0x0  }
0x61: {  	s2 =	sadd.s32 s9, s2;
	[sflag:s29] =	ssyncadd.s32 $0xFFFFFF80  }
0x62: {  	[tilespmem:s30], [sflag:$0x8] =	stream.linear.gather [hbm4b:s2+s11], $0x80, $0x38;
	[tilespmem:$0x17000] =	vst v63  }
0x63: {  	_ =	swait.ge [sflag:s29], $0x80  }
0x64: {  	[sflag:s29] =	ssyncset.done $0x0  }
0x65: {  	[sflag:s29] =	ssyncadd.s32 $0xFFFFFF80  }
0x66: {  	v7 =	vld [tilespmem:$0x0]  }
0x67: {  	v8 =	vld [tilespmem:$0x10]  }
0x68: {  	v9 =	vld [tilespmem:$0x20]  }
0x69: {  	v10 =	vld [tilespmem:$0x30]  }
0x6a: {  	v11 =	vld [tilespmem:$0x40]  }
0x6b: {  	v12 =	vld [tilespmem:$0x50];
	v7 =	vadd.s32 v0, v7  }
0x6c: {  	[tilespmem:$0x80] =	vst v7;
	v7 =	vadd.s32 v0, v8;
	v8 =	vld [tilespmem:$0x60]  }
0x6d: {  	v52 =	vld [tilespmem:$0x70];
	[tilespmem:$0x90] =	vst v7;
	v7 =	vadd.s32 v0, v9  }
0x6e: {  	[tilespmem:$0xA0] =	vst v7;
	v7 =	vadd.s32 v0, v10  }
0x6f: {  	[tilespmem:$0xB0] =	vst v7;
	v7 =	vadd.s32 v0, v11  }
0x70: {  	[tilespmem:$0xC0] =	vst v7;
	v7 =	vadd.s32 v0, v12  }
0x71: {  	[tilespmem:$0xD0] =	vst v7;
	v7 =	vadd.s32 v0, v8  }
0x72: {  	[tilespmem:$0xE0] =	vst v7;
	v7 =	vadd.s32 v0, v52  }
0x73: {  	[tilespmem:$0xF0] =	vst v7  }
0x74: {  	[tilespmem:s25], [sflag:$0x1] =	stream.indirect.gather [hbm4b:s6+s31], $0x50, s31, s31, $0xb8;
	[tilespmem:$0x17000] =	vst v63  }
0x75: {  	s0 =	sadd.s32 s0, s24;
	s5 =	simm.s32 $0x2980  }
0x76: {  	[tilespmem:s5], [sflag:$0x2] =	stream.indirect.gather [hbm4b:s7+s31], $0x10, s31, s31, $0xb8;
	[tilespmem:$0x17000] =	vst v63  }
0x77: {  	s0 =	sshrl.u32 s0, $0x3;
	s5 =	simm.s32 $0x3180  }
0x78: {  	[tilespmem:s5], [sflag:$0x3] =	stream.indirect.gather [hbm4b:s8+s31], $0x10, s30, s31, $0xb8;
	[tilespmem:$0x17000] =	vst v63  }
0x79: {  	s5 =	sadd.s32 s1, s0  }
0x7a: {  	[tilespmem:s12], [sflag:$0x8] =	stream.linear.gather [hbm4b:s5+s11], $0x80, $0x38;
	[tilespmem:$0x17000] =	vst v63  }
0x7b: {  	_ =	swait.ge [sflag:s29], $0x80  }
0x7c: {  	[sflag:s29] =	ssyncset.done $0x0  }
0x7d: {  	s0 =	sadd.s32 s9, s0;
	[sflag:s29] =	ssyncadd.s32 $0xFFFFFF80  }
0x7e: {  	[tilespmem:s13], [sflag:$0x8] =	stream.linear.gather [hbm4b:s0+s11], $0x80, $0x38;
	[tilespmem:$0x17000] =	vst v63  }
0x7f: {  	_ =	swait.ge [sflag:s29], $0x80  }
0x80: {  	[sflag:s29] =	ssyncset.done $0x0  }
0x81: {  	[sflag:s29] =	ssyncadd.s32 $0xFFFFFF80  }
0x82: {  	v7 =	vld [tilespmem:$0x4180]  }
0x83: {  	v8 =	vld [tilespmem:$0x4190]  }
0x84: {  	v53 =	vld [tilespmem:$0x41A0]  }
0x85: {  	v54 =	vld [tilespmem:$0x41B0]  }
0x86: {  	v55 =	vld [tilespmem:$0x41C0]  }
0x87: {  	v56 =	vld [tilespmem:$0x41D0];
	v7 =	vadd.s32 v0, v7  }
0x88: {  	[tilespmem:$0x4200] =	vst v7;
	v7 =	vadd.s32 v0, v8;
	v8 =	vld [tilespmem:$0x41E0]  }
0x89: {  	v57 =	vld [tilespmem:$0x41F0];
	[tilespmem:$0x4210] =	vst v7;
	v7 =	vadd.s32 v0, v53  }
0x8a: {  	[tilespmem:$0x4220] =	vst v7;
	v7 =	vadd.s32 v0, v54  }
0x8b: {  	[tilespmem:$0x4230] =	vst v7;
	v7 =	vadd.s32 v0, v55  }
0x8c: {  	[tilespmem:$0x4240] =	vst v7;
	v7 =	vadd.s32 v0, v56  }
0x8d: {  	[tilespmem:$0x4250] =	vst v7;
	v7 =	vadd.s32 v0, v8  }
0x8e: {  	[tilespmem:$0x4260] =	vst v7;
	v7 =	vadd.s32 v0, v57  }
0x8f: {  	[tilespmem:$0x4270] =	vst v7  }
0x90: {  	[tilespmem:s15], [sflag:$0x4] =	stream.indirect.gather [hbm4b:s6+s31], $0x50, s14, s31, $0xb8;
	[tilespmem:$0x17000] =	vst v63  }
0x91: {  	_ = 	snop  }
0x92: {  	[tilespmem:s16], [sflag:$0x5] =	stream.indirect.gather [hbm4b:s7+s31], $0x10, s14, s31, $0xb8;
	[tilespmem:$0x17000] =	vst v63  }
0x93: {  	_ = 	snop  }
0x94: {  	[tilespmem:s17], [sflag:$0x6] =	stream.indirect.gather [hbm4b:s8+s31], $0x10, s13, s31, $0xb8;
	[tilespmem:$0x17000] =	vst v63  }
0x95: {  	_ =	swait.ge [sflag:s18], $0x2800  }
0x96: {  	[sflag:s18] =	ssyncset.done $0x0  }
0x97: {  	[sflag:s18] =	ssyncadd.s32 $0xFFFFD800  }
0x98: {  	_ =	swait.ge [sflag:s19], $0x800  }
0x99: {  	[sflag:s19] =	ssyncset.done $0x0  }
0x9a: {  	[sflag:s19] =	ssyncadd.s32 $0xFFFFF800  }
0x9b: {  	_ =	swait.ge [sflag:s21], $0x800  }
0x9c: {  	[sflag:s21] =	ssyncset.done $0x0  }
0x9d: {  	s2 =	simm.s32 $0x0;
	[sflag:s21] =	ssyncadd.s32 $0xFFFFF800  }
0x9e: {  	v7 =	vld [tilespmem:s2+$0x3180]  }
0x9f: {  	v8 =	vld [tilespmem:s2+$0x2980];
	_ =	sdelay $0x4  }
0xa0: {  	v7 =	vadd.f32 v7, v8;
	_ =	sdelay $0x1  }
0xa1: {  	v8 =	vmul.f32 $2.000000030e-01, v7;
	_ =	sdelay $0x1  }
0xa2: {  	v7 =	vmax.f32 v7, v8  }
0xa3: {  	v7 =	vmul.f32 $1.442695020e+00, v7;
	_ =	sdelay $0x1  }
0xa4: {  	(erf) = vpow2.f32 v7;
	_ =	sdelay $0x8  }
0xa5: {  	v7 =	vpop (erf)  }
0xa6: {  	s5 =	simm.s32 $0x1A0;
	[tilespmem:s2+$0x3980] =	vst v7  }
0xa7: {  	v8 =	vld [tilespmem:s5+$0xFFFFFFE0]  }
0xa8: {  	v58 =	vld [tilespmem:s5+$0xFFFFFFF0]  }
0xa9: {  	v61 =	vld [tilespmem:s5+$0x10]  }
0xaa: {  	v60 =	vperm.xlane v7, v1;
	v14 =	vld [tilespmem:s5+$0x20]  }
0xab: {  	v13 =	vperm.xlane v7, v2;
	v15 =	vperm.xlane v7, v3;
	v59 =	vld [tilespmem:s5+$0x0]  }
0xac: {  	v62 =	vperm.xlane v7, v4;
	v8 =	vmul.f32 v8, v60  }
0xad: {  	v7 =	vperm.xlane v7, v5;
	v9 =	vmul.f32 v58, v13  }
0xae: {  	v63 =	vmul.f32 v61, v62;
	[tilespmem:s5+$0xFFFFFFE0] =	vst v8  }
0xaf: {  	v7 =	vmul.f32 v14, v7;
	[tilespmem:s5+$0xFFFFFFF0] =	vst v9  }
0xb0: {  	v8 =	vmul.f32 v59, v15;
	[tilespmem:s5+$0x10] =	vst v63  }
0xb1: {  	[tilespmem:s5+$0x20] =	vst v7  }
0xb2: {  	s2 =	simm.s32 $0x10;
	[tilespmem:s5+$0x0] =	vst v8  }
0xb3: {  	s0 =	simm.s32 $0x80;
	v7 =	vld [tilespmem:s2+$0x3180]  }
.LBB2_5:
0xb4: {  	p1 =	sne.s32 s0, $0x1FC0;
	v8 =	vld [tilespmem:s2+$0x2980];
	_ =	sdelay $0x4  }
0xb5: {  	v7 =	vadd.f32 v7, v8;
	_ =	sdelay $0x1  }
0xb6: {  	v8 =	vmul.f32 $2.000000030e-01, v7;
	_ =	sdelay $0x1  }
0xb7: {  	v7 =	vmax.f32 v7, v8  }
0xb8: {  	v7 =	vmul.f32 $1.442695020e+00, v7;
	_ =	sdelay $0x1  }
0xb9: {  	(erf) = vpow2.f32 v7;
	_ =	sdelay $0x8  }
0xba: {  	v7 =	vpop (erf)  }
0xbb: {  	s5 =	sadd.s32 $0x50, s5;
	[tilespmem:s2+$0x3980] =	vst v7;
	v8 =	vperm.xlane v7, v2;
	v9 =	vperm.xlane v7, v3  }
0xbc: {  	v11 =	vperm.xlane v7, v4;
	v12 =	vperm.xlane v7, v5;
	v10 =	vld [tilespmem:s5+$0xFFFFFFE0]  }
0xbd: {  	v7 =	vperm.xlane v7, v1;
	v13 =	vld [tilespmem:s5+$0xFFFFFFF0]  }
0xbe: {  	v14 =	vld [tilespmem:s5+$0x0]  }
0xbf: {  	v15 =	vld [tilespmem:s5+$0x10]  }
0xc0: {  	v16 =	vld [tilespmem:s5+$0x20]  }
0xc1: {  	v7 =	vmul.f32 v10, v7  }
0xc2: {  	v8 =	vmul.f32 v13, v8  }
0xc3: {  	[tilespmem:s5+$0xFFFFFFE0] =	vst v7;
	v7 =	vmul.f32 v14, v9  }
.Ltmp1:
0xc4: {  	[tilespmem:s5+$0xFFFFFFF0] =	vst v8;
	v8 =	vmul.f32 v15, v11;
	(pc) =	sbr.rel @p1 .LBB2_5-.Ltmp1, $4  }
0xc5: {  	[tilespmem:s5+$0x0] =	vst v7;
	v7 =	vmul.f32 v16, v12  }
0xc6: {  	[tilespmem:s5+$0x10] =	vst v8  }
0xc7: {  	s2 =	sshra.s32 s0, $0x2;
	[tilespmem:s5+$0x20] =	vst v7  }
0xc8: {  	s0 =	sadd.s32 $0x40, s0;
	v7 =	vld [tilespmem:s2+$0x3180]  }
0xc9: {  	v8 =	vld [tilespmem:s2+$0x2980];
	_ =	sdelay $0x4  }
0xca: {  	v7 =	vadd.f32 v7, v8;
	_ =	sdelay $0x1  }
0xcb: {  	v8 =	vmul.f32 $2.000000030e-01, v7;
	_ =	sdelay $0x1  }
0xcc: {  	v7 =	vmax.f32 v7, v8  }
0xcd: {  	v7 =	vmul.f32 $1.442695020e+00, v7;
	_ =	sdelay $0x1  }
0xce: {  	(erf) = vpow2.f32 v7;
	_ =	sdelay $0x8  }
0xcf: {  	v7 =	vpop (erf)  }
0xd0: {  	s0 =	sadd.s32 $0x50, s5;
	[tilespmem:s2+$0x3980] =	vst v7  }
0xd1: {  	v8 =	vld [tilespmem:s0+$0xFFFFFFE0]  }
0xd2: {  	v9 =	vld [tilespmem:s0+$0xFFFFFFF0]  }
0xd3: {  	v12 =	vld [tilespmem:s0+$0x10]  }
0xd4: {  	v11 =	vperm.xlane v7, v1;
	v14 =	vld [tilespmem:s0+$0x20]  }
0xd5: {  	v13 =	vperm.xlane v7, v2;
	v15 =	vperm.xlane v7, v3;
	v10 =	vld [tilespmem:s0+$0x0]  }
0xd6: {  	v53 =	vperm.xlane v7, v4;
	v8 =	vmul.f32 v8, v11  }
0xd7: {  	v7 =	vperm.xlane v7, v5;
	v9 =	vmul.f32 v9, v13  }
0xd8: {  	v54 =	vmul.f32 v12, v53;
	[tilespmem:s0+$0xFFFFFFE0] =	vst v8  }
0xd9: {  	v7 =	vmul.f32 v14, v7;
	[tilespmem:s0+$0xFFFFFFF0] =	vst v9  }
0xda: {  	v8 =	vmul.f32 v10, v15;
	[tilespmem:s0+$0x10] =	vst v54  }
0xdb: {  	[tilespmem:s0+$0x20] =	vst v7  }
0xdc: {  	[tilespmem:s0+$0x0] =	vst v8  }
0xdd: {  	[spmem:s3] =	stream.indirect.scatter.add.f32 [tilespmem:s25], [sflag:$0x8], $0x50, s30, s31, $0xb8;
	[tilespmem:$0x17000] =	vst v63  }
0xde: {  	_ =	swait.ge [sflag:s29], $0x2800  }
0xdf: {  	s5 =	simm.s32 @!p0 $0x3980;
	[sflag:s29] =	ssyncset.done $0x0  }
0xe0: {  	s2 =	simm.s32 @!p0 $0x100;
	s0 =	simm.s32 @!p0 $0x80;
	[sflag:s29] =	ssyncadd.s32 $0xFFFFD800  }
0xe1: {  	[spmem:s4] =	stream.indirect.scatter.add.f32 @!p0 [tilespmem:s5], [sflag:$0x8], $0x10, s2, s0, $0xb8;
	[tilespmem:$0x17000] =	vst v63  }
0xe2: {  	s0 =	simm.s32 @!p0 $0x8  }
0xe3: {  	_ =	swait.ge @!p0 [sflag:s0], $0x800  }
0xe4: {  	[sflag:s0] =	ssyncset.done @!p0 $0x0  }
0xe5: {  	[sflag:s0] =	ssyncadd.s32 @!p0 $0xFFFFF800  }
0xe6: {  	_ =	swait.ge [sflag:s22], $0x2800  }
0xe7: {  	[sflag:s22] =	ssyncset.done $0x0  }
0xe8: {  	[sflag:s22] =	ssyncadd.s32 $0xFFFFD800  }
0xe9: {  	_ =	swait.ge [sflag:s23], $0x800  }
0xea: {  	[sflag:s23] =	ssyncset.done $0x0  }
0xeb: {  	[sflag:s23] =	ssyncadd.s32 $0xFFFFF800  }
0xec: {  	_ =	swait.ge [sflag:s10], $0x800  }
0xed: {  	[sflag:s10] =	ssyncset.done $0x0  }
0xee: {  	s2 =	simm.s32 $0x0;
	[sflag:s10] =	ssyncadd.s32 $0xFFFFF800  }
0xef: {  	v7 =	vld [tilespmem:s2+$0x7300]  }
0xf0: {  	v8 =	vld [tilespmem:s2+$0x6B00];
	_ =	sdelay $0x4  }
0xf1: {  	v7 =	vadd.f32 v7, v8;
	_ =	sdelay $0x1  }
0xf2: {  	v8 =	vmul.f32 $2.000000030e-01, v7;
	_ =	sdelay $0x1  }
0xf3: {  	v7 =	vmax.f32 v7, v8  }
0xf4: {  	v7 =	vmul.f32 $1.442695020e+00, v7;
	_ =	sdelay $0x1  }
0xf5: {  	(erf) = vpow2.f32 v7;
	_ =	sdelay $0x8  }
0xf6: {  	v7 =	vpop (erf)  }
0xf7: {  	s5 =	simm.s32 $0x4320;
	[tilespmem:s2+$0x7B00] =	vst v7  }
0xf8: {  	v8 =	vld [tilespmem:s5+$0xFFFFFFE0]  }
0xf9: {  	v55 =	vld [tilespmem:s5+$0xFFFFFFF0]  }
0xfa: {  	v58 =	vld [tilespmem:s5+$0x10]  }
0xfb: {  	v57 =	vperm.xlane v7, v1;
	v60 =	vld [tilespmem:s5+$0x20]  }
0xfc: {  	v59 =	vperm.xlane v7, v2;
	v61 =	vperm.xlane v7, v3;
	v56 =	vld [tilespmem:s5+$0x0]  }
0xfd: {  	v62 =	vperm.xlane v7, v4;
	v8 =	vmul.f32 v8, v57  }
0xfe: {  	v7 =	vperm.xlane v7, v5;
	v9 =	vmul.f32 v55, v59  }
0xff: {  	v63 =	vmul.f32 v58, v62;
	[tilespmem:s5+$0xFFFFFFE0] =	vst v8  }
0x100: {  	v7 =	vmul.f32 v60, v7;
	[tilespmem:s5+$0xFFFFFFF0] =	vst v9  }
0x101: {  	v8 =	vmul.f32 v56, v61;
	[tilespmem:s5+$0x10] =	vst v63  }
0x102: {  	[tilespmem:s5+$0x20] =	vst v7  }
0x103: {  	s2 =	simm.s32 $0x10;
	[tilespmem:s5+$0x0] =	vst v8  }
0x104: {  	s0 =	simm.s32 $0x80;
	v7 =	vld [tilespmem:s2+$0x7300]  }
.LBB2_7:
0x105: {  	p1 =	sne.s32 s0, $0x1FC0;
	v8 =	vld [tilespmem:s2+$0x6B00];
	_ =	sdelay $0x4  }
0x106: {  	v7 =	vadd.f32 v7, v8;
	_ =	sdelay $0x1  }
0x107: {  	v8 =	vmul.f32 $2.000000030e-01, v7;
	_ =	sdelay $0x1  }
0x108: {  	v7 =	vmax.f32 v7, v8  }
0x109: {  	v7 =	vmul.f32 $1.442695020e+00, v7;
	_ =	sdelay $0x1  }
0x10a: {  	(erf) = vpow2.f32 v7;
	_ =	sdelay $0x8  }
0x10b: {  	v7 =	vpop (erf)  }
0x10c: {  	s5 =	sadd.s32 $0x50, s5;
	[tilespmem:s2+$0x7B00] =	vst v7;
	v8 =	vperm.xlane v7, v2;
	v9 =	vperm.xlane v7, v3  }
0x10d: {  	v11 =	vperm.xlane v7, v4;
	v12 =	vperm.xlane v7, v5;
	v10 =	vld [tilespmem:s5+$0xFFFFFFE0]  }
0x10e: {  	v7 =	vperm.xlane v7, v1;
	v13 =	vld [tilespmem:s5+$0xFFFFFFF0]  }
0x10f: {  	v14 =	vld [tilespmem:s5+$0x0]  }
0x110: {  	v15 =	vld [tilespmem:s5+$0x10]  }
0x111: {  	v16 =	vld [tilespmem:s5+$0x20]  }
0x112: {  	v7 =	vmul.f32 v10, v7  }
0x113: {  	v8 =	vmul.f32 v13, v8  }
0x114: {  	[tilespmem:s5+$0xFFFFFFE0] =	vst v7;
	v7 =	vmul.f32 v14, v9  }
.Ltmp2:
0x115: {  	[tilespmem:s5+$0xFFFFFFF0] =	vst v8;
	v8 =	vmul.f32 v15, v11;
	(pc) =	sbr.rel @p1 .LBB2_7-.Ltmp2, $4  }
0x116: {  	[tilespmem:s5+$0x0] =	vst v7;
	v7 =	vmul.f32 v16, v12  }
0x117: {  	[tilespmem:s5+$0x10] =	vst v8  }
0x118: {  	s2 =	sshra.s32 s0, $0x2;
	[tilespmem:s5+$0x20] =	vst v7  }
0x119: {  	s0 =	sadd.s32 $0x40, s0;
	v7 =	vld [tilespmem:s2+$0x7300]  }
0x11a: {  	v8 =	vld [tilespmem:s2+$0x6B00];
	_ =	sdelay $0x4  }
0x11b: {  	v7 =	vadd.f32 v7, v8;
	_ =	sdelay $0x1  }
0x11c: {  	v8 =	vmul.f32 $2.000000030e-01, v7;
	_ =	sdelay $0x1  }
0x11d: {  	v7 =	vmax.f32 v7, v8  }
0x11e: {  	v7 =	vmul.f32 $1.442695020e+00, v7;
	_ =	sdelay $0x1  }
0x11f: {  	(erf) = vpow2.f32 v7;
	_ =	sdelay $0x8  }
0x120: {  	v7 =	vpop (erf)  }
0x121: {  	s0 =	sadd.s32 $0x50, s5;
	[tilespmem:s2+$0x7B00] =	vst v7  }
0x122: {  	v8 =	vld [tilespmem:s0+$0xFFFFFFE0]  }
0x123: {  	v9 =	vld [tilespmem:s0+$0xFFFFFFF0]  }
0x124: {  	v12 =	vld [tilespmem:s0+$0x10]  }
0x125: {  	v11 =	vperm.xlane v7, v1;
	v14 =	vld [tilespmem:s0+$0x20]  }
0x126: {  	v13 =	vperm.xlane v7, v2;
	v15 =	vperm.xlane v7, v3;
	v10 =	vld [tilespmem:s0+$0x0]  }
0x127: {  	v62 =	vperm.xlane v7, v4;
	v8 =	vmul.f32 v8, v11  }
0x128: {  	v7 =	vperm.xlane v7, v5;
	v9 =	vmul.f32 v9, v13  }
0x129: {  	v63 =	vmul.f32 v12, v62;
	[tilespmem:s0+$0xFFFFFFE0] =	vst v8  }
0x12a: {  	v7 =	vmul.f32 v14, v7;
	[tilespmem:s0+$0xFFFFFFF0] =	vst v9  }
0x12b: {  	v8 =	vmul.f32 v10, v15;
	[tilespmem:s0+$0x10] =	vst v63  }
0x12c: {  	[tilespmem:s0+$0x20] =	vst v7  }
0x12d: {  	[tilespmem:s0+$0x0] =	vst v8  }
0x12e: {  	[spmem:s3] =	stream.indirect.scatter.add.f32 [tilespmem:s15], [sflag:$0x8], $0x50, s13, s31, $0xb8;
	[tilespmem:$0x17000] =	vst v63  }
0x12f: {  	s28 =	sadd.s32 $0x1, s28;
	_ =	swait.ge [sflag:s29], $0x2800  }
0x130: {  	s5 =	simm.s32 @!p0 $0x7B00;
	p1 =	sne.s32 s28, $0x51;
	[sflag:s29] =	ssyncset.done $0x0  }
0x131: {  	s2 =	simm.s32 @!p0 $0x4280;
	s0 =	simm.s32 @!p0 $0x80;
	[sflag:s29] =	ssyncadd.s32 $0xFFFFD800  }
0x132: {  	[spmem:s4] =	stream.indirect.scatter.add.f32 @!p0 [tilespmem:s5], [sflag:$0x7], $0x10, s2, s0, $0xb8;
	[tilespmem:$0x17000] =	vst v63  }
.Ltmp3:
0x133: {  	_ = 	snop;
	(pc) =	sbr.rel @p1 .LBB2_4-.Ltmp3, $4  }
0x134: {  	s0 =	simm.s32 @!p0 $0x7  }
0x135: {  	_ =	swait.ge @!p0 [sflag:s0], $0x800  }
0x136: {  	[sflag:s0] =	ssyncset.done @!p0 $0x0  }
0x137: {  	[sflag:s0] =	ssyncadd.s32 @!p0 $0xFFFFF800  }
0x138: {  	s2 =	stileid.u32;
	[bflag:$0x0] =	sbarrier.arrive $0xFFFF  }
0x139: {  	s2 =	sshll.u32 s2, $0x6;
	s5 =	rddreg [dreg:$0x6]  }
0x13a: {  	s11 =	rddreg [dreg:$0x10];
	s2 =	sor.u32 $0x1C07, s2;
	s5 =	sshrl.u32 s5, $0x3  }
0x13b: {  	[hbm:s11], [sflag:s2] =	dma.local [spmem:s5], $0x18B0  }
0x13c: {  	_ =	swait.ge [sflag:s26], $0x18B0  }
0x13d: {  	[sflag:s26] =	ssyncset.done $0x0;
	s5 =	rddreg [dreg:$0x7]  }
0x13e: {  	s11 =	rddreg [dreg:$0x11];
	[sflag:s26] =	ssyncadd.s32 $0xFFFFE750;
	s5 =	sshrl.u32 @!p0 s5, $0x3  }
0x13f: {  	[hbm:s11], [sflag:s2] =	dma.local @!p0 [spmem:s5], $0x4F0  }
0x140: {  	_ =	swait.ge @!p0 [sflag:s0], $0x4F0  }
0x141: {  	s28 =	rddreg [dreg:$0x5]  }
0x142: {  	s11 =	rddreg [dreg:$0x12];
	s28 =	sadd.s32 $0x1, s28  }
0x143: {  	p1 =	sne.s32 s28, s11  }
.Ltmp4:
0x144: {  	_ = 	snop;
	(pc) =	sbr.rel @p1 .LBB2_1-.Ltmp4, $3  }
0x145: {  	_ =	sdelay $0x1  }
0x146: {  	[sflag:s0] =	ssyncset.done @!p0 $0x0  }
0x147: {  	[sflag:s0] =	ssyncadd.s32 @!p0 $0xFFFFFB10  }
0x148: {  	_ =	sfence.sel $0x180000  }
0x149: {  	[bflag:$0x0] =	sbarrier.arrive $0xFFFF  }
0x14a: {  	_ =	strace $0x9000004A  }
0x14b: {  	s0 =	stileid.u32;
	[bflag:$0x2] =	sbarrier.arrive $0xFFFF  }
0x14c: {  	p0 =	sne.s32 s0, $0x0;
	s0 =	rddreg [dreg:$0x4]  }
0x14d: {  	s0 =	sadd.s32 @!p0 $0x100000, s0  }
0x14e: {  	[sflag:s0] =	ssyncadd.tile.s32 @!p0 $0x1;
	_ =	shalt  }
.Lfunc_end2:
_tile_overlayer_lowered:
.L_overlay_start_2:
0x14f: {  	(tag) =	ssettag $0x2  }
0x150: {  	s0 =	rddreg [dreg:$0x0];
	s2 =	stileid.u32  }
0x151: {  	s1 =	rddreg [dreg:$0x1];
	p0 =	sne.s32 s2, $0x0  }
0x152: {  	s3 =	rddreg [dreg:$0x2];
	[bflag:$0x3] =	sbarrier.arrive $0xFFFF;
	s2 =	simm.s32 @!p0 $0x1C07  }
0x153: {  	[timem:s3], [sflag:s2] =	dma.local @!p0 [hbm:s0], s1  }
0x154: {  	s0 =	simm.s32 @!p0 $0x7  }
0x155: {  	_ =	swait.ge @!p0 [sflag:s0], s1  }
0x156: {  	s1 =	ssub.s32 @!p0 $0x0, s1;
	[sflag:s0] =	ssyncset.done @!p0 $0x0  }
0x157: {  	[sflag:s0] =	ssyncadd.s32 @!p0 s1  }
0x158: {  	[bflag:$0x3] =	sbarrier.arrive $0xFFFF  }
0x159: {  	_ =	shalt  }

// kernel: kernel.15.cloned.1.call-start
scs
__scs_entry_jumppad:
0x0: {  	(pc) =	sbr.rel $0x88, $3  }
0x1: {  	(tag) =	ssettag $0x0;
	lr =	simm.s32 $0x1  }
0x2: {  	[smem:$0x3F93] =	sst lr;
	_ =	strace $0xD0000000  }
0x3: {  	_ = 	snop  }
0x4: {  	_ = 	snop  }
0x5: {  	_ = 	snop  }
0x6: {  	_ = 	snop  }
0x7: {  	_ = 	snop  }
__scs_overlays_trampoline_lowered:
0x8: {  	[smem:$0x3FA2] =	sst s0  }
0x9: {  	[smem:$0x3FA3] =	sst s1  }
0xa: {  	[smem:$0x3FA4] =	sst s2  }
0xb: {  	[smem:$0x3FA5] =	sst s3  }
0xc: {  	[smem:$0x3FA6] =	sst s4  }
0xd: {  	[smem:$0x3FA7] =	sst s5  }
0xe: {  	[smem:$0x3FA8] =	sst s6  }
0xf: {  	[smem:$0x3FA9] =	sst s7  }
0x10: {  	[smem:$0x3FAA] =	sst s8  }
0x11: {  	[smem:$0x3FAB] =	sst s9;
	s0 =	simm.s32 @!p0 $0x0  }
0x12: {  	s1 =	sld [smem:$0x3F91];
	s0 =	simm.s32 @p0 $0x1  }
0x13: {  	[smem:$0x3FAC] =	sst s0;
	s0 =	simm.s32 @!p1 $0x0  }
0x14: {  	s2 =	sld [smem:$0x3F90];
	s0 =	simm.s32 @p1 $0x1  }
0x15: {  	[smem:$0x3FAD] =	sst s0;
	s0 =	simm.s32 @!p2 $0x0  }
0x16: {  	s3 =	sld [smem:$0x3FDB];
	s0 =	simm.s32 @p2 $0x1  }
0x17: {  	s4 =	simm.s32 $0x1BF5;
	[smem:$0x3FAF] =	sst s0  }
0x18: {  	s0 =	sld [smem:$0x3F92];
	_ =	swait.ge [sflag:s4], $0x0  }
0x19: {  	s7 =	sld [smem:$0x3F93]  }
0x1a: {  	s8 =	sadd.s32 $0xFFFFE003, lr  }
0x1b: {  	s9 =	sadd.s32 $0xFFFFFEF7, lr;
	s5 =	simm.s32 $0xFFFFFFFF;
	p2 =	slt.u32 s8, $0xFFFFF086  }
0x1c: {  	p1 =	slt.u32 s9, $0xF7A;
	s5 =	simm.s32 @!p2 $0x0  }
0x1d: {  	s5 =	simm.s32 @p1 $0x1;
	p0 =	seq.s32 s7, s2  }
0x1e: {  	s7 =	smul.u32 @!p0 $0xF7A, s2;
	p2 =	seq.s32 @!p0 s5, $0x0  }
0x1f: {  	s9 =	smul.u32 $0xF7A, s1;
	s8 =	simm.s32 @!p0 $0x1BF5;
	p2 =	por !p2, p0  }
0x20: {  	[sflag:s8] =	ssyncset.s32 @!p0 $0xFFFFF086;
	s6 =	sadd.s32 @!p0 s3, s7;
	s7 =	simm.s32 @!p0 $0x108  }
0x21: {  	s3 =	sadd.s32 s3, s9;
	s6 =	sadd.s32 @!p0 $0x88, s6;
	s7 =	simm.s32 @p2 $0x1082  }
0x22: {  	[simem:s7], [sflag:s8] =	dma.local @!p0 [hbm:s6], $0xF7A  }
0x23: {  	s9 =	sor.u32 $0xD0000000, s2;
	s6 =	simm.s32 $0x108;
	_ =	swait.ge @!p0 [sflag:s8], $0x0  }
0x24: {  	s3 =	sadd.s32 $0x88, s3;
	s6 =	simm.s32 @!p1 $0x1082;
	[sflag:s4] =	ssyncset.s32 $0xFFFFF086  }
0x25: {  	[simem:s6], [sflag:s4] =	dma.local [hbm:s3], $0xF7A  }
0x26: {  	[smem:$0x3F93] =	sst s1;
	(tag) =	ssettag s2;
	_ =	strace s9  }
0x27: {  	s1 =	sld [smem:$0x3FA3]  }
0x28: {  	s2 =	sld [smem:$0x3FA4]  }
0x29: {  	s4 =	sld [smem:$0x3FA6]  }
0x2a: {  	p0 =	seq.s32 s5, $0x0;
	s5 =	sld [smem:$0x3FA7]  }
0x2b: {  	s6 =	sld [smem:$0x3FA8]  }
0x2c: {  	s7 =	sld [smem:$0x3FA9]  }
0x2d: {  	s3 =	simm.s32 $0x108;
	s8 =	sld [smem:$0x3FAA]  }
0x2e: {  	s3 =	simm.s32 @!p0 $0x1082;
	s9 =	sld [smem:$0x3FAB]  }
0x2f: {  	lr =	sadd.s32 s0, s3;
	s0 =	sld [smem:$0x3FA2]  }
0x30: {  	s3 =	sld [smem:$0x3FA5]  }
0x31: {  	[smem:$0x3FAE] =	sst s10  }
0x32: {  	s10 =	sld [smem:$0x3FAC];
	_ =	sdelay $0x3  }
0x33: {  	p0 =	seq.s32 s10, $0x1;
	s10 =	sld [smem:$0x3FAE];
	_ =	sdelay $0x3  }
0x34: {  	[smem:$0x3FAE] =	sst s10  }
0x35: {  	s10 =	sld [smem:$0x3FAD];
	_ =	sdelay $0x3  }
0x36: {  	p1 =	seq.s32 s10, $0x1;
	s10 =	sld [smem:$0x3FAE];
	_ =	sdelay $0x3  }
0x37: {  	[smem:$0x3FAE] =	sst s10  }
0x38: {  	s10 =	sld [smem:$0x3FAF]  }
0x39: {  	_ = 	snop;
	(pc) =	sbr.ind lr, $3  }
0x3a: {  	_ = 	snop  }
0x3b: {  	_ = 	snop  }
0x3c: {  	p2 =	seq.s32 s10, $0x1;
	s10 =	sld [smem:$0x3FAE]  }
0x3d: {  	_ =	shalt  }
0x3e: {  	_ =	shalt  }
0x3f: {  	_ =	shalt  }
0x40: {  	_ =	shalt  }
0x41: {  	_ =	shalt  }
0x42: {  	_ =	shalt  }
0x43: {  	_ =	shalt  }
0x44: {  	_ =	shalt  }
0x45: {  	_ =	shalt  }
0x46: {  	_ =	shalt  }
0x47: {  	_ =	shalt  }
0x48: {  	_ =	shalt  }
0x49: {  	_ =	shalt  }
0x4a: {  	_ =	shalt  }
0x4b: {  	_ =	shalt  }
0x4c: {  	_ =	shalt  }
0x4d: {  	_ =	shalt  }
0x4e: {  	_ =	shalt  }
0x4f: {  	_ =	shalt  }
0x50: {  	_ =	shalt  }
0x51: {  	_ =	shalt  }
0x52: {  	_ =	shalt  }
0x53: {  	_ =	shalt  }
0x54: {  	_ =	shalt  }
0x55: {  	_ =	shalt  }
0x56: {  	_ =	shalt  }
0x57: {  	_ =	shalt  }
0x58: {  	_ =	shalt  }
0x59: {  	_ =	shalt  }
0x5a: {  	_ =	shalt  }
0x5b: {  	_ =	shalt  }
0x5c: {  	_ =	shalt  }
0x5d: {  	_ =	shalt  }
0x5e: {  	_ =	shalt  }
0x5f: {  	_ =	shalt  }
0x60: {  	_ =	shalt  }
0x61: {  	_ =	shalt  }
0x62: {  	_ =	shalt  }
0x63: {  	_ =	shalt  }
0x64: {  	_ =	shalt  }
0x65: {  	_ =	shalt  }
0x66: {  	_ =	shalt  }
0x67: {  	_ =	shalt  }
0x68: {  	_ =	shalt  }
0x69: {  	_ =	shalt  }
0x6a: {  	_ =	shalt  }
0x6b: {  	_ =	shalt  }
0x6c: {  	_ =	shalt  }
0x6d: {  	_ =	shalt  }
0x6e: {  	_ =	shalt  }
0x6f: {  	_ =	shalt  }
0x70: {  	_ =	shalt  }
0x71: {  	_ =	shalt  }
0x72: {  	_ =	shalt  }
0x73: {  	_ =	shalt  }
0x74: {  	_ =	shalt  }
0x75: {  	_ =	shalt  }
0x76: {  	_ =	shalt  }
0x77: {  	_ =	shalt  }
0x78: {  	_ =	shalt  }
0x79: {  	_ =	shalt  }
0x7a: {  	_ =	shalt  }
0x7b: {  	_ =	shalt  }
0x7c: {  	_ =	shalt  }
0x7d: {  	_ =	shalt  }
0x7e: {  	_ =	shalt  }
0x7f: {  	_ =	shalt  }
0x80: {  	_ =	shalt  }
0x81: {  	_ =	shalt  }
0x82: {  	_ =	shalt  }
0x83: {  	_ =	shalt  }
0x84: {  	_ =	shalt  }
0x85: {  	_ =	shalt  }
0x86: {  	_ =	shalt  }
0x87: {  	_ =	shalt  }
.Lfunc_end0:
.L_simem_size_0:
called_computation.2_lowered:
.L_overlay_start_0:
0x88: {  	s2 =	sld [smem:$0x3FD9]  }
0x89: {  	s3 =	sld [smem:$0x3FFE];
	_ =	sdelay $0x1  }
0x8a: {  	s1 =	srdreg.scid  }
0x8b: {  	s0 =	sand.u32 $0x1, s1  }
0x8c: {  	s17 =	sshll.u32 s0, $0xA;
	s2 =	sadd.s32 s3, s2  }
0x8d: {  	s2 =	sadd.s32 s2, s17  }
0x8e: {  	[smem:$0x3FBA] =	sst s2  }
0x8f: {  	_ = 	snop  }
0x90: {  	s2 =	sld [smem:$0x3FD0];
	(tm) =	ssettm $0x1  }
0x91: {  	s18 =	sld [smem:$0x3FFB];
	_ =	sdelay $0x3  }
0x92: {  	_ =	strace s18  }
0x93: {  	s3 =	sld [smem:$0x3FFC];
	_ =	sdelay $0x3  }
0x94: {  	_ =	strace s3  }
0x95: {  	s3 =	sld [smem:$0x3FFD];
	_ =	sdelay $0x3  }
0x96: {  	_ =	strace s3  }
0x97: {  	_ =	strace $0x8FFFFFFF  }
0x98: {  	s19 =	sld [smem:$0x3FDB];
	_ =	sdelay $0x1  }
0x99: {  	s4 =	simm.s32 $_scs_section_size  }
0x9a: {  	s5 =	simm.s32 $_size__tile_overlayer_lowered;
	s6 =	simm.s32 $_tile_overlayer_lowered  }
0x9b: {  	s22 =	simm.s32 $0x1BFF;
	s21 =	sshll.u32 s6, $0x1;
	s3 =	sadd.s32 s4, s19  }
0x9c: {  	s7 =	simm.s32 $0x0;
	s20 =	sshll.u32 s5, $0x1;
	s5 =	sadd.s32 s21, s3  }
0x9d: {  	[timem:s7], [sflag:s22] =	dma.local [hbm:s5], s20  }
0x9e: {  	_ =	swait.ge [sflag:s22], s20  }
0x9f: {  	s4 =	ssub.s32 $0x0, s20;
	[sflag:s22] =	ssyncset.done $0x0  }
0xa0: {  	[sflag:s22] =	ssyncadd.s32 s4;
	_ =	sdelay $0x1  }
0xa1: {  	s23 =	simm.s32 $0x1B8B  }
0xa2: {  	_ =	swait.ge [sflag:s23], $0x1  }
0xa3: {  	[sflag:s23] =	ssyncset.done $0x0  }
0xa4: {  	s25 =	simm.s32 $0x1B8E;
	s24 =	sld [smem:$0x3FFE];
	[sflag:s23] =	ssyncadd.s32 $0xFFFFFFFF  }
0xa5: {  	s26 =	simm.s32 $execute0_lowered;
	[smem:$0x3FD2] =	sst s25  }
0xa6: {  	s5 =	sshll.u32 s26, $0x1;
	_ =	strace $0x8000004C;
	[dreg:$0x1] =	wrdreg $0xFFFFFFFF  }
0xa7: {  	s28 =	simm.s32 $_size_execute0_lowered;
	s3 =	sadd.s32 s3, s5;
	[dreg:$0x0] =	wrdreg $0x0  }
0xa8: {  	s5 =	sshll.u32 s28, $0x1;
	[dreg:$0x2] =	wrdreg s3  }
0xa9: {  	[dreg:$0x3] =	wrdreg s5  }
0xaa: {  	[dreg:$0x4] =	wrdreg $0xC0  }
0xab: {  	_ =	task [dreg:s7], $0x5FFFF  }
0xac: {  	[dreg:$0x1] =	wrdreg $0xFFFFFFFF  }
0xad: {  	[dreg:$0x0] =	wrdreg $0x60  }
0xae: {  	[dreg:$0x2] =	wrdreg s24  }
0xaf: {  	[dreg:$0x3] =	wrdreg s2  }
0xb0: {  	[dreg:$0x4] =	wrdreg $0x63000  }
0xb1: {  	[dreg:$0x5] =	wrdreg $0xD9800  }
0xb2: {  	[dreg:$0x6] =	wrdreg $0x9  }
0xb3: {  	_ =	task.clear_ibuf [dreg:s7], $0x7FFFF;
	_ =	strace $0x9000004C  }
0xb4: {  	s29 =	simm.s32 $0x9;
	_ =	strace $0x8000004E  }
0xb5: {  	_ =	swait.ge [sflag:s29], $0x1  }
0xb6: {  	[sflag:s29] =	ssyncadd.s32 $0xFFFFFFFF  }
0xb7: {  	_ =	strace $0x9000004E  }
0xb8: {  	_ =	sfence  }
0xb9: {  	s30 =	sld [smem:$0x0];
	_ =	sdelay $0x2  }
0xba: {  	s31 =	sshll.u32 s1, $0xD;
	s1 =	sshrl.u32 s1, $0x2  }
0xbb: {  	s3 =	sand.u32 $0x4000, s31;
	s1 =	sadd.s32 s1, s30  }
0xbc: {  	s0 =	sor.u32 s3, s0;
	s1 =	sshll.u32 s1, $0x11  }
0xbd: {  	s0 =	sor.u32 s1, s0  }
0xbe: {  	s0 =	sadd.s32 $0x8F2B, s0  }
0xbf: {  	[sflag:s0] =	ssyncadd.remote.s32 $0x1  }
0xc0: {  	_ =	sfence.sel $0xFFFF  }
0xc1: {  	[dreg:$0x0] =	wrdreg $0xFFFFFFFF;
	(pc) =	sbr.abs _section_cstart, $3  }
0xc2: {  	[dreg:$0x1] =	wrdreg $0xFFFFFFFF  }
0xc3: {  	_ =	task.clear_ibuf [dreg:s7], $0x2FFFF;
	_ =	strace $0x9FFFFFFF  }
0xc4: {  	(tm) =	ssettm $0x7FFFFFFF  }
0xc5: {  	_ =	shalt  }
tec
execute0_lowered:
.L_overlay_start_1:
0x0: {  	(tag) =	ssettag $0x1  }
0x1: {  	s0 =	rddreg [dreg:$0x0]  }
0x2: {  	s1 =	rddreg [dreg:$0x1]  }
0x3: {  	s3 =	rddreg [dreg:$0x2]  }
0x4: {  	s4 =	rddreg [dreg:$0x3];
	s18 =	stileid.u32  }
0x5: {  	s2 =	srdreg.scid;
	s28 =	simm.s32 $0x0;
	s5 =	smul.u32 $0x7680, s18  }
0x6: {  	s29 =	simm.s32 $0x8;
	s30 =	simm.s32 $0x100;
	s10 =	smul.u32 $0x278, s18  }
0x7: {  	s31 =	simm.s32 $0x80;
	s2 =	sand.u32 $0x1, s2;
	s12 =	smul.u32 $0x2780, s18  }
0x8: {  	[smem:$0x7FF] =	sst s28;
	s6 =	sadd.s32 $0x4400, s0;
	s17 =	smul.u32 $0x1DA00, s18  }
0x9: {  	s7 =	sadd.s32 $0x26E00, s0;
	s8 =	smul.u32 $0x76800, s2;
	_ =	strace $0x8000004D  }
0xa: {  	s15 =	ssub.s32 $0x2, s2;
	p0 =	sne.s32 s2, $0x0;
	s13 =	sadd.s32 $0x80, s10  }
0xb: {  	s14 =	sshrl.u32 s12, $0x3;
	s26 =	sshrl.u32 s15, $0x1;
	s21 =	sadd.s32 $0xC000, s17  }
0xc: {  	s24 =	sshll.u32 s10, $0x4;
	s25 =	sadd.s32 $0x12000, s17;
	s9 =	sadd.s32 s5, s8  }
0xd: {  	s8 =	sadd.s32 $0x21E00, s0;
	s16 =	smul.u32 $0xC0, s13;
	s5 =	sadd.s32 s5, s3  }
0xe: {  	s20 =	sshll.u32 s13, $0x4;
	s23 =	sshrl.u32 s21, $0x2;
	s10 =	sshrl.u32 s25, $0x2  }
0xf: {  	s25 =	simm.s32 $0x180;
	s13 =	simm.s32 $0x3280;
	s11 =	sshrl.u32 s9, $0x3  }
0x10: {  	s9 =	sadd.s32 $0xF5800, s0;
	[dreg:$0x6] =	wrdreg s5;
	s22 =	sadd.s32 s20, s4  }
0x11: {  	s10 =	sadd.s32 s10, s3;
	s11 =	sadd.s32 s11, s0;
	s0 =	sadd.s32 s14, s0  }
0x12: {  	s14 =	ssub.s32 s15, s26;
	s15 =	sadd.s32 s12, s4;
	[dreg:$0x9] =	wrdreg s22  }
0x13: {  	s19 =	sshrl.u32 s16, $0x2;
	s26 =	sadd.s32 $0x18000, s17;
	[dreg:$0xc] =	wrdreg s10  }
0x14: {  	s12 =	simm.s32 $0x3180;
	s5 =	sadd.s32 s19, s3;
	s19 =	smul.u32 $0x5100, s18  }
0x15: {  	[dreg:$0x7] =	wrdreg s15;
	s16 =	sshrl.u32 s26, $0x2;
	s18 =	smul.u32 $0x3, s2  }
0x16: {  	s2 =	smul.u32 $0x2780, s2;
	s20 =	sadd.s32 $0x35C00, s11;
	[dreg:$0x8] =	wrdreg s5  }
0x17: {  	s0 =	sadd.s32 $0x30C00, s0;
	s21 =	smax.u32 s14, $0x1;
	[dreg:$0x10] =	wrdreg s20  }
0x18: {  	s26 =	simm.s32 $0x7;
	s14 =	simm.s32 $0x3200;
	[dreg:$0x11] =	wrdreg s0  }
0x19: {  	s5 =	sadd.s32 s23, s3;
	s10 =	sadd.s32 s16, s3;
	[dreg:$0x12] =	wrdreg s21  }
0x1a: {  	s16 =	simm.s32 $0x4B00;
	s20 =	simm.s32 $0x2;
	[dreg:$0xa] =	wrdreg s5  }
0x1b: {  	s21 =	simm.s32 $0x3;
	s5 =	sadd.s32 s4, s24;
	[dreg:$0xe] =	wrdreg s10  }
0x1c: {  	s24 =	sor.u32 $0x80, s19;
	s22 =	sadd.s32 $0x1, s18;
	s23 =	sadd.s32 $0x2, s18  }
0x1d: {  	v1 =	vmov s18;
	s18 =	simm.s32 $0x1;
	s10 =	simm.s32 $0x6;
	s15 =	sadd.s32 $0x1000, s5  }
0x1e: {  	v4 =	vimm.f32 $0.0e+00;
	s17 =	sadd.s32 $0x1800, s5;
	s5 =	sadd.s32 $0x2000, s5;
	[dreg:$0xb] =	wrdreg s15  }
0x1f: {  	v2 =	vmov s22;
	v3 =	vmov s23;
	v1 =	vbroadcast v1, $0x0;
	s22 =	simm.s32 $0x4;
	s23 =	simm.s32 $0x5;
	[dreg:$0xd] =	wrdreg s17  }
0x20: {  	v0 =	vmov s2;
	[dreg:$0xf] =	wrdreg s5;
	s15 =	simm.s32 $0x3300;
	s17 =	simm.s32 $0x5300;
	v2 =	vbroadcast v2, $0x0;
	v3 =	vbroadcast v3, $0x0  }
.LBB2_1:
0x21: {  	s0 =	simm.s32 $0x1A0  }
0x22: {  	[tilespmem:s0+$0x0] =	vst v4  }
0x23: {  	[tilespmem:s0+$0xFFFFFFE0] =	vst v4  }
0x24: {  	[dreg:$0x5] =	wrdreg s28;
	s2 =	simm.s32 $0x40;
	s5 =	simm.s32 $0x0;
	[tilespmem:s0+$0xFFFFFFF0] =	vst v4  }
.LBB2_2:
0x25: {  	p1 =	sne.s32 s2, $0x1FC0  }
0x26: {  	[tilespmem:s5+$0x2980] =	vst v4;
	s0 =	sadd.s32 $0x30, s0;
	s5 =	smov.u32 s2;
	s2 =	sadd.s32 $0x40, s2  }
.Ltmp0:
0x27: {  	[tilespmem:s0+$0x0] =	vst v4;
	(pc) =	sbr.rel @p1 .LBB2_2-.Ltmp0, $3  }
0x28: {  	_ =	sdelay $0x1  }
0x29: {  	[tilespmem:s0+$0xFFFFFFE0] =	vst v4  }
0x2a: {  	s5 =	sshra.s32 s5, $0x2;
	[tilespmem:s0+$0xFFFFFFF0] =	vst v4  }
0x2b: {  	[tilespmem:s5+$0x2980] =	vst v4;
	s0 =	rddreg [dreg:$0x6]  }
0x2c: {  	[spmem:s0] =	stream.linear.scatter [tilespmem:s25], [sflag:$0x7], $0x1800, $0x38;
	[tilespmem:$0x10100] =	vst v63  }
0x2d: {  	_ =	swait.ge [sflag:s26], $0x1800  }
0x2e: {  	[sflag:s26] =	ssyncset.done $0x0  }
0x2f: {  	s2 =	simm.s32 $0x2980;
	s11 =	rddreg [dreg:$0x7];
	[sflag:s26] =	ssyncadd.s32 $0xFFFFE800  }
0x30: {  	[spmem:s11] =	stream.linear.scatter [tilespmem:s2], [sflag:$0x7], $0x800, $0x38;
	[tilespmem:$0x10100] =	vst v63  }
0x31: {  	_ =	swait.ge [sflag:s26], $0x800  }
0x32: {  	[sflag:s26] =	ssyncset.done $0x0  }
0x33: {  	s5 =	rddreg [dreg:$0x8];
	[sflag:s26] =	ssyncadd.s32 $0xFFFFF800  }
0x34: {  	[spmem:s5] =	stream.linear.scatter [tilespmem:s25], [sflag:$0x7], $0x1800, $0x38;
	[tilespmem:$0x10100] =	vst v63  }
0x35: {  	_ =	swait.ge [sflag:s26], $0x1800  }
0x36: {  	[sflag:s26] =	ssyncset.done $0x0  }
0x37: {  	s11 =	rddreg [dreg:$0x9];
	[sflag:s26] =	ssyncadd.s32 $0xFFFFE800  }
0x38: {  	[spmem:s11] =	stream.linear.scatter [tilespmem:s2], [sflag:$0x7], $0x800, $0x38;
	[tilespmem:$0x10100] =	vst v63  }
0x39: {  	_ =	swait.ge [sflag:s26], $0x800  }
0x3a: {  	[sflag:s26] =	ssyncset.done $0x0  }
0x3b: {  	s5 =	rddreg [dreg:$0xa];
	[sflag:s26] =	ssyncadd.s32 $0xFFFFF800  }
0x3c: {  	[spmem:s5] =	stream.linear.scatter [tilespmem:s25], [sflag:$0x7], $0x1800, $0x38;
	[tilespmem:$0x10100] =	vst v63  }
0x3d: {  	_ =	swait.ge [sflag:s26], $0x1800  }
0x3e: {  	[sflag:s26] =	ssyncset.done $0x0  }
0x3f: {  	s11 =	rddreg [dreg:$0xb];
	[sflag:s26] =	ssyncadd.s32 $0xFFFFE800  }
0x40: {  	[spmem:s11] =	stream.linear.scatter [tilespmem:s2], [sflag:$0x7], $0x800, $0x38;
	[tilespmem:$0x10100] =	vst v63  }
0x41: {  	_ =	swait.ge [sflag:s26], $0x800  }
0x42: {  	[sflag:s26] =	ssyncset.done $0x0  }
0x43: {  	s5 =	rddreg [dreg:$0xc];
	[sflag:s26] =	ssyncadd.s32 $0xFFFFF800  }
0x44: {  	[spmem:s5] =	stream.linear.scatter [tilespmem:s25], [sflag:$0x7], $0x1800, $0x38;
	[tilespmem:$0x10100] =	vst v63  }
0x45: {  	_ =	swait.ge [sflag:s26], $0x1800  }
0x46: {  	[sflag:s26] =	ssyncset.done $0x0  }
0x47: {  	s11 =	rddreg [dreg:$0xd];
	[sflag:s26] =	ssyncadd.s32 $0xFFFFE800  }
0x48: {  	[spmem:s11] =	stream.linear.scatter [tilespmem:s2], [sflag:$0x7], $0x800, $0x38;
	[tilespmem:$0x10100] =	vst v63  }
0x49: {  	_ =	swait.ge [sflag:s26], $0x800  }
0x4a: {  	[sflag:s26] =	ssyncset.done $0x0  }
0x4b: {  	s5 =	rddreg [dreg:$0xe];
	[sflag:s26] =	ssyncadd.s32 $0xFFFFF800  }
0x4c: {  	[spmem:s5] =	stream.linear.scatter [tilespmem:s25], [sflag:$0x7], $0x1680, $0x38;
	[tilespmem:$0x10100] =	vst v63  }
0x4d: {  	_ =	swait.ge [sflag:s26], $0x1680  }
0x4e: {  	[sflag:s26] =	ssyncset.done $0x0  }
0x4f: {  	s11 =	rddreg [dreg:$0xf];
	[sflag:s26] =	ssyncadd.s32 $0xFFFFE980  }
0x50: {  	[spmem:s11] =	stream.linear.scatter [tilespmem:s2], [sflag:$0x7], $0x780, $0x38;
	[tilespmem:$0x10100] =	vst v63  }
0x51: {  	_ =	swait.ge [sflag:s26], $0x780  }
0x52: {  	[sflag:s26] =	ssyncset.done $0x0  }
0x53: {  	[sflag:s26] =	ssyncadd.s32 $0xFFFFF880  }
0x54: {  	s28 =	simm.s32 $0x0;
	s11 =	simm.s32 $0x0;
	[bflag:$0x0] =	sbarrier.arrive $0xFFFF  }
.LBB2_4:
0x55: {  	s0 =	sshll.u32 s28, $0x8  }
0x56: {  	s2 =	sadd.s32 s19, s0  }
0x57: {  	s2 =	sshrl.u32 s2, $0x3  }
0x58: {  	s5 =	sadd.s32 s1, s2  }
0x59: {  	[tilespmem:s11], [sflag:$0x8] =	stream.linear.gather [hbm4b:s5+s11], $0x80, $0x38;
	[tilespmem:$0x10100] =	vst v63  }
0x5a: {  	_ =	swait.ge [sflag:s29], $0x80  }
0x5b: {  	[sflag:s29] =	ssyncset.done $0x0  }
0x5c: {  	s2 =	sadd.s32 s9, s2;
	[sflag:s29] =	ssyncadd.s32 $0xFFFFFF80  }
0x5d: {  	[tilespmem:s30], [sflag:$0x8] =	stream.linear.gather [hbm4b:s2+s11], $0x80, $0x38;
	[tilespmem:$0x10100] =	vst v63  }
0x5e: {  	_ =	swait.ge [sflag:s29], $0x80  }
0x5f: {  	[sflag:s29] =	ssyncset.done $0x0  }
0x60: {  	[sflag:s29] =	ssyncadd.s32 $0xFFFFFF80  }
0x61: {  	v5 =	vld [tilespmem:$0x0]  }
0x62: {  	v6 =	vld [tilespmem:$0x10]  }
0x63: {  	v7 =	vld [tilespmem:$0x20]  }
0x64: {  	v8 =	vld [tilespmem:$0x30]  }
0x65: {  	v9 =	vld [tilespmem:$0x40]  }
0x66: {  	v10 =	vld [tilespmem:$0x50];
	v5 =	vadd.s32 v0, v5  }
0x67: {  	[tilespmem:$0x80] =	vst v5;
	v5 =	vadd.s32 v0, v6;
	v6 =	vld [tilespmem:$0x60]  }
0x68: {  	[tilespmem:$0x90] =	vst v5;
	v5 =	vadd.s32 v0, v7;
	v7 =	vld [tilespmem:$0x70]  }
0x69: {  	[tilespmem:$0xA0] =	vst v5;
	v5 =	vadd.s32 v0, v8  }
0x6a: {  	[tilespmem:$0xB0] =	vst v5;
	v5 =	vadd.s32 v0, v9  }
0x6b: {  	[tilespmem:$0xC0] =	vst v5;
	v5 =	vadd.s32 v0, v10  }
0x6c: {  	[tilespmem:$0xD0] =	vst v5;
	v5 =	vadd.s32 v0, v6  }
0x6d: {  	[tilespmem:$0xE0] =	vst v5;
	v5 =	vadd.s32 v0, v7  }
0x6e: {  	[tilespmem:$0xF0] =	vst v5  }
0x6f: {  	[tilespmem:s25], [sflag:$0x1] =	stream.indirect.gather [hbm4b:s6+s31], $0x30, s31, s31, $0xb8;
	[tilespmem:$0x10100] =	vst v63  }
0x70: {  	s0 =	sadd.s32 s0, s24;
	s5 =	simm.s32 $0x1980  }
0x71: {  	[tilespmem:s5], [sflag:$0x2] =	stream.indirect.gather [hbm4b:s7+s31], $0x10, s31, s31, $0xb8;
	[tilespmem:$0x10100] =	vst v63  }
0x72: {  	s0 =	sshrl.u32 s0, $0x3;
	s5 =	simm.s32 $0x2180  }
0x73: {  	[tilespmem:s5], [sflag:$0x3] =	stream.indirect.gather [hbm4b:s8+s31], $0x10, s30, s31, $0xb8;
	[tilespmem:$0x10100] =	vst v63  }
0x74: {  	s5 =	sadd.s32 s1, s0  }
0x75: {  	[tilespmem:s12], [sflag:$0x8] =	stream.linear.gather [hbm4b:s5+s11], $0x80, $0x38;
	[tilespmem:$0x10100] =	vst v63  }
0x76: {  	_ =	swait.ge [sflag:s29], $0x80  }
0x77: {  	[sflag:s29] =	ssyncset.done $0x0  }
0x78: {  	s0 =	sadd.s32 s9, s0;
	[sflag:s29] =	ssyncadd.s32 $0xFFFFFF80  }
0x79: {  	[tilespmem:s13], [sflag:$0x8] =	stream.linear.gather [hbm4b:s0+s11], $0x80, $0x38;
	[tilespmem:$0x10100] =	vst v63  }
0x7a: {  	_ =	swait.ge [sflag:s29], $0x80  }
0x7b: {  	[sflag:s29] =	ssyncset.done $0x0  }
0x7c: {  	[sflag:s29] =	ssyncadd.s32 $0xFFFFFF80  }
0x7d: {  	v5 =	vld [tilespmem:$0x3180]  }
0x7e: {  	v6 =	vld [tilespmem:$0x3190]  }
0x7f: {  	v7 =	vld [tilespmem:$0x31A0]  }
0x80: {  	v58 =	vld [tilespmem:$0x31B0]  }
0x81: {  	v59 =	vld [tilespmem:$0x31C0]  }
0x82: {  	v60 =	vld [tilespmem:$0x31D0];
	v5 =	vadd.s32 v0, v5  }
0x83: {  	[tilespmem:$0x3200] =	vst v5;
	v5 =	vadd.s32 v0, v6;
	v6 =	vld [tilespmem:$0x31E0]  }
0x84: {  	[tilespmem:$0x3210] =	vst v5;
	v5 =	vadd.s32 v0, v7;
	v7 =	vld [tilespmem:$0x31F0]  }
0x85: {  	[tilespmem:$0x3220] =	vst v5;
	v5 =	vadd.s32 v0, v58  }
0x86: {  	[tilespmem:$0x3230] =	vst v5;
	v5 =	vadd.s32 v0, v59  }
0x87: {  	[tilespmem:$0x3240] =	vst v5;
	v5 =	vadd.s32 v0, v60  }
0x88: {  	[tilespmem:$0x3250] =	vst v5;
	v5 =	vadd.s32 v0, v6  }
0x89: {  	[tilespmem:$0x3260] =	vst v5;
	v5 =	vadd.s32 v0, v7  }
0x8a: {  	[tilespmem:$0x3270] =	vst v5  }
0x8b: {  	[tilespmem:s15], [sflag:$0x4] =	stream.indirect.gather [hbm4b:s6+s31], $0x30, s14, s31, $0xb8;
	[tilespmem:$0x10100] =	vst v63  }
0x8c: {  	_ = 	snop  }
0x8d: {  	[tilespmem:s16], [sflag:$0x5] =	stream.indirect.gather [hbm4b:s7+s31], $0x10, s14, s31, $0xb8;
	[tilespmem:$0x10100] =	vst v63  }
0x8e: {  	_ = 	snop  }
0x8f: {  	[tilespmem:s17], [sflag:$0x6] =	stream.indirect.gather [hbm4b:s8+s31], $0x10, s13, s31, $0xb8;
	[tilespmem:$0x10100] =	vst v63  }
0x90: {  	_ =	swait.ge [sflag:s18], $0x1800  }
0x91: {  	[sflag:s18] =	ssyncset.done $0x0  }
0x92: {  	[sflag:s18] =	ssyncadd.s32 $0xFFFFE800  }
0x93: {  	_ =	swait.ge [sflag:s20], $0x800  }
0x94: {  	[sflag:s20] =	ssyncset.done $0x0  }
0x95: {  	[sflag:s20] =	ssyncadd.s32 $0xFFFFF800  }
0x96: {  	_ =	swait.ge [sflag:s21], $0x800  }
0x97: {  	[sflag:s21] =	ssyncset.done $0x0  }
0x98: {  	s2 =	simm.s32 $0x0;
	[sflag:s21] =	ssyncadd.s32 $0xFFFFF800  }
0x99: {  	v5 =	vld [tilespmem:s2+$0x2180]  }
0x9a: {  	v6 =	vld [tilespmem:s2+$0x1980];
	_ =	sdelay $0x4  }
0x9b: {  	v5 =	vadd.f32 v5, v6;
	_ =	sdelay $0x1  }
0x9c: {  	v6 =	vmul.f32 $2.000000030e-01, v5;
	_ =	sdelay $0x1  }
0x9d: {  	v5 =	vmax.f32 v5, v6  }
0x9e: {  	v5 =	vmul.f32 $1.442695020e+00, v5;
	_ =	sdelay $0x1  }
0x9f: {  	(erf) = vpow2.f32 v5;
	_ =	sdelay $0x8  }
0xa0: {  	v5 =	vpop (erf)  }
0xa1: {  	s5 =	simm.s32 $0x1A0;
	[tilespmem:s2+$0x2980] =	vst v5  }
0xa2: {  	v6 =	vld [tilespmem:s5+$0xFFFFFFE0]  }
0xa3: {  	v7 =	vld [tilespmem:s5+$0xFFFFFFF0]  }
0xa4: {  	v61 =	vld [tilespmem:s5+$0x0]  }
0xa5: {  	v62 =	vperm.xlane v5, v1  }
0xa6: {  	v63 =	vperm.xlane v5, v2  }
0xa7: {  	v5 =	vperm.xlane v5, v3;
	v6 =	vmul.f32 v6, v62  }
0xa8: {  	v7 =	vmul.f32 v7, v63  }
0xa9: {  	v5 =	vmul.f32 v61, v5;
	[tilespmem:s5+$0xFFFFFFE0] =	vst v6  }
0xaa: {  	[tilespmem:s5+$0xFFFFFFF0] =	vst v7  }
0xab: {  	s2 =	simm.s32 $0x10;
	[tilespmem:s5+$0x0] =	vst v5  }
0xac: {  	s0 =	simm.s32 $0x80;
	v5 =	vld [tilespmem:s2+$0x2180]  }
.LBB2_5:
0xad: {  	p1 =	sne.s32 s0, $0x1FC0;
	v6 =	vld [tilespmem:s2+$0x1980];
	_ =	sdelay $0x4  }
0xae: {  	v5 =	vadd.f32 v5, v6;
	_ =	sdelay $0x1  }
0xaf: {  	v6 =	vmul.f32 $2.000000030e-01, v5;
	_ =	sdelay $0x1  }
0xb0: {  	v5 =	vmax.f32 v5, v6  }
0xb1: {  	v5 =	vmul.f32 $1.442695020e+00, v5;
	_ =	sdelay $0x1  }
0xb2: {  	(erf) = vpow2.f32 v5;
	_ =	sdelay $0x8  }
0xb3: {  	v5 =	vpop (erf)  }
0xb4: {  	s5 =	sadd.s32 $0x30, s5;
	[tilespmem:s2+$0x2980] =	vst v5;
	v6 =	vperm.xlane v5, v2;
	v7 =	vperm.xlane v5, v3  }
0xb5: {  	v5 =	vperm.xlane v5, v1;
	v8 =	vld [tilespmem:s5+$0xFFFFFFE0]  }
0xb6: {  	v9 =	vld [tilespmem:s5+$0xFFFFFFF0]  }
0xb7: {  	v10 =	vld [tilespmem:s5+$0x0];
	_ =	sdelay $0x2  }
0xb8: {  	v5 =	vmul.f32 v8, v5  }
.Ltmp1:
0xb9: {  	v6 =	vmul.f32 v9, v6;
	(pc) =	sbr.rel @p1 .LBB2_5-.Ltmp1, $4  }
0xba: {  	[tilespmem:s5+$0xFFFFFFE0] =	vst v5;
	v5 =	vmul.f32 v10, v7  }
0xbb: {  	[tilespmem:s5+$0xFFFFFFF0] =	vst v6  }
0xbc: {  	s2 =	sshra.s32 s0, $0x2;
	[tilespmem:s5+$0x0] =	vst v5  }
0xbd: {  	s0 =	sadd.s32 $0x40, s0;
	v5 =	vld [tilespmem:s2+$0x2180]  }
0xbe: {  	v6 =	vld [tilespmem:s2+$0x1980];
	_ =	sdelay $0x4  }
0xbf: {  	v5 =	vadd.f32 v5, v6;
	_ =	sdelay $0x1  }
0xc0: {  	v6 =	vmul.f32 $2.000000030e-01, v5;
	_ =	sdelay $0x1  }
0xc1: {  	v5 =	vmax.f32 v5, v6  }
0xc2: {  	v5 =	vmul.f32 $1.442695020e+00, v5;
	_ =	sdelay $0x1  }
0xc3: {  	(erf) = vpow2.f32 v5;
	_ =	sdelay $0x8  }
0xc4: {  	v5 =	vpop (erf)  }
0xc5: {  	s0 =	sadd.s32 $0x30, s5;
	[tilespmem:s2+$0x2980] =	vst v5  }
0xc6: {  	v6 =	vld [tilespmem:s0+$0xFFFFFFE0]  }
0xc7: {  	v7 =	vld [tilespmem:s0+$0xFFFFFFF0]  }
0xc8: {  	v8 =	vld [tilespmem:s0+$0x0]  }
0xc9: {  	v9 =	vperm.xlane v5, v1  }
0xca: {  	v10 =	vperm.xlane v5, v2  }
0xcb: {  	v5 =	vperm.xlane v5, v3;
	v6 =	vmul.f32 v6, v9  }
0xcc: {  	v7 =	vmul.f32 v7, v10  }
0xcd: {  	v5 =	vmul.f32 v8, v5;
	[tilespmem:s0+$0xFFFFFFE0] =	vst v6  }
0xce: {  	[tilespmem:s0+$0xFFFFFFF0] =	vst v7  }
0xcf: {  	[tilespmem:s0+$0x0] =	vst v5  }
0xd0: {  	[spmem:s3] =	stream.indirect.scatter.add.f32 [tilespmem:s25], [sflag:$0x8], $0x30, s30, s31, $0xb8;
	[tilespmem:$0x10100] =	vst v63  }
0xd1: {  	_ =	swait.ge [sflag:s29], $0x1800  }
0xd2: {  	s5 =	simm.s32 @!p0 $0x2980;
	[sflag:s29] =	ssyncset.done $0x0  }
0xd3: {  	s2 =	simm.s32 @!p0 $0x100;
	s0 =	simm.s32 @!p0 $0x80;
	[sflag:s29] =	ssyncadd.s32 $0xFFFFE800  }
0xd4: {  	[spmem:s4] =	stream.indirect.scatter.add.f32 @!p0 [tilespmem:s5], [sflag:$0x8], $0x10, s2, s0, $0xb8;
	[tilespmem:$0x10100] =	vst v63  }
0xd5: {  	s0 =	simm.s32 @!p0 $0x8  }
0xd6: {  	_ =	swait.ge @!p0 [sflag:s0], $0x800  }
0xd7: {  	[sflag:s0] =	ssyncset.done @!p0 $0x0  }
0xd8: {  	[sflag:s0] =	ssyncadd.s32 @!p0 $0xFFFFF800  }
0xd9: {  	_ =	swait.ge [sflag:s22], $0x1800  }
0xda: {  	[sflag:s22] =	ssyncset.done $0x0  }
0xdb: {  	[sflag:s22] =	ssyncadd.s32 $0xFFFFE800  }
0xdc: {  	_ =	swait.ge [sflag:s23], $0x800  }
0xdd: {  	[sflag:s23] =	ssyncset.done $0x0  }
0xde: {  	[sflag:s23] =	ssyncadd.s32 $0xFFFFF800  }
0xdf: {  	_ =	swait.ge [sflag:s10], $0x800  }
0xe0: {  	[sflag:s10] =	ssyncset.done $0x0  }
0xe1: {  	s2 =	simm.s32 $0x0;
	[sflag:s10] =	ssyncadd.s32 $0xFFFFF800  }
0xe2: {  	v5 =	vld [tilespmem:s2+$0x5300]  }
0xe3: {  	v6 =	vld [tilespmem:s2+$0x4B00];
	_ =	sdelay $0x4  }
0xe4: {  	v5 =	vadd.f32 v5, v6;
	_ =	sdelay $0x1  }
0xe5: {  	v6 =	vmul.f32 $2.000000030e-01, v5;
	_ =	sdelay $0x1  }
0xe6: {  	v5 =	vmax.f32 v5, v6  }
0xe7: {  	v5 =	vmul.f32 $1.442695020e+00, v5;
	_ =	sdelay $0x1  }
0xe8: {  	(erf) = vpow2.f32 v5;
	_ =	sdelay $0x8  }
0xe9: {  	v5 =	vpop (erf)  }
0xea: {  	s5 =	simm.s32 $0x3320;
	[tilespmem:s2+$0x5B00] =	vst v5  }
0xeb: {  	v6 =	vld [tilespmem:s5+$0xFFFFFFE0]  }
0xec: {  	v7 =	vld [tilespmem:s5+$0xFFFFFFF0]  }
0xed: {  	v61 =	vld [tilespmem:s5+$0x0]  }
0xee: {  	v62 =	vperm.xlane v5, v1  }
0xef: {  	v63 =	vperm.xlane v5, v2  }
0xf0: {  	v5 =	vperm.xlane v5, v3;
	v6 =	vmul.f32 v6, v62  }
0xf1: {  	v7 =	vmul.f32 v7, v63  }
0xf2: {  	v5 =	vmul.f32 v61, v5;
	[tilespmem:s5+$0xFFFFFFE0] =	vst v6  }
0xf3: {  	[tilespmem:s5+$0xFFFFFFF0] =	vst v7  }
0xf4: {  	s2 =	simm.s32 $0x10;
	[tilespmem:s5+$0x0] =	vst v5  }
0xf5: {  	s0 =	simm.s32 $0x80;
	v5 =	vld [tilespmem:s2+$0x5300]  }
.LBB2_7:
0xf6: {  	p1 =	sne.s32 s0, $0x1FC0;
	v6 =	vld [tilespmem:s2+$0x4B00];
	_ =	sdelay $0x4  }
0xf7: {  	v5 =	vadd.f32 v5, v6;
	_ =	sdelay $0x1  }
0xf8: {  	v6 =	vmul.f32 $2.000000030e-01, v5;
	_ =	sdelay $0x1  }
0xf9: {  	v5 =	vmax.f32 v5, v6  }
0xfa: {  	v5 =	vmul.f32 $1.442695020e+00, v5;
	_ =	sdelay $0x1  }
0xfb: {  	(erf) = vpow2.f32 v5;
	_ =	sdelay $0x8  }
0xfc: {  	v5 =	vpop (erf)  }
0xfd: {  	s5 =	sadd.s32 $0x30, s5;
	[tilespmem:s2+$0x5B00] =	vst v5;
	v6 =	vperm.xlane v5, v2;
	v7 =	vperm.xlane v5, v3  }
0xfe: {  	v5 =	vperm.xlane v5, v1;
	v8 =	vld [tilespmem:s5+$0xFFFFFFE0]  }
0xff: {  	v9 =	vld [tilespmem:s5+$0xFFFFFFF0]  }
0x100: {  	v10 =	vld [tilespmem:s5+$0x0];
	_ =	sdelay $0x2  }
0x101: {  	v5 =	vmul.f32 v8, v5  }
.Ltmp2:
0x102: {  	v6 =	vmul.f32 v9, v6;
	(pc) =	sbr.rel @p1 .LBB2_7-.Ltmp2, $4  }
0x103: {  	[tilespmem:s5+$0xFFFFFFE0] =	vst v5;
	v5 =	vmul.f32 v10, v7  }
0x104: {  	[tilespmem:s5+$0xFFFFFFF0] =	vst v6  }
0x105: {  	s2 =	sshra.s32 s0, $0x2;
	[tilespmem:s5+$0x0] =	vst v5  }
0x106: {  	s0 =	sadd.s32 $0x40, s0;
	v5 =	vld [tilespmem:s2+$0x5300]  }
0x107: {  	v6 =	vld [tilespmem:s2+$0x4B00];
	_ =	sdelay $0x4  }
0x108: {  	v5 =	vadd.f32 v5, v6;
	_ =	sdelay $0x1  }
0x109: {  	v6 =	vmul.f32 $2.000000030e-01, v5;
	_ =	sdelay $0x1  }
0x10a: {  	v5 =	vmax.f32 v5, v6  }
0x10b: {  	v5 =	vmul.f32 $1.442695020e+00, v5;
	_ =	sdelay $0x1  }
0x10c: {  	(erf) = vpow2.f32 v5;
	_ =	sdelay $0x8  }
0x10d: {  	v5 =	vpop (erf)  }
0x10e: {  	s0 =	sadd.s32 $0x30, s5;
	[tilespmem:s2+$0x5B00] =	vst v5  }
0x10f: {  	v6 =	vld [tilespmem:s0+$0xFFFFFFE0]  }
0x110: {  	v7 =	vld [tilespmem:s0+$0xFFFFFFF0]  }
0x111: {  	v8 =	vld [tilespmem:s0+$0x0]  }
0x112: {  	v9 =	vperm.xlane v5, v1  }
0x113: {  	v10 =	vperm.xlane v5, v2  }
0x114: {  	v5 =	vperm.xlane v5, v3;
	v6 =	vmul.f32 v6, v9  }
0x115: {  	v7 =	vmul.f32 v7, v10  }
0x116: {  	v5 =	vmul.f32 v8, v5;
	[tilespmem:s0+$0xFFFFFFE0] =	vst v6  }
0x117: {  	[tilespmem:s0+$0xFFFFFFF0] =	vst v7  }
0x118: {  	[tilespmem:s0+$0x0] =	vst v5  }
0x119: {  	[spmem:s3] =	stream.indirect.scatter.add.f32 [tilespmem:s15], [sflag:$0x8], $0x30, s13, s31, $0xb8;
	[tilespmem:$0x10100] =	vst v63  }
0x11a: {  	s28 =	sadd.s32 $0x1, s28;
	_ =	swait.ge [sflag:s29], $0x1800  }
0x11b: {  	s5 =	simm.s32 @!p0 $0x5B00;
	p1 =	sne.s32 s28, $0x51;
	[sflag:s29] =	ssyncset.done $0x0  }
0x11c: {  	s2 =	simm.s32 @!p0 $0x3280;
	s0 =	simm.s32 @!p0 $0x80;
	[sflag:s29] =	ssyncadd.s32 $0xFFFFE800  }
0x11d: {  	[spmem:s4] =	stream.indirect.scatter.add.f32 @!p0 [tilespmem:s5], [sflag:$0x7], $0x10, s2, s0, $0xb8;
	[tilespmem:$0x10100] =	vst v63  }
.Ltmp3:
0x11e: {  	_ = 	snop;
	(pc) =	sbr.rel @p1 .LBB2_4-.Ltmp3, $4  }
0x11f: {  	s0 =	simm.s32 @!p0 $0x7  }
0x120: {  	_ =	swait.ge @!p0 [sflag:s0], $0x800  }
0x121: {  	[sflag:s0] =	ssyncset.done @!p0 $0x0  }
0x122: {  	[sflag:s0] =	ssyncadd.s32 @!p0 $0xFFFFF800  }
0x123: {  	s2 =	stileid.u32;
	[bflag:$0x0] =	sbarrier.arrive $0xFFFF  }
0x124: {  	s2 =	sshll.u32 s2, $0x6;
	s5 =	rddreg [dreg:$0x6]  }
0x125: {  	s11 =	rddreg [dreg:$0x10];
	s2 =	sor.u32 $0x1C07, s2;
	s5 =	sshrl.u32 s5, $0x3  }
0x126: {  	[hbm:s11], [sflag:s2] =	dma.local [spmem:s5], $0xED0  }
0x127: {  	_ =	swait.ge [sflag:s26], $0xED0  }
0x128: {  	[sflag:s26] =	ssyncset.done $0x0;
	s5 =	rddreg [dreg:$0x7]  }
0x129: {  	s11 =	rddreg [dreg:$0x11];
	[sflag:s26] =	ssyncadd.s32 $0xFFFFF130;
	s5 =	sshrl.u32 @!p0 s5, $0x3  }
0x12a: {  	[hbm:s11], [sflag:s2] =	dma.local @!p0 [spmem:s5], $0x4F0  }
0x12b: {  	_ =	swait.ge @!p0 [sflag:s0], $0x4F0  }
0x12c: {  	s28 =	rddreg [dreg:$0x5]  }
0x12d: {  	s11 =	rddreg [dreg:$0x12];
	s28 =	sadd.s32 $0x1, s28  }
0x12e: {  	p1 =	sne.s32 s28, s11  }
.Ltmp4:
0x12f: {  	_ = 	snop;
	(pc) =	sbr.rel @p1 .LBB2_1-.Ltmp4, $3  }
0x130: {  	_ =	sdelay $0x1  }
0x131: {  	[sflag:s0] =	ssyncset.done @!p0 $0x0  }
0x132: {  	[sflag:s0] =	ssyncadd.s32 @!p0 $0xFFFFFB10  }
0x133: {  	_ =	sfence.sel $0x180000  }
0x134: {  	[bflag:$0x0] =	sbarrier.arrive $0xFFFF  }
0x135: {  	_ =	strace $0x9000004D  }
0x136: {  	s0 =	stileid.u32;
	[bflag:$0x2] =	sbarrier.arrive $0xFFFF  }
0x137: {  	p0 =	sne.s32 s0, $0x0;
	s0 =	rddreg [dreg:$0x4]  }
0x138: {  	s0 =	sadd.s32 @!p0 $0x100000, s0  }
0x139: {  	[sflag:s0] =	ssyncadd.tile.s32 @!p0 $0x1;
	_ =	shalt  }
.Lfunc_end2:
_tile_overlayer_lowered:
.L_overlay_start_2:
0x13a: {  	(tag) =	ssettag $0x2  }
0x13b: {  	s0 =	rddreg [dreg:$0x0];
	s2 =	stileid.u32  }
0x13c: {  	s1 =	rddreg [dreg:$0x1];
	p0 =	sne.s32 s2, $0x0  }
0x13d: {  	s3 =	rddreg [dreg:$0x2];
	[bflag:$0x3] =	sbarrier.arrive $0xFFFF;
	s2 =	simm.s32 @!p0 $0x1C07  }
0x13e: {  	[timem:s3], [sflag:s2] =	dma.local @!p0 [hbm:s0], s1  }
0x13f: {  	s0 =	simm.s32 @!p0 $0x7  }
0x140: {  	_ =	swait.ge @!p0 [sflag:s0], s1  }
0x141: {  	s1 =	ssub.s32 @!p0 $0x0, s1;
	[sflag:s0] =	ssyncset.done @!p0 $0x0  }
0x142: {  	[sflag:s0] =	ssyncadd.s32 @!p0 s1  }
0x143: {  	[bflag:$0x3] =	sbarrier.arrive $0xFFFF  }
0x144: {  	_ =	shalt  }

// kernel: kernel.9.cloned.1.call-start
scs
__scs_entry_jumppad:
0x0: {  	(pc) =	sbr.rel $0x88, $3  }
0x1: {  	(tag) =	ssettag $0x0;
	lr =	simm.s32 $0x1  }
0x2: {  	[smem:$0x3F93] =	sst lr;
	_ =	strace $0xD0000000  }
0x3: {  	_ = 	snop  }
0x4: {  	_ = 	snop  }
0x5: {  	_ = 	snop  }
0x6: {  	_ = 	snop  }
0x7: {  	_ = 	snop  }
__scs_overlays_trampoline_lowered:
0x8: {  	[smem:$0x3FA2] =	sst s0  }
0x9: {  	[smem:$0x3FA3] =	sst s1  }
0xa: {  	[smem:$0x3FA4] =	sst s2  }
0xb: {  	[smem:$0x3FA5] =	sst s3  }
0xc: {  	[smem:$0x3FA6] =	sst s4  }
0xd: {  	[smem:$0x3FA7] =	sst s5  }
0xe: {  	[smem:$0x3FA8] =	sst s6  }
0xf: {  	[smem:$0x3FA9] =	sst s7  }
0x10: {  	[smem:$0x3FAA] =	sst s8  }
0x11: {  	[smem:$0x3FAB] =	sst s9;
	s0 =	simm.s32 @!p0 $0x0  }
0x12: {  	s1 =	sld [smem:$0x3F91];
	s0 =	simm.s32 @p0 $0x1  }
0x13: {  	[smem:$0x3FAC] =	sst s0;
	s0 =	simm.s32 @!p1 $0x0  }
0x14: {  	s2 =	sld [smem:$0x3F90];
	s0 =	simm.s32 @p1 $0x1  }
0x15: {  	[smem:$0x3FAD] =	sst s0;
	s0 =	simm.s32 @!p2 $0x0  }
0x16: {  	s3 =	sld [smem:$0x3FDB];
	s0 =	simm.s32 @p2 $0x1  }
0x17: {  	s4 =	simm.s32 $0x1BF5;
	[smem:$0x3FAF] =	sst s0  }
0x18: {  	s0 =	sld [smem:$0x3F92];
	_ =	swait.ge [sflag:s4], $0x0  }
0x19: {  	s7 =	sld [smem:$0x3F93]  }
0x1a: {  	s8 =	sadd.s32 $0xFFFFE003, lr  }
0x1b: {  	s9 =	sadd.s32 $0xFFFFFEF7, lr;
	s5 =	simm.s32 $0xFFFFFFFF;
	p2 =	slt.u32 s8, $0xFFFFF086  }
0x1c: {  	p1 =	slt.u32 s9, $0xF7A;
	s5 =	simm.s32 @!p2 $0x0  }
0x1d: {  	s5 =	simm.s32 @p1 $0x1;
	p0 =	seq.s32 s7, s2  }
0x1e: {  	s7 =	smul.u32 @!p0 $0xF7A, s2;
	p2 =	seq.s32 @!p0 s5, $0x0  }
0x1f: {  	s9 =	smul.u32 $0xF7A, s1;
	s8 =	simm.s32 @!p0 $0x1BF5;
	p2 =	por !p2, p0  }
0x20: {  	[sflag:s8] =	ssyncset.s32 @!p0 $0xFFFFF086;
	s6 =	sadd.s32 @!p0 s3, s7;
	s7 =	simm.s32 @!p0 $0x108  }
0x21: {  	s3 =	sadd.s32 s3, s9;
	s6 =	sadd.s32 @!p0 $0x88, s6;
	s7 =	simm.s32 @p2 $0x1082  }
0x22: {  	[simem:s7], [sflag:s8] =	dma.local @!p0 [hbm:s6], $0xF7A  }
0x23: {  	s9 =	sor.u32 $0xD0000000, s2;
	s6 =	simm.s32 $0x108;
	_ =	swait.ge @!p0 [sflag:s8], $0x0  }
0x24: {  	s3 =	sadd.s32 $0x88, s3;
	s6 =	simm.s32 @!p1 $0x1082;
	[sflag:s4] =	ssyncset.s32 $0xFFFFF086  }
0x25: {  	[simem:s6], [sflag:s4] =	dma.local [hbm:s3], $0xF7A  }
0x26: {  	[smem:$0x3F93] =	sst s1;
	(tag) =	ssettag s2;
	_ =	strace s9  }
0x27: {  	s1 =	sld [smem:$0x3FA3]  }
0x28: {  	s2 =	sld [smem:$0x3FA4]  }
0x29: {  	s4 =	sld [smem:$0x3FA6]  }
0x2a: {  	p0 =	seq.s32 s5, $0x0;
	s5 =	sld [smem:$0x3FA7]  }
0x2b: {  	s6 =	sld [smem:$0x3FA8]  }
0x2c: {  	s7 =	sld [smem:$0x3FA9]  }
0x2d: {  	s3 =	simm.s32 $0x108;
	s8 =	sld [smem:$0x3FAA]  }
0x2e: {  	s3 =	simm.s32 @!p0 $0x1082;
	s9 =	sld [smem:$0x3FAB]  }
0x2f: {  	lr =	sadd.s32 s0, s3;
	s0 =	sld [smem:$0x3FA2]  }
0x30: {  	s3 =	sld [smem:$0x3FA5]  }
0x31: {  	[smem:$0x3FAE] =	sst s10  }
0x32: {  	s10 =	sld [smem:$0x3FAC];
	_ =	sdelay $0x3  }
0x33: {  	p0 =	seq.s32 s10, $0x1;
	s10 =	sld [smem:$0x3FAE];
	_ =	sdelay $0x3  }
0x34: {  	[smem:$0x3FAE] =	sst s10  }
0x35: {  	s10 =	sld [smem:$0x3FAD];
	_ =	sdelay $0x3  }
0x36: {  	p1 =	seq.s32 s10, $0x1;
	s10 =	sld [smem:$0x3FAE];
	_ =	sdelay $0x3  }
0x37: {  	[smem:$0x3FAE] =	sst s10  }
0x38: {  	s10 =	sld [smem:$0x3FAF]  }
0x39: {  	_ = 	snop;
	(pc) =	sbr.ind lr, $3  }
0x3a: {  	_ = 	snop  }
0x3b: {  	_ = 	snop  }
0x3c: {  	p2 =	seq.s32 s10, $0x1;
	s10 =	sld [smem:$0x3FAE]  }
0x3d: {  	_ =	shalt  }
0x3e: {  	_ =	shalt  }
0x3f: {  	_ =	shalt  }
0x40: {  	_ =	shalt  }
0x41: {  	_ =	shalt  }
0x42: {  	_ =	shalt  }
0x43: {  	_ =	shalt  }
0x44: {  	_ =	shalt  }
0x45: {  	_ =	shalt  }
0x46: {  	_ =	shalt  }
0x47: {  	_ =	shalt  }
0x48: {  	_ =	shalt  }
0x49: {  	_ =	shalt  }
0x4a: {  	_ =	shalt  }
0x4b: {  	_ =	shalt  }
0x4c: {  	_ =	shalt  }
0x4d: {  	_ =	shalt  }
0x4e: {  	_ =	shalt  }
0x4f: {  	_ =	shalt  }
0x50: {  	_ =	shalt  }
0x51: {  	_ =	shalt  }
0x52: {  	_ =	shalt  }
0x53: {  	_ =	shalt  }
0x54: {  	_ =	shalt  }
0x55: {  	_ =	shalt  }
0x56: {  	_ =	shalt  }
0x57: {  	_ =	shalt  }
0x58: {  	_ =	shalt  }
0x59: {  	_ =	shalt  }
0x5a: {  	_ =	shalt  }
0x5b: {  	_ =	shalt  }
0x5c: {  	_ =	shalt  }
0x5d: {  	_ =	shalt  }
0x5e: {  	_ =	shalt  }
0x5f: {  	_ =	shalt  }
0x60: {  	_ =	shalt  }
0x61: {  	_ =	shalt  }
0x62: {  	_ =	shalt  }
0x63: {  	_ =	shalt  }
0x64: {  	_ =	shalt  }
0x65: {  	_ =	shalt  }
0x66: {  	_ =	shalt  }
0x67: {  	_ =	shalt  }
0x68: {  	_ =	shalt  }
0x69: {  	_ =	shalt  }
0x6a: {  	_ =	shalt  }
0x6b: {  	_ =	shalt  }
0x6c: {  	_ =	shalt  }
0x6d: {  	_ =	shalt  }
0x6e: {  	_ =	shalt  }
0x6f: {  	_ =	shalt  }
0x70: {  	_ =	shalt  }
0x71: {  	_ =	shalt  }
0x72: {  	_ =	shalt  }
0x73: {  	_ =	shalt  }
0x74: {  	_ =	shalt  }
0x75: {  	_ =	shalt  }
0x76: {  	_ =	shalt  }
0x77: {  	_ =	shalt  }
0x78: {  	_ =	shalt  }
0x79: {  	_ =	shalt  }
0x7a: {  	_ =	shalt  }
0x7b: {  	_ =	shalt  }
0x7c: {  	_ =	shalt  }
0x7d: {  	_ =	shalt  }
0x7e: {  	_ =	shalt  }
0x7f: {  	_ =	shalt  }
0x80: {  	_ =	shalt  }
0x81: {  	_ =	shalt  }
0x82: {  	_ =	shalt  }
0x83: {  	_ =	shalt  }
0x84: {  	_ =	shalt  }
0x85: {  	_ =	shalt  }
0x86: {  	_ =	shalt  }
0x87: {  	_ =	shalt  }
.Lfunc_end0:
.L_simem_size_0:
called_computation_lowered:
.L_overlay_start_0:
0x88: {  	s2 =	sld [smem:$0x3FD9]  }
0x89: {  	s3 =	sld [smem:$0x3FFE];
	_ =	sdelay $0x1  }
0x8a: {  	s1 =	srdreg.scid  }
0x8b: {  	s0 =	sand.u32 $0x1, s1  }
0x8c: {  	s16 =	sshll.u32 s0, $0xA;
	s2 =	sadd.s32 s3, s2  }
0x8d: {  	s2 =	sadd.s32 s2, s16  }
0x8e: {  	[smem:$0x3FBA] =	sst s2  }
0x8f: {  	_ = 	snop  }
0x90: {  	(tm) =	ssettm $0x1  }
0x91: {  	s17 =	sld [smem:$0x3FFB];
	_ =	sdelay $0x3  }
0x92: {  	_ =	strace s17  }
0x93: {  	s2 =	sld [smem:$0x3FFC];
	_ =	sdelay $0x3  }
0x94: {  	_ =	strace s2  }
0x95: {  	s2 =	sld [smem:$0x3FFD];
	_ =	sdelay $0x3  }
0x96: {  	_ =	strace s2  }
0x97: {  	_ =	strace $0x8FFFFFFF  }
0x98: {  	s18 =	sld [smem:$0x3FDB];
	_ =	sdelay $0x1  }
0x99: {  	s19 =	simm.s32 $_scs_section_size  }
0x9a: {  	s4 =	simm.s32 $_size__tile_overlayer_lowered;
	s5 =	simm.s32 $_tile_overlayer_lowered  }
0x9b: {  	s22 =	simm.s32 $0x1BFF;
	s21 =	sshll.u32 s5, $0x1;
	s2 =	sadd.s32 s19, s18  }
0x9c: {  	s6 =	simm.s32 $0x0;
	s20 =	sshll.u32 s4, $0x1;
	s4 =	sadd.s32 s21, s2  }
0x9d: {  	[timem:s6], [sflag:s22] =	dma.local [hbm:s4], s20  }
0x9e: {  	_ =	swait.ge [sflag:s22], s20  }
0x9f: {  	s3 =	ssub.s32 $0x0, s20;
	[sflag:s22] =	ssyncset.done $0x0  }
0xa0: {  	[sflag:s22] =	ssyncadd.s32 s3;
	_ =	sdelay $0x1  }
0xa1: {  	s23 =	simm.s32 $0x1B8B  }
0xa2: {  	_ =	swait.ge [sflag:s23], $0x1  }
0xa3: {  	[sflag:s23] =	ssyncset.done $0x0  }
0xa4: {  	s25 =	simm.s32 $0x1B8E;
	s24 =	sld [smem:$0x3FFE];
	[sflag:s23] =	ssyncadd.s32 $0xFFFFFFFF  }
0xa5: {  	s26 =	simm.s32 $execute0_lowered;
	[smem:$0x3FD2] =	sst s25  }
0xa6: {  	s4 =	sshll.u32 s26, $0x1;
	_ =	strace $0x80000046;
	[dreg:$0x1] =	wrdreg $0xFFFFFFFF  }
0xa7: {  	s28 =	simm.s32 $_size_execute0_lowered;
	s2 =	sadd.s32 s2, s4;
	[dreg:$0x0] =	wrdreg $0x0  }
0xa8: {  	s4 =	sshll.u32 s28, $0x1;
	[dreg:$0x2] =	wrdreg s2  }
0xa9: {  	[dreg:$0x3] =	wrdreg s4  }
0xaa: {  	[dreg:$0x4] =	wrdreg $0xC0  }
0xab: {  	_ =	task [dreg:s6], $0x5FFFF  }
0xac: {  	[dreg:$0x1] =	wrdreg $0xFFFFFFFF  }
0xad: {  	[dreg:$0x0] =	wrdreg $0x60  }
0xae: {  	[dreg:$0x2] =	wrdreg s24  }
0xaf: {  	[dreg:$0x3] =	wrdreg $0x34C00  }
0xb0: {  	[dreg:$0x4] =	wrdreg $0x1BFC00  }
0xb1: {  	[dreg:$0x5] =	wrdreg $0x9  }
0xb2: {  	_ =	task.clear_ibuf [dreg:s6], $0x6FFFF;
	_ =	strace $0x90000046  }
0xb3: {  	s29 =	simm.s32 $0x9;
	_ =	strace $0x80000048  }
0xb4: {  	_ =	swait.ge [sflag:s29], $0x1  }
0xb5: {  	[sflag:s29] =	ssyncadd.s32 $0xFFFFFFFF  }
0xb6: {  	_ =	strace $0x90000048  }
0xb7: {  	_ =	sfence  }
0xb8: {  	s30 =	sld [smem:$0x0];
	_ =	sdelay $0x2  }
0xb9: {  	s31 =	sshll.u32 s1, $0xD;
	s1 =	sshrl.u32 s1, $0x2  }
0xba: {  	s3 =	sand.u32 $0x4000, s31;
	s1 =	sadd.s32 s1, s30  }
0xbb: {  	s0 =	sor.u32 s3, s0;
	s1 =	sshll.u32 s1, $0x11  }
0xbc: {  	s0 =	sor.u32 s1, s0  }
0xbd: {  	s0 =	sadd.s32 $0x8F2B, s0  }
0xbe: {  	[sflag:s0] =	ssyncadd.remote.s32 $0x1  }
0xbf: {  	_ =	sfence.sel $0xFFFF  }
0xc0: {  	[dreg:$0x0] =	wrdreg $0xFFFFFFFF;
	(pc) =	sbr.abs _section_cstart, $3  }
0xc1: {  	[dreg:$0x1] =	wrdreg $0xFFFFFFFF  }
0xc2: {  	_ =	task.clear_ibuf [dreg:s6], $0x2FFFF;
	_ =	strace $0x9FFFFFFF  }
0xc3: {  	(tm) =	ssettm $0x7FFFFFFF  }
tec
execute0_lowered:
.L_overlay_start_1:
0x0: {  	(tag) =	ssettag $0x1  }
0x1: {  	s4 =	rddreg [dreg:$0x0]  }
0x2: {  	s1 =	rddreg [dreg:$0x1]  }
0x3: {  	s2 =	rddreg [dreg:$0x2];
	s21 =	simm.s32 $0x0;
	s0 =	srdreg.scid  }
0x4: {  	s18 =	stileid.u32;
	[smem:$0x7FF] =	sst s21;
	s0 =	sand.u32 $0x1, s0  }
0x5: {  	s11 =	smul.u32 $0x18B00, s18;
	s5 =	sadd.s32 $0x92C00, s4;
	s6 =	sadd.s32 $0x4400, s4  }
0x6: {  	s7 =	sadd.s32 $0x8DC00, s4;
	s8 =	sadd.s32 $0x83A00, s4;
	s12 =	smul.u32 $0x278, s18  }
0x7: {  	s9 =	sadd.s32 $0x79800, s4;
	s13 =	smul.u32 $0x2780, s18;
	_ =	strace $0x80000047  }
0x8: {  	s3 =	smul.u32 $0x18B000, s0;
	s10 =	ssub.s32 $0x2, s0;
	s14 =	sadd.s32 $0x20, s12  }
0x9: {  	s15 =	sshrl.u32 s13, $0x3;
	s16 =	sshrl.u32 s10, $0x1;
	s13 =	sadd.s32 s13, s2  }
0xa: {  	s26 =	sshll.u32 s12, $0x4;
	s3 =	sadd.s32 s11, s3;
	s17 =	smul.u32 $0x280, s14  }
0xb: {  	s10 =	ssub.s32 s10, s16;
	s11 =	sadd.s32 s11, s1;
	s3 =	sshrl.u32 s3, $0x3  }
0xc: {  	[dreg:$0x6] =	wrdreg s13;
	s25 =	sshll.u32 s14, $0x4;
	s3 =	sadd.s32 s3, s4  }
0xd: {  	s4 =	sadd.s32 s15, s4;
	s24 =	sshrl.u32 s17, $0x2;
	s15 =	smul.u32 $0x62C00, s18  }
0xe: {  	[dreg:$0x5] =	wrdreg s11;
	s11 =	sadd.s32 s24, s1;
	s3 =	sadd.s32 $0x13200, s3  }
0xf: {  	[dreg:$0x7] =	wrdreg s11;
	s11 =	sadd.s32 s25, s2;
	s16 =	sadd.s32 $0xA000, s15  }
0x10: {  	s17 =	sadd.s32 $0xF000, s15;
	s19 =	sadd.s32 $0x14000, s15;
	[smem:$0x7FB] =	sst s3  }
0x11: {  	s24 =	sadd.s32 $0x19000, s15;
	s25 =	sadd.s32 $0x1E000, s15;
	[dreg:$0x8] =	wrdreg s11  }
0x12: {  	s12 =	sshrl.u32 s16, $0x2;
	s20 =	sshrl.u32 s17, $0x2;
	s22 =	sshrl.u32 s19, $0x2  }
0x13: {  	s11 =	sadd.s32 s2, s26;
	s26 =	sadd.s32 $0x23000, s15;
	s13 =	sshrl.u32 s25, $0x2  }
0x14: {  	s17 =	sadd.s32 $0x28000, s15;
	s19 =	sadd.s32 $0x2D000, s15;
	s12 =	sadd.s32 s12, s1  }
0x15: {  	s25 =	sadd.s32 $0x3C000, s15;
	s23 =	sadd.s32 s22, s1;
	[dreg:$0x9] =	wrdreg s12  }
0x16: {  	s14 =	sshrl.u32 s26, $0x2;
	s13 =	sadd.s32 s13, s1;
	[dreg:$0xb] =	wrdreg s23  }
0x17: {  	s26 =	sadd.s32 $0x41000, s15;
	s12 =	sadd.s32 s20, s1;
	[dreg:$0xd] =	wrdreg s13  }
0x18: {  	s16 =	sadd.s32 s14, s1;
	s20 =	sadd.s32 $0x32000, s15;
	s13 =	sshrl.u32 s19, $0x2  }
0x19: {  	s19 =	sadd.s32 $0x4B000, s15;
	[dreg:$0xa] =	wrdreg s12;
	s12 =	sshrl.u32 s24, $0x2  }
0x1a: {  	[dreg:$0xe] =	wrdreg s16;
	s14 =	sshrl.u32 s20, $0x2;
	s22 =	sadd.s32 s13, s1  }
0x1b: {  	s13 =	sshrl.u32 s25, $0x2;
	s12 =	sadd.s32 s12, s1;
	[dreg:$0x10] =	wrdreg s22  }
0x1c: {  	s20 =	sadd.s32 $0x50000, s15;
	s23 =	sadd.s32 s14, s1;
	[dreg:$0xc] =	wrdreg s12  }
0x1d: {  	s14 =	sshrl.u32 s26, $0x2;
	s13 =	sadd.s32 s13, s1;
	[dreg:$0x11] =	wrdreg s23  }
0x1e: {  	s12 =	sshrl.u32 s17, $0x2;
	[dreg:$0x13] =	wrdreg s13;
	s16 =	sadd.s32 s14, s1  }
0x1f: {  	s13 =	sshrl.u32 s19, $0x2;
	s19 =	sadd.s32 $0xA00, s11;
	[dreg:$0x14] =	wrdreg s16  }
0x20: {  	s14 =	sshrl.u32 s20, $0x2;
	s20 =	sadd.s32 $0xC00, s11;
	[dreg:$0x1e] =	wrdreg s19  }
0x21: {  	s12 =	sadd.s32 s12, s1;
	[dreg:$0x1f] =	wrdreg s20  }
0x22: {  	s22 =	sadd.s32 s13, s1;
	[dreg:$0xf] =	wrdreg s12  }
0x23: {  	s25 =	sadd.s32 $0x5A000, s15;
	s23 =	sadd.s32 s14, s1;
	[dreg:$0x16] =	wrdreg s22  }
0x24: {  	s26 =	sadd.s32 $0x5F000, s15;
	s16 =	sadd.s32 $0x600, s11;
	[dreg:$0x17] =	wrdreg s23  }
0x25: {  	s13 =	sshrl.u32 s25, $0x2;
	s25 =	sadd.s32 $0x1400, s11;
	[dreg:$0x1c] =	wrdreg s16  }
0x26: {  	s14 =	sshrl.u32 s26, $0x2;
	s26 =	sadd.s32 $0x1600, s11;
	[smem:$0x7F1] =	sst s25  }
0x27: {  	s19 =	sadd.s32 $0x2000, s11;
	[smem:$0x7F2] =	sst s26  }
0x28: {  	s24 =	sadd.s32 $0x37000, s15;
	s20 =	sadd.s32 $0x2200, s11;
	[smem:$0x7F7] =	sst s19  }
0x29: {  	s17 =	sadd.s32 $0x46000, s15;
	s13 =	sadd.s32 s13, s1;
	[smem:$0x7F8] =	sst s20  }
0x2a: {  	s12 =	sshrl.u32 s24, $0x2;
	s14 =	sadd.s32 s14, s1;
	[dreg:$0x19] =	wrdreg s13  }
0x2b: {  	s24 =	sadd.s32 $0x55000, s15;
	s15 =	sadd.s32 $0x400, s11;
	[dreg:$0x1a] =	wrdreg s14  }
0x2c: {  	s22 =	sadd.s32 $0xE00, s11;
	[dreg:$0x1b] =	wrdreg s15  }
0x2d: {  	s28 =	simm.s32 $0x1;
	s23 =	sadd.s32 $0x1000, s11;
	[smem:$0x7EE] =	sst s22  }
0x2e: {  	s29 =	simm.s32 $0x2;
	s16 =	sadd.s32 $0x1E00, s11;
	[smem:$0x7EF] =	sst s23  }
0x2f: {  	s31 =	simm.s32 $0x3;
	s26 =	sadd.s32 $0xE200, s4;
	[smem:$0x7F6] =	sst s16  }
0x30: {  	s30 =	smul.u32 $0x50C0, s18;
	s4 =	smax.u32 s10, $0x1;
	[smem:$0x7FC] =	sst s26  }
0x31: {  	p0 =	sne.s32 s0, $0x0;
	s12 =	sadd.s32 s12, s1;
	[smem:$0x7FD] =	sst s4  }
0x32: {  	s18 =	simm.s32 $0x20;
	s13 =	sadd.s32 $0x1800, s11;
	[dreg:$0x12] =	wrdreg s12  }
0x33: {  	s3 =	simm.s32 $0x5;
	s14 =	sadd.s32 $0x1A00, s11;
	[smem:$0x7F3] =	sst s13  }
0x34: {  	s15 =	sadd.s32 $0x1C00, s11;
	s22 =	sadd.s32 $0x2400, s11;
	[smem:$0x7F4] =	sst s14  }
0x35: {  	s16 =	simm.s32 $0x8;
	s26 =	simm.s32 $0x30C0;
	[smem:$0x7F5] =	sst s15  }
0x36: {  	s12 =	sshrl.u32 s17, $0x2;
	s17 =	sadd.s32 $0x800, s11;
	[smem:$0x7F9] =	sst s22  }
0x37: {  	s13 =	simm.s32 $0x60;
	[dreg:$0x1d] =	wrdreg s17;
	s17 =	smul.u32 $0xA, s0  }
0x38: {  	s14 =	simm.s32 $0x7;
	s12 =	sadd.s32 s12, s1;
	s0 =	smul.u32 $0x2780, s0  }
0x39: {  	[dreg:$0x15] =	wrdreg s12;
	s12 =	sshrl.u32 s24, $0x2;
	s24 =	sadd.s32 $0x1200, s11  }
0x3a: {  	s11 =	sadd.s32 $0x2600, s11;
	s12 =	sadd.s32 s12, s1;
	[smem:$0x7F0] =	sst s24  }
0x3b: {  	[smem:$0x7FA] =	sst s11;
	s23 =	sadd.s32 $0x2, s17;
	s24 =	sshrl.u32 s17, $0x2  }
0x3c: {  	s25 =	sadd.s32 $0x4, s17;
	[dreg:$0x18] =	wrdreg s12;
	s11 =	sshrl.u32 s23, $0x2  }
0x3d: {  	v0 =	vmov s0;
	s12 =	sadd.s32 $0x6, s17;
	s19 =	sshrl.u32 s25, $0x2;
	s10 =	sadd.s32 $0x2, s24;
	v1 =	vmov s24;
	v2 =	vmov s11  }
0x3e: {  	s22 =	simm.s32 $0x1AA0;
	s0 =	simm.s32 $0x4;
	s20 =	sshrl.u32 s12, $0x2;
	v3 =	vmov s19;
	v1 =	vbroadcast v1, $0x0;
	v5 =	vmov s10  }
0x3f: {  	s17 =	simm.s32 $0x40;
	s23 =	simm.s32 $0x1A80;
	s24 =	simm.s32 $0x1AC0;
	v4 =	vmov s20;
	v2 =	vbroadcast v2, $0x0;
	v3 =	vbroadcast v3, $0x0  }
0x40: {  	v6 =	vimm.f32 $0.0e+00;
	s25 =	simm.s32 $0x2EC0;
	s12 =	sor.u32 $0x20, s30;
	s10 =	simm.s32 $0x6;
	v5 =	vbroadcast v5, $0x0;
	v4 =	vbroadcast v4, $0x0  }
.LBB2_1:
0x41: {  	s4 =	simm.s32 $0xB0  }
0x42: {  	[tilespmem:s4+$0xFFFFFFC0] =	vst v6  }
0x43: {  	[tilespmem:s4+$0xFFFFFFD0] =	vst v6  }
0x44: {  	[tilespmem:s4+$0xFFFFFFE0] =	vst v6  }
0x45: {  	[tilespmem:s4+$0xFFFFFFF0] =	vst v6  }
0x46: {  	[tilespmem:s4+$0x0] =	vst v6  }
0x47: {  	[tilespmem:s4+$0x10] =	vst v6  }
0x48: {  	[tilespmem:s4+$0x20] =	vst v6  }
0x49: {  	[tilespmem:s4+$0x30] =	vst v6  }
0x4a: {  	[tilespmem:s4+$0x40] =	vst v6  }
0x4b: {  	[dreg:$0x4] =	wrdreg s21;
	s15 =	simm.s32 $0x0;
	s11 =	simm.s32 $0x40;
	[tilespmem:s4+$0xFFFFFFB0] =	vst v6  }
.LBB2_2:
0x4c: {  	p1 =	sne.s32 s11, $0x7C0;
	[tilespmem:s15+$0x1860] =	vst v6;
	s4 =	sadd.s32 $0xA0, s4  }
0x4d: {  	[tilespmem:s4+$0xFFFFFFC0] =	vst v6  }
0x4e: {  	[tilespmem:s4+$0xFFFFFFD0] =	vst v6  }
0x4f: {  	[tilespmem:s4+$0xFFFFFFE0] =	vst v6  }
0x50: {  	[tilespmem:s4+$0xFFFFFFF0] =	vst v6  }
0x51: {  	[tilespmem:s4+$0x0] =	vst v6  }
.Ltmp0:
0x52: {  	[tilespmem:s4+$0x10] =	vst v6;
	(pc) =	sbr.rel @p1 .LBB2_2-.Ltmp0, $4  }
0x53: {  	[tilespmem:s4+$0x20] =	vst v6  }
0x54: {  	[tilespmem:s4+$0x30] =	vst v6  }
0x55: {  	[tilespmem:s4+$0x40] =	vst v6  }
0x56: {  	s15 =	sshra.s32 s11, $0x2;
	s11 =	sadd.s32 $0x40, s11;
	[tilespmem:s4+$0xFFFFFFB0] =	vst v6  }
0x57: {  	[tilespmem:s15+$0x1860] =	vst v6;
	s4 =	rddreg [dreg:$0x5]  }
0x58: {  	[spmem:s4] =	stream.linear.scatter [tilespmem:s13], [sflag:$0x7], $0x1400, $0x38;
	[tilespmem:$0x1E740] =	vst v63  }
0x59: {  	_ =	swait.ge [sflag:s14], $0x1400  }
0x5a: {  	[sflag:s14] =	ssyncset.done $0x0  }
0x5b: {  	s11 =	simm.s32 $0x1860;
	s19 =	rddreg [dreg:$0x6];
	[sflag:s14] =	ssyncadd.s32 $0xFFFFEC00  }
0x5c: {  	[spmem:s19] =	stream.linear.scatter [tilespmem:s11], [sflag:$0x7], $0x200, $0x38;
	[tilespmem:$0x1E740] =	vst v63  }
0x5d: {  	_ =	swait.ge [sflag:s14], $0x200  }
0x5e: {  	[sflag:s14] =	ssyncset.done $0x0  }
0x5f: {  	s20 =	rddreg [dreg:$0x7];
	[sflag:s14] =	ssyncadd.s32 $0xFFFFFE00  }
0x60: {  	[spmem:s20] =	stream.linear.scatter [tilespmem:s13], [sflag:$0x7], $0x1400, $0x38;
	[tilespmem:$0x1E740] =	vst v63  }
0x61: {  	_ =	swait.ge [sflag:s14], $0x1400  }
0x62: {  	[sflag:s14] =	ssyncset.done $0x0  }
0x63: {  	s21 =	rddreg [dreg:$0x8];
	[sflag:s14] =	ssyncadd.s32 $0xFFFFEC00  }
0x64: {  	[spmem:s21] =	stream.linear.scatter [tilespmem:s11], [sflag:$0x7], $0x200, $0x38;
	[tilespmem:$0x1E740] =	vst v63  }
0x65: {  	_ =	swait.ge [sflag:s14], $0x200  }
0x66: {  	[sflag:s14] =	ssyncset.done $0x0  }
0x67: {  	s15 =	rddreg [dreg:$0x9];
	[sflag:s14] =	ssyncadd.s32 $0xFFFFFE00  }
0x68: {  	[spmem:s15] =	stream.linear.scatter [tilespmem:s13], [sflag:$0x7], $0x1400, $0x38;
	[tilespmem:$0x1E740] =	vst v63  }
0x69: {  	_ =	swait.ge [sflag:s14], $0x1400  }
0x6a: {  	[sflag:s14] =	ssyncset.done $0x0  }
0x6b: {  	s19 =	rddreg [dreg:$0x1b];
	[sflag:s14] =	ssyncadd.s32 $0xFFFFEC00  }
0x6c: {  	[spmem:s19] =	stream.linear.scatter [tilespmem:s11], [sflag:$0x7], $0x200, $0x38;
	[tilespmem:$0x1E740] =	vst v63  }
0x6d: {  	_ =	swait.ge [sflag:s14], $0x200  }
0x6e: {  	[sflag:s14] =	ssyncset.done $0x0  }
0x6f: {  	s20 =	rddreg [dreg:$0xa];
	[sflag:s14] =	ssyncadd.s32 $0xFFFFFE00  }
0x70: {  	[spmem:s20] =	stream.linear.scatter [tilespmem:s13], [sflag:$0x7], $0x1400, $0x38;
	[tilespmem:$0x1E740] =	vst v63  }
0x71: {  	_ =	swait.ge [sflag:s14], $0x1400  }
0x72: {  	[sflag:s14] =	ssyncset.done $0x0  }
0x73: {  	s21 =	rddreg [dreg:$0x1c];
	[sflag:s14] =	ssyncadd.s32 $0xFFFFEC00  }
0x74: {  	[spmem:s21] =	stream.linear.scatter [tilespmem:s11], [sflag:$0x7], $0x200, $0x38;
	[tilespmem:$0x1E740] =	vst v63  }
0x75: {  	_ =	swait.ge [sflag:s14], $0x200  }
0x76: {  	[sflag:s14] =	ssyncset.done $0x0  }
0x77: {  	s15 =	rddreg [dreg:$0xb];
	[sflag:s14] =	ssyncadd.s32 $0xFFFFFE00  }
0x78: {  	[spmem:s15] =	stream.linear.scatter [tilespmem:s13], [sflag:$0x7], $0x1400, $0x38;
	[tilespmem:$0x1E740] =	vst v63  }
0x79: {  	_ =	swait.ge [sflag:s14], $0x1400  }
0x7a: {  	[sflag:s14] =	ssyncset.done $0x0  }
0x7b: {  	s19 =	rddreg [dreg:$0x1d];
	[sflag:s14] =	ssyncadd.s32 $0xFFFFEC00  }
0x7c: {  	[spmem:s19] =	stream.linear.scatter [tilespmem:s11], [sflag:$0x7], $0x200, $0x38;
	[tilespmem:$0x1E740] =	vst v63  }
0x7d: {  	_ =	swait.ge [sflag:s14], $0x200  }
0x7e: {  	[sflag:s14] =	ssyncset.done $0x0  }
0x7f: {  	s20 =	rddreg [dreg:$0xc];
	[sflag:s14] =	ssyncadd.s32 $0xFFFFFE00  }
0x80: {  	[spmem:s20] =	stream.linear.scatter [tilespmem:s13], [sflag:$0x7], $0x1400, $0x38;
	[tilespmem:$0x1E740] =	vst v63  }
0x81: {  	_ =	swait.ge [sflag:s14], $0x1400  }
0x82: {  	[sflag:s14] =	ssyncset.done $0x0  }
0x83: {  	s21 =	rddreg [dreg:$0x1e];
	[sflag:s14] =	ssyncadd.s32 $0xFFFFEC00  }
0x84: {  	[spmem:s21] =	stream.linear.scatter [tilespmem:s11], [sflag:$0x7], $0x200, $0x38;
	[tilespmem:$0x1E740] =	vst v63  }
0x85: {  	_ =	swait.ge [sflag:s14], $0x200  }
0x86: {  	[sflag:s14] =	ssyncset.done $0x0  }
0x87: {  	s15 =	rddreg [dreg:$0xd];
	[sflag:s14] =	ssyncadd.s32 $0xFFFFFE00  }
0x88: {  	[spmem:s15] =	stream.linear.scatter [tilespmem:s13], [sflag:$0x7], $0x1400, $0x38;
	[tilespmem:$0x1E740] =	vst v63  }
0x89: {  	_ =	swait.ge [sflag:s14], $0x1400  }
0x8a: {  	[sflag:s14] =	ssyncset.done $0x0  }
0x8b: {  	s19 =	rddreg [dreg:$0x1f];
	[sflag:s14] =	ssyncadd.s32 $0xFFFFEC00  }
0x8c: {  	[spmem:s19] =	stream.linear.scatter [tilespmem:s11], [sflag:$0x7], $0x200, $0x38;
	[tilespmem:$0x1E740] =	vst v63  }
0x8d: {  	_ =	swait.ge [sflag:s14], $0x200  }
0x8e: {  	[sflag:s14] =	ssyncset.done $0x0  }
0x8f: {  	s20 =	rddreg [dreg:$0xe];
	[sflag:s14] =	ssyncadd.s32 $0xFFFFFE00  }
0x90: {  	[spmem:s20] =	stream.linear.scatter [tilespmem:s13], [sflag:$0x7], $0x1400, $0x38;
	[tilespmem:$0x1E740] =	vst v63  }
0x91: {  	_ =	swait.ge [sflag:s14], $0x1400  }
0x92: {  	s21 =	sld [smem:$0x7EE]  }
0x93: {  	[sflag:s14] =	ssyncset.done $0x0  }
0x94: {  	[sflag:s14] =	ssyncadd.s32 $0xFFFFEC00  }
0x95: {  	[spmem:s21] =	stream.linear.scatter [tilespmem:s11], [sflag:$0x7], $0x200, $0x38;
	[tilespmem:$0x1E740] =	vst v63  }
0x96: {  	_ =	swait.ge [sflag:s14], $0x200  }
0x97: {  	[sflag:s14] =	ssyncset.done $0x0  }
0x98: {  	s15 =	rddreg [dreg:$0xf];
	[sflag:s14] =	ssyncadd.s32 $0xFFFFFE00  }
0x99: {  	[spmem:s15] =	stream.linear.scatter [tilespmem:s13], [sflag:$0x7], $0x1400, $0x38;
	[tilespmem:$0x1E740] =	vst v63  }
0x9a: {  	_ =	swait.ge [sflag:s14], $0x1400  }
0x9b: {  	s19 =	sld [smem:$0x7EF]  }
0x9c: {  	[sflag:s14] =	ssyncset.done $0x0  }
0x9d: {  	[sflag:s14] =	ssyncadd.s32 $0xFFFFEC00  }
0x9e: {  	[spmem:s19] =	stream.linear.scatter [tilespmem:s11], [sflag:$0x7], $0x200, $0x38;
	[tilespmem:$0x1E740] =	vst v63  }
0x9f: {  	_ =	swait.ge [sflag:s14], $0x200  }
0xa0: {  	[sflag:s14] =	ssyncset.done $0x0  }
0xa1: {  	s20 =	rddreg [dreg:$0x10];
	[sflag:s14] =	ssyncadd.s32 $0xFFFFFE00  }
0xa2: {  	[spmem:s20] =	stream.linear.scatter [tilespmem:s13], [sflag:$0x7], $0x1400, $0x38;
	[tilespmem:$0x1E740] =	vst v63  }
0xa3: {  	_ =	swait.ge [sflag:s14], $0x1400  }
0xa4: {  	s21 =	sld [smem:$0x7F0]  }
0xa5: {  	[sflag:s14] =	ssyncset.done $0x0  }
0xa6: {  	[sflag:s14] =	ssyncadd.s32 $0xFFFFEC00  }
0xa7: {  	[spmem:s21] =	stream.linear.scatter [tilespmem:s11], [sflag:$0x7], $0x200, $0x38;
	[tilespmem:$0x1E740] =	vst v63  }
0xa8: {  	_ =	swait.ge [sflag:s14], $0x200  }
0xa9: {  	[sflag:s14] =	ssyncset.done $0x0  }
0xaa: {  	s15 =	rddreg [dreg:$0x11];
	[sflag:s14] =	ssyncadd.s32 $0xFFFFFE00  }
0xab: {  	[spmem:s15] =	stream.linear.scatter [tilespmem:s13], [sflag:$0x7], $0x1400, $0x38;
	[tilespmem:$0x1E740] =	vst v63  }
0xac: {  	_ =	swait.ge [sflag:s14], $0x1400  }
0xad: {  	s19 =	sld [smem:$0x7F1]  }
0xae: {  	[sflag:s14] =	ssyncset.done $0x0  }
0xaf: {  	[sflag:s14] =	ssyncadd.s32 $0xFFFFEC00  }
0xb0: {  	[spmem:s19] =	stream.linear.scatter [tilespmem:s11], [sflag:$0x7], $0x200, $0x38;
	[tilespmem:$0x1E740] =	vst v63  }
0xb1: {  	_ =	swait.ge [sflag:s14], $0x200  }
0xb2: {  	[sflag:s14] =	ssyncset.done $0x0  }
0xb3: {  	s20 =	rddreg [dreg:$0x12];
	[sflag:s14] =	ssyncadd.s32 $0xFFFFFE00  }
0xb4: {  	[spmem:s20] =	stream.linear.scatter [tilespmem:s13], [sflag:$0x7], $0x1400, $0x38;
	[tilespmem:$0x1E740] =	vst v63  }
0xb5: {  	_ =	swait.ge [sflag:s14], $0x1400  }
0xb6: {  	s21 =	sld [smem:$0x7F2]  }
0xb7: {  	[sflag:s14] =	ssyncset.done $0x0  }
0xb8: {  	[sflag:s14] =	ssyncadd.s32 $0xFFFFEC00  }
0xb9: {  	[spmem:s21] =	stream.linear.scatter [tilespmem:s11], [sflag:$0x7], $0x200, $0x38;
	[tilespmem:$0x1E740] =	vst v63  }
0xba: {  	_ =	swait.ge [sflag:s14], $0x200  }
0xbb: {  	[sflag:s14] =	ssyncset.done $0x0  }
0xbc: {  	s15 =	rddreg [dreg:$0x13];
	[sflag:s14] =	ssyncadd.s32 $0xFFFFFE00  }
0xbd: {  	[spmem:s15] =	stream.linear.scatter [tilespmem:s13], [sflag:$0x7], $0x1400, $0x38;
	[tilespmem:$0x1E740] =	vst v63  }
0xbe: {  	_ =	swait.ge [sflag:s14], $0x1400  }
0xbf: {  	s19 =	sld [smem:$0x7F3]  }
0xc0: {  	[sflag:s14] =	ssyncset.done $0x0  }
0xc1: {  	[sflag:s14] =	ssyncadd.s32 $0xFFFFEC00  }
0xc2: {  	[spmem:s19] =	stream.linear.scatter [tilespmem:s11], [sflag:$0x7], $0x200, $0x38;
	[tilespmem:$0x1E740] =	vst v63  }
0xc3: {  	_ =	swait.ge [sflag:s14], $0x200  }
0xc4: {  	[sflag:s14] =	ssyncset.done $0x0  }
0xc5: {  	s20 =	rddreg [dreg:$0x14];
	[sflag:s14] =	ssyncadd.s32 $0xFFFFFE00  }
0xc6: {  	[spmem:s20] =	stream.linear.scatter [tilespmem:s13], [sflag:$0x7], $0x1400, $0x38;
	[tilespmem:$0x1E740] =	vst v63  }
0xc7: {  	_ =	swait.ge [sflag:s14], $0x1400  }
0xc8: {  	s21 =	sld [smem:$0x7F4]  }
0xc9: {  	[sflag:s14] =	ssyncset.done $0x0  }
0xca: {  	[sflag:s14] =	ssyncadd.s32 $0xFFFFEC00  }
0xcb: {  	[spmem:s21] =	stream.linear.scatter [tilespmem:s11], [sflag:$0x7], $0x200, $0x38;
	[tilespmem:$0x1E740] =	vst v63  }
0xcc: {  	_ =	swait.ge [sflag:s14], $0x200  }
0xcd: {  	[sflag:s14] =	ssyncset.done $0x0  }
0xce: {  	s15 =	rddreg [dreg:$0x15];
	[sflag:s14] =	ssyncadd.s32 $0xFFFFFE00  }
0xcf: {  	[spmem:s15] =	stream.linear.scatter [tilespmem:s13], [sflag:$0x7], $0x1400, $0x38;
	[tilespmem:$0x1E740] =	vst v63  }
0xd0: {  	_ =	swait.ge [sflag:s14], $0x1400  }
0xd1: {  	s19 =	sld [smem:$0x7F5]  }
0xd2: {  	[sflag:s14] =	ssyncset.done $0x0  }
0xd3: {  	[sflag:s14] =	ssyncadd.s32 $0xFFFFEC00  }
0xd4: {  	[spmem:s19] =	stream.linear.scatter [tilespmem:s11], [sflag:$0x7], $0x200, $0x38;
	[tilespmem:$0x1E740] =	vst v63  }
0xd5: {  	_ =	swait.ge [sflag:s14], $0x200  }
0xd6: {  	[sflag:s14] =	ssyncset.done $0x0  }
0xd7: {  	s20 =	rddreg [dreg:$0x16];
	[sflag:s14] =	ssyncadd.s32 $0xFFFFFE00  }
0xd8: {  	[spmem:s20] =	stream.linear.scatter [tilespmem:s13], [sflag:$0x7], $0x1400, $0x38;
	[tilespmem:$0x1E740] =	vst v63  }
0xd9: {  	_ =	swait.ge [sflag:s14], $0x1400  }
0xda: {  	s21 =	sld [smem:$0x7F6]  }
0xdb: {  	[sflag:s14] =	ssyncset.done $0x0  }
0xdc: {  	[sflag:s14] =	ssyncadd.s32 $0xFFFFEC00  }
0xdd: {  	[spmem:s21] =	stream.linear.scatter [tilespmem:s11], [sflag:$0x7], $0x200, $0x38;
	[tilespmem:$0x1E740] =	vst v63  }
0xde: {  	_ =	swait.ge [sflag:s14], $0x200  }
0xdf: {  	[sflag:s14] =	ssyncset.done $0x0  }
0xe0: {  	s15 =	rddreg [dreg:$0x17];
	[sflag:s14] =	ssyncadd.s32 $0xFFFFFE00  }
0xe1: {  	[spmem:s15] =	stream.linear.scatter [tilespmem:s13], [sflag:$0x7], $0x1400, $0x38;
	[tilespmem:$0x1E740] =	vst v63  }
0xe2: {  	_ =	swait.ge [sflag:s14], $0x1400  }
0xe3: {  	s19 =	sld [smem:$0x7F7]  }
0xe4: {  	[sflag:s14] =	ssyncset.done $0x0  }
0xe5: {  	[sflag:s14] =	ssyncadd.s32 $0xFFFFEC00  }
0xe6: {  	[spmem:s19] =	stream.linear.scatter [tilespmem:s11], [sflag:$0x7], $0x200, $0x38;
	[tilespmem:$0x1E740] =	vst v63  }
0xe7: {  	_ =	swait.ge [sflag:s14], $0x200  }
0xe8: {  	[sflag:s14] =	ssyncset.done $0x0  }
0xe9: {  	s20 =	rddreg [dreg:$0x18];
	[sflag:s14] =	ssyncadd.s32 $0xFFFFFE00  }
0xea: {  	[spmem:s20] =	stream.linear.scatter [tilespmem:s13], [sflag:$0x7], $0x1400, $0x38;
	[tilespmem:$0x1E740] =	vst v63  }
0xeb: {  	_ =	swait.ge [sflag:s14], $0x1400  }
0xec: {  	s21 =	sld [smem:$0x7F8]  }
0xed: {  	[sflag:s14] =	ssyncset.done $0x0  }
0xee: {  	[sflag:s14] =	ssyncadd.s32 $0xFFFFEC00  }
0xef: {  	[spmem:s21] =	stream.linear.scatter [tilespmem:s11], [sflag:$0x7], $0x200, $0x38;
	[tilespmem:$0x1E740] =	vst v63  }
0xf0: {  	_ =	swait.ge [sflag:s14], $0x200  }
0xf1: {  	[sflag:s14] =	ssyncset.done $0x0  }
0xf2: {  	s15 =	rddreg [dreg:$0x19];
	[sflag:s14] =	ssyncadd.s32 $0xFFFFFE00  }
0xf3: {  	[spmem:s15] =	stream.linear.scatter [tilespmem:s13], [sflag:$0x7], $0x1400, $0x38;
	[tilespmem:$0x1E740] =	vst v63  }
0xf4: {  	_ =	swait.ge [sflag:s14], $0x1400  }
0xf5: {  	s19 =	sld [smem:$0x7F9]  }
0xf6: {  	[sflag:s14] =	ssyncset.done $0x0  }
0xf7: {  	[sflag:s14] =	ssyncadd.s32 $0xFFFFEC00  }
0xf8: {  	[spmem:s19] =	stream.linear.scatter [tilespmem:s11], [sflag:$0x7], $0x200, $0x38;
	[tilespmem:$0x1E740] =	vst v63  }
0xf9: {  	_ =	swait.ge [sflag:s14], $0x200  }
0xfa: {  	[sflag:s14] =	ssyncset.done $0x0  }
0xfb: {  	s20 =	rddreg [dreg:$0x1a];
	[sflag:s14] =	ssyncadd.s32 $0xFFFFFE00  }
0xfc: {  	[spmem:s20] =	stream.linear.scatter [tilespmem:s13], [sflag:$0x7], $0xF00, $0x38;
	[tilespmem:$0x1E740] =	vst v63  }
0xfd: {  	_ =	swait.ge [sflag:s14], $0xF00  }
0xfe: {  	s21 =	sld [smem:$0x7FA]  }
0xff: {  	[sflag:s14] =	ssyncset.done $0x0  }
0x100: {  	[sflag:s14] =	ssyncadd.s32 $0xFFFFF100  }
0x101: {  	[spmem:s21] =	stream.linear.scatter [tilespmem:s11], [sflag:$0x7], $0x180, $0x38;
	[tilespmem:$0x1E740] =	vst v63  }
0x102: {  	_ =	swait.ge [sflag:s14], $0x180  }
0x103: {  	[sflag:s14] =	ssyncset.done $0x0  }
0x104: {  	[sflag:s14] =	ssyncadd.s32 $0xFFFFFE80  }
0x105: {  	s4 =	simm.s32 $0x0;
	s11 =	simm.s32 $0x0;
	[bflag:$0x0] =	sbarrier.arrive $0xFFFF  }
.LBB2_4:
0x106: {  	s15 =	sshll.u32 s4, $0x6  }
0x107: {  	s19 =	sadd.s32 s30, s15  }
0x108: {  	s19 =	sshrl.u32 s19, $0x3  }
0x109: {  	s20 =	sadd.s32 s8, s19  }
0x10a: {  	[tilespmem:s11], [sflag:$0x8] =	stream.linear.gather [hbm4b:s20+s11], $0x20, $0x38;
	[tilespmem:$0x1E740] =	vst v63  }
0x10b: {  	_ =	swait.ge [sflag:s16], $0x20  }
0x10c: {  	[sflag:s16] =	ssyncset.done $0x0  }
0x10d: {  	s19 =	sadd.s32 s9, s19;
	[sflag:s16] =	ssyncadd.s32 $0xFFFFFFE0  }
0x10e: {  	[tilespmem:s17], [sflag:$0x8] =	stream.linear.gather [hbm4b:s19+s11], $0x20, $0x38;
	[tilespmem:$0x1E740] =	vst v63  }
0x10f: {  	_ =	swait.ge [sflag:s16], $0x20  }
0x110: {  	[sflag:s16] =	ssyncset.done $0x0  }
0x111: {  	[sflag:s16] =	ssyncadd.s32 $0xFFFFFFE0  }
0x112: {  	v7 =	vld [tilespmem:$0x0]  }
0x113: {  	v8 =	vld [tilespmem:$0x10];
	_ =	sdelay $0x3  }
0x114: {  	v7 =	vadd.s32 v0, v7  }
0x115: {  	[tilespmem:$0x20] =	vst v7;
	v7 =	vadd.s32 v0, v8  }
0x116: {  	[tilespmem:$0x30] =	vst v7  }
0x117: {  	[tilespmem:s13], [sflag:$0x1] =	stream.indirect.gather [hbm4b:s5+s18], $0xA0, s18, s18, $0xb8;
	[tilespmem:$0x1E740] =	vst v63  }
0x118: {  	s15 =	sadd.s32 s15, s12;
	s20 =	simm.s32 $0x1460  }
0x119: {  	[tilespmem:s20], [sflag:$0x2] =	stream.indirect.gather [hbm4b:s6+s18], $0x10, s18, s18, $0xb8;
	[tilespmem:$0x1E740] =	vst v63  }
0x11a: {  	s21 =	simm.s32 $0x1660;
	s15 =	sshrl.u32 s15, $0x3  }
0x11b: {  	[tilespmem:s21], [sflag:$0x3] =	stream.indirect.gather [hbm4b:s7+s18], $0x10, s17, s18, $0xb8;
	[tilespmem:$0x1E740] =	vst v63  }
0x11c: {  	s20 =	sadd.s32 s8, s15;
	s21 =	simm.s32 $0x1A60  }
0x11d: {  	[tilespmem:s21], [sflag:$0x8] =	stream.linear.gather [hbm4b:s20+s11], $0x20, $0x38;
	[tilespmem:$0x1E740] =	vst v63  }
0x11e: {  	_ =	swait.ge [sflag:s16], $0x20  }
0x11f: {  	[sflag:s16] =	ssyncset.done $0x0  }
0x120: {  	s15 =	sadd.s32 s9, s15;
	[sflag:s16] =	ssyncadd.s32 $0xFFFFFFE0  }
0x121: {  	[tilespmem:s22], [sflag:$0x8] =	stream.linear.gather [hbm4b:s15+s11], $0x20, $0x38;
	[tilespmem:$0x1E740] =	vst v63  }
0x122: {  	_ =	swait.ge [sflag:s16], $0x20  }
0x123: {  	[sflag:s16] =	ssyncset.done $0x0  }
0x124: {  	[sflag:s16] =	ssyncadd.s32 $0xFFFFFFE0  }
0x125: {  	v7 =	vld [tilespmem:$0x1A60]  }
0x126: {  	v8 =	vld [tilespmem:$0x1A70];
	_ =	sdelay $0x3  }
0x127: {  	v7 =	vadd.s32 v0, v7  }
0x128: {  	[tilespmem:$0x1A80] =	vst v7;
	v7 =	vadd.s32 v0, v8  }
0x129: {  	[tilespmem:$0x1A90] =	vst v7  }
0x12a: {  	[tilespmem:s24], [sflag:$0x4] =	stream.indirect.gather [hbm4b:s5+s18], $0xA0, s23, s18, $0xb8;
	[tilespmem:$0x1E740] =	vst v63  }
0x12b: {  	_ = 	snop  }
0x12c: {  	[tilespmem:s25], [sflag:$0x5] =	stream.indirect.gather [hbm4b:s6+s18], $0x10, s23, s18, $0xb8;
	[tilespmem:$0x1E740] =	vst v63  }
0x12d: {  	_ = 	snop  }
0x12e: {  	[tilespmem:s26], [sflag:$0x6] =	stream.indirect.gather [hbm4b:s7+s18], $0x10, s22, s18, $0xb8;
	[tilespmem:$0x1E740] =	vst v63  }
0x12f: {  	_ =	swait.ge [sflag:s28], $0x1400  }
0x130: {  	[sflag:s28] =	ssyncset.done $0x0  }
0x131: {  	[sflag:s28] =	ssyncadd.s32 $0xFFFFEC00  }
0x132: {  	_ =	swait.ge [sflag:s29], $0x200  }
0x133: {  	[sflag:s29] =	ssyncset.done $0x0  }
0x134: {  	[sflag:s29] =	ssyncadd.s32 $0xFFFFFE00  }
0x135: {  	_ =	swait.ge [sflag:s31], $0x200  }
0x136: {  	[sflag:s31] =	ssyncset.done $0x0  }
0x137: {  	s21 =	simm.s32 $0x0;
	[sflag:s31] =	ssyncadd.s32 $0xFFFFFE00  }
0x138: {  	v7 =	vld [tilespmem:s21+$0x1460]  }
0x139: {  	v8 =	vld [tilespmem:s21+$0x1660];
	_ =	sdelay $0x4  }
0x13a: {  	v7 =	vadd.f32 v8, v7;
	_ =	sdelay $0x1  }
0x13b: {  	v8 =	vmul.f32 $2.000000030e-01, v7;
	_ =	sdelay $0x1  }
0x13c: {  	v7 =	vmax.f32 v7, v8  }
0x13d: {  	v7 =	vmul.f32 $1.442695020e+00, v7;
	_ =	sdelay $0x1  }
0x13e: {  	(erf) = vpow2.f32 v7;
	_ =	sdelay $0x8  }
0x13f: {  	v8 =	vpop (erf)  }
0x140: {  	s15 =	simm.s32 $0xB0;
	[tilespmem:s21+$0x1860] =	vst v8  }
0x141: {  	v16 =	vld [tilespmem:s15+$0x40]  }
0x142: {  	v14 =	vld [tilespmem:s15+$0x30]  }
0x143: {  	v13 =	vld [tilespmem:s15+$0x0]  }
0x144: {  	v15 =	vperm.xlane v8, v5;
	v12 =	vld [tilespmem:s15+$0x20]  }
0x145: {  	v7 =	vperm.xlane v8, v4;
	v11 =	vld [tilespmem:s15+$0xFFFFFFE0]  }
0x146: {  	s19 =	simm.s32 $0x40;
	s20 =	simm.s32 $0xB0;
	v9 =	vperm.xlane v8, v3;
	v10 =	vld [tilespmem:s15+$0xFFFFFFC0];
	v16 =	vmul.f32 v16, v15  }
.LBB2_5:
0x147: {  	p1 =	sne.s32 s19, $0x7C0  }
0x148: {  	v17 =	vld [tilespmem:s15+$0x10];
	v14 =	vmul.f32 v14, v15;
	s20 =	sadd.s32 $0xA0, s20;
	s21 =	smov.u32 s19;
	s19 =	sadd.s32 $0x40, s19  }
0x149: {  	v15 =	vperm.xlane v8, v2;
	v18 =	vld [tilespmem:s15+$0xFFFFFFF0];
	v13 =	vmul.f32 v13, v9;
	[tilespmem:s15+$0x40] =	vst v16  }
0x14a: {  	v8 =	vperm.xlane v8, v1;
	v16 =	vld [tilespmem:s15+$0xFFFFFFD0];
	v12 =	vmul.f32 v12, v7;
	[tilespmem:s15+$0x30] =	vst v14  }
0x14b: {  	v14 =	vld [tilespmem:s15+$0xFFFFFFB0];
	v11 =	vmul.f32 v11, v15;
	[tilespmem:s15+$0x0] =	vst v13  }
0x14c: {  	v10 =	vmul.f32 v10, v8;
	[tilespmem:s15+$0x20] =	vst v12  }
0x14d: {  	[tilespmem:s15+$0xFFFFFFE0] =	vst v11;
	v7 =	vmul.f32 v17, v7  }
0x14e: {  	[tilespmem:s15+$0xFFFFFFC0] =	vst v10;
	v9 =	vmul.f32 v18, v9  }
0x14f: {  	v10 =	vmul.f32 v16, v15;
	[tilespmem:s15+$0x10] =	vst v7  }
0x150: {  	v7 =	vmul.f32 v14, v8;
	[tilespmem:s15+$0xFFFFFFF0] =	vst v9  }
0x151: {  	[tilespmem:s15+$0xFFFFFFD0] =	vst v10  }
0x152: {  	s21 =	sshra.s32 s21, $0x2;
	[tilespmem:s15+$0xFFFFFFB0] =	vst v7;
	s15 =	smov.u32 s20  }
0x153: {  	v7 =	vld [tilespmem:s21+$0x1460]  }
0x154: {  	v8 =	vld [tilespmem:s21+$0x1660];
	_ =	sdelay $0x4  }
0x155: {  	v7 =	vadd.f32 v8, v7;
	_ =	sdelay $0x1  }
0x156: {  	v8 =	vmul.f32 $2.000000030e-01, v7;
	_ =	sdelay $0x1  }
0x157: {  	v7 =	vmax.f32 v7, v8  }
0x158: {  	v7 =	vmul.f32 $1.442695020e+00, v7;
	_ =	sdelay $0x1  }
0x159: {  	(erf) = vpow2.f32 v7;
	_ =	sdelay $0x8  }
0x15a: {  	v8 =	vpop (erf)  }
0x15b: {  	[tilespmem:s21+$0x1860] =	vst v8;
	v7 =	vperm.xlane v8, v4  }
0x15c: {  	v16 =	vld [tilespmem:s20+$0x40]  }
.Ltmp1:
0x15d: {  	v14 =	vld [tilespmem:s20+$0x30];
	(pc) =	sbr.rel @p1 .LBB2_5-.Ltmp1, $4  }
0x15e: {  	v13 =	vld [tilespmem:s20+$0x0]  }
0x15f: {  	v15 =	vperm.xlane v8, v5;
	v12 =	vld [tilespmem:s20+$0x20]  }
0x160: {  	v11 =	vld [tilespmem:s20+$0xFFFFFFE0]  }
0x161: {  	v9 =	vperm.xlane v8, v3;
	v10 =	vld [tilespmem:s20+$0xFFFFFFC0];
	v16 =	vmul.f32 v16, v15  }
0x162: {  	v17 =	vld [tilespmem:s15+$0x10];
	v14 =	vmul.f32 v14, v15  }
0x163: {  	v15 =	vperm.xlane v8, v2;
	v18 =	vld [tilespmem:s15+$0xFFFFFFF0];
	v13 =	vmul.f32 v13, v9;
	[tilespmem:s15+$0x40] =	vst v16  }
0x164: {  	v8 =	vperm.xlane v8, v1;
	v16 =	vld [tilespmem:s15+$0xFFFFFFD0];
	v12 =	vmul.f32 v12, v7;
	[tilespmem:s15+$0x30] =	vst v14  }
0x165: {  	v14 =	vld [tilespmem:s15+$0xFFFFFFB0];
	v11 =	vmul.f32 v11, v15;
	[tilespmem:s15+$0x0] =	vst v13  }
0x166: {  	v10 =	vmul.f32 v10, v8;
	[tilespmem:s15+$0x20] =	vst v12  }
0x167: {  	[tilespmem:s15+$0xFFFFFFE0] =	vst v11;
	v7 =	vmul.f32 v17, v7  }
0x168: {  	v9 =	vmul.f32 v18, v9;
	[tilespmem:s15+$0xFFFFFFC0] =	vst v10  }
0x169: {  	v10 =	vmul.f32 v16, v15;
	[tilespmem:s15+$0x10] =	vst v7  }
0x16a: {  	v7 =	vmul.f32 v14, v8;
	[tilespmem:s15+$0xFFFFFFF0] =	vst v9  }
0x16b: {  	[tilespmem:s15+$0xFFFFFFD0] =	vst v10  }
0x16c: {  	[tilespmem:s15+$0xFFFFFFB0] =	vst v7  }
0x16d: {  	[spmem:s1] =	stream.indirect.scatter.add.f32 [tilespmem:s13], [sflag:$0x8], $0xA0, s17, s18, $0xb8;
	[tilespmem:$0x1E740] =	vst v63  }
0x16e: {  	_ =	swait.ge [sflag:s16], $0x1400  }
0x16f: {  	s19 =	simm.s32 @!p0 $0x40;
	[sflag:s16] =	ssyncset.done $0x0  }
0x170: {  	s20 =	simm.s32 @!p0 $0x1860;
	s15 =	simm.s32 @!p0 $0x20;
	[sflag:s16] =	ssyncadd.s32 $0xFFFFEC00  }
0x171: {  	[spmem:s2] =	stream.indirect.scatter.add.f32 @!p0 [tilespmem:s20], [sflag:$0x8], $0x10, s19, s15, $0xb8;
	[tilespmem:$0x1E740] =	vst v63  }
0x172: {  	s15 =	simm.s32 @!p0 $0x8  }
0x173: {  	_ =	swait.ge @!p0 [sflag:s15], $0x200  }
0x174: {  	[sflag:s15] =	ssyncset.done @!p0 $0x0  }
0x175: {  	[sflag:s15] =	ssyncadd.s32 @!p0 $0xFFFFFE00  }
0x176: {  	_ =	swait.ge [sflag:s0], $0x1400  }
0x177: {  	[sflag:s0] =	ssyncset.done $0x0  }
0x178: {  	[sflag:s0] =	ssyncadd.s32 $0xFFFFEC00  }
0x179: {  	_ =	swait.ge [sflag:s3], $0x200  }
0x17a: {  	[sflag:s3] =	ssyncset.done $0x0  }
0x17b: {  	[sflag:s3] =	ssyncadd.s32 $0xFFFFFE00  }
0x17c: {  	_ =	swait.ge [sflag:s10], $0x200  }
0x17d: {  	[sflag:s10] =	ssyncset.done $0x0  }
0x17e: {  	s21 =	simm.s32 $0x0;
	[sflag:s10] =	ssyncadd.s32 $0xFFFFFE00  }
0x17f: {  	v7 =	vld [tilespmem:s21+$0x2EC0]  }
0x180: {  	v8 =	vld [tilespmem:s21+$0x30C0];
	_ =	sdelay $0x4  }
0x181: {  	v7 =	vadd.f32 v8, v7;
	_ =	sdelay $0x1  }
0x182: {  	v8 =	vmul.f32 $2.000000030e-01, v7;
	_ =	sdelay $0x1  }
0x183: {  	v7 =	vmax.f32 v7, v8  }
0x184: {  	v7 =	vmul.f32 $1.442695020e+00, v7;
	_ =	sdelay $0x1  }
0x185: {  	(erf) = vpow2.f32 v7;
	_ =	sdelay $0x8  }
0x186: {  	v8 =	vpop (erf)  }
0x187: {  	s15 =	simm.s32 $0x1B10;
	[tilespmem:s21+$0x32C0] =	vst v8  }
0x188: {  	v16 =	vld [tilespmem:s15+$0x40]  }
0x189: {  	v14 =	vld [tilespmem:s15+$0x30]  }
0x18a: {  	v13 =	vld [tilespmem:s15+$0x0]  }
0x18b: {  	v15 =	vperm.xlane v8, v5;
	v12 =	vld [tilespmem:s15+$0x20]  }
0x18c: {  	v7 =	vperm.xlane v8, v4;
	v11 =	vld [tilespmem:s15+$0xFFFFFFE0]  }
0x18d: {  	s19 =	simm.s32 $0x40;
	s20 =	simm.s32 $0x1B10;
	v9 =	vperm.xlane v8, v3;
	v10 =	vld [tilespmem:s15+$0xFFFFFFC0];
	v16 =	vmul.f32 v16, v15  }
.LBB2_7:
0x18e: {  	p1 =	sne.s32 s19, $0x7C0  }
0x18f: {  	v17 =	vld [tilespmem:s15+$0x10];
	v14 =	vmul.f32 v14, v15;
	s20 =	sadd.s32 $0xA0, s20;
	s21 =	smov.u32 s19;
	s19 =	sadd.s32 $0x40, s19  }
0x190: {  	v15 =	vperm.xlane v8, v2;
	v18 =	vld [tilespmem:s15+$0xFFFFFFF0];
	v13 =	vmul.f32 v13, v9;
	[tilespmem:s15+$0x40] =	vst v16  }
0x191: {  	v8 =	vperm.xlane v8, v1;
	v16 =	vld [tilespmem:s15+$0xFFFFFFD0];
	v12 =	vmul.f32 v12, v7;
	[tilespmem:s15+$0x30] =	vst v14  }
0x192: {  	v14 =	vld [tilespmem:s15+$0xFFFFFFB0];
	v11 =	vmul.f32 v11, v15;
	[tilespmem:s15+$0x0] =	vst v13  }
0x193: {  	v10 =	vmul.f32 v10, v8;
	[tilespmem:s15+$0x20] =	vst v12  }
0x194: {  	[tilespmem:s15+$0xFFFFFFE0] =	vst v11;
	v7 =	vmul.f32 v17, v7  }
0x195: {  	[tilespmem:s15+$0xFFFFFFC0] =	vst v10;
	v9 =	vmul.f32 v18, v9  }
0x196: {  	v10 =	vmul.f32 v16, v15;
	[tilespmem:s15+$0x10] =	vst v7  }
0x197: {  	v7 =	vmul.f32 v14, v8;
	[tilespmem:s15+$0xFFFFFFF0] =	vst v9  }
0x198: {  	[tilespmem:s15+$0xFFFFFFD0] =	vst v10  }
0x199: {  	s21 =	sshra.s32 s21, $0x2;
	[tilespmem:s15+$0xFFFFFFB0] =	vst v7;
	s15 =	smov.u32 s20  }
0x19a: {  	v7 =	vld [tilespmem:s21+$0x2EC0]  }
0x19b: {  	v8 =	vld [tilespmem:s21+$0x30C0];
	_ =	sdelay $0x4  }
0x19c: {  	v7 =	vadd.f32 v8, v7;
	_ =	sdelay $0x1  }
0x19d: {  	v8 =	vmul.f32 $2.000000030e-01, v7;
	_ =	sdelay $0x1  }
0x19e: {  	v7 =	vmax.f32 v7, v8  }
0x19f: {  	v7 =	vmul.f32 $1.442695020e+00, v7;
	_ =	sdelay $0x1  }
0x1a0: {  	(erf) = vpow2.f32 v7;
	_ =	sdelay $0x8  }
0x1a1: {  	v8 =	vpop (erf)  }
0x1a2: {  	[tilespmem:s21+$0x32C0] =	vst v8;
	v7 =	vperm.xlane v8, v4  }
0x1a3: {  	v16 =	vld [tilespmem:s20+$0x40]  }
.Ltmp2:
0x1a4: {  	v14 =	vld [tilespmem:s20+$0x30];
	(pc) =	sbr.rel @p1 .LBB2_7-.Ltmp2, $4  }
0x1a5: {  	v13 =	vld [tilespmem:s20+$0x0]  }
0x1a6: {  	v15 =	vperm.xlane v8, v5;
	v12 =	vld [tilespmem:s20+$0x20]  }
0x1a7: {  	v11 =	vld [tilespmem:s20+$0xFFFFFFE0]  }
0x1a8: {  	v9 =	vperm.xlane v8, v3;
	v10 =	vld [tilespmem:s20+$0xFFFFFFC0];
	v16 =	vmul.f32 v16, v15  }
0x1a9: {  	v17 =	vld [tilespmem:s15+$0x10];
	v14 =	vmul.f32 v14, v15  }
0x1aa: {  	v59 =	vperm.xlane v8, v2;
	v18 =	vld [tilespmem:s15+$0xFFFFFFF0];
	v13 =	vmul.f32 v13, v9;
	[tilespmem:s15+$0x40] =	vst v16  }
0x1ab: {  	v8 =	vperm.xlane v8, v1;
	v60 =	vld [tilespmem:s15+$0xFFFFFFD0];
	v12 =	vmul.f32 v12, v7;
	[tilespmem:s15+$0x30] =	vst v14  }
0x1ac: {  	v61 =	vld [tilespmem:s15+$0xFFFFFFB0];
	v11 =	vmul.f32 v11, v59;
	[tilespmem:s15+$0x0] =	vst v13  }
0x1ad: {  	v10 =	vmul.f32 v10, v8;
	[tilespmem:s15+$0x20] =	vst v12  }
0x1ae: {  	[tilespmem:s15+$0xFFFFFFE0] =	vst v11;
	v7 =	vmul.f32 v17, v7  }
0x1af: {  	v62 =	vmul.f32 v18, v9;
	[tilespmem:s15+$0xFFFFFFC0] =	vst v10  }
0x1b0: {  	v63 =	vmul.f32 v60, v59;
	[tilespmem:s15+$0x10] =	vst v7  }
0x1b1: {  	v7 =	vmul.f32 v61, v8;
	[tilespmem:s15+$0xFFFFFFF0] =	vst v62  }
0x1b2: {  	[tilespmem:s15+$0xFFFFFFD0] =	vst v63  }
0x1b3: {  	[tilespmem:s15+$0xFFFFFFB0] =	vst v7  }
0x1b4: {  	[spmem:s1] =	stream.indirect.scatter.add.f32 [tilespmem:s24], [sflag:$0x8], $0xA0, s22, s18, $0xb8;
	[tilespmem:$0x1E740] =	vst v63  }
0x1b5: {  	s19 =	simm.s32 @!p0 $0x1AA0;
	_ =	swait.ge [sflag:s16], $0x1400  }
0x1b6: {  	s20 =	simm.s32 @!p0 $0x32C0;
	s4 =	sadd.s32 $0x1, s4;
	[sflag:s16] =	ssyncset.done $0x0  }
0x1b7: {  	p1 =	sne.s32 s4, $0x143;
	s15 =	simm.s32 @!p0 $0x20;
	[sflag:s16] =	ssyncadd.s32 $0xFFFFEC00  }
0x1b8: {  	[spmem:s2] =	stream.indirect.scatter.add.f32 @!p0 [tilespmem:s20], [sflag:$0x7], $0x10, s19, s15, $0xb8;
	[tilespmem:$0x1E740] =	vst v63  }
.Ltmp3:
0x1b9: {  	_ = 	snop;
	(pc) =	sbr.rel @p1 .LBB2_4-.Ltmp3, $4  }
0x1ba: {  	s15 =	simm.s32 @!p0 $0x7  }
0x1bb: {  	_ =	swait.ge @!p0 [sflag:s15], $0x200  }
0x1bc: {  	[sflag:s15] =	ssyncset.done @!p0 $0x0  }
0x1bd: {  	[sflag:s15] =	ssyncadd.s32 @!p0 $0xFFFFFE00  }
0x1be: {  	[bflag:$0x0] =	sbarrier.arrive $0xFFFF  }
0x1bf: {  	s4 =	stileid.u32;
	s19 =	sld [smem:$0x7FB]  }
0x1c0: {  	s4 =	sshll.u32 s4, $0x6;
	s11 =	rddreg [dreg:$0x5]  }
0x1c1: {  	s4 =	sor.u32 $0x1C07, s4;
	s11 =	sshrl.u32 s11, $0x3  }
0x1c2: {  	[hbm:s19], [sflag:s4] =	dma.local [spmem:s11], $0x3160  }
0x1c3: {  	_ =	swait.ge [sflag:s14], $0x3160  }
0x1c4: {  	s19 =	sld [smem:$0x7FC]  }
0x1c5: {  	[sflag:s14] =	ssyncset.done $0x0;
	s11 =	rddreg [dreg:$0x6]  }
0x1c6: {  	[sflag:s14] =	ssyncadd.s32 $0xFFFFCEA0;
	s11 =	sshrl.u32 @!p0 s11, $0x3  }
0x1c7: {  	[hbm:s19], [sflag:s4] =	dma.local @!p0 [spmem:s11], $0x4F0  }
0x1c8: {  	_ =	swait.ge @!p0 [sflag:s15], $0x4F0  }
0x1c9: {  	s20 =	sld [smem:$0x7FD]  }
0x1ca: {  	s21 =	rddreg [dreg:$0x4]  }
0x1cb: {  	s21 =	sadd.s32 $0x1, s21  }
0x1cc: {  	p1 =	sne.s32 s21, s20  }
.Ltmp4:
0x1cd: {  	_ = 	snop;
	(pc) =	sbr.rel @p1 .LBB2_1-.Ltmp4, $3  }
0x1ce: {  	_ =	sdelay $0x1  }
0x1cf: {  	[sflag:s15] =	ssyncset.done @!p0 $0x0  }
0x1d0: {  	[sflag:s15] =	ssyncadd.s32 @!p0 $0xFFFFFB10  }
0x1d1: {  	_ =	sfence.sel $0x180000  }
0x1d2: {  	[bflag:$0x0] =	sbarrier.arrive $0xFFFF  }
0x1d3: {  	_ =	strace $0x90000047  }
0x1d4: {  	s0 =	stileid.u32;
	[bflag:$0x2] =	sbarrier.arrive $0xFFFF  }
0x1d5: {  	p0 =	sne.s32 s0, $0x0;
	s0 =	rddreg [dreg:$0x3]  }
0x1d6: {  	s0 =	sadd.s32 @!p0 $0x100000, s0  }
0x1d7: {  	[sflag:s0] =	ssyncadd.tile.s32 @!p0 $0x1;
	_ =	shalt  }
.Lfunc_end2:
_tile_overlayer_lowered:
.L_overlay_start_2:
0x1d8: {  	(tag) =	ssettag $0x2  }
0x1d9: {  	s0 =	rddreg [dreg:$0x0];
	s2 =	stileid.u32  }
0x1da: {  	s1 =	rddreg [dreg:$0x1];
	p0 =	sne.s32 s2, $0x0  }
0x1db: {  	s3 =	rddreg [dreg:$0x2];
	[bflag:$0x3] =	sbarrier.arrive $0xFFFF;
	s2 =	simm.s32 @!p0 $0x1C07  }
0x1dc: {  	[timem:s3], [sflag:s2] =	dma.local @!p0 [hbm:s0], s1  }
0x1dd: {  	s0 =	simm.s32 @!p0 $0x7  }
0x1de: {  	_ =	swait.ge @!p0 [sflag:s0], s1  }
0x1df: {  	s1 =	ssub.s32 @!p0 $0x0, s1;
	[sflag:s0] =	ssyncset.done @!p0 $0x0  }
0x1e0: {  	[sflag:s0] =	ssyncadd.s32 @!p0 s1  }
0x1e1: {  	[bflag:$0x3] =	sbarrier.arrive $0xFFFF  }
0x1e2: {  	_ =	shalt  }

</sc_bundles>
